<compile_context>
chip_gen: v7x
topology: tpu7x:2x2x1
jax: 0.10.2.dev20260603
libtpu: 0.0.44.dev20260713+nightly
codegen_flags: <defaults>
</compile_context>

<pallas_src>
import functools

import jax
import jax.numpy as jnp
from jax import lax
from jax.experimental import pallas as pl
from jax.experimental.pallas import tpu as pltpu
from jax.experimental.pallas import tpu_sc as plsc

N = 10000
NP = 10240
D = 256
DH = 128
BN = 256
NBLK = NP // BN
E_CHUNK = 128
PAD_B = 1e6



def _layer_body(relu_in, scale_in, scale_out, hin_ref, w_ref, b_ref,
                dinv_ref, o0_ref, o1_ref):
    h = hin_ref[...]
    dv = dinv_ref[...]
    if scale_in:
        h = h * dv + b_ref[...]
        if relu_in:
            h = jnp.maximum(h, 0.0)
    z = jnp.dot(h, w_ref[...], preferred_element_type=jnp.float32)
    if scale_out:
        z = z * dv
    o0_ref[...] = z[:, :DH]
    o1_ref[...] = z[:, DH:]


def _layer(hin, w, b_prev, dinv, relu_in, scale_in, scale_out):
    body = functools.partial(_layer_body, relu_in, scale_in, scale_out)
    return pl.pallas_call(
        body,
        grid=(NBLK,),
        in_specs=[
            pl.BlockSpec((BN, D), lambda i: (i, 0)),
            pl.BlockSpec((D, D), lambda i: (0, 0)),
            pl.BlockSpec((1, D), lambda i: (0, 0)),
            pl.BlockSpec((BN, 1), lambda i: (i, 0)),
        ],
        out_specs=[
            pl.BlockSpec((BN, DH), lambda i: (i, 0)),
            pl.BlockSpec((BN, DH), lambda i: (i, 0)),
        ],
        out_shape=[
            jax.ShapeDtypeStruct((NP, DH), jnp.float32),
            jax.ShapeDtypeStruct((NP, DH), jnp.float32),
        ],
    )(hin, w, b_prev, dinv)


def _final_body(s_ref, b3_ref, dinv_ref, wt_ref, bt_ref, pos_ref,
                h_ref, tp_ref):
    h = s_ref[...] * dinv_ref[...] + b3_ref[...]
    h_ref[...] = h
    off = jnp.dot(h, wt_ref[...], preferred_element_type=jnp.float32)
    tp_ref[...] = pos_ref[...] + off + bt_ref[...]


def _final_layer(s3, b3, dinv, wt, bt, pos_pad):
    return pl.pallas_call(
        _final_body,
        grid=(NBLK,),
        in_specs=[
            pl.BlockSpec((BN, D), lambda i: (i, 0)),
            pl.BlockSpec((1, D), lambda i: (0, 0)),
            pl.BlockSpec((BN, 1), lambda i: (i, 0)),
            pl.BlockSpec((D, 3), lambda i: (0, 0)),
            pl.BlockSpec((1, 3), lambda i: (0, 0)),
            pl.BlockSpec((BN, 3), lambda i: (i, 0)),
        ],
        out_specs=[
            pl.BlockSpec((BN, D), lambda i: (i, 0)),
            pl.BlockSpec((BN, 3), lambda i: (i, 0)),
        ],
        out_shape=[
            jax.ShapeDtypeStruct((NP, D), jnp.float32),
            jax.ShapeDtypeStruct((NP, 3), jnp.float32),
        ],
    )(s3, b3, dinv, wt, bt, pos_pad)



def _make_sc_segsum(ep_total):
    per_sub = ep_total // 16
    n_chunks = per_sub // E_CHUNK
    rows_per_sub = NP // 16

    mesh = plsc.VectorSubcoreMesh(core_axis_name="c", subcore_axis_name="s")

    @functools.partial(
        pl.kernel, mesh=mesh,
        out_type=[
            jax.ShapeDtypeStruct((NP, DH), jnp.float32),
            jax.ShapeDtypeStruct((NP, DH), jnp.float32),
        ],
        scratch_types=[
            pltpu.VMEM((E_CHUNK,), jnp.int32),
            pltpu.VMEM((E_CHUNK,), jnp.int32),
            pltpu.VMEM((E_CHUNK, DH), jnp.float32),
            pltpu.VMEM_SHARED((NP, DH), jnp.float32),
            pltpu.SemaphoreType.DMA,
        ],
    )
    def segsum(z0_hbm, z1_hbm, src_hbm, dst_hbm, s0_hbm, s1_hbm,
               sidx_v, didx_v, rows_v, shared, sem):
        cid = lax.axis_index("c")
        sid = lax.axis_index("s")
        row0 = sid * rows_per_sub

        def half(z_hbm, out_hbm):
            pltpu.sync_copy(z_hbm.at[pl.ds(row0, rows_per_sub)],
                            shared.at[pl.ds(row0, rows_per_sub)])
            plsc.subcore_barrier()
            def body(k, _):
                base = sid * per_sub + k * E_CHUNK
                pltpu.sync_copy(src_hbm.at[pl.ds(base, E_CHUNK)], sidx_v)
                pltpu.sync_copy(dst_hbm.at[pl.ds(base, E_CHUNK)], didx_v)
                pltpu.async_copy(z_hbm.at[sidx_v], rows_v, sem).wait()
                pltpu.sync_copy(rows_v, shared.at[didx_v], add=True)
                return 0
            lax.fori_loop(0, n_chunks, body, 0)
            plsc.subcore_barrier()
            pltpu.sync_copy(shared.at[pl.ds(row0, rows_per_sub)],
                            out_hbm.at[pl.ds(row0, rows_per_sub)])

        @pl.when(cid == 0)
        def _():
            half(z0_hbm, s0_hbm)

        @pl.when(cid == 1)
        def _():
            half(z1_hbm, s1_hbm)

    return segsum



def _nn_body(a_ref, bt_ref, idx_ref):
    a = a_ref[...]
    bt = bt_ref[...]
    ab = jnp.dot(a, bt, preferred_element_type=jnp.float32)
    asq = jnp.sum(a * a, axis=1, keepdims=True)
    bsq = jnp.sum(bt * bt, axis=0, keepdims=True)
    d = asq + bsq - 2.0 * ab
    m = jnp.min(d, axis=1, keepdims=True)
    ii = lax.broadcasted_iota(jnp.int32, (BN, NP), 1)
    sel = jnp.where(d == m, ii, jnp.int32(2 ** 30))
    idx_ref[0, 0, :] = jnp.min(sel, axis=1)


def _nn_argmin(a_pad, bT_pad):
    out = pl.pallas_call(
        _nn_body,
        grid=(NBLK,),
        in_specs=[
            pl.BlockSpec((BN, 3), lambda i: (i, 0)),
            pl.BlockSpec((3, NP), lambda i: (0, 0)),
        ],
        out_specs=pl.BlockSpec((1, 1, BN), lambda i: (i, 0, 0)),
        out_shape=jax.ShapeDtypeStruct((NBLK, 1, BN), jnp.int32),
    )(a_pad, bT_pad)
    return out.reshape(NP)[:N]



def _pad_rows(x, total, value=0.0):
    return jnp.pad(x, ((0, total - x.shape[0]), (0, 0)),
                   constant_values=value)


def kernel(x, edge_index, pos, batch, W1, b1, W2, b2, W3, b3, Wt, bt):
    n = x.shape[0]
    src = edge_index[0]
    dst = edge_index[1]

    deg = jnp.zeros((n,), jnp.float32).at[dst].add(1.0) + 1.0
    dinv = lax.rsqrt(deg)
    dinv_pad = jnp.concatenate(
        [dinv, jnp.ones((NP - n,), jnp.float32)]).reshape(NP, 1)

    e = src.shape[0]
    ep = ((e + 16 * E_CHUNK - 1) // (16 * E_CHUNK)) * (16 * E_CHUNK)
    pad_e = ep - e
    src_p = jnp.concatenate(
        [src, jnp.full((pad_e,), NP - 1, jnp.int32)]).astype(jnp.int32)
    dst_p = jnp.concatenate(
        [dst, jnp.full((pad_e,), NP - 1, jnp.int32)]).astype(jnp.int32)

    segsum = _make_sc_segsum(ep)

    x_pad = _pad_rows(x, NP)
    pos_pad = _pad_rows(pos, NP)
    zero_b = jnp.zeros((1, D), jnp.float32)

    z0, z1 = _layer(x_pad, W1, zero_b, dinv_pad,
                    relu_in=False, scale_in=False, scale_out=True)
    s0, s1 = segsum(z0, z1, src_p, dst_p)
    s_1 = jnp.concatenate([s0, s1], axis=1)

    z0, z1 = _layer(s_1, W2, b1.reshape(1, D), dinv_pad,
                    relu_in=True, scale_in=True, scale_out=True)
    s0, s1 = segsum(z0, z1, src_p, dst_p)
    s_2 = jnp.concatenate([s0, s1], axis=1)

    z0, z1 = _layer(s_2, W3, b2.reshape(1, D), dinv_pad,
                    relu_in=True, scale_in=True, scale_out=True)
    s0, s1 = segsum(z0, z1, src_p, dst_p)
    s_3 = jnp.concatenate([s0, s1], axis=1)

    h_pad, tp_pad = _final_layer(s_3, b3.reshape(1, D), dinv_pad,
                                 Wt, bt.reshape(1, 3), pos_pad)
    h = h_pad[:n]
    transformed_pos = tp_pad[:n]

    tgt = pos
    bT_tgt = jnp.pad(tgt, ((0, NP - n), (0, 0)),
                     constant_values=PAD_B).T
    cur = transformed_pos
    for _ in range(10):
        cur_pad = _pad_rows(cur, NP)
        idx = _nn_argmin(cur_pad, bT_tgt)
        corr = tgt[idx]
        mu_s = cur.mean(axis=0)
        mu_t = corr.mean(axis=0)
        cs = cur - mu_s
        ct = corr - mu_t
        H = cs.T @ ct
        U, S, Vt = jnp.linalg.svd(H)
        sgn = jnp.sign(jnp.linalg.det(Vt.T @ U.T))
        Dm = jnp.diag(jnp.concatenate([jnp.ones((2,), H.dtype), sgn[None]]))
        R = Vt.T @ Dm @ U.T
        t = mu_t - R @ mu_s
        cur = cur @ R.T + t
    aligned = cur

    a_pad = _pad_rows(aligned, NP)
    ia = _nn_argmin(a_pad, bT_tgt)
    bT_al = jnp.pad(aligned, ((0, NP - n), (0, 0)),
                    constant_values=PAD_B).T
    ib = _nn_argmin(pos_pad, bT_al)
    da = ((aligned - tgt[ia]) ** 2).sum(1)
    db = ((tgt - aligned[ib]) ** 2).sum(1)
    loss = da.mean() + db.mean()

    return (h, aligned, loss)

# --- scband reference (transcript-rebuilt; emitter-appended) ---
"""Pipeline reference for scband-spatial-gnn-20486994002019 (READ-ONLY COPY).

The authoritative reference and input builder live on the scoring server;
editing this copy changes nothing except your own understanding.
"""

import jax, jax.numpy as jnp
import numpy as np

N = 10000
E = 160000
D_IN = 256
D_H = 256
D_OUT = 256
ICP_ITERS = 10


def setup_inputs(seed: int = 0):
    key = jax.random.key(seed)
    ks = jax.random.split(key, 8)
    x = jax.random.normal(ks[0], (N, D_IN), dtype=jnp.float32)
    edge_index = jax.random.randint(ks[1], (2, E), 0, N, dtype=jnp.int32)
    pos = jax.random.normal(ks[2], (N, 3), dtype=jnp.float32)
    batch = jnp.zeros((N,), dtype=jnp.int32)
    def lin(k, fi, fo):
        return jax.random.normal(k, (fi, fo), dtype=jnp.float32) / np.sqrt(fi)
    W1 = lin(ks[3], D_IN, D_H); b1 = jnp.zeros((D_H,), jnp.float32)
    W2 = lin(ks[4], D_H, D_H); b2 = jnp.zeros((D_H,), jnp.float32)
    W3 = lin(ks[5], D_H, D_OUT); b3 = jnp.zeros((D_OUT,), jnp.float32)
    Wt = lin(ks[6], D_OUT, 3); bt = jnp.zeros((3,), jnp.float32)
    return {"x": x, "edge_index": edge_index, "pos": pos, "batch": batch,
            "W1": W1, "b1": b1, "W2": W2, "b2": b2, "W3": W3, "b3": b3,
            "Wt": Wt, "bt": bt}


def _sqdist(a, b):
    # [Na, Nb] squared euclidean distances via matmul trick
    return (a * a).sum(1)[:, None] + (b * b).sum(1)[None, :] - 2.0 * (a @ b.T)


def _icp(src_pts, tgt_pts, iters):
    # BatchedICP with batch == all zeros -> single cloud rigid ICP (Kabsch/SVD)
    def body(_, carry):
        cur, _R, _t = carry
        d = _sqdist(jax.lax.stop_gradient(cur), jax.lax.stop_gradient(tgt_pts))
        idx = jnp.argmin(d, axis=1)  # nearest-neighbor correspondences
        corr = tgt_pts[idx]
        mu_s = cur.mean(axis=0)
        mu_t = corr.mean(axis=0)
        cs = cur - mu_s
        ct = corr - mu_t
        H = cs.T @ ct
        U, S, Vt = jnp.linalg.svd(H)
        sgn = jnp.sign(jnp.linalg.det(Vt.T @ U.T))
        Dm = jnp.diag(jnp.concatenate([jnp.ones((2,), H.dtype), sgn[None]]))
        R = Vt.T @ Dm @ U.T
        t = mu_t - R @ mu_s
        cur = cur @ R.T + t
        return (cur, R, t)

    R0 = jnp.eye(3, dtype=src_pts.dtype)
    t0 = jnp.zeros((3,), dtype=src_pts.dtype)
    cur, R, t = jax.lax.fori_loop(0, iters, body, (src_pts, R0, t0))
    return cur, (R, t)


def _chamfer(a, b):
    d = _sqdist(jax.lax.stop_gradient(a), jax.lax.stop_gradient(b))
    ia = jnp.argmin(d, axis=1)
    ib = jnp.argmin(d, axis=0)
    da = ((a - b[ia]) ** 2).sum(1)
    db = ((b - a[ib]) ** 2).sum(1)
    return da.mean() + db.mean()


def reference(x, edge_index, pos, batch, W1, b1, W2, b2, W3, b3, Wt, bt):
    n = x.shape[0]
    src = edge_index[0]
    dst = edge_index[1]
    loop = jnp.arange(n, dtype=src.dtype)
    src = jnp.concatenate([src, loop])
    dst = jnp.concatenate([dst, loop])
    deg = jnp.zeros((n,), x.dtype).at[dst].add(1.0)
    dinv = jax.lax.rsqrt(jnp.maximum(deg, 1.0))
    norm = (dinv[src] * dinv[dst])[:, None]

    def conv(h, W, b):
        m = (h @ W)[src] * norm
        return jax.ops.segment_sum(m, dst, num_segments=n) + b

    h = jax.nn.relu(conv(x, W1, b1))
    h = jax.nn.relu(conv(h, W2, b2))
    h = conv(h, W3, b3)
    pos_offset = h @ Wt + bt
    transformed_pos = pos + pos_offset
    aligned_pos, _ = _icp(transformed_pos, pos, ICP_ITERS)
    alignment_loss = _chamfer(aligned_pos, pos)
    return (h, aligned_pos, alignment_loss)

if __name__ == "__main__":
    import jax
    _d = setup_inputs()
    print(jax.jit(kernel)(*tuple(_d.values())))

</pallas_src>

<mosaic_0001>
#map = affine_map<(d0, d1) -> (0, 0)>
#map1 = affine_map<(d0, d1) -> (0)>
module attributes {stable_mosaic.version = 14 : i64} {
  func.func @segsum(%arg0: i32, %arg1: i32, %arg2: memref<10240x128xf32, #tpu.memory_space<hbm>>, %arg3: memref<10240x128xf32, #tpu.memory_space<hbm>>, %arg4: memref<161792xi32, #tpu.memory_space<hbm>>, %arg5: memref<161792xi32, #tpu.memory_space<hbm>>, %arg6: memref<10240x128xf32, #tpu.memory_space<hbm>>, %arg7: memref<10240x128xf32, #tpu.memory_space<hbm>>, %arg8: memref<128xi32, #tpu.memory_space<vmem>>, %arg9: memref<128xi32, #tpu.memory_space<vmem>>, %arg10: memref<128x128xf32, #tpu.memory_space<vmem>>, %arg11: memref<10240x128xf32, #tpu.memory_space<vmem_shared>>, %arg12: memref<!tpu.dma_semaphore, #tpu.memory_space<semaphore_mem>>) attributes {dimension_semantics = [#tpu.dimension_semantics<core_parallel>, #tpu.dimension_semantics<subcore_parallel>], iteration_bounds = array<i64: 2, 16>, scalar_prefetch = 0 : i64, scratch_operands = 5 : i64, tpu.core_type = #tpu.core_type<sc_vector_subcore>, window_params = [{transform_indices = #map}, {transform_indices = #map}, {transform_indices = #map1}, {transform_indices = #map1}, {transform_indices = #map}, {transform_indices = #map}]} {
    %mul3A = arith.constant 640 : i32
    %mul3A_0 = arith.muli %arg1, %mul3A : i32
    %eq3A = arith.constant 0 : i32
    %eq3A_1 = arith.cmpi eq, %arg0, %eq3A : i32
    %convert_element_type3A = arith.extui %eq3A_1 : i1 to i32
    %cond3A = arith.constant 0 : i32
    %cond3A_2 = arith.cmpi ne, %convert_element_type3A, %cond3A : i32
    scf.if %cond3A_2 {
      "tpu.region"() ({
        %run_scoped3A = tpu.sem_alloc : memref<!tpu.dma_semaphore, #tpu.memory_space<semaphore_mem>>
        %dma_start3A = arith.constant 0 : i32
        %dma_start3A_15 = tpu.memref_slice %arg11[%mul3A_0, %dma_start3A] : memref<10240x128xf32, #tpu.memory_space<vmem_shared>> -> memref<640x128xf32, #tpu.memory_space<vmem_shared>>
        %dma_start3A_16 = arith.constant 0 : i32
        %dma_start3A_17 = tpu.memref_slice %arg2[%mul3A_0, %dma_start3A_16] : memref<10240x128xf32, #tpu.memory_space<hbm>> -> memref<640x128xf32, #tpu.memory_space<hbm>>
        tpu.enqueue_dma source(%dma_start3A_17 : memref<640x128xf32, #tpu.memory_space<hbm>>) target(%dma_start3A_15 : memref<640x128xf32, #tpu.memory_space<vmem_shared>>) target_semaphore(%run_scoped3A : memref<!tpu.dma_semaphore, #tpu.memory_space<semaphore_mem>>)
        %dma_wait3A = arith.constant 0 : i32
        %dma_wait3A_18 = tpu.memref_slice %arg11[%mul3A_0, %dma_wait3A] : memref<10240x128xf32, #tpu.memory_space<vmem_shared>> -> memref<640x128xf32, #tpu.memory_space<vmem_shared>>
        %dma_wait3A_19 = arith.constant 0 : i32
        %dma_wait3A_20 = tpu.memref_slice %arg2[%mul3A_0, %dma_wait3A_19] : memref<10240x128xf32, #tpu.memory_space<hbm>> -> memref<640x128xf32, #tpu.memory_space<hbm>>
        tpu.wait_dma2 semaphore(%run_scoped3A : memref<!tpu.dma_semaphore, #tpu.memory_space<semaphore_mem>>) src(%dma_wait3A_20 : memref<640x128xf32, #tpu.memory_space<hbm>>) dst(%dma_wait3A_18 : memref<640x128xf32, #tpu.memory_space<vmem_shared>>)
        tpu.yield
      }) : () -> ()
      %barrier3A = arith.constant 0 : index
      tpu.barrier barrier_id(%barrier3A)
      %scan3A = arith.constant 0 : i32
      %scan3A_8 = arith.constant 0 : i32
      %scan3A_9 = arith.constant 79 : i32
      %scan3A_10 = arith.addi %scan3A_8, %scan3A_9 : i32
      %scan3A_11 = arith.constant 1 : i32
      %scan3A_12 = scf.for %scan3A_15 = %scan3A_8 to %scan3A_10 step %scan3A_11 iter_args(%scan3A_16 = %scan3A) -> (i32)  : i32 {
        %mul3A_17 = arith.constant 10112 : i32
        %mul3A_18 = arith.muli %arg1, %mul3A_17 : i32
        %mul3A_19 = arith.constant 128 : i32
        %mul3A_20 = arith.muli %scan3A_15, %mul3A_19 : i32
        %add3A = arith.addi %mul3A_18, %mul3A_20 : i32
        "tpu.region"() ({
          %run_scoped3A = tpu.sem_alloc : memref<!tpu.dma_semaphore, #tpu.memory_space<semaphore_mem>>
          %dma_start3A_26 = tpu.memref_slice %arg4[%add3A] : memref<161792xi32, #tpu.memory_space<hbm>> -> memref<128xi32, #tpu.memory_space<hbm>>
          %dma_start3A_27 = tpu.memref_slice %arg4[%add3A] : memref<161792xi32, #tpu.memory_space<hbm>> -> memref<128xi32, #tpu.memory_space<hbm>>
          tpu.enqueue_dma source(%dma_start3A_27 : memref<128xi32, #tpu.memory_space<hbm>>) target(%arg8 : memref<128xi32, #tpu.memory_space<vmem>>) target_semaphore(%run_scoped3A : memref<!tpu.dma_semaphore, #tpu.memory_space<semaphore_mem>>)
          %dma_wait3A_28 = tpu.memref_slice %arg4[%add3A] : memref<161792xi32, #tpu.memory_space<hbm>> -> memref<128xi32, #tpu.memory_space<hbm>>
          %dma_wait3A_29 = tpu.memref_slice %arg4[%add3A] : memref<161792xi32, #tpu.memory_space<hbm>> -> memref<128xi32, #tpu.memory_space<hbm>>
          tpu.wait_dma2 semaphore(%run_scoped3A : memref<!tpu.dma_semaphore, #tpu.memory_space<semaphore_mem>>) src(%dma_wait3A_29 : memref<128xi32, #tpu.memory_space<hbm>>) dst(%arg8 : memref<128xi32, #tpu.memory_space<vmem>>)
          tpu.yield
        }) : () -> ()
        "tpu.region"() ({
          %run_scoped3A = tpu.sem_alloc : memref<!tpu.dma_semaphore, #tpu.memory_space<semaphore_mem>>
          %dma_start3A_26 = tpu.memref_slice %arg5[%add3A] : memref<161792xi32, #tpu.memory_space<hbm>> -> memref<128xi32, #tpu.memory_space<hbm>>
          %dma_start3A_27 = tpu.memref_slice %arg5[%add3A] : memref<161792xi32, #tpu.memory_space<hbm>> -> memref<128xi32, #tpu.memory_space<hbm>>
          tpu.enqueue_dma source(%dma_start3A_27 : memref<128xi32, #tpu.memory_space<hbm>>) target(%arg9 : memref<128xi32, #tpu.memory_space<vmem>>) target_semaphore(%run_scoped3A : memref<!tpu.dma_semaphore, #tpu.memory_space<semaphore_mem>>)
          %dma_wait3A_28 = tpu.memref_slice %arg5[%add3A] : memref<161792xi32, #tpu.memory_space<hbm>> -> memref<128xi32, #tpu.memory_space<hbm>>
          %dma_wait3A_29 = tpu.memref_slice %arg5[%add3A] : memref<161792xi32, #tpu.memory_space<hbm>> -> memref<128xi32, #tpu.memory_space<hbm>>
          tpu.wait_dma2 semaphore(%run_scoped3A : memref<!tpu.dma_semaphore, #tpu.memory_space<semaphore_mem>>) src(%dma_wait3A_29 : memref<128xi32, #tpu.memory_space<hbm>>) dst(%arg9 : memref<128xi32, #tpu.memory_space<vmem>>)
          tpu.yield
        }) : () -> ()
        %dma_start3A = arith.constant 0 : i32
        %dma_start3A_21 = arith.constant 0 : i32
        %dma_start3A_22 = tpu.memref_slice %arg2[%dma_start3A, %dma_start3A_21] : memref<10240x128xf32, #tpu.memory_space<hbm>> -> memref<10240x128xf32, #tpu.memory_space<hbm>>
        tpu.enqueue_indirect_dma source(%dma_start3A_22 : memref<10240x128xf32, #tpu.memory_space<hbm>>) target(%arg10 : memref<128x128xf32, #tpu.memory_space<vmem>>) offsets(%arg8 : memref<128xi32, #tpu.memory_space<vmem>>) semaphore(%arg12 : memref<!tpu.dma_semaphore, #tpu.memory_space<semaphore_mem>>)
        %dma_wait3A = arith.constant 0 : i32
        %dma_wait3A_23 = arith.constant 0 : i32
        %dma_wait3A_24 = tpu.memref_slice %arg2[%dma_wait3A, %dma_wait3A_23] : memref<10240x128xf32, #tpu.memory_space<hbm>> -> memref<10240x128xf32, #tpu.memory_space<hbm>>
        tpu.wait_indirect_dma semaphore(%arg12 : memref<!tpu.dma_semaphore, #tpu.memory_space<semaphore_mem>>) src(%dma_wait3A_24 : memref<10240x128xf32, #tpu.memory_space<hbm>>) dst(%arg10 : memref<128x128xf32, #tpu.memory_space<vmem>>)
        "tpu.region"() ({
          %run_scoped3A = tpu.sem_alloc : memref<!tpu.dma_semaphore, #tpu.memory_space<semaphore_mem>>
          %dma_start3A_26 = arith.constant 0 : i32
          %dma_start3A_27 = arith.constant 0 : i32
          %dma_start3A_28 = tpu.memref_slice %arg11[%dma_start3A_26, %dma_start3A_27] : memref<10240x128xf32, #tpu.memory_space<vmem_shared>> -> memref<10240x128xf32, #tpu.memory_space<vmem_shared>>
          tpu.enqueue_indirect_dma source(%arg10 : memref<128x128xf32, #tpu.memory_space<vmem>>) target(%dma_start3A_28 : memref<10240x128xf32, #tpu.memory_space<vmem_shared>>) offsets(%arg9 : memref<128xi32, #tpu.memory_space<vmem>>) semaphore(%run_scoped3A : memref<!tpu.dma_semaphore, #tpu.memory_space<semaphore_mem>>) {add = true}
          %dma_wait3A_29 = arith.constant 0 : i32
          %dma_wait3A_30 = arith.constant 0 : i32
          %dma_wait3A_31 = tpu.memref_slice %arg11[%dma_wait3A_29, %dma_wait3A_30] : memref<10240x128xf32, #tpu.memory_space<vmem_shared>> -> memref<10240x128xf32, #tpu.memory_space<vmem_shared>>
          tpu.wait_indirect_dma semaphore(%run_scoped3A : memref<!tpu.dma_semaphore, #tpu.memory_space<semaphore_mem>>) src(%arg10 : memref<128x128xf32, #tpu.memory_space<vmem>>) dst(%dma_wait3A_31 : memref<10240x128xf32, #tpu.memory_space<vmem_shared>>)
          tpu.yield
        }) : () -> ()
        %scan3A_25 = arith.constant 0 : i32
        scf.yield %scan3A_25 : i32
      }
      %scan3A_13 = arith.constant 79 : i32
      %barrier3A_14 = arith.constant 0 : index
      tpu.barrier barrier_id(%barrier3A_14)
      "tpu.region"() ({
        %run_scoped3A = tpu.sem_alloc : memref<!tpu.dma_semaphore, #tpu.memory_space<semaphore_mem>>
        %dma_start3A = arith.constant 0 : i32
        %dma_start3A_15 = tpu.memref_slice %arg6[%mul3A_0, %dma_start3A] : memref<10240x128xf32, #tpu.memory_space<hbm>> -> memref<640x128xf32, #tpu.memory_space<hbm>>
        %dma_start3A_16 = arith.constant 0 : i32
        %dma_start3A_17 = tpu.memref_slice %arg11[%mul3A_0, %dma_start3A_16] : memref<10240x128xf32, #tpu.memory_space<vmem_shared>> -> memref<640x128xf32, #tpu.memory_space<vmem_shared>>
        tpu.enqueue_dma source(%dma_start3A_17 : memref<640x128xf32, #tpu.memory_space<vmem_shared>>) target(%dma_start3A_15 : memref<640x128xf32, #tpu.memory_space<hbm>>) target_semaphore(%run_scoped3A : memref<!tpu.dma_semaphore, #tpu.memory_space<semaphore_mem>>)
        %dma_wait3A = arith.constant 0 : i32
        %dma_wait3A_18 = tpu.memref_slice %arg6[%mul3A_0, %dma_wait3A] : memref<10240x128xf32, #tpu.memory_space<hbm>> -> memref<640x128xf32, #tpu.memory_space<hbm>>
        %dma_wait3A_19 = arith.constant 0 : i32
        %dma_wait3A_20 = tpu.memref_slice %arg11[%mul3A_0, %dma_wait3A_19] : memref<10240x128xf32, #tpu.memory_space<vmem_shared>> -> memref<640x128xf32, #tpu.memory_space<vmem_shared>>
        tpu.wait_dma2 semaphore(%run_scoped3A : memref<!tpu.dma_semaphore, #tpu.memory_space<semaphore_mem>>) src(%dma_wait3A_20 : memref<640x128xf32, #tpu.memory_space<vmem_shared>>) dst(%dma_wait3A_18 : memref<640x128xf32, #tpu.memory_space<hbm>>)
        tpu.yield
      }) : () -> ()
    } else {
    }
    %eq3A_3 = arith.constant 1 : i32
    %eq3A_4 = arith.cmpi eq, %arg0, %eq3A_3 : i32
    %convert_element_type3A_5 = arith.extui %eq3A_4 : i1 to i32
    %cond3A_6 = arith.constant 0 : i32
    %cond3A_7 = arith.cmpi ne, %convert_element_type3A_5, %cond3A_6 : i32
    scf.if %cond3A_7 {
      "tpu.region"() ({
        %run_scoped3A = tpu.sem_alloc : memref<!tpu.dma_semaphore, #tpu.memory_space<semaphore_mem>>
        %dma_start3A = arith.constant 0 : i32
        %dma_start3A_15 = tpu.memref_slice %arg11[%mul3A_0, %dma_start3A] : memref<10240x128xf32, #tpu.memory_space<vmem_shared>> -> memref<640x128xf32, #tpu.memory_space<vmem_shared>>
        %dma_start3A_16 = arith.constant 0 : i32
        %dma_start3A_17 = tpu.memref_slice %arg3[%mul3A_0, %dma_start3A_16] : memref<10240x128xf32, #tpu.memory_space<hbm>> -> memref<640x128xf32, #tpu.memory_space<hbm>>
        tpu.enqueue_dma source(%dma_start3A_17 : memref<640x128xf32, #tpu.memory_space<hbm>>) target(%dma_start3A_15 : memref<640x128xf32, #tpu.memory_space<vmem_shared>>) target_semaphore(%run_scoped3A : memref<!tpu.dma_semaphore, #tpu.memory_space<semaphore_mem>>)
        %dma_wait3A = arith.constant 0 : i32
        %dma_wait3A_18 = tpu.memref_slice %arg11[%mul3A_0, %dma_wait3A] : memref<10240x128xf32, #tpu.memory_space<vmem_shared>> -> memref<640x128xf32, #tpu.memory_space<vmem_shared>>
        %dma_wait3A_19 = arith.constant 0 : i32
        %dma_wait3A_20 = tpu.memref_slice %arg3[%mul3A_0, %dma_wait3A_19] : memref<10240x128xf32, #tpu.memory_space<hbm>> -> memref<640x128xf32, #tpu.memory_space<hbm>>
        tpu.wait_dma2 semaphore(%run_scoped3A : memref<!tpu.dma_semaphore, #tpu.memory_space<semaphore_mem>>) src(%dma_wait3A_20 : memref<640x128xf32, #tpu.memory_space<hbm>>) dst(%dma_wait3A_18 : memref<640x128xf32, #tpu.memory_space<vmem_shared>>)
        tpu.yield
      }) : () -> ()
      %barrier3A = arith.constant 0 : index
      tpu.barrier barrier_id(%barrier3A)
      %scan3A = arith.constant 0 : i32
      %scan3A_8 = arith.constant 0 : i32
      %scan3A_9 = arith.constant 79 : i32
      %scan3A_10 = arith.addi %scan3A_8, %scan3A_9 : i32
      %scan3A_11 = arith.constant 1 : i32
      %scan3A_12 = scf.for %scan3A_15 = %scan3A_8 to %scan3A_10 step %scan3A_11 iter_args(%scan3A_16 = %scan3A) -> (i32)  : i32 {
        %mul3A_17 = arith.constant 10112 : i32
        %mul3A_18 = arith.muli %arg1, %mul3A_17 : i32
        %mul3A_19 = arith.constant 128 : i32
        %mul3A_20 = arith.muli %scan3A_15, %mul3A_19 : i32
        %add3A = arith.addi %mul3A_18, %mul3A_20 : i32
        "tpu.region"() ({
          %run_scoped3A = tpu.sem_alloc : memref<!tpu.dma_semaphore, #tpu.memory_space<semaphore_mem>>
          %dma_start3A_26 = tpu.memref_slice %arg4[%add3A] : memref<161792xi32, #tpu.memory_space<hbm>> -> memref<128xi32, #tpu.memory_space<hbm>>
          %dma_start3A_27 = tpu.memref_slice %arg4[%add3A] : memref<161792xi32, #tpu.memory_space<hbm>> -> memref<128xi32, #tpu.memory_space<hbm>>
          tpu.enqueue_dma source(%dma_start3A_27 : memref<128xi32, #tpu.memory_space<hbm>>) target(%arg8 : memref<128xi32, #tpu.memory_space<vmem>>) target_semaphore(%run_scoped3A : memref<!tpu.dma_semaphore, #tpu.memory_space<semaphore_mem>>)
          %dma_wait3A_28 = tpu.memref_slice %arg4[%add3A] : memref<161792xi32, #tpu.memory_space<hbm>> -> memref<128xi32, #tpu.memory_space<hbm>>
          %dma_wait3A_29 = tpu.memref_slice %arg4[%add3A] : memref<161792xi32, #tpu.memory_space<hbm>> -> memref<128xi32, #tpu.memory_space<hbm>>
          tpu.wait_dma2 semaphore(%run_scoped3A : memref<!tpu.dma_semaphore, #tpu.memory_space<semaphore_mem>>) src(%dma_wait3A_29 : memref<128xi32, #tpu.memory_space<hbm>>) dst(%arg8 : memref<128xi32, #tpu.memory_space<vmem>>)
          tpu.yield
        }) : () -> ()
        "tpu.region"() ({
          %run_scoped3A = tpu.sem_alloc : memref<!tpu.dma_semaphore, #tpu.memory_space<semaphore_mem>>
          %dma_start3A_26 = tpu.memref_slice %arg5[%add3A] : memref<161792xi32, #tpu.memory_space<hbm>> -> memref<128xi32, #tpu.memory_space<hbm>>
          %dma_start3A_27 = tpu.memref_slice %arg5[%add3A] : memref<161792xi32, #tpu.memory_space<hbm>> -> memref<128xi32, #tpu.memory_space<hbm>>
          tpu.enqueue_dma source(%dma_start3A_27 : memref<128xi32, #tpu.memory_space<hbm>>) target(%arg9 : memref<128xi32, #tpu.memory_space<vmem>>) target_semaphore(%run_scoped3A : memref<!tpu.dma_semaphore, #tpu.memory_space<semaphore_mem>>)
          %dma_wait3A_28 = tpu.memref_slice %arg5[%add3A] : memref<161792xi32, #tpu.memory_space<hbm>> -> memref<128xi32, #tpu.memory_space<hbm>>
          %dma_wait3A_29 = tpu.memref_slice %arg5[%add3A] : memref<161792xi32, #tpu.memory_space<hbm>> -> memref<128xi32, #tpu.memory_space<hbm>>
          tpu.wait_dma2 semaphore(%run_scoped3A : memref<!tpu.dma_semaphore, #tpu.memory_space<semaphore_mem>>) src(%dma_wait3A_29 : memref<128xi32, #tpu.memory_space<hbm>>) dst(%arg9 : memref<128xi32, #tpu.memory_space<vmem>>)
          tpu.yield
        }) : () -> ()
        %dma_start3A = arith.constant 0 : i32
        %dma_start3A_21 = arith.constant 0 : i32
        %dma_start3A_22 = tpu.memref_slice %arg3[%dma_start3A, %dma_start3A_21] : memref<10240x128xf32, #tpu.memory_space<hbm>> -> memref<10240x128xf32, #tpu.memory_space<hbm>>
        tpu.enqueue_indirect_dma source(%dma_start3A_22 : memref<10240x128xf32, #tpu.memory_space<hbm>>) target(%arg10 : memref<128x128xf32, #tpu.memory_space<vmem>>) offsets(%arg8 : memref<128xi32, #tpu.memory_space<vmem>>) semaphore(%arg12 : memref<!tpu.dma_semaphore, #tpu.memory_space<semaphore_mem>>)
        %dma_wait3A = arith.constant 0 : i32
        %dma_wait3A_23 = arith.constant 0 : i32
        %dma_wait3A_24 = tpu.memref_slice %arg3[%dma_wait3A, %dma_wait3A_23] : memref<10240x128xf32, #tpu.memory_space<hbm>> -> memref<10240x128xf32, #tpu.memory_space<hbm>>
        tpu.wait_indirect_dma semaphore(%arg12 : memref<!tpu.dma_semaphore, #tpu.memory_space<semaphore_mem>>) src(%dma_wait3A_24 : memref<10240x128xf32, #tpu.memory_space<hbm>>) dst(%arg10 : memref<128x128xf32, #tpu.memory_space<vmem>>)
        "tpu.region"() ({
          %run_scoped3A = tpu.sem_alloc : memref<!tpu.dma_semaphore, #tpu.memory_space<semaphore_mem>>
          %dma_start3A_26 = arith.constant 0 : i32
          %dma_start3A_27 = arith.constant 0 : i32
          %dma_start3A_28 = tpu.memref_slice %arg11[%dma_start3A_26, %dma_start3A_27] : memref<10240x128xf32, #tpu.memory_space<vmem_shared>> -> memref<10240x128xf32, #tpu.memory_space<vmem_shared>>
          tpu.enqueue_indirect_dma source(%arg10 : memref<128x128xf32, #tpu.memory_space<vmem>>) target(%dma_start3A_28 : memref<10240x128xf32, #tpu.memory_space<vmem_shared>>) offsets(%arg9 : memref<128xi32, #tpu.memory_space<vmem>>) semaphore(%run_scoped3A : memref<!tpu.dma_semaphore, #tpu.memory_space<semaphore_mem>>) {add = true}
          %dma_wait3A_29 = arith.constant 0 : i32
          %dma_wait3A_30 = arith.constant 0 : i32
          %dma_wait3A_31 = tpu.memref_slice %arg11[%dma_wait3A_29, %dma_wait3A_30] : memref<10240x128xf32, #tpu.memory_space<vmem_shared>> -> memref<10240x128xf32, #tpu.memory_space<vmem_shared>>
          tpu.wait_indirect_dma semaphore(%run_scoped3A : memref<!tpu.dma_semaphore, #tpu.memory_space<semaphore_mem>>) src(%arg10 : memref<128x128xf32, #tpu.memory_space<vmem>>) dst(%dma_wait3A_31 : memref<10240x128xf32, #tpu.memory_space<vmem_shared>>)
          tpu.yield
        }) : () -> ()
        %scan3A_25 = arith.constant 0 : i32
        scf.yield %scan3A_25 : i32
      }
      %scan3A_13 = arith.constant 79 : i32
      %barrier3A_14 = arith.constant 0 : index
      tpu.barrier barrier_id(%barrier3A_14)
      "tpu.region"() ({
        %run_scoped3A = tpu.sem_alloc : memref<!tpu.dma_semaphore, #tpu.memory_space<semaphore_mem>>
        %dma_start3A = arith.constant 0 : i32
        %dma_start3A_15 = tpu.memref_slice %arg7[%mul3A_0, %dma_start3A] : memref<10240x128xf32, #tpu.memory_space<hbm>> -> memref<640x128xf32, #tpu.memory_space<hbm>>
        %dma_start3A_16 = arith.constant 0 : i32
        %dma_start3A_17 = tpu.memref_slice %arg11[%mul3A_0, %dma_start3A_16] : memref<10240x128xf32, #tpu.memory_space<vmem_shared>> -> memref<640x128xf32, #tpu.memory_space<vmem_shared>>
        tpu.enqueue_dma source(%dma_start3A_17 : memref<640x128xf32, #tpu.memory_space<vmem_shared>>) target(%dma_start3A_15 : memref<640x128xf32, #tpu.memory_space<hbm>>) target_semaphore(%run_scoped3A : memref<!tpu.dma_semaphore, #tpu.memory_space<semaphore_mem>>)
        %dma_wait3A = arith.constant 0 : i32
        %dma_wait3A_18 = tpu.memref_slice %arg7[%mul3A_0, %dma_wait3A] : memref<10240x128xf32, #tpu.memory_space<hbm>> -> memref<640x128xf32, #tpu.memory_space<hbm>>
        %dma_wait3A_19 = arith.constant 0 : i32
        %dma_wait3A_20 = tpu.memref_slice %arg11[%mul3A_0, %dma_wait3A_19] : memref<10240x128xf32, #tpu.memory_space<vmem_shared>> -> memref<640x128xf32, #tpu.memory_space<vmem_shared>>
        tpu.wait_dma2 semaphore(%run_scoped3A : memref<!tpu.dma_semaphore, #tpu.memory_space<semaphore_mem>>) src(%dma_wait3A_20 : memref<640x128xf32, #tpu.memory_space<vmem_shared>>) dst(%dma_wait3A_18 : memref<640x128xf32, #tpu.memory_space<hbm>>)
        tpu.yield
      }) : () -> ()
    } else {
    }
    return
  }
}

#map = affine_map<(d0, d1) -> (0, 0)>
#map1 = affine_map<(d0, d1) -> (0)>
module attributes {stable_mosaic.version = 14 : i64} {
  func.func @segsum(%arg0: i32, %arg1: i32, %arg2: memref<10240x128xf32, #tpu.memory_space<hbm>>, %arg3: memref<10240x128xf32, #tpu.memory_space<hbm>>, %arg4: memref<161792xi32, #tpu.memory_space<hbm>>, %arg5: memref<161792xi32, #tpu.memory_space<hbm>>, %arg6: memref<10240x128xf32, #tpu.memory_space<hbm>>, %arg7: memref<10240x128xf32, #tpu.memory_space<hbm>>, %arg8: memref<128xi32, #tpu.memory_space<vmem>>, %arg9: memref<128xi32, #tpu.memory_space<vmem>>, %arg10: memref<128x128xf32, #tpu.memory_space<vmem>>, %arg11: memref<10240x128xf32, #tpu.memory_space<vmem_shared>>, %arg12: memref<!tpu.dma_semaphore, #tpu.memory_space<semaphore_mem>>) attributes {dimension_semantics = [#tpu.dimension_semantics<core_parallel>, #tpu.dimension_semantics<subcore_parallel>], iteration_bounds = array<i64: 2, 16>, scalar_prefetch = 0 : i64, scratch_operands = 5 : i64, tpu.core_type = #tpu.core_type<sc_vector_subcore>, window_params = [{transform_indices = #map}, {transform_indices = #map}, {transform_indices = #map1}, {transform_indices = #map1}, {transform_indices = #map}, {transform_indices = #map}]} {
    %mul3A = arith.constant 640 : i32
    %mul3A_0 = arith.muli %arg1, %mul3A : i32
    %eq3A = arith.constant 0 : i32
    %eq3A_1 = arith.cmpi eq, %arg0, %eq3A : i32
    %convert_element_type3A = arith.extui %eq3A_1 : i1 to i32
    %cond3A = arith.constant 0 : i32
    %cond3A_2 = arith.cmpi ne, %convert_element_type3A, %cond3A : i32
    scf.if %cond3A_2 {
      "tpu.region"() ({
        %run_scoped3A = tpu.sem_alloc : memref<!tpu.dma_semaphore, #tpu.memory_space<semaphore_mem>>
        %dma_start3A = arith.constant 0 : i32
        %dma_start3A_15 = tpu.memref_slice %arg11[%mul3A_0, %dma_start3A] : memref<10240x128xf32, #tpu.memory_space<vmem_shared>> -> memref<640x128xf32, #tpu.memory_space<vmem_shared>>
        %dma_start3A_16 = arith.constant 0 : i32
        %dma_start3A_17 = tpu.memref_slice %arg2[%mul3A_0, %dma_start3A_16] : memref<10240x128xf32, #tpu.memory_space<hbm>> -> memref<640x128xf32, #tpu.memory_space<hbm>>
        tpu.enqueue_dma source(%dma_start3A_17 : memref<640x128xf32, #tpu.memory_space<hbm>>) target(%dma_start3A_15 : memref<640x128xf32, #tpu.memory_space<vmem_shared>>) target_semaphore(%run_scoped3A : memref<!tpu.dma_semaphore, #tpu.memory_space<semaphore_mem>>)
        %dma_wait3A = arith.constant 0 : i32
        %dma_wait3A_18 = tpu.memref_slice %arg11[%mul3A_0, %dma_wait3A] : memref<10240x128xf32, #tpu.memory_space<vmem_shared>> -> memref<640x128xf32, #tpu.memory_space<vmem_shared>>
        %dma_wait3A_19 = arith.constant 0 : i32
        %dma_wait3A_20 = tpu.memref_slice %arg2[%mul3A_0, %dma_wait3A_19] : memref<10240x128xf32, #tpu.memory_space<hbm>> -> memref<640x128xf32, #tpu.memory_space<hbm>>
        tpu.wait_dma2 semaphore(%run_scoped3A : memref<!tpu.dma_semaphore, #tpu.memory_space<semaphore_mem>>) src(%dma_wait3A_20 : memref<640x128xf32, #tpu.memory_space<hbm>>) dst(%dma_wait3A_18 : memref<640x128xf32, #tpu.memory_space<vmem_shared>>)
        tpu.yield
      }) : () -> ()
      %barrier3A = arith.constant 0 : index
      tpu.barrier barrier_id(%barrier3A)
      %scan3A = arith.constant 0 : i32
      %scan3A_8 = arith.constant 0 : i32
      %scan3A_9 = arith.constant 79 : i32
      %scan3A_10 = arith.addi %scan3A_8, %scan3A_9 : i32
      %scan3A_11 = arith.constant 1 : i32
      %scan3A_12 = scf.for %scan3A_15 = %scan3A_8 to %scan3A_10 step %scan3A_11 iter_args(%scan3A_16 = %scan3A) -> (i32)  : i32 {
        %mul3A_17 = arith.constant 10112 : i32
        %mul3A_18 = arith.muli %arg1, %mul3A_17 : i32
        %mul3A_19 = arith.constant 128 : i32
        %mul3A_20 = arith.muli %scan3A_15, %mul3A_19 : i32
        %add3A = arith.addi %mul3A_18, %mul3A_20 : i32
        "tpu.region"() ({
          %run_scoped3A = tpu.sem_alloc : memref<!tpu.dma_semaphore, #tpu.memory_space<semaphore_mem>>
          %dma_start3A_26 = tpu.memref_slice %arg4[%add3A] : memref<161792xi32, #tpu.memory_space<hbm>> -> memref<128xi32, #tpu.memory_space<hbm>>
          %dma_start3A_27 = tpu.memref_slice %arg4[%add3A] : memref<161792xi32, #tpu.memory_space<hbm>> -> memref<128xi32, #tpu.memory_space<hbm>>
          tpu.enqueue_dma source(%dma_start3A_27 : memref<128xi32, #tpu.memory_space<hbm>>) target(%arg8 : memref<128xi32, #tpu.memory_space<vmem>>) target_semaphore(%run_scoped3A : memref<!tpu.dma_semaphore, #tpu.memory_space<semaphore_mem>>)
          %dma_wait3A_28 = tpu.memref_slice %arg4[%add3A] : memref<161792xi32, #tpu.memory_space<hbm>> -> memref<128xi32, #tpu.memory_space<hbm>>
          %dma_wait3A_29 = tpu.memref_slice %arg4[%add3A] : memref<161792xi32, #tpu.memory_space<hbm>> -> memref<128xi32, #tpu.memory_space<hbm>>
          tpu.wait_dma2 semaphore(%run_scoped3A : memref<!tpu.dma_semaphore, #tpu.memory_space<semaphore_mem>>) src(%dma_wait3A_29 : memref<128xi32, #tpu.memory_space<hbm>>) dst(%arg8 : memref<128xi32, #tpu.memory_space<vmem>>)
          tpu.yield
        }) : () -> ()
        "tpu.region"() ({
          %run_scoped3A = tpu.sem_alloc : memref<!tpu.dma_semaphore, #tpu.memory_space<semaphore_mem>>
          %dma_start3A_26 = tpu.memref_slice %arg5[%add3A] : memref<161792xi32, #tpu.memory_space<hbm>> -> memref<128xi32, #tpu.memory_space<hbm>>
          %dma_start3A_27 = tpu.memref_slice %arg5[%add3A] : memref<161792xi32, #tpu.memory_space<hbm>> -> memref<128xi32, #tpu.memory_space<hbm>>
          tpu.enqueue_dma source(%dma_start3A_27 : memref<128xi32, #tpu.memory_space<hbm>>) target(%arg9 : memref<128xi32, #tpu.memory_space<vmem>>) target_semaphore(%run_scoped3A : memref<!tpu.dma_semaphore, #tpu.memory_space<semaphore_mem>>)
          %dma_wait3A_28 = tpu.memref_slice %arg5[%add3A] : memref<161792xi32, #tpu.memory_space<hbm>> -> memref<128xi32, #tpu.memory_space<hbm>>
          %dma_wait3A_29 = tpu.memref_slice %arg5[%add3A] : memref<161792xi32, #tpu.memory_space<hbm>> -> memref<128xi32, #tpu.memory_space<hbm>>
          tpu.wait_dma2 semaphore(%run_scoped3A : memref<!tpu.dma_semaphore, #tpu.memory_space<semaphore_mem>>) src(%dma_wait3A_29 : memref<128xi32, #tpu.memory_space<hbm>>) dst(%arg9 : memref<128xi32, #tpu.memory_space<vmem>>)
          tpu.yield
        }) : () -> ()
        %dma_start3A = arith.constant 0 : i32
        %dma_start3A_21 = arith.constant 0 : i32
        %dma_start3A_22 = tpu.memref_slice %arg2[%dma_start3A, %dma_start3A_21] : memref<10240x128xf32, #tpu.memory_space<hbm>> -> memref<10240x128xf32, #tpu.memory_space<hbm>>
        tpu.enqueue_indirect_dma source(%dma_start3A_22 : memref<10240x128xf32, #tpu.memory_space<hbm>>) target(%arg10 : memref<128x128xf32, #tpu.memory_space<vmem>>) offsets(%arg8 : memref<128xi32, #tpu.memory_space<vmem>>) semaphore(%arg12 : memref<!tpu.dma_semaphore, #tpu.memory_space<semaphore_mem>>)
        %dma_wait3A = arith.constant 0 : i32
        %dma_wait3A_23 = arith.constant 0 : i32
        %dma_wait3A_24 = tpu.memref_slice %arg2[%dma_wait3A, %dma_wait3A_23] : memref<10240x128xf32, #tpu.memory_space<hbm>> -> memref<10240x128xf32, #tpu.memory_space<hbm>>
        tpu.wait_indirect_dma semaphore(%arg12 : memref<!tpu.dma_semaphore, #tpu.memory_space<semaphore_mem>>) src(%dma_wait3A_24 : memref<10240x128xf32, #tpu.memory_space<hbm>>) dst(%arg10 : memref<128x128xf32, #tpu.memory_space<vmem>>)
        "tpu.region"() ({
          %run_scoped3A = tpu.sem_alloc : memref<!tpu.dma_semaphore, #tpu.memory_space<semaphore_mem>>
          %dma_start3A_26 = arith.constant 0 : i32
          %dma_start3A_27 = arith.constant 0 : i32
          %dma_start3A_28 = tpu.memref_slice %arg11[%dma_start3A_26, %dma_start3A_27] : memref<10240x128xf32, #tpu.memory_space<vmem_shared>> -> memref<10240x128xf32, #tpu.memory_space<vmem_shared>>
          tpu.enqueue_indirect_dma source(%arg10 : memref<128x128xf32, #tpu.memory_space<vmem>>) target(%dma_start3A_28 : memref<10240x128xf32, #tpu.memory_space<vmem_shared>>) offsets(%arg9 : memref<128xi32, #tpu.memory_space<vmem>>) semaphore(%run_scoped3A : memref<!tpu.dma_semaphore, #tpu.memory_space<semaphore_mem>>) {add = true}
          %dma_wait3A_29 = arith.constant 0 : i32
          %dma_wait3A_30 = arith.constant 0 : i32
          %dma_wait3A_31 = tpu.memref_slice %arg11[%dma_wait3A_29, %dma_wait3A_30] : memref<10240x128xf32, #tpu.memory_space<vmem_shared>> -> memref<10240x128xf32, #tpu.memory_space<vmem_shared>>
          tpu.wait_indirect_dma semaphore(%run_scoped3A : memref<!tpu.dma_semaphore, #tpu.memory_space<semaphore_mem>>) src(%arg10 : memref<128x128xf32, #tpu.memory_space<vmem>>) dst(%dma_wait3A_31 : memref<10240x128xf32, #tpu.memory_space<vmem_shared>>)
          tpu.yield
        }) : () -> ()
        %scan3A_25 = arith.constant 0 : i32
        scf.yield %scan3A_25 : i32
      }
      %scan3A_13 = arith.constant 79 : i32
      %barrier3A_14 = arith.constant 0 : index
      tpu.barrier barrier_id(%barrier3A_14)
      "tpu.region"() ({
        %run_scoped3A = tpu.sem_alloc : memref<!tpu.dma_semaphore, #tpu.memory_space<semaphore_mem>>
        %dma_start3A = arith.constant 0 : i32
        %dma_start3A_15 = tpu.memref_slice %arg6[%mul3A_0, %dma_start3A] : memref<10240x128xf32, #tpu.memory_space<hbm>> -> memref<640x128xf32, #tpu.memory_space<hbm>>
        %dma_start3A_16 = arith.constant 0 : i32
        %dma_start3A_17 = tpu.memref_slice %arg11[%mul3A_0, %dma_start3A_16] : memref<10240x128xf32, #tpu.memory_space<vmem_shared>> -> memref<640x128xf32, #tpu.memory_space<vmem_shared>>
        tpu.enqueue_dma source(%dma_start3A_17 : memref<640x128xf32, #tpu.memory_space<vmem_shared>>) target(%dma_start3A_15 : memref<640x128xf32, #tpu.memory_space<hbm>>) target_semaphore(%run_scoped3A : memref<!tpu.dma_semaphore, #tpu.memory_space<semaphore_mem>>)
        %dma_wait3A = arith.constant 0 : i32
        %dma_wait3A_18 = tpu.memref_slice %arg6[%mul3A_0, %dma_wait3A] : memref<10240x128xf32, #tpu.memory_space<hbm>> -> memref<640x128xf32, #tpu.memory_space<hbm>>
        %dma_wait3A_19 = arith.constant 0 : i32
        %dma_wait3A_20 = tpu.memref_slice %arg11[%mul3A_0, %dma_wait3A_19] : memref<10240x128xf32, #tpu.memory_space<vmem_shared>> -> memref<640x128xf32, #tpu.memory_space<vmem_shared>>
        tpu.wait_dma2 semaphore(%run_scoped3A : memref<!tpu.dma_semaphore, #tpu.memory_space<semaphore_mem>>) src(%dma_wait3A_20 : memref<640x128xf32, #tpu.memory_space<vmem_shared>>) dst(%dma_wait3A_18 : memref<640x128xf32, #tpu.memory_space<hbm>>)
        tpu.yield
      }) : () -> ()
    } else {
    }
    %eq3A_3 = arith.constant 1 : i32
    %eq3A_4 = arith.cmpi eq, %arg0, %eq3A_3 : i32
    %convert_element_type3A_5 = arith.extui %eq3A_4 : i1 to i32
    %cond3A_6 = arith.constant 0 : i32
    %cond3A_7 = arith.cmpi ne, %convert_element_type3A_5, %cond3A_6 : i32
    scf.if %cond3A_7 {
      "tpu.region"() ({
        %run_scoped3A = tpu.sem_alloc : memref<!tpu.dma_semaphore, #tpu.memory_space<semaphore_mem>>
        %dma_start3A = arith.constant 0 : i32
        %dma_start3A_15 = tpu.memref_slice %arg11[%mul3A_0, %dma_start3A] : memref<10240x128xf32, #tpu.memory_space<vmem_shared>> -> memref<640x128xf32, #tpu.memory_space<vmem_shared>>
        %dma_start3A_16 = arith.constant 0 : i32
        %dma_start3A_17 = tpu.memref_slice %arg3[%mul3A_0, %dma_start3A_16] : memref<10240x128xf32, #tpu.memory_space<hbm>> -> memref<640x128xf32, #tpu.memory_space<hbm>>
        tpu.enqueue_dma source(%dma_start3A_17 : memref<640x128xf32, #tpu.memory_space<hbm>>) target(%dma_start3A_15 : memref<640x128xf32, #tpu.memory_space<vmem_shared>>) target_semaphore(%run_scoped3A : memref<!tpu.dma_semaphore, #tpu.memory_space<semaphore_mem>>)
        %dma_wait3A = arith.constant 0 : i32
        %dma_wait3A_18 = tpu.memref_slice %arg11[%mul3A_0, %dma_wait3A] : memref<10240x128xf32, #tpu.memory_space<vmem_shared>> -> memref<640x128xf32, #tpu.memory_space<vmem_shared>>
        %dma_wait3A_19 = arith.constant 0 : i32
        %dma_wait3A_20 = tpu.memref_slice %arg3[%mul3A_0, %dma_wait3A_19] : memref<10240x128xf32, #tpu.memory_space<hbm>> -> memref<640x128xf32, #tpu.memory_space<hbm>>
        tpu.wait_dma2 semaphore(%run_scoped3A : memref<!tpu.dma_semaphore, #tpu.memory_space<semaphore_mem>>) src(%dma_wait3A_20 : memref<640x128xf32, #tpu.memory_space<hbm>>) dst(%dma_wait3A_18 : memref<640x128xf32, #tpu.memory_space<vmem_shared>>)
        tpu.yield
      }) : () -> ()
      %barrier3A = arith.constant 0 : index
      tpu.barrier barrier_id(%barrier3A)
      %scan3A = arith.constant 0 : i32
      %scan3A_8 = arith.constant 0 : i32
      %scan3A_9 = arith.constant 79 : i32
      %scan3A_10 = arith.addi %scan3A_8, %scan3A_9 : i32
      %scan3A_11 = arith.constant 1 : i32
      %scan3A_12 = scf.for %scan3A_15 = %scan3A_8 to %scan3A_10 step %scan3A_11 iter_args(%scan3A_16 = %scan3A) -> (i32)  : i32 {
        %mul3A_17 = arith.constant 10112 : i32
        %mul3A_18 = arith.muli %arg1, %mul3A_17 : i32
        %mul3A_19 = arith.constant 128 : i32
        %mul3A_20 = arith.muli %scan3A_15, %mul3A_19 : i32
        %add3A = arith.addi %mul3A_18, %mul3A_20 : i32
        "tpu.region"() ({
          %run_scoped3A = tpu.sem_alloc : memref<!tpu.dma_semaphore, #tpu.memory_space<semaphore_mem>>
          %dma_start3A_26 = tpu.memref_slice %arg4[%add3A] : memref<161792xi32, #tpu.memory_space<hbm>> -> memref<128xi32, #tpu.memory_space<hbm>>
          %dma_start3A_27 = tpu.memref_slice %arg4[%add3A] : memref<161792xi32, #tpu.memory_space<hbm>> -> memref<128xi32, #tpu.memory_space<hbm>>
          tpu.enqueue_dma source(%dma_start3A_27 : memref<128xi32, #tpu.memory_space<hbm>>) target(%arg8 : memref<128xi32, #tpu.memory_space<vmem>>) target_semaphore(%run_scoped3A : memref<!tpu.dma_semaphore, #tpu.memory_space<semaphore_mem>>)
          %dma_wait3A_28 = tpu.memref_slice %arg4[%add3A] : memref<161792xi32, #tpu.memory_space<hbm>> -> memref<128xi32, #tpu.memory_space<hbm>>
          %dma_wait3A_29 = tpu.memref_slice %arg4[%add3A] : memref<161792xi32, #tpu.memory_space<hbm>> -> memref<128xi32, #tpu.memory_space<hbm>>
          tpu.wait_dma2 semaphore(%run_scoped3A : memref<!tpu.dma_semaphore, #tpu.memory_space<semaphore_mem>>) src(%dma_wait3A_29 : memref<128xi32, #tpu.memory_space<hbm>>) dst(%arg8 : memref<128xi32, #tpu.memory_space<vmem>>)
          tpu.yield
        }) : () -> ()
        "tpu.region"() ({
          %run_scoped3A = tpu.sem_alloc : memref<!tpu.dma_semaphore, #tpu.memory_space<semaphore_mem>>
          %dma_start3A_26 = tpu.memref_slice %arg5[%add3A] : memref<161792xi32, #tpu.memory_space<hbm>> -> memref<128xi32, #tpu.memory_space<hbm>>
          %dma_start3A_27 = tpu.memref_slice %arg5[%add3A] : memref<161792xi32, #tpu.memory_space<hbm>> -> memref<128xi32, #tpu.memory_space<hbm>>
          tpu.enqueue_dma source(%dma_start3A_27 : memref<128xi32, #tpu.memory_space<hbm>>) target(%arg9 : memref<128xi32, #tpu.memory_space<vmem>>) target_semaphore(%run_scoped3A : memref<!tpu.dma_semaphore, #tpu.memory_space<semaphore_mem>>)
          %dma_wait3A_28 = tpu.memref_slice %arg5[%add3A] : memref<161792xi32, #tpu.memory_space<hbm>> -> memref<128xi32, #tpu.memory_space<hbm>>
          %dma_wait3A_29 = tpu.memref_slice %arg5[%add3A] : memref<161792xi32, #tpu.memory_space<hbm>> -> memref<128xi32, #tpu.memory_space<hbm>>
          tpu.wait_dma2 semaphore(%run_scoped3A : memref<!tpu.dma_semaphore, #tpu.memory_space<semaphore_mem>>) src(%dma_wait3A_29 : memref<128xi32, #tpu.memory_space<hbm>>) dst(%arg9 : memref<128xi32, #tpu.memory_space<vmem>>)
          tpu.yield
        }) : () -> ()
        %dma_start3A = arith.constant 0 : i32
        %dma_start3A_21 = arith.constant 0 : i32
        %dma_start3A_22 = tpu.memref_slice %arg3[%dma_start3A, %dma_start3A_21] : memref<10240x128xf32, #tpu.memory_space<hbm>> -> memref<10240x128xf32, #tpu.memory_space<hbm>>
        tpu.enqueue_indirect_dma source(%dma_start3A_22 : memref<10240x128xf32, #tpu.memory_space<hbm>>) target(%arg10 : memref<128x128xf32, #tpu.memory_space<vmem>>) offsets(%arg8 : memref<128xi32, #tpu.memory_space<vmem>>) semaphore(%arg12 : memref<!tpu.dma_semaphore, #tpu.memory_space<semaphore_mem>>)
        %dma_wait3A = arith.constant 0 : i32
        %dma_wait3A_23 = arith.constant 0 : i32
        %dma_wait3A_24 = tpu.memref_slice %arg3[%dma_wait3A, %dma_wait3A_23] : memref<10240x128xf32, #tpu.memory_space<hbm>> -> memref<10240x128xf32, #tpu.memory_space<hbm>>
        tpu.wait_indirect_dma semaphore(%arg12 : memref<!tpu.dma_semaphore, #tpu.memory_space<semaphore_mem>>) src(%dma_wait3A_24 : memref<10240x128xf32, #tpu.memory_space<hbm>>) dst(%arg10 : memref<128x128xf32, #tpu.memory_space<vmem>>)
        "tpu.region"() ({
          %run_scoped3A = tpu.sem_alloc : memref<!tpu.dma_semaphore, #tpu.memory_space<semaphore_mem>>
          %dma_start3A_26 = arith.constant 0 : i32
          %dma_start3A_27 = arith.constant 0 : i32
          %dma_start3A_28 = tpu.memref_slice %arg11[%dma_start3A_26, %dma_start3A_27] : memref<10240x128xf32, #tpu.memory_space<vmem_shared>> -> memref<10240x128xf32, #tpu.memory_space<vmem_shared>>
          tpu.enqueue_indirect_dma source(%arg10 : memref<128x128xf32, #tpu.memory_space<vmem>>) target(%dma_start3A_28 : memref<10240x128xf32, #tpu.memory_space<vmem_shared>>) offsets(%arg9 : memref<128xi32, #tpu.memory_space<vmem>>) semaphore(%run_scoped3A : memref<!tpu.dma_semaphore, #tpu.memory_space<semaphore_mem>>) {add = true}
          %dma_wait3A_29 = arith.constant 0 : i32
          %dma_wait3A_30 = arith.constant 0 : i32
          %dma_wait3A_31 = tpu.memref_slice %arg11[%dma_wait3A_29, %dma_wait3A_30] : memref<10240x128xf32, #tpu.memory_space<vmem_shared>> -> memref<10240x128xf32, #tpu.memory_space<vmem_shared>>
          tpu.wait_indirect_dma semaphore(%run_scoped3A : memref<!tpu.dma_semaphore, #tpu.memory_space<semaphore_mem>>) src(%arg10 : memref<128x128xf32, #tpu.memory_space<vmem>>) dst(%dma_wait3A_31 : memref<10240x128xf32, #tpu.memory_space<vmem_shared>>)
          tpu.yield
        }) : () -> ()
        %scan3A_25 = arith.constant 0 : i32
        scf.yield %scan3A_25 : i32
      }
      %scan3A_13 = arith.constant 79 : i32
      %barrier3A_14 = arith.constant 0 : index
      tpu.barrier barrier_id(%barrier3A_14)
      "tpu.region"() ({
        %run_scoped3A = tpu.sem_alloc : memref<!tpu.dma_semaphore, #tpu.memory_space<semaphore_mem>>
        %dma_start3A = arith.constant 0 : i32
        %dma_start3A_15 = tpu.memref_slice %arg7[%mul3A_0, %dma_start3A] : memref<10240x128xf32, #tpu.memory_space<hbm>> -> memref<640x128xf32, #tpu.memory_space<hbm>>
        %dma_start3A_16 = arith.constant 0 : i32
        %dma_start3A_17 = tpu.memref_slice %arg11[%mul3A_0, %dma_start3A_16] : memref<10240x128xf32, #tpu.memory_space<vmem_shared>> -> memref<640x128xf32, #tpu.memory_space<vmem_shared>>
        tpu.enqueue_dma source(%dma_start3A_17 : memref<640x128xf32, #tpu.memory_space<vmem_shared>>) target(%dma_start3A_15 : memref<640x128xf32, #tpu.memory_space<hbm>>) target_semaphore(%run_scoped3A : memref<!tpu.dma_semaphore, #tpu.memory_space<semaphore_mem>>)
        %dma_wait3A = arith.constant 0 : i32
        %dma_wait3A_18 = tpu.memref_slice %arg7[%mul3A_0, %dma_wait3A] : memref<10240x128xf32, #tpu.memory_space<hbm>> -> memref<640x128xf32, #tpu.memory_space<hbm>>
        %dma_wait3A_19 = arith.constant 0 : i32
        %dma_wait3A_20 = tpu.memref_slice %arg11[%mul3A_0, %dma_wait3A_19] : memref<10240x128xf32, #tpu.memory_space<vmem_shared>> -> memref<640x128xf32, #tpu.memory_space<vmem_shared>>
        tpu.wait_dma2 semaphore(%run_scoped3A : memref<!tpu.dma_semaphore, #tpu.memory_space<semaphore_mem>>) src(%dma_wait3A_20 : memref<640x128xf32, #tpu.memory_space<vmem_shared>>) dst(%dma_wait3A_18 : memref<640x128xf32, #tpu.memory_space<hbm>>)
        tpu.yield
      }) : () -> ()
    } else {
    }
    return
  }
}

#map = affine_map<(d0, d1) -> (0, 0)>
#map1 = affine_map<(d0, d1) -> (0)>
module attributes {stable_mosaic.version = 14 : i64} {
  func.func @segsum(%arg0: i32, %arg1: i32, %arg2: memref<10240x128xf32, #tpu.memory_space<hbm>>, %arg3: memref<10240x128xf32, #tpu.memory_space<hbm>>, %arg4: memref<161792xi32, #tpu.memory_space<hbm>>, %arg5: memref<161792xi32, #tpu.memory_space<hbm>>, %arg6: memref<10240x128xf32, #tpu.memory_space<hbm>>, %arg7: memref<10240x128xf32, #tpu.memory_space<hbm>>, %arg8: memref<128xi32, #tpu.memory_space<vmem>>, %arg9: memref<128xi32, #tpu.memory_space<vmem>>, %arg10: memref<128x128xf32, #tpu.memory_space<vmem>>, %arg11: memref<10240x128xf32, #tpu.memory_space<vmem_shared>>, %arg12: memref<!tpu.dma_semaphore, #tpu.memory_space<semaphore_mem>>) attributes {dimension_semantics = [#tpu.dimension_semantics<core_parallel>, #tpu.dimension_semantics<subcore_parallel>], iteration_bounds = array<i64: 2, 16>, scalar_prefetch = 0 : i64, scratch_operands = 5 : i64, tpu.core_type = #tpu.core_type<sc_vector_subcore>, window_params = [{transform_indices = #map}, {transform_indices = #map}, {transform_indices = #map1}, {transform_indices = #map1}, {transform_indices = #map}, {transform_indices = #map}]} {
    %mul3A = arith.constant 640 : i32
    %mul3A_0 = arith.muli %arg1, %mul3A : i32
    %eq3A = arith.constant 0 : i32
    %eq3A_1 = arith.cmpi eq, %arg0, %eq3A : i32
    %convert_element_type3A = arith.extui %eq3A_1 : i1 to i32
    %cond3A = arith.constant 0 : i32
    %cond3A_2 = arith.cmpi ne, %convert_element_type3A, %cond3A : i32
    scf.if %cond3A_2 {
      "tpu.region"() ({
        %run_scoped3A = tpu.sem_alloc : memref<!tpu.dma_semaphore, #tpu.memory_space<semaphore_mem>>
        %dma_start3A = arith.constant 0 : i32
        %dma_start3A_15 = tpu.memref_slice %arg11[%mul3A_0, %dma_start3A] : memref<10240x128xf32, #tpu.memory_space<vmem_shared>> -> memref<640x128xf32, #tpu.memory_space<vmem_shared>>
        %dma_start3A_16 = arith.constant 0 : i32
        %dma_start3A_17 = tpu.memref_slice %arg2[%mul3A_0, %dma_start3A_16] : memref<10240x128xf32, #tpu.memory_space<hbm>> -> memref<640x128xf32, #tpu.memory_space<hbm>>
        tpu.enqueue_dma source(%dma_start3A_17 : memref<640x128xf32, #tpu.memory_space<hbm>>) target(%dma_start3A_15 : memref<640x128xf32, #tpu.memory_space<vmem_shared>>) target_semaphore(%run_scoped3A : memref<!tpu.dma_semaphore, #tpu.memory_space<semaphore_mem>>)
        %dma_wait3A = arith.constant 0 : i32
        %dma_wait3A_18 = tpu.memref_slice %arg11[%mul3A_0, %dma_wait3A] : memref<10240x128xf32, #tpu.memory_space<vmem_shared>> -> memref<640x128xf32, #tpu.memory_space<vmem_shared>>
        %dma_wait3A_19 = arith.constant 0 : i32
        %dma_wait3A_20 = tpu.memref_slice %arg2[%mul3A_0, %dma_wait3A_19] : memref<10240x128xf32, #tpu.memory_space<hbm>> -> memref<640x128xf32, #tpu.memory_space<hbm>>
        tpu.wait_dma2 semaphore(%run_scoped3A : memref<!tpu.dma_semaphore, #tpu.memory_space<semaphore_mem>>) src(%dma_wait3A_20 : memref<640x128xf32, #tpu.memory_space<hbm>>) dst(%dma_wait3A_18 : memref<640x128xf32, #tpu.memory_space<vmem_shared>>)
        tpu.yield
      }) : () -> ()
      %barrier3A = arith.constant 0 : index
      tpu.barrier barrier_id(%barrier3A)
      %scan3A = arith.constant 0 : i32
      %scan3A_8 = arith.constant 0 : i32
      %scan3A_9 = arith.constant 79 : i32
      %scan3A_10 = arith.addi %scan3A_8, %scan3A_9 : i32
      %scan3A_11 = arith.constant 1 : i32
      %scan3A_12 = scf.for %scan3A_15 = %scan3A_8 to %scan3A_10 step %scan3A_11 iter_args(%scan3A_16 = %scan3A) -> (i32)  : i32 {
        %mul3A_17 = arith.constant 10112 : i32
        %mul3A_18 = arith.muli %arg1, %mul3A_17 : i32
        %mul3A_19 = arith.constant 128 : i32
        %mul3A_20 = arith.muli %scan3A_15, %mul3A_19 : i32
        %add3A = arith.addi %mul3A_18, %mul3A_20 : i32
        "tpu.region"() ({
          %run_scoped3A = tpu.sem_alloc : memref<!tpu.dma_semaphore, #tpu.memory_space<semaphore_mem>>
          %dma_start3A_26 = tpu.memref_slice %arg4[%add3A] : memref<161792xi32, #tpu.memory_space<hbm>> -> memref<128xi32, #tpu.memory_space<hbm>>
          %dma_start3A_27 = tpu.memref_slice %arg4[%add3A] : memref<161792xi32, #tpu.memory_space<hbm>> -> memref<128xi32, #tpu.memory_space<hbm>>
          tpu.enqueue_dma source(%dma_start3A_27 : memref<128xi32, #tpu.memory_space<hbm>>) target(%arg8 : memref<128xi32, #tpu.memory_space<vmem>>) target_semaphore(%run_scoped3A : memref<!tpu.dma_semaphore, #tpu.memory_space<semaphore_mem>>)
          %dma_wait3A_28 = tpu.memref_slice %arg4[%add3A] : memref<161792xi32, #tpu.memory_space<hbm>> -> memref<128xi32, #tpu.memory_space<hbm>>
          %dma_wait3A_29 = tpu.memref_slice %arg4[%add3A] : memref<161792xi32, #tpu.memory_space<hbm>> -> memref<128xi32, #tpu.memory_space<hbm>>
          tpu.wait_dma2 semaphore(%run_scoped3A : memref<!tpu.dma_semaphore, #tpu.memory_space<semaphore_mem>>) src(%dma_wait3A_29 : memref<128xi32, #tpu.memory_space<hbm>>) dst(%arg8 : memref<128xi32, #tpu.memory_space<vmem>>)
          tpu.yield
        }) : () -> ()
        "tpu.region"() ({
          %run_scoped3A = tpu.sem_alloc : memref<!tpu.dma_semaphore, #tpu.memory_space<semaphore_mem>>
          %dma_start3A_26 = tpu.memref_slice %arg5[%add3A] : memref<161792xi32, #tpu.memory_space<hbm>> -> memref<128xi32, #tpu.memory_space<hbm>>
          %dma_start3A_27 = tpu.memref_slice %arg5[%add3A] : memref<161792xi32, #tpu.memory_space<hbm>> -> memref<128xi32, #tpu.memory_space<hbm>>
          tpu.enqueue_dma source(%dma_start3A_27 : memref<128xi32, #tpu.memory_space<hbm>>) target(%arg9 : memref<128xi32, #tpu.memory_space<vmem>>) target_semaphore(%run_scoped3A : memref<!tpu.dma_semaphore, #tpu.memory_space<semaphore_mem>>)
          %dma_wait3A_28 = tpu.memref_slice %arg5[%add3A] : memref<161792xi32, #tpu.memory_space<hbm>> -> memref<128xi32, #tpu.memory_space<hbm>>
          %dma_wait3A_29 = tpu.memref_slice %arg5[%add3A] : memref<161792xi32, #tpu.memory_space<hbm>> -> memref<128xi32, #tpu.memory_space<hbm>>
          tpu.wait_dma2 semaphore(%run_scoped3A : memref<!tpu.dma_semaphore, #tpu.memory_space<semaphore_mem>>) src(%dma_wait3A_29 : memref<128xi32, #tpu.memory_space<hbm>>) dst(%arg9 : memref<128xi32, #tpu.memory_space<vmem>>)
          tpu.yield
        }) : () -> ()
        %dma_start3A = arith.constant 0 : i32
        %dma_start3A_21 = arith.constant 0 : i32
        %dma_start3A_22 = tpu.memref_slice %arg2[%dma_start3A, %dma_start3A_21] : memref<10240x128xf32, #tpu.memory_space<hbm>> -> memref<10240x128xf32, #tpu.memory_space<hbm>>
        tpu.enqueue_indirect_dma source(%dma_start3A_22 : memref<10240x128xf32, #tpu.memory_space<hbm>>) target(%arg10 : memref<128x128xf32, #tpu.memory_space<vmem>>) offsets(%arg8 : memref<128xi32, #tpu.memory_space<vmem>>) semaphore(%arg12 : memref<!tpu.dma_semaphore, #tpu.memory_space<semaphore_mem>>)
        %dma_wait3A = arith.constant 0 : i32
        %dma_wait3A_23 = arith.constant 0 : i32
        %dma_wait3A_24 = tpu.memref_slice %arg2[%dma_wait3A, %dma_wait3A_23] : memref<10240x128xf32, #tpu.memory_space<hbm>> -> memref<10240x128xf32, #tpu.memory_space<hbm>>
        tpu.wait_indirect_dma semaphore(%arg12 : memref<!tpu.dma_semaphore, #tpu.memory_space<semaphore_mem>>) src(%dma_wait3A_24 : memref<10240x128xf32, #tpu.memory_space<hbm>>) dst(%arg10 : memref<128x128xf32, #tpu.memory_space<vmem>>)
        "tpu.region"() ({
          %run_scoped3A = tpu.sem_alloc : memref<!tpu.dma_semaphore, #tpu.memory_space<semaphore_mem>>
          %dma_start3A_26 = arith.constant 0 : i32
          %dma_start3A_27 = arith.constant 0 : i32
          %dma_start3A_28 = tpu.memref_slice %arg11[%dma_start3A_26, %dma_start3A_27] : memref<10240x128xf32, #tpu.memory_space<vmem_shared>> -> memref<10240x128xf32, #tpu.memory_space<vmem_shared>>
          tpu.enqueue_indirect_dma source(%arg10 : memref<128x128xf32, #tpu.memory_space<vmem>>) target(%dma_start3A_28 : memref<10240x128xf32, #tpu.memory_space<vmem_shared>>) offsets(%arg9 : memref<128xi32, #tpu.memory_space<vmem>>) semaphore(%run_scoped3A : memref<!tpu.dma_semaphore, #tpu.memory_space<semaphore_mem>>) {add = true}
          %dma_wait3A_29 = arith.constant 0 : i32
          %dma_wait3A_30 = arith.constant 0 : i32
          %dma_wait3A_31 = tpu.memref_slice %arg11[%dma_wait3A_29, %dma_wait3A_30] : memref<10240x128xf32, #tpu.memory_space<vmem_shared>> -> memref<10240x128xf32, #tpu.memory_space<vmem_shared>>
          tpu.wait_indirect_dma semaphore(%run_scoped3A : memref<!tpu.dma_semaphore, #tpu.memory_space<semaphore_mem>>) src(%arg10 : memref<128x128xf32, #tpu.memory_space<vmem>>) dst(%dma_wait3A_31 : memref<10240x128xf32, #tpu.memory_space<vmem_shared>>)
          tpu.yield
        }) : () -> ()
        %scan3A_25 = arith.constant 0 : i32
        scf.yield %scan3A_25 : i32
      }
      %scan3A_13 = arith.constant 79 : i32
      %barrier3A_14 = arith.constant 0 : index
      tpu.barrier barrier_id(%barrier3A_14)
      "tpu.region"() ({
        %run_scoped3A = tpu.sem_alloc : memref<!tpu.dma_semaphore, #tpu.memory_space<semaphore_mem>>
        %dma_start3A = arith.constant 0 : i32
        %dma_start3A_15 = tpu.memref_slice %arg6[%mul3A_0, %dma_start3A] : memref<10240x128xf32, #tpu.memory_space<hbm>> -> memref<640x128xf32, #tpu.memory_space<hbm>>
        %dma_start3A_16 = arith.constant 0 : i32
        %dma_start3A_17 = tpu.memref_slice %arg11[%mul3A_0, %dma_start3A_16] : memref<10240x128xf32, #tpu.memory_space<vmem_shared>> -> memref<640x128xf32, #tpu.memory_space<vmem_shared>>
        tpu.enqueue_dma source(%dma_start3A_17 : memref<640x128xf32, #tpu.memory_space<vmem_shared>>) target(%dma_start3A_15 : memref<640x128xf32, #tpu.memory_space<hbm>>) target_semaphore(%run_scoped3A : memref<!tpu.dma_semaphore, #tpu.memory_space<semaphore_mem>>)
        %dma_wait3A = arith.constant 0 : i32
        %dma_wait3A_18 = tpu.memref_slice %arg6[%mul3A_0, %dma_wait3A] : memref<10240x128xf32, #tpu.memory_space<hbm>> -> memref<640x128xf32, #tpu.memory_space<hbm>>
        %dma_wait3A_19 = arith.constant 0 : i32
        %dma_wait3A_20 = tpu.memref_slice %arg11[%mul3A_0, %dma_wait3A_19] : memref<10240x128xf32, #tpu.memory_space<vmem_shared>> -> memref<640x128xf32, #tpu.memory_space<vmem_shared>>
        tpu.wait_dma2 semaphore(%run_scoped3A : memref<!tpu.dma_semaphore, #tpu.memory_space<semaphore_mem>>) src(%dma_wait3A_20 : memref<640x128xf32, #tpu.memory_space<vmem_shared>>) dst(%dma_wait3A_18 : memref<640x128xf32, #tpu.memory_space<hbm>>)
        tpu.yield
      }) : () -> ()
    } else {
    }
    %eq3A_3 = arith.constant 1 : i32
    %eq3A_4 = arith.cmpi eq, %arg0, %eq3A_3 : i32
    %convert_element_type3A_5 = arith.extui %eq3A_4 : i1 to i32
    %cond3A_6 = arith.constant 0 : i32
    %cond3A_7 = arith.cmpi ne, %convert_element_type3A_5, %cond3A_6 : i32
    scf.if %cond3A_7 {
      "tpu.region"() ({
        %run_scoped3A = tpu.sem_alloc : memref<!tpu.dma_semaphore, #tpu.memory_space<semaphore_mem>>
        %dma_start3A = arith.constant 0 : i32
        %dma_start3A_15 = tpu.memref_slice %arg11[%mul3A_0, %dma_start3A] : memref<10240x128xf32, #tpu.memory_space<vmem_shared>> -> memref<640x128xf32, #tpu.memory_space<vmem_shared>>
        %dma_start3A_16 = arith.constant 0 : i32
        %dma_start3A_17 = tpu.memref_slice %arg3[%mul3A_0, %dma_start3A_16] : memref<10240x128xf32, #tpu.memory_space<hbm>> -> memref<640x128xf32, #tpu.memory_space<hbm>>
        tpu.enqueue_dma source(%dma_start3A_17 : memref<640x128xf32, #tpu.memory_space<hbm>>) target(%dma_start3A_15 : memref<640x128xf32, #tpu.memory_space<vmem_shared>>) target_semaphore(%run_scoped3A : memref<!tpu.dma_semaphore, #tpu.memory_space<semaphore_mem>>)
        %dma_wait3A = arith.constant 0 : i32
        %dma_wait3A_18 = tpu.memref_slice %arg11[%mul3A_0, %dma_wait3A] : memref<10240x128xf32, #tpu.memory_space<vmem_shared>> -> memref<640x128xf32, #tpu.memory_space<vmem_shared>>
        %dma_wait3A_19 = arith.constant 0 : i32
        %dma_wait3A_20 = tpu.memref_slice %arg3[%mul3A_0, %dma_wait3A_19] : memref<10240x128xf32, #tpu.memory_space<hbm>> -> memref<640x128xf32, #tpu.memory_space<hbm>>
        tpu.wait_dma2 semaphore(%run_scoped3A : memref<!tpu.dma_semaphore, #tpu.memory_space<semaphore_mem>>) src(%dma_wait3A_20 : memref<640x128xf32, #tpu.memory_space<hbm>>) dst(%dma_wait3A_18 : memref<640x128xf32, #tpu.memory_space<vmem_shared>>)
        tpu.yield
      }) : () -> ()
      %barrier3A = arith.constant 0 : index
      tpu.barrier barrier_id(%barrier3A)
      %scan3A = arith.constant 0 : i32
      %scan3A_8 = arith.constant 0 : i32
      %scan3A_9 = arith.constant 79 : i32
      %scan3A_10 = arith.addi %scan3A_8, %scan3A_9 : i32
      %scan3A_11 = arith.constant 1 : i32
      %scan3A_12 = scf.for %scan3A_15 = %scan3A_8 to %scan3A_10 step %scan3A_11 iter_args(%scan3A_16 = %scan3A) -> (i32)  : i32 {
        %mul3A_17 = arith.constant 10112 : i32
        %mul3A_18 = arith.muli %arg1, %mul3A_17 : i32
        %mul3A_19 = arith.constant 128 : i32
        %mul3A_20 = arith.muli %scan3A_15, %mul3A_19 : i32
        %add3A = arith.addi %mul3A_18, %mul3A_20 : i32
        "tpu.region"() ({
          %run_scoped3A = tpu.sem_alloc : memref<!tpu.dma_semaphore, #tpu.memory_space<semaphore_mem>>
          %dma_start3A_26 = tpu.memref_slice %arg4[%add3A] : memref<161792xi32, #tpu.memory_space<hbm>> -> memref<128xi32, #tpu.memory_space<hbm>>
          %dma_start3A_27 = tpu.memref_slice %arg4[%add3A] : memref<161792xi32, #tpu.memory_space<hbm>> -> memref<128xi32, #tpu.memory_space<hbm>>
          tpu.enqueue_dma source(%dma_start3A_27 : memref<128xi32, #tpu.memory_space<hbm>>) target(%arg8 : memref<128xi32, #tpu.memory_space<vmem>>) target_semaphore(%run_scoped3A : memref<!tpu.dma_semaphore, #tpu.memory_space<semaphore_mem>>)
          %dma_wait3A_28 = tpu.memref_slice %arg4[%add3A] : memref<161792xi32, #tpu.memory_space<hbm>> -> memref<128xi32, #tpu.memory_space<hbm>>
          %dma_wait3A_29 = tpu.memref_slice %arg4[%add3A] : memref<161792xi32, #tpu.memory_space<hbm>> -> memref<128xi32, #tpu.memory_space<hbm>>
          tpu.wait_dma2 semaphore(%run_scoped3A : memref<!tpu.dma_semaphore, #tpu.memory_space<semaphore_mem>>) src(%dma_wait3A_29 : memref<128xi32, #tpu.memory_space<hbm>>) dst(%arg8 : memref<128xi32, #tpu.memory_space<vmem>>)
          tpu.yield
        }) : () -> ()
        "tpu.region"() ({
          %run_scoped3A = tpu.sem_alloc : memref<!tpu.dma_semaphore, #tpu.memory_space<semaphore_mem>>
          %dma_start3A_26 = tpu.memref_slice %arg5[%add3A] : memref<161792xi32, #tpu.memory_space<hbm>> -> memref<128xi32, #tpu.memory_space<hbm>>
          %dma_start3A_27 = tpu.memref_slice %arg5[%add3A] : memref<161792xi32, #tpu.memory_space<hbm>> -> memref<128xi32, #tpu.memory_space<hbm>>
          tpu.enqueue_dma source(%dma_start3A_27 : memref<128xi32, #tpu.memory_space<hbm>>) target(%arg9 : memref<128xi32, #tpu.memory_space<vmem>>) target_semaphore(%run_scoped3A : memref<!tpu.dma_semaphore, #tpu.memory_space<semaphore_mem>>)
          %dma_wait3A_28 = tpu.memref_slice %arg5[%add3A] : memref<161792xi32, #tpu.memory_space<hbm>> -> memref<128xi32, #tpu.memory_space<hbm>>
          %dma_wait3A_29 = tpu.memref_slice %arg5[%add3A] : memref<161792xi32, #tpu.memory_space<hbm>> -> memref<128xi32, #tpu.memory_space<hbm>>
          tpu.wait_dma2 semaphore(%run_scoped3A : memref<!tpu.dma_semaphore, #tpu.memory_space<semaphore_mem>>) src(%dma_wait3A_29 : memref<128xi32, #tpu.memory_space<hbm>>) dst(%arg9 : memref<128xi32, #tpu.memory_space<vmem>>)
          tpu.yield
        }) : () -> ()
        %dma_start3A = arith.constant 0 : i32
        %dma_start3A_21 = arith.constant 0 : i32
        %dma_start3A_22 = tpu.memref_slice %arg3[%dma_start3A, %dma_start3A_21] : memref<10240x128xf32, #tpu.memory_space<hbm>> -> memref<10240x128xf32, #tpu.memory_space<hbm>>
        tpu.enqueue_indirect_dma source(%dma_start3A_22 : memref<10240x128xf32, #tpu.memory_space<hbm>>) target(%arg10 : memref<128x128xf32, #tpu.memory_space<vmem>>) offsets(%arg8 : memref<128xi32, #tpu.memory_space<vmem>>) semaphore(%arg12 : memref<!tpu.dma_semaphore, #tpu.memory_space<semaphore_mem>>)
        %dma_wait3A = arith.constant 0 : i32
        %dma_wait3A_23 = arith.constant 0 : i32
        %dma_wait3A_24 = tpu.memref_slice %arg3[%dma_wait3A, %dma_wait3A_23] : memref<10240x128xf32, #tpu.memory_space<hbm>> -> memref<10240x128xf32, #tpu.memory_space<hbm>>
        tpu.wait_indirect_dma semaphore(%arg12 : memref<!tpu.dma_semaphore, #tpu.memory_space<semaphore_mem>>) src(%dma_wait3A_24 : memref<10240x128xf32, #tpu.memory_space<hbm>>) dst(%arg10 : memref<128x128xf32, #tpu.memory_space<vmem>>)
        "tpu.region"() ({
          %run_scoped3A = tpu.sem_alloc : memref<!tpu.dma_semaphore, #tpu.memory_space<semaphore_mem>>
          %dma_start3A_26 = arith.constant 0 : i32
          %dma_start3A_27 = arith.constant 0 : i32
          %dma_start3A_28 = tpu.memref_slice %arg11[%dma_start3A_26, %dma_start3A_27] : memref<10240x128xf32, #tpu.memory_space<vmem_shared>> -> memref<10240x128xf32, #tpu.memory_space<vmem_shared>>
          tpu.enqueue_indirect_dma source(%arg10 : memref<128x128xf32, #tpu.memory_space<vmem>>) target(%dma_start3A_28 : memref<10240x128xf32, #tpu.memory_space<vmem_shared>>) offsets(%arg9 : memref<128xi32, #tpu.memory_space<vmem>>) semaphore(%run_scoped3A : memref<!tpu.dma_semaphore, #tpu.memory_space<semaphore_mem>>) {add = true}
          %dma_wait3A_29 = arith.constant 0 : i32
          %dma_wait3A_30 = arith.constant 0 : i32
          %dma_wait3A_31 = tpu.memref_slice %arg11[%dma_wait3A_29, %dma_wait3A_30] : memref<10240x128xf32, #tpu.memory_space<vmem_shared>> -> memref<10240x128xf32, #tpu.memory_space<vmem_shared>>
          tpu.wait_indirect_dma semaphore(%run_scoped3A : memref<!tpu.dma_semaphore, #tpu.memory_space<semaphore_mem>>) src(%arg10 : memref<128x128xf32, #tpu.memory_space<vmem>>) dst(%dma_wait3A_31 : memref<10240x128xf32, #tpu.memory_space<vmem_shared>>)
          tpu.yield
        }) : () -> ()
        %scan3A_25 = arith.constant 0 : i32
        scf.yield %scan3A_25 : i32
      }
      %scan3A_13 = arith.constant 79 : i32
      %barrier3A_14 = arith.constant 0 : index
      tpu.barrier barrier_id(%barrier3A_14)
      "tpu.region"() ({
        %run_scoped3A = tpu.sem_alloc : memref<!tpu.dma_semaphore, #tpu.memory_space<semaphore_mem>>
        %dma_start3A = arith.constant 0 : i32
        %dma_start3A_15 = tpu.memref_slice %arg7[%mul3A_0, %dma_start3A] : memref<10240x128xf32, #tpu.memory_space<hbm>> -> memref<640x128xf32, #tpu.memory_space<hbm>>
        %dma_start3A_16 = arith.constant 0 : i32
        %dma_start3A_17 = tpu.memref_slice %arg11[%mul3A_0, %dma_start3A_16] : memref<10240x128xf32, #tpu.memory_space<vmem_shared>> -> memref<640x128xf32, #tpu.memory_space<vmem_shared>>
        tpu.enqueue_dma source(%dma_start3A_17 : memref<640x128xf32, #tpu.memory_space<vmem_shared>>) target(%dma_start3A_15 : memref<640x128xf32, #tpu.memory_space<hbm>>) target_semaphore(%run_scoped3A : memref<!tpu.dma_semaphore, #tpu.memory_space<semaphore_mem>>)
        %dma_wait3A = arith.constant 0 : i32
        %dma_wait3A_18 = tpu.memref_slice %arg7[%mul3A_0, %dma_wait3A] : memref<10240x128xf32, #tpu.memory_space<hbm>> -> memref<640x128xf32, #tpu.memory_space<hbm>>
        %dma_wait3A_19 = arith.constant 0 : i32
        %dma_wait3A_20 = tpu.memref_slice %arg11[%mul3A_0, %dma_wait3A_19] : memref<10240x128xf32, #tpu.memory_space<vmem_shared>> -> memref<640x128xf32, #tpu.memory_space<vmem_shared>>
        tpu.wait_dma2 semaphore(%run_scoped3A : memref<!tpu.dma_semaphore, #tpu.memory_space<semaphore_mem>>) src(%dma_wait3A_20 : memref<640x128xf32, #tpu.memory_space<vmem_shared>>) dst(%dma_wait3A_18 : memref<640x128xf32, #tpu.memory_space<hbm>>)
        tpu.yield
      }) : () -> ()
    } else {
    }
    return
  }
}

module attributes {stable_mosaic.version = 14 : i64} {
  func.func @_layer_body(%arg0: i32, %arg1: memref<256x256xf32, #tpu.memory_space<vmem>>, %arg2: memref<256x256xf32, #tpu.memory_space<vmem>>, %arg3: memref<1x256xf32, #tpu.memory_space<vmem>>, %arg4: memref<256x1xf32, #tpu.memory_space<vmem>>, %arg5: memref<256x128xf32, #tpu.memory_space<vmem>>, %arg6: memref<256x128xf32, #tpu.memory_space<vmem>>) attributes {dimension_semantics = [#tpu.dimension_semantics<arbitrary>], iteration_bounds = array<i64: 40>, scalar_prefetch = 0 : i64, scratch_operands = 0 : i64, tpu.core_type = #tpu.core_type<tc>, window_params = [{transform_indices = @transform_0, window_bounds = array<i64: 256, 256>}, {pipeline_mode = #tpu.pipeline_mode<synchronous>, transform_indices = @transform_1, window_bounds = array<i64: 256, 256>}, {pipeline_mode = #tpu.pipeline_mode<synchronous>, transform_indices = @transform_2, window_bounds = array<i64: 1, 256>}, {transform_indices = @transform_3, window_bounds = array<i64: 256, 1>}, {transform_indices = @transform_4, window_bounds = array<i64: 256, 128>}, {transform_indices = @transform_5, window_bounds = array<i64: 256, 128>}]} {
    %get3A = arith.constant 0 : index
    %get3A_0 = arith.constant 0 : index
    %get3A_1 = vector.load %arg1[%get3A, %get3A_0] : memref<256x256xf32, #tpu.memory_space<vmem>>, vector<256x256xf32>
    %get3A_2 = arith.constant 0 : index
    %get3A_3 = arith.constant 0 : index
    %get3A_4 = vector.load %arg4[%get3A_2, %get3A_3] : memref<256x1xf32, #tpu.memory_space<vmem>>, vector<256x1xf32>
    %get3A_5 = arith.constant 0 : index
    %get3A_6 = arith.constant 0 : index
    %get3A_7 = vector.load %arg2[%get3A_5, %get3A_6] : memref<256x256xf32, #tpu.memory_space<vmem>>, vector<256x256xf32>
    %dot_general3A = arith.constant dense<0.000000e+00> : vector<256x256xf32>
    %dot_general3A_8 = tpu.matmul %get3A_1, %get3A_7, %dot_general3A {dimension_numbers = #tpu.dot_dimension_numbers<[1], [0], [0], [1], [0, 0, 1, 1], [], []>, transpose_lhs_hint = false} : vector<256x256xf32>, vector<256x256xf32>, vector<256x256xf32> -> vector<256x256xf32>
    %mul3A = vector.broadcast %get3A_4 : vector<256x1xf32> to vector<256x256xf32>
    %mul3A_9 = arith.mulf %dot_general3A_8, %mul3A : vector<256x256xf32>
    %slice3A = vector.extract_strided_slice %mul3A_9 {offsets = [0, 0], sizes = [256, 128], strides = [1, 1]} : vector<256x256xf32> to vector<256x128xf32>
    %swap3A = arith.constant 0 : index
    %swap3A_10 = arith.constant 0 : index
    %swap3A_11 = vector.load %arg5[%swap3A, %swap3A_10] : memref<256x128xf32, #tpu.memory_space<vmem>>, vector<256x128xf32>
    tpu.vector_store %arg5[%swap3A, %swap3A_10], %slice3A {strides = array<i32>} : memref<256x128xf32, #tpu.memory_space<vmem>>, vector<256x128xf32>,
    %slice3A_12 = vector.extract_strided_slice %mul3A_9 {offsets = [0, 128], sizes = [256, 128], strides = [1, 1]} : vector<256x256xf32> to vector<256x128xf32>
    %swap3A_13 = arith.constant 0 : index
    %swap3A_14 = arith.constant 0 : index
    %swap3A_15 = vector.load %arg6[%swap3A_13, %swap3A_14] : memref<256x128xf32, #tpu.memory_space<vmem>>, vector<256x128xf32>
    tpu.vector_store %arg6[%swap3A_13, %swap3A_14], %slice3A_12 {strides = array<i32>} : memref<256x128xf32, #tpu.memory_space<vmem>>, vector<256x128xf32>,
    return
  }
  func.func @transform_0(%arg0: i32) -> (i32, i32) {
    %c0_i32 = arith.constant 0 : i32
    %c0_i32_0 = arith.constant 0 : i32
    return %arg0, %c0_i32 : i32, i32
  }
  func.func @transform_1(%arg0: i32) -> (i32, i32) {
    %c0_i32 = arith.constant 0 : i32
    %c0_i32_0 = arith.constant 0 : i32
    %c0_i32_1 = arith.constant 0 : i32
    return %c0_i32, %c0_i32_0 : i32, i32
  }
  func.func @transform_2(%arg0: i32) -> (i32, i32) {
    %c0_i32 = arith.constant 0 : i32
    %c0_i32_0 = arith.constant 0 : i32
    %c0_i32_1 = arith.constant 0 : i32
    return %c0_i32, %c0_i32_0 : i32, i32
  }
  func.func @transform_3(%arg0: i32) -> (i32, i32) {
    %c0_i32 = arith.constant 0 : i32
    %c0_i32_0 = arith.constant 0 : i32
    return %arg0, %c0_i32 : i32, i32
  }
  func.func @transform_4(%arg0: i32) -> (i32, i32) {
    %c0_i32 = arith.constant 0 : i32
    %c0_i32_0 = arith.constant 0 : i32
    return %arg0, %c0_i32 : i32, i32
  }
  func.func @transform_5(%arg0: i32) -> (i32, i32) {
    %c0_i32 = arith.constant 0 : i32
    %c0_i32_0 = arith.constant 0 : i32
    return %arg0, %c0_i32 : i32, i32
  }
}

module attributes {stable_mosaic.version = 14 : i64} {
  func.func @_layer_body(%arg0: i32, %arg1: memref<256x256xf32, #tpu.memory_space<vmem>>, %arg2: memref<256x256xf32, #tpu.memory_space<vmem>>, %arg3: memref<1x256xf32, #tpu.memory_space<vmem>>, %arg4: memref<256x1xf32, #tpu.memory_space<vmem>>, %arg5: memref<256x128xf32, #tpu.memory_space<vmem>>, %arg6: memref<256x128xf32, #tpu.memory_space<vmem>>) attributes {dimension_semantics = [#tpu.dimension_semantics<arbitrary>], iteration_bounds = array<i64: 40>, scalar_prefetch = 0 : i64, scratch_operands = 0 : i64, tpu.core_type = #tpu.core_type<tc>, window_params = [{transform_indices = @transform_0, window_bounds = array<i64: 256, 256>}, {pipeline_mode = #tpu.pipeline_mode<synchronous>, transform_indices = @transform_1, window_bounds = array<i64: 256, 256>}, {pipeline_mode = #tpu.pipeline_mode<synchronous>, transform_indices = @transform_2, window_bounds = array<i64: 1, 256>}, {transform_indices = @transform_3, window_bounds = array<i64: 256, 1>}, {transform_indices = @transform_4, window_bounds = array<i64: 256, 128>}, {transform_indices = @transform_5, window_bounds = array<i64: 256, 128>}]} {
    %get3A = arith.constant 0 : index
    %get3A_0 = arith.constant 0 : index
    %get3A_1 = vector.load %arg1[%get3A, %get3A_0] : memref<256x256xf32, #tpu.memory_space<vmem>>, vector<256x256xf32>
    %get3A_2 = arith.constant 0 : index
    %get3A_3 = arith.constant 0 : index
    %get3A_4 = vector.load %arg4[%get3A_2, %get3A_3] : memref<256x1xf32, #tpu.memory_space<vmem>>, vector<256x1xf32>
    %mul3A = vector.broadcast %get3A_4 : vector<256x1xf32> to vector<256x256xf32>
    %mul3A_5 = arith.mulf %get3A_1, %mul3A : vector<256x256xf32>
    %get3A_6 = arith.constant 0 : index
    %get3A_7 = arith.constant 0 : index
    %get3A_8 = vector.load %arg3[%get3A_6, %get3A_7] : memref<1x256xf32, #tpu.memory_space<vmem>>, vector<1x256xf32>
    %add3A = vector.broadcast %get3A_8 : vector<1x256xf32> to vector<256x256xf32>
    %add3A_9 = arith.addf %mul3A_5, %add3A : vector<256x256xf32>
    %max3A = arith.constant 0.000000e+00 : f32
    %max3A_10 = vector.broadcast %max3A : f32 to vector<256x256xf32>
    %max3A_11 = arith.maximumf %add3A_9, %max3A_10 : vector<256x256xf32>
    %get3A_12 = arith.constant 0 : index
    %get3A_13 = arith.constant 0 : index
    %get3A_14 = vector.load %arg2[%get3A_12, %get3A_13] : memref<256x256xf32, #tpu.memory_space<vmem>>, vector<256x256xf32>
    %dot_general3A = arith.constant dense<0.000000e+00> : vector<256x256xf32>
    %dot_general3A_15 = tpu.matmul %max3A_11, %get3A_14, %dot_general3A {dimension_numbers = #tpu.dot_dimension_numbers<[1], [0], [0], [1], [0, 0, 1, 1], [], []>, transpose_lhs_hint = false} : vector<256x256xf32>, vector<256x256xf32>, vector<256x256xf32> -> vector<256x256xf32>
    %mul3A_16 = vector.broadcast %get3A_4 : vector<256x1xf32> to vector<256x256xf32>
    %mul3A_17 = arith.mulf %dot_general3A_15, %mul3A_16 : vector<256x256xf32>
    %slice3A = vector.extract_strided_slice %mul3A_17 {offsets = [0, 0], sizes = [256, 128], strides = [1, 1]} : vector<256x256xf32> to vector<256x128xf32>
    %swap3A = arith.constant 0 : index
    %swap3A_18 = arith.constant 0 : index
    %swap3A_19 = vector.load %arg5[%swap3A, %swap3A_18] : memref<256x128xf32, #tpu.memory_space<vmem>>, vector<256x128xf32>
    tpu.vector_store %arg5[%swap3A, %swap3A_18], %slice3A {strides = array<i32>} : memref<256x128xf32, #tpu.memory_space<vmem>>, vector<256x128xf32>,
    %slice3A_20 = vector.extract_strided_slice %mul3A_17 {offsets = [0, 128], sizes = [256, 128], strides = [1, 1]} : vector<256x256xf32> to vector<256x128xf32>
    %swap3A_21 = arith.constant 0 : index
    %swap3A_22 = arith.constant 0 : index
    %swap3A_23 = vector.load %arg6[%swap3A_21, %swap3A_22] : memref<256x128xf32, #tpu.memory_space<vmem>>, vector<256x128xf32>
    tpu.vector_store %arg6[%swap3A_21, %swap3A_22], %slice3A_20 {strides = array<i32>} : memref<256x128xf32, #tpu.memory_space<vmem>>, vector<256x128xf32>,
    return
  }
  func.func @transform_0(%arg0: i32) -> (i32, i32) {
    %c0_i32 = arith.constant 0 : i32
    %c0_i32_0 = arith.constant 0 : i32
    return %arg0, %c0_i32 : i32, i32
  }
  func.func @transform_1(%arg0: i32) -> (i32, i32) {
    %c0_i32 = arith.constant 0 : i32
    %c0_i32_0 = arith.constant 0 : i32
    %c0_i32_1 = arith.constant 0 : i32
    return %c0_i32, %c0_i32_0 : i32, i32
  }
  func.func @transform_2(%arg0: i32) -> (i32, i32) {
    %c0_i32 = arith.constant 0 : i32
    %c0_i32_0 = arith.constant 0 : i32
    %c0_i32_1 = arith.constant 0 : i32
    return %c0_i32, %c0_i32_0 : i32, i32
  }
  func.func @transform_3(%arg0: i32) -> (i32, i32) {
    %c0_i32 = arith.constant 0 : i32
    %c0_i32_0 = arith.constant 0 : i32
    return %arg0, %c0_i32 : i32, i32
  }
  func.func @transform_4(%arg0: i32) -> (i32, i32) {
    %c0_i32 = arith.constant 0 : i32
    %c0_i32_0 = arith.constant 0 : i32
    return %arg0, %c0_i32 : i32, i32
  }
  func.func @transform_5(%arg0: i32) -> (i32, i32) {
    %c0_i32 = arith.constant 0 : i32
    %c0_i32_0 = arith.constant 0 : i32
    return %arg0, %c0_i32 : i32, i32
  }
}

module attributes {stable_mosaic.version = 14 : i64} {
  func.func @_final_body(%arg0: i32, %arg1: memref<256x256xf32, #tpu.memory_space<vmem>>, %arg2: memref<1x256xf32, #tpu.memory_space<vmem>>, %arg3: memref<256x1xf32, #tpu.memory_space<vmem>>, %arg4: memref<256x3xf32, #tpu.memory_space<vmem>>, %arg5: memref<1x3xf32, #tpu.memory_space<vmem>>, %arg6: memref<256x3xf32, #tpu.memory_space<vmem>>, %arg7: memref<256x256xf32, #tpu.memory_space<vmem>>, %arg8: memref<256x3xf32, #tpu.memory_space<vmem>>) attributes {dimension_semantics = [#tpu.dimension_semantics<arbitrary>], iteration_bounds = array<i64: 40>, scalar_prefetch = 0 : i64, scratch_operands = 0 : i64, tpu.core_type = #tpu.core_type<tc>, window_params = [{transform_indices = @transform_0, window_bounds = array<i64: 256, 256>}, {pipeline_mode = #tpu.pipeline_mode<synchronous>, transform_indices = @transform_1, window_bounds = array<i64: 1, 256>}, {transform_indices = @transform_2, window_bounds = array<i64: 256, 1>}, {pipeline_mode = #tpu.pipeline_mode<synchronous>, transform_indices = @transform_3, window_bounds = array<i64: 256, 3>}, {pipeline_mode = #tpu.pipeline_mode<synchronous>, transform_indices = @transform_4, window_bounds = array<i64: 1, 3>}, {transform_indices = @transform_5, window_bounds = array<i64: 256, 3>}, {transform_indices = @transform_6, window_bounds = array<i64: 256, 256>}, {transform_indices = @transform_7, window_bounds = array<i64: 256, 3>}]} {
    %get3A = arith.constant 0 : index
    %get3A_0 = arith.constant 0 : index
    %get3A_1 = vector.load %arg1[%get3A, %get3A_0] : memref<256x256xf32, #tpu.memory_space<vmem>>, vector<256x256xf32>
    %get3A_2 = arith.constant 0 : index
    %get3A_3 = arith.constant 0 : index
    %get3A_4 = vector.load %arg3[%get3A_2, %get3A_3] : memref<256x1xf32, #tpu.memory_space<vmem>>, vector<256x1xf32>
    %mul3A = vector.broadcast %get3A_4 : vector<256x1xf32> to vector<256x256xf32>
    %mul3A_5 = arith.mulf %get3A_1, %mul3A : vector<256x256xf32>
    %get3A_6 = arith.constant 0 : index
    %get3A_7 = arith.constant 0 : index
    %get3A_8 = vector.load %arg2[%get3A_6, %get3A_7] : memref<1x256xf32, #tpu.memory_space<vmem>>, vector<1x256xf32>
    %add3A = vector.broadcast %get3A_8 : vector<1x256xf32> to vector<256x256xf32>
    %add3A_9 = arith.addf %mul3A_5, %add3A : vector<256x256xf32>
    %swap3A = arith.constant 0 : index
    %swap3A_10 = arith.constant 0 : index
    %swap3A_11 = vector.load %arg7[%swap3A, %swap3A_10] : memref<256x256xf32, #tpu.memory_space<vmem>>, vector<256x256xf32>
    tpu.vector_store %arg7[%swap3A, %swap3A_10], %add3A_9 {strides = array<i32>} : memref<256x256xf32, #tpu.memory_space<vmem>>, vector<256x256xf32>,
    %get3A_12 = arith.constant 0 : index
    %get3A_13 = arith.constant 0 : index
    %get3A_14 = vector.load %arg4[%get3A_12, %get3A_13] : memref<256x3xf32, #tpu.memory_space<vmem>>, vector<256x3xf32>
    %dot_general3A = arith.constant dense<0.000000e+00> : vector<256x3xf32>
    %dot_general3A_15 = tpu.matmul %add3A_9, %get3A_14, %dot_general3A {dimension_numbers = #tpu.dot_dimension_numbers<[1], [0], [0], [1], [0, 0, 1, 1], [], []>, transpose_lhs_hint = false} : vector<256x256xf32>, vector<256x3xf32>, vector<256x3xf32> -> vector<256x3xf32>
    %get3A_16 = arith.constant 0 : index
    %get3A_17 = arith.constant 0 : index
    %get3A_18 = vector.load %arg6[%get3A_16, %get3A_17] : memref<256x3xf32, #tpu.memory_space<vmem>>, vector<256x3xf32>
    %add3A_19 = arith.addf %get3A_18, %dot_general3A_15 : vector<256x3xf32>
    %get3A_20 = arith.constant 0 : index
    %get3A_21 = arith.constant 0 : index
    %get3A_22 = vector.load %arg5[%get3A_20, %get3A_21] : memref<1x3xf32, #tpu.memory_space<vmem>>, vector<1x3xf32>
    %add3A_23 = vector.broadcast %get3A_22 : vector<1x3xf32> to vector<256x3xf32>
    %add3A_24 = arith.addf %add3A_19, %add3A_23 : vector<256x3xf32>
    %swap3A_25 = arith.constant 0 : index
    %swap3A_26 = arith.constant 0 : index
    %swap3A_27 = vector.load %arg8[%swap3A_25, %swap3A_26] : memref<256x3xf32, #tpu.memory_space<vmem>>, vector<256x3xf32>
    tpu.vector_store %arg8[%swap3A_25, %swap3A_26], %add3A_24 {strides = array<i32>} : memref<256x3xf32, #tpu.memory_space<vmem>>, vector<256x3xf32>,
    return
  }
  func.func @transform_0(%arg0: i32) -> (i32, i32) {
    %c0_i32 = arith.constant 0 : i32
    %c0_i32_0 = arith.constant 0 : i32
    return %arg0, %c0_i32 : i32, i32
  }
  func.func @transform_1(%arg0: i32) -> (i32, i32) {
    %c0_i32 = arith.constant 0 : i32
    %c0_i32_0 = arith.constant 0 : i32
    %c0_i32_1 = arith.constant 0 : i32
    return %c0_i32, %c0_i32_0 : i32, i32
  }
  func.func @transform_2(%arg0: i32) -> (i32, i32) {
    %c0_i32 = arith.constant 0 : i32
    %c0_i32_0 = arith.constant 0 : i32
    return %arg0, %c0_i32 : i32, i32
  }
  func.func @transform_3(%arg0: i32) -> (i32, i32) {
    %c0_i32 = arith.constant 0 : i32
    %c0_i32_0 = arith.constant 0 : i32
    %c0_i32_1 = arith.constant 0 : i32
    return %c0_i32, %c0_i32_0 : i32, i32
  }
  func.func @transform_4(%arg0: i32) -> (i32, i32) {
    %c0_i32 = arith.constant 0 : i32
    %c0_i32_0 = arith.constant 0 : i32
    %c0_i32_1 = arith.constant 0 : i32
    return %c0_i32, %c0_i32_0 : i32, i32
  }
  func.func @transform_5(%arg0: i32) -> (i32, i32) {
    %c0_i32 = arith.constant 0 : i32
    %c0_i32_0 = arith.constant 0 : i32
    return %arg0, %c0_i32 : i32, i32
  }
  func.func @transform_6(%arg0: i32) -> (i32, i32) {
    %c0_i32 = arith.constant 0 : i32
    %c0_i32_0 = arith.constant 0 : i32
    return %arg0, %c0_i32 : i32, i32
  }
  func.func @transform_7(%arg0: i32) -> (i32, i32) {
    %c0_i32 = arith.constant 0 : i32
    %c0_i32_0 = arith.constant 0 : i32
    return %arg0, %c0_i32 : i32, i32
  }
}

module attributes {stable_mosaic.version = 14 : i64} {
  func.func @_nn_body(%arg0: i32, %arg1: memref<256x3xf32, #tpu.memory_space<vmem>>, %arg2: memref<3x10240xf32, #tpu.memory_space<vmem>>, %arg3: memref<1x1x256xi32, #tpu.memory_space<vmem>>) attributes {dimension_semantics = [#tpu.dimension_semantics<arbitrary>], iteration_bounds = array<i64: 40>, scalar_prefetch = 0 : i64, scratch_operands = 0 : i64, tpu.core_type = #tpu.core_type<tc>, window_params = [{transform_indices = @transform_0, window_bounds = array<i64: 256, 3>}, {pipeline_mode = #tpu.pipeline_mode<synchronous>, transform_indices = @transform_1, window_bounds = array<i64: 3, 10240>}, {transform_indices = @transform_2, window_bounds = array<i64: 1, 1, 256>}]} {
    %get3A = arith.constant 0 : index
    %get3A_0 = arith.constant 0 : index
    %get3A_1 = vector.load %arg1[%get3A, %get3A_0] : memref<256x3xf32, #tpu.memory_space<vmem>>, vector<256x3xf32>
    %get3A_2 = arith.constant 0 : index
    %get3A_3 = arith.constant 0 : index
    %get3A_4 = vector.load %arg2[%get3A_2, %get3A_3] : memref<3x10240xf32, #tpu.memory_space<vmem>>, vector<3x10240xf32>
    %dot_general3A = arith.constant dense<0.000000e+00> : vector<256x10240xf32>
    %dot_general3A_5 = tpu.matmul %get3A_1, %get3A_4, %dot_general3A {dimension_numbers = #tpu.dot_dimension_numbers<[1], [0], [0], [1], [0, 0, 1, 1], [], []>, transpose_lhs_hint = false} : vector<256x3xf32>, vector<3x10240xf32>, vector<256x10240xf32> -> vector<256x10240xf32>
    %mul3A = arith.mulf %get3A_1, %get3A_1 : vector<256x3xf32>
    %reduce_sum3A = arith.constant dense<0.000000e+00> : vector<256xf32>
    %reduce_sum3A_6 = vector.multi_reduction <add>, %mul3A, %reduce_sum3A [1] : vector<256x3xf32> to vector<256xf32>
    %broadcast_in_dim3A = vector.shape_cast %reduce_sum3A_6 : vector<256xf32> to vector<256x1xf32>
    %mul3A_7 = arith.mulf %get3A_4, %get3A_4 : vector<3x10240xf32>
    %reduce_sum3A_8 = arith.constant dense<0.000000e+00> : vector<10240xf32>
    %reduce_sum3A_9 = vector.multi_reduction <add>, %mul3A_7, %reduce_sum3A_8 [0] : vector<3x10240xf32> to vector<10240xf32>
    %broadcast_in_dim3A_10 = vector.shape_cast %reduce_sum3A_9 : vector<10240xf32> to vector<1x10240xf32>
    %add3A = vector.broadcast %broadcast_in_dim3A : vector<256x1xf32> to vector<256x10240xf32>
    %add3A_11 = vector.broadcast %broadcast_in_dim3A_10 : vector<1x10240xf32> to vector<256x10240xf32>
    %add3A_12 = arith.addf %add3A, %add3A_11 : vector<256x10240xf32>
    %mul3A_13 = arith.constant 2.000000e+00 : f32
    %mul3A_14 = vector.broadcast %mul3A_13 : f32 to vector<256x10240xf32>
    %mul3A_15 = arith.mulf %mul3A_14, %dot_general3A_5 : vector<256x10240xf32>
    %sub3A = arith.subf %add3A_12, %mul3A_15 : vector<256x10240xf32>
    %reduce_min3A = arith.constant dense<0x7F800000> : vector<256xf32>
    %reduce_min3A_16 = vector.multi_reduction <minimumf>, %sub3A, %reduce_min3A [1] : vector<256x10240xf32> to vector<256xf32>
    %broadcast_in_dim3A_17 = vector.shape_cast %reduce_min3A_16 : vector<256xf32> to vector<256x1xf32>
    %iota3A = tpu.iota {dimensions = array<i32: 1>} : vector<256x10240xi32>
    %eq3A = vector.broadcast %broadcast_in_dim3A_17 : vector<256x1xf32> to vector<256x10240xf32>
    %eq3A_18 = arith.cmpf oeq, %sub3A, %eq3A : vector<256x10240xf32>
    %jit3A = arith.constant 1073741824 : i32
    %broadcast_in_dim3A_19 = vector.broadcast %jit3A : i32 to vector<256x10240xi32>
    %select_n3A = arith.select %eq3A_18, %iota3A, %broadcast_in_dim3A_19 : vector<256x10240xi1>, vector<256x10240xi32>
    %reduce_min3A_20 = arith.constant dense<2147483647> : vector<256xi32>
    %reduce_min3A_21 = vector.multi_reduction <minsi>, %select_n3A, %reduce_min3A_20 [1] : vector<256x10240xi32> to vector<256xi32>
    %swap3A = arith.constant 0 : index
    %swap3A_22 = arith.constant 0 : index
    %swap3A_23 = arith.constant 0 : index
    %swap3A_24 = vector.load %arg3[%swap3A, %swap3A_22, %swap3A_23] : memref<1x1x256xi32, #tpu.memory_space<vmem>>, vector<1x1x256xi32>
    %swap3A_25 = vector.shape_cast %swap3A_24 : vector<1x1x256xi32> to vector<256xi32>
    %swap3A_26 = vector.shape_cast %reduce_min3A_21 : vector<256xi32> to vector<1x1x256xi32>
    tpu.vector_store %arg3[%swap3A, %swap3A_22, %swap3A_23], %swap3A_26 {strides = array<i32>} : memref<1x1x256xi32, #tpu.memory_space<vmem>>, vector<1x1x256xi32>,
    return
  }
  func.func @transform_0(%arg0: i32) -> (i32, i32) {
    %c0_i32 = arith.constant 0 : i32
    %c0_i32_0 = arith.constant 0 : i32
    return %arg0, %c0_i32 : i32, i32
  }
  func.func @transform_1(%arg0: i32) -> (i32, i32) {
    %c0_i32 = arith.constant 0 : i32
    %c0_i32_0 = arith.constant 0 : i32
    %c0_i32_1 = arith.constant 0 : i32
    return %c0_i32, %c0_i32_0 : i32, i32
  }
  func.func @transform_2(%arg0: i32) -> (i32, i32, i32) {
    %c0_i32 = arith.constant 0 : i32
    %c0_i32_0 = arith.constant 0 : i32
    %c0_i32_1 = arith.constant 0 : i32
    return %arg0, %c0_i32, %c0_i32_0 : i32, i32, i32
  }
}

</mosaic_0001>

<sc_bundles>
// kernel: gather_offload_async_start.10
scs
__scs_entry_jumppad:
0x0: {  	(pc) =	sbr.rel $0x88, $3  }
0x1: {  	(tag) =	ssettag $0x0;
	lr =	simm.s32 $0x1  }
0x2: {  	[smem:$0x3F96] =	sst lr;
	_ =	strace $0xD0000000  }
0x3: {  	_ = 	snop  }
0x4: {  	_ = 	snop  }
0x5: {  	_ = 	snop  }
0x6: {  	_ = 	snop  }
0x7: {  	_ = 	snop  }
__scs_overlays_trampoline_lowered:
0x8: {  	[smem:$0x3FA5] =	sst s0  }
0x9: {  	[smem:$0x3FA6] =	sst s1  }
0xa: {  	[smem:$0x3FA7] =	sst s2  }
0xb: {  	[smem:$0x3FA8] =	sst s3  }
0xc: {  	[smem:$0x3FA9] =	sst s4  }
0xd: {  	[smem:$0x3FAA] =	sst s5  }
0xe: {  	[smem:$0x3FAB] =	sst s6  }
0xf: {  	[smem:$0x3FAC] =	sst s7  }
0x10: {  	[smem:$0x3FAD] =	sst s8  }
0x11: {  	[smem:$0x3FAE] =	sst s9;
	s0 =	simm.s32 @!p0 $0x0  }
0x12: {  	s1 =	sld [smem:$0x3F94];
	s0 =	simm.s32 @p0 $0x1  }
0x13: {  	[smem:$0x3FAF] =	sst s0;
	s0 =	simm.s32 @!p1 $0x0  }
0x14: {  	s2 =	sld [smem:$0x3F93];
	s0 =	simm.s32 @p1 $0x1  }
0x15: {  	[smem:$0x3FB0] =	sst s0;
	s0 =	simm.s32 @!p2 $0x0  }
0x16: {  	s3 =	sld [smem:$0x3FDB];
	s0 =	simm.s32 @p2 $0x1  }
0x17: {  	s4 =	simm.s32 $0x1BF5;
	[smem:$0x3FB2] =	sst s0  }
0x18: {  	s0 =	sld [smem:$0x3F95];
	_ =	swait.ge [sflag:s4], $0x0  }
0x19: {  	s7 =	sld [smem:$0x3F96]  }
0x1a: {  	s8 =	sadd.s32 $0xFFFFE003, lr  }
0x1b: {  	s9 =	sadd.s32 $0xFFFFFEF7, lr;
	s5 =	simm.s32 $0xFFFFFFFF;
	p2 =	slt.u32 s8, $0xFFFFF086  }
0x1c: {  	p1 =	slt.u32 s9, $0xF7A;
	s5 =	simm.s32 @!p2 $0x0  }
0x1d: {  	s5 =	simm.s32 @p1 $0x1;
	p0 =	seq.s32 s7, s2  }
0x1e: {  	s7 =	smul.u32 @!p0 $0xF7A, s2;
	p2 =	seq.s32 @!p0 s5, $0x0  }
0x1f: {  	s9 =	smul.u32 $0xF7A, s1;
	s8 =	simm.s32 @!p0 $0x1BF5;
	p2 =	por !p2, p0  }
0x20: {  	[sflag:s8] =	ssyncset.s32 @!p0 $0xFFFFF086;
	s6 =	sadd.s32 @!p0 s3, s7;
	s7 =	simm.s32 @!p0 $0x108  }
0x21: {  	s3 =	sadd.s32 s3, s9;
	s6 =	sadd.s32 @!p0 $0x88, s6;
	s7 =	simm.s32 @p2 $0x1082  }
0x22: {  	[simem:s7], [sflag:s8] =	dma.local @!p0 [hbm:s6], $0xF7A  }
0x23: {  	s9 =	sor.u32 $0xD0000000, s2;
	s6 =	simm.s32 $0x108;
	_ =	swait.ge @!p0 [sflag:s8], $0x0  }
0x24: {  	s3 =	sadd.s32 $0x88, s3;
	s6 =	simm.s32 @!p1 $0x1082;
	[sflag:s4] =	ssyncset.s32 $0xFFFFF086  }
0x25: {  	[simem:s6], [sflag:s4] =	dma.local [hbm:s3], $0xF7A  }
0x26: {  	[smem:$0x3F96] =	sst s1;
	(tag) =	ssettag s2;
	_ =	strace s9  }
0x27: {  	s1 =	sld [smem:$0x3FA6]  }
0x28: {  	s2 =	sld [smem:$0x3FA7]  }
0x29: {  	s4 =	sld [smem:$0x3FA9]  }
0x2a: {  	p0 =	seq.s32 s5, $0x0;
	s5 =	sld [smem:$0x3FAA]  }
0x2b: {  	s6 =	sld [smem:$0x3FAB]  }
0x2c: {  	s7 =	sld [smem:$0x3FAC]  }
0x2d: {  	s3 =	simm.s32 $0x108;
	s8 =	sld [smem:$0x3FAD]  }
0x2e: {  	s3 =	simm.s32 @!p0 $0x1082;
	s9 =	sld [smem:$0x3FAE]  }
0x2f: {  	lr =	sadd.s32 s0, s3;
	s0 =	sld [smem:$0x3FA5]  }
0x30: {  	s3 =	sld [smem:$0x3FA8]  }
0x31: {  	[smem:$0x3FB1] =	sst s10  }
0x32: {  	s10 =	sld [smem:$0x3FAF];
	_ =	sdelay $0x3  }
0x33: {  	p0 =	seq.s32 s10, $0x1;
	s10 =	sld [smem:$0x3FB1];
	_ =	sdelay $0x3  }
0x34: {  	[smem:$0x3FB1] =	sst s10  }
0x35: {  	s10 =	sld [smem:$0x3FB0];
	_ =	sdelay $0x3  }
0x36: {  	p1 =	seq.s32 s10, $0x1;
	s10 =	sld [smem:$0x3FB1];
	_ =	sdelay $0x3  }
0x37: {  	[smem:$0x3FB1] =	sst s10  }
0x38: {  	s10 =	sld [smem:$0x3FB2]  }
0x39: {  	_ = 	snop;
	(pc) =	sbr.ind lr, $3  }
0x3a: {  	_ = 	snop  }
0x3b: {  	_ = 	snop  }
0x3c: {  	p2 =	seq.s32 s10, $0x1;
	s10 =	sld [smem:$0x3FB1]  }
0x3d: {  	_ =	shalt  }
0x3e: {  	_ =	shalt  }
0x3f: {  	_ =	shalt  }
0x40: {  	_ =	shalt  }
0x41: {  	_ =	shalt  }
0x42: {  	_ =	shalt  }
0x43: {  	_ =	shalt  }
0x44: {  	_ =	shalt  }
0x45: {  	_ =	shalt  }
0x46: {  	_ =	shalt  }
0x47: {  	_ =	shalt  }
0x48: {  	_ =	shalt  }
0x49: {  	_ =	shalt  }
0x4a: {  	_ =	shalt  }
0x4b: {  	_ =	shalt  }
0x4c: {  	_ =	shalt  }
0x4d: {  	_ =	shalt  }
0x4e: {  	_ =	shalt  }
0x4f: {  	_ =	shalt  }
0x50: {  	_ =	shalt  }
0x51: {  	_ =	shalt  }
0x52: {  	_ =	shalt  }
0x53: {  	_ =	shalt  }
0x54: {  	_ =	shalt  }
0x55: {  	_ =	shalt  }
0x56: {  	_ =	shalt  }
0x57: {  	_ =	shalt  }
0x58: {  	_ =	shalt  }
0x59: {  	_ =	shalt  }
0x5a: {  	_ =	shalt  }
0x5b: {  	_ =	shalt  }
0x5c: {  	_ =	shalt  }
0x5d: {  	_ =	shalt  }
0x5e: {  	_ =	shalt  }
0x5f: {  	_ =	shalt  }
0x60: {  	_ =	shalt  }
0x61: {  	_ =	shalt  }
0x62: {  	_ =	shalt  }
0x63: {  	_ =	shalt  }
0x64: {  	_ =	shalt  }
0x65: {  	_ =	shalt  }
0x66: {  	_ =	shalt  }
0x67: {  	_ =	shalt  }
0x68: {  	_ =	shalt  }
0x69: {  	_ =	shalt  }
0x6a: {  	_ =	shalt  }
0x6b: {  	_ =	shalt  }
0x6c: {  	_ =	shalt  }
0x6d: {  	_ =	shalt  }
0x6e: {  	_ =	shalt  }
0x6f: {  	_ =	shalt  }
0x70: {  	_ =	shalt  }
0x71: {  	_ =	shalt  }
0x72: {  	_ =	shalt  }
0x73: {  	_ =	shalt  }
0x74: {  	_ =	shalt  }
0x75: {  	_ =	shalt  }
0x76: {  	_ =	shalt  }
0x77: {  	_ =	shalt  }
0x78: {  	_ =	shalt  }
0x79: {  	_ =	shalt  }
0x7a: {  	_ =	shalt  }
0x7b: {  	_ =	shalt  }
0x7c: {  	_ =	shalt  }
0x7d: {  	_ =	shalt  }
0x7e: {  	_ =	shalt  }
0x7f: {  	_ =	shalt  }
0x80: {  	_ =	shalt  }
0x81: {  	_ =	shalt  }
0x82: {  	_ =	shalt  }
0x83: {  	_ =	shalt  }
0x84: {  	_ =	shalt  }
0x85: {  	_ =	shalt  }
0x86: {  	_ =	shalt  }
0x87: {  	_ =	shalt  }
.Lfunc_end0:
.L_simem_size_0:
called_computation.11_lowered:
.L_overlay_start_0:
0x88: {  	s0 =	sld [smem:$0x3FD9]  }
0x89: {  	s1 =	sld [smem:$0x3FFE];
	_ =	sdelay $0x3  }
0x8a: {  	s0 =	sadd.s32 s1, s0  }
0x8b: {  	[smem:$0x3FBD] =	sst s0  }
0x8c: {  	_ = 	snop  }
0x8d: {  	(tm) =	ssettm $0x1  }
0x8e: {  	s15 =	sld [smem:$0x3FFB];
	_ =	sdelay $0x3  }
0x8f: {  	_ =	strace s15  }
0x90: {  	s0 =	sld [smem:$0x3FFC];
	_ =	sdelay $0x3  }
0x91: {  	_ =	strace s0  }
0x92: {  	s0 =	sld [smem:$0x3FFD];
	_ =	sdelay $0x3  }
0x93: {  	_ =	strace s0  }
0x94: {  	_ =	strace $0x8FFFFFFF  }
0x95: {  	s16 =	sld [smem:$0x3FDB];
	_ =	sdelay $0x1  }
0x96: {  	s17 =	simm.s32 $_scs_section_size  }
0x97: {  	s2 =	simm.s32 $_size__tile_overlayer_lowered;
	s3 =	simm.s32 $_tile_overlayer_lowered  }
0x98: {  	s20 =	simm.s32 $0x1BFF;
	s19 =	sshll.u32 s3, $0x1;
	s0 =	sadd.s32 s17, s16  }
0x99: {  	s4 =	simm.s32 $0x0;
	s18 =	sshll.u32 s2, $0x1;
	s2 =	sadd.s32 s19, s0  }
0x9a: {  	[timem:s4], [sflag:s20] =	dma.local [hbm:s2], s18  }
0x9b: {  	_ =	swait.ge [sflag:s20], s18  }
0x9c: {  	s1 =	ssub.s32 $0x0, s18;
	[sflag:s20] =	ssyncset.done $0x0  }
0x9d: {  	[sflag:s20] =	ssyncadd.s32 s1;
	_ =	sdelay $0x1  }
0x9e: {  	s21 =	simm.s32 $0x1B8B  }
0x9f: {  	_ =	swait.ge [sflag:s21], $0x1  }
0xa0: {  	[sflag:s21] =	ssyncset.done $0x0  }
0xa1: {  	s23 =	simm.s32 $0x1B8E;
	s22 =	sld [smem:$0x3FFE];
	[sflag:s21] =	ssyncadd.s32 $0xFFFFFFFF  }
0xa2: {  	s24 =	simm.s32 $execute0_lowered;
	[smem:$0x3FD2] =	sst s23  }
0xa3: {  	s2 =	sshll.u32 s24, $0x1;
	_ =	strace $0x80000070;
	[dreg:$0x1] =	wrdreg $0xFFFFFFFF  }
0xa4: {  	s25 =	simm.s32 $_size_execute0_lowered;
	s0 =	sadd.s32 s0, s2;
	[dreg:$0x0] =	wrdreg $0x0  }
0xa5: {  	s2 =	sshll.u32 s25, $0x1;
	[dreg:$0x2] =	wrdreg s0  }
0xa6: {  	[dreg:$0x3] =	wrdreg s2  }
0xa7: {  	[dreg:$0x4] =	wrdreg $0xC0  }
0xa8: {  	_ =	task [dreg:s4], $0x5FFFF  }
0xa9: {  	[dreg:$0x1] =	wrdreg $0xFFFFFFFF  }
0xaa: {  	[dreg:$0x0] =	wrdreg $0x60  }
0xab: {  	[dreg:$0x2] =	wrdreg s22  }
0xac: {  	[dreg:$0x3] =	wrdreg $0x9  }
0xad: {  	_ =	task.clear_ibuf [dreg:s4], $0x4FFFF;
	_ =	strace $0x90000070  }
0xae: {  	s26 =	simm.s32 $0x9;
	_ =	strace $0x80000072  }
0xaf: {  	_ =	swait.ge [sflag:s26], $0x1  }
0xb0: {  	[sflag:s26] =	ssyncadd.s32 $0xFFFFFFFF  }
0xb1: {  	_ =	strace $0x90000072  }
0xb2: {  	_ =	sfence  }
0xb3: {  	s28 =	sld [smem:$0x0];
	_ =	sdelay $0x1  }
0xb4: {  	s29 =	srdreg.scid  }
0xb5: {  	s30 =	sshll.u32 s29, $0xD;
	s31 =	sshrl.u32 s29, $0x2  }
0xb6: {  	s1 =	sand.u32 $0x1, s29;
	s2 =	sand.u32 $0x4000, s30;
	s0 =	sadd.s32 s31, s28  }
0xb7: {  	s1 =	sor.u32 s2, s1;
	s0 =	sshll.u32 s0, $0x11  }
0xb8: {  	s0 =	sor.u32 s0, s1  }
0xb9: {  	s0 =	sadd.s32 $0x8F2B, s0  }
0xba: {  	[sflag:s0] =	ssyncadd.remote.s32 $0x1  }
0xbb: {  	_ =	sfence.sel $0xFFFF  }
0xbc: {  	[dreg:$0x0] =	wrdreg $0xFFFFFFFF;
	(pc) =	sbr.abs _section_cstart, $3  }
0xbd: {  	[dreg:$0x1] =	wrdreg $0xFFFFFFFF  }
0xbe: {  	_ =	task.clear_ibuf [dreg:s4], $0x2FFFF;
	_ =	strace $0x9FFFFFFF  }
0xbf: {  	(tm) =	ssettm $0x7FFFFFFF  }
tec
execute0_lowered:
.L_overlay_start_1:
0x0: {  	(tag) =	ssettag $0x1  }
0x1: {  	s0 =	stileid.u32  }
0x2: {  	s1 =	smin.u32 s0, $0x9  }
0x3: {  	s1 =	sadd.s32 s0, s1  }
0x4: {  	s2 =	simm.s32 $0x320;
	p0 =	slt.u32 s0, $0x9;
	s1 =	smul.u32 $0x190, s1  }
0x5: {  	s2 =	simm.s32 @!p0 $0x190  }
0x6: {  	s2 =	sadd.s32 s2, s1  }
0x7: {  	s3 =	smin.u32 s2, $0x2710  }
0x8: {  	s7 =	ssub.s32 s3, s1  }
0x9: {  	p0 =	sgt.s32 s7, $0x0  }
0xa: {  	s7 =	simm.s32 @!p0 $0x0  }
0xb: {  	s31 =	sand.u32 $0xFFF0, s7  }
0xc: {  	s2 =	sshrl.u32 s31, $0x4  }
0xd: {  	s2 =	smul.u32 $0xA3E, s2  }
0xe: {  	s9 =	rddreg [dreg:$0x0];
	s6 =	simm.s32 $0x1;
	s11 =	simm.s32 $0x3  }
0xf: {  	s13 =	simm.s32 $0x0;
	s12 =	simm.s32 $0x0;
	s8 =	sshrl.u32 s2, $0x10  }
0x10: {  	s4 =	sadd.s32 $0x87000, s9;
	s5 =	sadd.s32 $0x4EA00, s9;
	s10 =	smul.u32 $0x190, s8  }
.Ltmp0:
0x11: {  	s9 =	sadd.s32 $0x4F000, s9;
	s2 =	rddreg [dreg:$0x1];
	(pc) =	sbr.rel .LBB2_1-.Ltmp0, $4  }
0x12: {  	_ =	strace $0x80000071;
	p0 =	sne.s32 s7, s10;
	s10 =	simm.s32 $0x1  }
0x13: {  	[sflag:s6] =	ssyncpa.u1 $0x0;
	s7 =	simm.s32 $0x2;
	s10 =	simm.s32 @!p0 $0x0  }
0x14: {  	[sflag:s7] =	ssyncpa.u1 $0x0;
	p0 =	por $0x0, $0x0;
	s8 =	sadd.s32 s8, s10  }
0x15: {  	vm0 =	vmmov $0xff;
	vm1 =	vcmask $0x3F20;
	[sflag:s11] =	ssyncpa.u1 $0x0;
	s11 =	smov.u32 s1;
	s10 =	sadd.s32 $0x1, s8  }
.LBB2_6:
0x16: {  	[hbm:s17] =	stream.linear.scatter [tilespmem:s14], [sflag:$0x3], $0x400, $0x38;
	[tilespmem:$0x19320] =	vst v63  }
.LBB2_7:
0x17: {  	s13 =	sadd.s32 $0x190, s11  }
0x18: {  	s15 =	smov.u32 s1;
	p2 =	slt.s32 s13, s3  }
0x19: {  	s15 =	smov.u32 @p2 s13;
	p2 =	sne.s32 s12, s10  }
.Ltmp1:
0x1a: {  	p1 =	slt.u32 s12, $0x2;
	(pc) =	sbr.rel @!p2 .LBB2_8-.Ltmp1, $4  }
0x1b: {  	s14 =	simm.s32 @!p1 $0x3  }
0x1c: {  	s16 =	sadd.s32 $0x1, s12;
	_ =	swait.ge @!p1 [sflag:s14], $0xC800  }
0x1d: {  	p0 =	por !p0, !p0;
	s13 =	smov.u32 s11;
	[sflag:s14] =	ssyncset.done @!p1 $0x0  }
0x1e: {  	s12 =	smov.u32 s16;
	s11 =	smov.u32 s15;
	[sflag:s14] =	ssyncadd.s32 @!p1 $0xFFFF3800  }
.LBB2_1:
0x1f: {  	p1 =	sge.u32 s12, s8  }
0x20: {  	s14 =	sxor.u32 @!p1 $0xFFFFFFFF, s12  }
0x21: {  	s14 =	sand.u32 @!p1 $0x1, s14  }
0x22: {  	s14 =	smul.u32 @!p1 $0x640, s14  }
0x23: {  	s31 =	sadd.s32 $0xFFFFFFFF, s12;
	s15 =	sshrl.u32 @!p1 s11, $0x3  }
0x24: {  	s16 =	sand.u32 @!p1 $0x7, s11;
	s15 =	sadd.s32 @!p1 s5, s15;
	s14 =	sshrl.u32 @!p1 s14, $0x2  }
0x25: {  	[tilespmem:s14], [sflag:$0x2] =	stream.linear.gather @!p1 [hbm4b:s15+s16], $0x190, $0x38;
	[tilespmem:$0x19320] =	vst v63  }
0x26: {  	p1 =	sge.u32 s31, s8  }
.Ltmp2:
0x27: {  	_ = 	snop;
	(pc) =	sbr.rel @p1 .LBB2_7-.Ltmp2, $1  }
0x28: {  	_ =	sdelay $0x3  }
0x29: {  	s14 =	simm.s32 $0x1  }
0x2a: {  	s14 =	simm.s32 @!p0 $0x0  }
0x2b: {  	s15 =	smul.u32 $0x640, s14  }
0x2c: {  	_ =	swait.ge [sflag:s7], $0x190  }
0x2d: {  	[sflag:s7] =	ssyncset.done $0x0;
	s16 =	sshrl.u32 s15, $0x2  }
0x2e: {  	[sflag:s7] =	ssyncadd.s32 $0xFFFFFE70;
	s15 =	sadd.s32 $0x0, s16  }
0x2f: {  	v0 =	vld.msk [tilespmem:s15+$0x0 ss:$0x1], $0xffff;
	_ =	sdelay $0x4  }
0x30: {  	vm2 =	vgt.s32 v0, $0x0  }
0x31: {  	v0 =	vnsel vm2, $0x0, v0  }
0x32: {  	v0 =	vmin.u32 v0, $0x270F  }
0x33: {  	v0 =	vshll.u32 v0, $0x4  }
0x34: {  	s14 =	smul.u32 $0x32000, s14;
	_ =	sdelay $0x1  }
0x35: {  	s14 =	sshrl.u32 s14, $0x2  }
0x36: {  	s14 =	sor.u32 $0x320, s14  }
0x37: {  	[tilespmem:s14], [sflag:$0x1] =	stream.indirect_vreg.gather [hbm:s4], $0x80, v0, vm0, $0x38;
	[tilespmem:$0x19320] =	vst v63  }
0x38: {  	s17 =	sadd.s32 $0x10, s16;
	s15 =	sadd.s32 $0x400, s14  }
0x39: {  	[tilespmem:s15], [sflag:$0x1] =	stream.indirect_vreg.gather [hbm:s4], $0x80, v0, vm1, $0x38;
	[tilespmem:$0x19320] =	vst v63  }
0x3a: {  	s18 =	simm.s32 $0x80;
	v0 =	vld.msk [tilespmem:s17+$0x0 ss:$0x1], $0xffff;
	s17 =	smov.u32 s14  }
.LBB2_3:
0x3b: {  	p1 =	sne.s32 s18, $0x600;
	_ =	sdelay $0x4  }
0x3c: {  	vm2 =	vgt.s32 v0, $0x0  }
0x3d: {  	v0 =	vnsel vm2, $0x0, v0  }
0x3e: {  	v0 =	vmin.u32 v0, $0x270F  }
0x3f: {  	v0 =	vshll.u32 v0, $0x4;
	_ =	sdelay $0x3  }
.Ltmp3:
0x40: {  	s19 =	sshra.s32 s18, $0x2;
	s17 =	sadd.s32 $0x800, s17;
	(pc) =	sbr.rel @p1 .LBB2_3-.Ltmp3, $4  }
0x41: {  	[tilespmem:s17], [sflag:$0x1] =	stream.indirect_vreg.gather [hbm:s4], $0x80, v0, vm0, $0x38;
	[tilespmem:$0x19320] =	vst v63  }
0x42: {  	s19 =	sadd.s32 s19, s16;
	s20 =	sadd.s32 $0x400, s17  }
0x43: {  	[tilespmem:s20], [sflag:$0x1] =	stream.indirect_vreg.gather [hbm:s4], $0x80, v0, vm1, $0x38;
	[tilespmem:$0x19320] =	vst v63  }
0x44: {  	s18 =	sadd.s32 $0x40, s18;
	v0 =	vld.msk [tilespmem:s19+$0x0 ss:$0x1], $0xffff  }
0x45: {  	_ =	sdelay $0x3  }
0x46: {  	vm2 =	vgt.s32 v0, $0x0  }
0x47: {  	v0 =	vnsel vm2, $0x0, v0  }
0x48: {  	v0 =	vmin.u32 v0, $0x270F  }
0x49: {  	v0 =	vshll.u32 v0, $0x4;
	_ =	sdelay $0x3  }
0x4a: {  	s16 =	sadd.s32 $0x800, s17  }
0x4b: {  	[tilespmem:s16], [sflag:$0x1] =	stream.indirect_vreg.gather [hbm:s4], $0x80, v0, vm0, $0x38;
	[tilespmem:$0x19320] =	vst v63  }
0x4c: {  	s16 =	sadd.s32 $0x400, s16  }
0x4d: {  	[tilespmem:s16], [sflag:$0x1] =	stream.indirect_vreg.gather [hbm:s4], $0x80, v0, vm1, $0x38;
	[tilespmem:$0x19320] =	vst v63  }
0x4e: {  	s13 =	sshll.u32 s13, $0x4;
	_ =	swait.ge [sflag:s6], $0xC800  }
0x4f: {  	s13 =	sadd.s32 s13, s9;
	[sflag:s6] =	ssyncset.done $0x0  }
0x50: {  	s17 =	sadd.s32 $0x0, s13;
	s16 =	simm.s32 $0x80;
	[sflag:s6] =	ssyncadd.s32 $0xFFFF3800  }
.LBB2_5:
0x51: {  	[hbm:s17] =	stream.linear.scatter [tilespmem:s14], [sflag:$0x3], $0x400, $0x38;
	[tilespmem:$0x19320] =	vst v63  }
0x52: {  	s17 =	smov.u32 s16;
	s14 =	smov.u32 s15;
	p1 =	sne.s32 s16, $0x1880  }
.Ltmp4:
0x53: {  	s16 =	sadd.s32 $0x80, s16;
	(pc) =	sbr.rel @p1 .LBB2_5-.Ltmp4, $2  }
0x54: {  	_ =	sdelay $0x2  }
0x55: {  	s15 =	sadd.s32 $0x400, s15;
	s17 =	sadd.s32 s17, s13  }
.Ltmp5:
0x56: {  	_ = 	snop;
	(pc) =	sbr.rel .LBB2_6-.Ltmp5, $1  }
0x57: {  	_ =	sdelay $0x3  }
.LBB2_8:
0x58: {  	_ =	sfence.sel $0x180000  }
0x59: {  	s1 =	simm.s32 $0x2;
	[bflag:$0x0] =	sbarrier.arrive $0xFFFF  }
0x5a: {  	s30 =	simm.s32 $0x3;
	[sflag:s1] =	ssyncpa.u1 $0x1  }
0x5b: {  	s31 =	simm.s32 $0x1;
	[sflag:s30] =	ssyncpa.u1 $0x1  }
0x5c: {  	[sflag:s31] =	ssyncpa.u1 $0x1  }
0x5d: {  	p0 =	sne.s32 s0, $0x0;
	_ =	strace $0x90000071  }
0x5e: {  	s0 =	sadd.s32 @!p0 $0x100000, s2;
	[bflag:$0x2] =	sbarrier.arrive $0xFFFF  }
0x5f: {  	[sflag:s0] =	ssyncadd.tile.s32 @!p0 $0x1;
	_ =	shalt  }
.Lfunc_end2:
_tile_overlayer_lowered:
.L_overlay_start_2:
0x60: {  	(tag) =	ssettag $0x2  }
0x61: {  	s0 =	rddreg [dreg:$0x0];
	s2 =	stileid.u32  }
0x62: {  	s1 =	rddreg [dreg:$0x1];
	p0 =	sne.s32 s2, $0x0  }
0x63: {  	s3 =	rddreg [dreg:$0x2];
	[bflag:$0x3] =	sbarrier.arrive $0xFFFF;
	s2 =	simm.s32 @!p0 $0x1C01  }
0x64: {  	[timem:s3], [sflag:s2] =	dma.local @!p0 [hbm:s0], s1  }
0x65: {  	s0 =	simm.s32 @!p0 $0x1  }
0x66: {  	_ =	swait.ge @!p0 [sflag:s0], s1  }
0x67: {  	s1 =	ssub.s32 @!p0 $0x0, s1;
	[sflag:s0] =	ssyncset.done @!p0 $0x0  }
0x68: {  	[sflag:s0] =	ssyncadd.s32 @!p0 s1  }
0x69: {  	[bflag:$0x3] =	sbarrier.arrive $0xFFFF  }
0x6a: {  	_ =	shalt  }

// kernel: gather_offload_async_start.11
scs
__scs_entry_jumppad:
0x0: {  	(pc) =	sbr.rel $0x88, $3  }
0x1: {  	(tag) =	ssettag $0x0;
	lr =	simm.s32 $0x1  }
0x2: {  	[smem:$0x3F96] =	sst lr;
	_ =	strace $0xD0000000  }
0x3: {  	_ = 	snop  }
0x4: {  	_ = 	snop  }
0x5: {  	_ = 	snop  }
0x6: {  	_ = 	snop  }
0x7: {  	_ = 	snop  }
__scs_overlays_trampoline_lowered:
0x8: {  	[smem:$0x3FA5] =	sst s0  }
0x9: {  	[smem:$0x3FA6] =	sst s1  }
0xa: {  	[smem:$0x3FA7] =	sst s2  }
0xb: {  	[smem:$0x3FA8] =	sst s3  }
0xc: {  	[smem:$0x3FA9] =	sst s4  }
0xd: {  	[smem:$0x3FAA] =	sst s5  }
0xe: {  	[smem:$0x3FAB] =	sst s6  }
0xf: {  	[smem:$0x3FAC] =	sst s7  }
0x10: {  	[smem:$0x3FAD] =	sst s8  }
0x11: {  	[smem:$0x3FAE] =	sst s9;
	s0 =	simm.s32 @!p0 $0x0  }
0x12: {  	s1 =	sld [smem:$0x3F94];
	s0 =	simm.s32 @p0 $0x1  }
0x13: {  	[smem:$0x3FAF] =	sst s0;
	s0 =	simm.s32 @!p1 $0x0  }
0x14: {  	s2 =	sld [smem:$0x3F93];
	s0 =	simm.s32 @p1 $0x1  }
0x15: {  	[smem:$0x3FB0] =	sst s0;
	s0 =	simm.s32 @!p2 $0x0  }
0x16: {  	s3 =	sld [smem:$0x3FDB];
	s0 =	simm.s32 @p2 $0x1  }
0x17: {  	s4 =	simm.s32 $0x1BF5;
	[smem:$0x3FB2] =	sst s0  }
0x18: {  	s0 =	sld [smem:$0x3F95];
	_ =	swait.ge [sflag:s4], $0x0  }
0x19: {  	s7 =	sld [smem:$0x3F96]  }
0x1a: {  	s8 =	sadd.s32 $0xFFFFE003, lr  }
0x1b: {  	s9 =	sadd.s32 $0xFFFFFEF7, lr;
	s5 =	simm.s32 $0xFFFFFFFF;
	p2 =	slt.u32 s8, $0xFFFFF086  }
0x1c: {  	p1 =	slt.u32 s9, $0xF7A;
	s5 =	simm.s32 @!p2 $0x0  }
0x1d: {  	s5 =	simm.s32 @p1 $0x1;
	p0 =	seq.s32 s7, s2  }
0x1e: {  	s7 =	smul.u32 @!p0 $0xF7A, s2;
	p2 =	seq.s32 @!p0 s5, $0x0  }
0x1f: {  	s9 =	smul.u32 $0xF7A, s1;
	s8 =	simm.s32 @!p0 $0x1BF5;
	p2 =	por !p2, p0  }
0x20: {  	[sflag:s8] =	ssyncset.s32 @!p0 $0xFFFFF086;
	s6 =	sadd.s32 @!p0 s3, s7;
	s7 =	simm.s32 @!p0 $0x108  }
0x21: {  	s3 =	sadd.s32 s3, s9;
	s6 =	sadd.s32 @!p0 $0x88, s6;
	s7 =	simm.s32 @p2 $0x1082  }
0x22: {  	[simem:s7], [sflag:s8] =	dma.local @!p0 [hbm:s6], $0xF7A  }
0x23: {  	s9 =	sor.u32 $0xD0000000, s2;
	s6 =	simm.s32 $0x108;
	_ =	swait.ge @!p0 [sflag:s8], $0x0  }
0x24: {  	s3 =	sadd.s32 $0x88, s3;
	s6 =	simm.s32 @!p1 $0x1082;
	[sflag:s4] =	ssyncset.s32 $0xFFFFF086  }
0x25: {  	[simem:s6], [sflag:s4] =	dma.local [hbm:s3], $0xF7A  }
0x26: {  	[smem:$0x3F96] =	sst s1;
	(tag) =	ssettag s2;
	_ =	strace s9  }
0x27: {  	s1 =	sld [smem:$0x3FA6]  }
0x28: {  	s2 =	sld [smem:$0x3FA7]  }
0x29: {  	s4 =	sld [smem:$0x3FA9]  }
0x2a: {  	p0 =	seq.s32 s5, $0x0;
	s5 =	sld [smem:$0x3FAA]  }
0x2b: {  	s6 =	sld [smem:$0x3FAB]  }
0x2c: {  	s7 =	sld [smem:$0x3FAC]  }
0x2d: {  	s3 =	simm.s32 $0x108;
	s8 =	sld [smem:$0x3FAD]  }
0x2e: {  	s3 =	simm.s32 @!p0 $0x1082;
	s9 =	sld [smem:$0x3FAE]  }
0x2f: {  	lr =	sadd.s32 s0, s3;
	s0 =	sld [smem:$0x3FA5]  }
0x30: {  	s3 =	sld [smem:$0x3FA8]  }
0x31: {  	[smem:$0x3FB1] =	sst s10  }
0x32: {  	s10 =	sld [smem:$0x3FAF];
	_ =	sdelay $0x3  }
0x33: {  	p0 =	seq.s32 s10, $0x1;
	s10 =	sld [smem:$0x3FB1];
	_ =	sdelay $0x3  }
0x34: {  	[smem:$0x3FB1] =	sst s10  }
0x35: {  	s10 =	sld [smem:$0x3FB0];
	_ =	sdelay $0x3  }
0x36: {  	p1 =	seq.s32 s10, $0x1;
	s10 =	sld [smem:$0x3FB1];
	_ =	sdelay $0x3  }
0x37: {  	[smem:$0x3FB1] =	sst s10  }
0x38: {  	s10 =	sld [smem:$0x3FB2]  }
0x39: {  	_ = 	snop;
	(pc) =	sbr.ind lr, $3  }
0x3a: {  	_ = 	snop  }
0x3b: {  	_ = 	snop  }
0x3c: {  	p2 =	seq.s32 s10, $0x1;
	s10 =	sld [smem:$0x3FB1]  }
0x3d: {  	_ =	shalt  }
0x3e: {  	_ =	shalt  }
0x3f: {  	_ =	shalt  }
0x40: {  	_ =	shalt  }
0x41: {  	_ =	shalt  }
0x42: {  	_ =	shalt  }
0x43: {  	_ =	shalt  }
0x44: {  	_ =	shalt  }
0x45: {  	_ =	shalt  }
0x46: {  	_ =	shalt  }
0x47: {  	_ =	shalt  }
0x48: {  	_ =	shalt  }
0x49: {  	_ =	shalt  }
0x4a: {  	_ =	shalt  }
0x4b: {  	_ =	shalt  }
0x4c: {  	_ =	shalt  }
0x4d: {  	_ =	shalt  }
0x4e: {  	_ =	shalt  }
0x4f: {  	_ =	shalt  }
0x50: {  	_ =	shalt  }
0x51: {  	_ =	shalt  }
0x52: {  	_ =	shalt  }
0x53: {  	_ =	shalt  }
0x54: {  	_ =	shalt  }
0x55: {  	_ =	shalt  }
0x56: {  	_ =	shalt  }
0x57: {  	_ =	shalt  }
0x58: {  	_ =	shalt  }
0x59: {  	_ =	shalt  }
0x5a: {  	_ =	shalt  }
0x5b: {  	_ =	shalt  }
0x5c: {  	_ =	shalt  }
0x5d: {  	_ =	shalt  }
0x5e: {  	_ =	shalt  }
0x5f: {  	_ =	shalt  }
0x60: {  	_ =	shalt  }
0x61: {  	_ =	shalt  }
0x62: {  	_ =	shalt  }
0x63: {  	_ =	shalt  }
0x64: {  	_ =	shalt  }
0x65: {  	_ =	shalt  }
0x66: {  	_ =	shalt  }
0x67: {  	_ =	shalt  }
0x68: {  	_ =	shalt  }
0x69: {  	_ =	shalt  }
0x6a: {  	_ =	shalt  }
0x6b: {  	_ =	shalt  }
0x6c: {  	_ =	shalt  }
0x6d: {  	_ =	shalt  }
0x6e: {  	_ =	shalt  }
0x6f: {  	_ =	shalt  }
0x70: {  	_ =	shalt  }
0x71: {  	_ =	shalt  }
0x72: {  	_ =	shalt  }
0x73: {  	_ =	shalt  }
0x74: {  	_ =	shalt  }
0x75: {  	_ =	shalt  }
0x76: {  	_ =	shalt  }
0x77: {  	_ =	shalt  }
0x78: {  	_ =	shalt  }
0x79: {  	_ =	shalt  }
0x7a: {  	_ =	shalt  }
0x7b: {  	_ =	shalt  }
0x7c: {  	_ =	shalt  }
0x7d: {  	_ =	shalt  }
0x7e: {  	_ =	shalt  }
0x7f: {  	_ =	shalt  }
0x80: {  	_ =	shalt  }
0x81: {  	_ =	shalt  }
0x82: {  	_ =	shalt  }
0x83: {  	_ =	shalt  }
0x84: {  	_ =	shalt  }
0x85: {  	_ =	shalt  }
0x86: {  	_ =	shalt  }
0x87: {  	_ =	shalt  }
.Lfunc_end0:
.L_simem_size_0:
called_computation.12_lowered:
.L_overlay_start_0:
0x88: {  	s0 =	sld [smem:$0x3FD9]  }
0x89: {  	s1 =	sld [smem:$0x3FFE];
	_ =	sdelay $0x3  }
0x8a: {  	s0 =	sadd.s32 s1, s0  }
0x8b: {  	[smem:$0x3FBD] =	sst s0  }
0x8c: {  	_ = 	snop  }
0x8d: {  	(tm) =	ssettm $0x1  }
0x8e: {  	s15 =	sld [smem:$0x3FFB];
	_ =	sdelay $0x3  }
0x8f: {  	_ =	strace s15  }
0x90: {  	s0 =	sld [smem:$0x3FFC];
	_ =	sdelay $0x3  }
0x91: {  	_ =	strace s0  }
0x92: {  	s0 =	sld [smem:$0x3FFD];
	_ =	sdelay $0x3  }
0x93: {  	_ =	strace s0  }
0x94: {  	_ =	strace $0x8FFFFFFF  }
0x95: {  	s16 =	sld [smem:$0x3FDB];
	_ =	sdelay $0x1  }
0x96: {  	s17 =	simm.s32 $_scs_section_size  }
0x97: {  	s2 =	simm.s32 $_size__tile_overlayer_lowered;
	s3 =	simm.s32 $_tile_overlayer_lowered  }
0x98: {  	s20 =	simm.s32 $0x1BFF;
	s19 =	sshll.u32 s3, $0x1;
	s0 =	sadd.s32 s17, s16  }
0x99: {  	s4 =	simm.s32 $0x0;
	s18 =	sshll.u32 s2, $0x1;
	s2 =	sadd.s32 s19, s0  }
0x9a: {  	[timem:s4], [sflag:s20] =	dma.local [hbm:s2], s18  }
0x9b: {  	_ =	swait.ge [sflag:s20], s18  }
0x9c: {  	s1 =	ssub.s32 $0x0, s18;
	[sflag:s20] =	ssyncset.done $0x0  }
0x9d: {  	[sflag:s20] =	ssyncadd.s32 s1;
	_ =	sdelay $0x1  }
0x9e: {  	s21 =	simm.s32 $0x1B8B  }
0x9f: {  	_ =	swait.ge [sflag:s21], $0x1  }
0xa0: {  	[sflag:s21] =	ssyncset.done $0x0  }
0xa1: {  	s23 =	simm.s32 $0x1B8E;
	s22 =	sld [smem:$0x3FFE];
	[sflag:s21] =	ssyncadd.s32 $0xFFFFFFFF  }
0xa2: {  	s24 =	simm.s32 $execute0_lowered;
	[smem:$0x3FD2] =	sst s23  }
0xa3: {  	s2 =	sshll.u32 s24, $0x1;
	_ =	strace $0x80000073;
	[dreg:$0x1] =	wrdreg $0xFFFFFFFF  }
0xa4: {  	s25 =	simm.s32 $_size_execute0_lowered;
	s0 =	sadd.s32 s0, s2;
	[dreg:$0x0] =	wrdreg $0x0  }
0xa5: {  	s2 =	sshll.u32 s25, $0x1;
	[dreg:$0x2] =	wrdreg s0  }
0xa6: {  	[dreg:$0x3] =	wrdreg s2  }
0xa7: {  	[dreg:$0x4] =	wrdreg $0xC0  }
0xa8: {  	_ =	task [dreg:s4], $0x5FFFF  }
0xa9: {  	[dreg:$0x1] =	wrdreg $0xFFFFFFFF  }
0xaa: {  	[dreg:$0x0] =	wrdreg $0x60  }
0xab: {  	[dreg:$0x2] =	wrdreg s22  }
0xac: {  	[dreg:$0x3] =	wrdreg $0x9  }
0xad: {  	_ =	task.clear_ibuf [dreg:s4], $0x4FFFF;
	_ =	strace $0x90000073  }
0xae: {  	s26 =	simm.s32 $0x9;
	_ =	strace $0x80000075  }
0xaf: {  	_ =	swait.ge [sflag:s26], $0x1  }
0xb0: {  	[sflag:s26] =	ssyncadd.s32 $0xFFFFFFFF  }
0xb1: {  	_ =	strace $0x90000075  }
0xb2: {  	_ =	sfence  }
0xb3: {  	s28 =	sld [smem:$0x0];
	_ =	sdelay $0x1  }
0xb4: {  	s29 =	srdreg.scid  }
0xb5: {  	s30 =	sshll.u32 s29, $0xD;
	s31 =	sshrl.u32 s29, $0x2  }
0xb6: {  	s1 =	sand.u32 $0x1, s29;
	s2 =	sand.u32 $0x4000, s30;
	s0 =	sadd.s32 s31, s28  }
0xb7: {  	s1 =	sor.u32 s2, s1;
	s0 =	sshll.u32 s0, $0x11  }
0xb8: {  	s0 =	sor.u32 s0, s1  }
0xb9: {  	s0 =	sadd.s32 $0x8F2B, s0  }
0xba: {  	[sflag:s0] =	ssyncadd.remote.s32 $0x1  }
0xbb: {  	_ =	sfence.sel $0xFFFF  }
0xbc: {  	[dreg:$0x0] =	wrdreg $0xFFFFFFFF;
	(pc) =	sbr.abs _section_cstart, $3  }
0xbd: {  	[dreg:$0x1] =	wrdreg $0xFFFFFFFF  }
0xbe: {  	_ =	task.clear_ibuf [dreg:s4], $0x2FFFF;
	_ =	strace $0x9FFFFFFF  }
0xbf: {  	(tm) =	ssettm $0x7FFFFFFF  }
tec
execute0_lowered:
.L_overlay_start_1:
0x0: {  	(tag) =	ssettag $0x1  }
0x1: {  	s0 =	stileid.u32  }
0x2: {  	s1 =	smin.u32 s0, $0x9  }
0x3: {  	s1 =	sadd.s32 s0, s1  }
0x4: {  	s2 =	simm.s32 $0x320;
	p0 =	slt.u32 s0, $0x9;
	s1 =	smul.u32 $0x190, s1  }
0x5: {  	s2 =	simm.s32 @!p0 $0x190  }
0x6: {  	s2 =	sadd.s32 s2, s1  }
0x7: {  	s3 =	smin.u32 s2, $0x2710  }
0x8: {  	s7 =	ssub.s32 s3, s1  }
0x9: {  	p0 =	sgt.s32 s7, $0x0  }
0xa: {  	s7 =	simm.s32 @!p0 $0x0  }
0xb: {  	s31 =	sand.u32 $0xFFF0, s7  }
0xc: {  	s2 =	sshrl.u32 s31, $0x4  }
0xd: {  	s2 =	smul.u32 $0xA3E, s2  }
0xe: {  	s4 =	rddreg [dreg:$0x0];
	s6 =	simm.s32 $0x1  }
0xf: {  	s10 =	simm.s32 $0x3;
	s13 =	simm.s32 $0x0;
	s8 =	sshrl.u32 s2, $0x10  }
0x10: {  	s12 =	simm.s32 $0x0;
	s5 =	sadd.s32 $0x27200, s4;
	s9 =	smul.u32 $0x190, s8  }
.Ltmp0:
0x11: {  	s11 =	smov.u32 s1;
	s2 =	rddreg [dreg:$0x1];
	(pc) =	sbr.rel .LBB2_1-.Ltmp0, $4  }
0x12: {  	_ =	strace $0x80000074;
	p0 =	sne.s32 s7, s9;
	s9 =	simm.s32 $0x1  }
0x13: {  	[sflag:s6] =	ssyncpa.u1 $0x0;
	s7 =	simm.s32 $0x2;
	s9 =	simm.s32 @!p0 $0x0  }
0x14: {  	[sflag:s7] =	ssyncpa.u1 $0x0;
	p0 =	por $0x0, $0x0;
	s8 =	sadd.s32 s8, s9  }
0x15: {  	vm0 =	vmmov $0xff;
	vm1 =	vcmask $0x3F20;
	s9 =	sadd.s32 $0x27800, s4;
	[sflag:s10] =	ssyncpa.u1 $0x0;
	s10 =	sadd.s32 $0x1, s8  }
.LBB2_6:
0x16: {  	[hbm:s17] =	stream.linear.scatter [tilespmem:s14], [sflag:$0x3], $0x400, $0x38;
	[tilespmem:$0x19320] =	vst v63  }
.LBB2_7:
0x17: {  	s13 =	sadd.s32 $0x190, s11  }
0x18: {  	s15 =	smov.u32 s1;
	p2 =	slt.s32 s13, s3  }
0x19: {  	s15 =	smov.u32 @p2 s13;
	p2 =	sne.s32 s12, s10  }
.Ltmp1:
0x1a: {  	p1 =	slt.u32 s12, $0x2;
	(pc) =	sbr.rel @!p2 .LBB2_8-.Ltmp1, $4  }
0x1b: {  	s14 =	simm.s32 @!p1 $0x3  }
0x1c: {  	s16 =	sadd.s32 $0x1, s12;
	_ =	swait.ge @!p1 [sflag:s14], $0xC800  }
0x1d: {  	p0 =	por !p0, !p0;
	s13 =	smov.u32 s11;
	[sflag:s14] =	ssyncset.done @!p1 $0x0  }
0x1e: {  	s12 =	smov.u32 s16;
	s11 =	smov.u32 s15;
	[sflag:s14] =	ssyncadd.s32 @!p1 $0xFFFF3800  }
.LBB2_1:
0x1f: {  	p1 =	sge.u32 s12, s8  }
0x20: {  	s14 =	sxor.u32 @!p1 $0xFFFFFFFF, s12  }
0x21: {  	s14 =	sand.u32 @!p1 $0x1, s14  }
0x22: {  	s14 =	smul.u32 @!p1 $0x640, s14  }
0x23: {  	s31 =	sadd.s32 $0xFFFFFFFF, s12;
	s15 =	sshrl.u32 @!p1 s11, $0x3  }
0x24: {  	s16 =	sand.u32 @!p1 $0x7, s11;
	s15 =	sadd.s32 @!p1 s5, s15;
	s14 =	sshrl.u32 @!p1 s14, $0x2  }
0x25: {  	[tilespmem:s14], [sflag:$0x2] =	stream.linear.gather @!p1 [hbm4b:s15+s16], $0x190, $0x38;
	[tilespmem:$0x19320] =	vst v63  }
0x26: {  	p1 =	sge.u32 s31, s8  }
.Ltmp2:
0x27: {  	_ = 	snop;
	(pc) =	sbr.rel @p1 .LBB2_7-.Ltmp2, $1  }
0x28: {  	_ =	sdelay $0x3  }
0x29: {  	s14 =	simm.s32 $0x1  }
0x2a: {  	s14 =	simm.s32 @!p0 $0x0  }
0x2b: {  	s15 =	smul.u32 $0x640, s14  }
0x2c: {  	_ =	swait.ge [sflag:s7], $0x190  }
0x2d: {  	[sflag:s7] =	ssyncset.done $0x0;
	s16 =	sshrl.u32 s15, $0x2  }
0x2e: {  	[sflag:s7] =	ssyncadd.s32 $0xFFFFFE70;
	s15 =	sadd.s32 $0x0, s16  }
0x2f: {  	v0 =	vld.msk [tilespmem:s15+$0x0 ss:$0x1], $0xffff;
	_ =	sdelay $0x4  }
0x30: {  	vm2 =	vgt.s32 v0, $0x0  }
0x31: {  	v0 =	vnsel vm2, $0x0, v0  }
0x32: {  	v0 =	vmin.u32 v0, $0x270F  }
0x33: {  	v0 =	vshll.u32 v0, $0x4  }
0x34: {  	s14 =	smul.u32 $0x32000, s14;
	_ =	sdelay $0x1  }
0x35: {  	s14 =	sshrl.u32 s14, $0x2  }
0x36: {  	s14 =	sor.u32 $0x320, s14  }
0x37: {  	[tilespmem:s14], [sflag:$0x1] =	stream.indirect_vreg.gather [hbm:s4], $0x80, v0, vm0, $0x38;
	[tilespmem:$0x19320] =	vst v63  }
0x38: {  	s17 =	sadd.s32 $0x10, s16;
	s15 =	sadd.s32 $0x400, s14  }
0x39: {  	[tilespmem:s15], [sflag:$0x1] =	stream.indirect_vreg.gather [hbm:s4], $0x80, v0, vm1, $0x38;
	[tilespmem:$0x19320] =	vst v63  }
0x3a: {  	s18 =	simm.s32 $0x80;
	v0 =	vld.msk [tilespmem:s17+$0x0 ss:$0x1], $0xffff;
	s17 =	smov.u32 s14  }
.LBB2_3:
0x3b: {  	p1 =	sne.s32 s18, $0x600;
	_ =	sdelay $0x4  }
0x3c: {  	vm2 =	vgt.s32 v0, $0x0  }
0x3d: {  	v0 =	vnsel vm2, $0x0, v0  }
0x3e: {  	v0 =	vmin.u32 v0, $0x270F  }
0x3f: {  	v0 =	vshll.u32 v0, $0x4;
	_ =	sdelay $0x3  }
.Ltmp3:
0x40: {  	s19 =	sshra.s32 s18, $0x2;
	s17 =	sadd.s32 $0x800, s17;
	(pc) =	sbr.rel @p1 .LBB2_3-.Ltmp3, $4  }
0x41: {  	[tilespmem:s17], [sflag:$0x1] =	stream.indirect_vreg.gather [hbm:s4], $0x80, v0, vm0, $0x38;
	[tilespmem:$0x19320] =	vst v63  }
0x42: {  	s19 =	sadd.s32 s19, s16;
	s20 =	sadd.s32 $0x400, s17  }
0x43: {  	[tilespmem:s20], [sflag:$0x1] =	stream.indirect_vreg.gather [hbm:s4], $0x80, v0, vm1, $0x38;
	[tilespmem:$0x19320] =	vst v63  }
0x44: {  	s18 =	sadd.s32 $0x40, s18;
	v0 =	vld.msk [tilespmem:s19+$0x0 ss:$0x1], $0xffff  }
0x45: {  	_ =	sdelay $0x3  }
0x46: {  	vm2 =	vgt.s32 v0, $0x0  }
0x47: {  	v0 =	vnsel vm2, $0x0, v0  }
0x48: {  	v0 =	vmin.u32 v0, $0x270F  }
0x49: {  	v0 =	vshll.u32 v0, $0x4;
	_ =	sdelay $0x3  }
0x4a: {  	s16 =	sadd.s32 $0x800, s17  }
0x4b: {  	[tilespmem:s16], [sflag:$0x1] =	stream.indirect_vreg.gather [hbm:s4], $0x80, v0, vm0, $0x38;
	[tilespmem:$0x19320] =	vst v63  }
0x4c: {  	s16 =	sadd.s32 $0x400, s16  }
0x4d: {  	[tilespmem:s16], [sflag:$0x1] =	stream.indirect_vreg.gather [hbm:s4], $0x80, v0, vm1, $0x38;
	[tilespmem:$0x19320] =	vst v63  }
0x4e: {  	s13 =	sshll.u32 s13, $0x4;
	_ =	swait.ge [sflag:s6], $0xC800  }
0x4f: {  	s13 =	sadd.s32 s13, s9;
	[sflag:s6] =	ssyncset.done $0x0  }
0x50: {  	s17 =	sadd.s32 $0x0, s13;
	s16 =	simm.s32 $0x80;
	[sflag:s6] =	ssyncadd.s32 $0xFFFF3800  }
.LBB2_5:
0x51: {  	[hbm:s17] =	stream.linear.scatter [tilespmem:s14], [sflag:$0x3], $0x400, $0x38;
	[tilespmem:$0x19320] =	vst v63  }
0x52: {  	s17 =	smov.u32 s16;
	s14 =	smov.u32 s15;
	p1 =	sne.s32 s16, $0x1880  }
.Ltmp4:
0x53: {  	s16 =	sadd.s32 $0x80, s16;
	(pc) =	sbr.rel @p1 .LBB2_5-.Ltmp4, $2  }
0x54: {  	_ =	sdelay $0x2  }
0x55: {  	s15 =	sadd.s32 $0x400, s15;
	s17 =	sadd.s32 s17, s13  }
.Ltmp5:
0x56: {  	_ = 	snop;
	(pc) =	sbr.rel .LBB2_6-.Ltmp5, $1  }
0x57: {  	_ =	sdelay $0x3  }
.LBB2_8:
0x58: {  	_ =	sfence.sel $0x180000  }
0x59: {  	s1 =	simm.s32 $0x2;
	[bflag:$0x0] =	sbarrier.arrive $0xFFFF  }
0x5a: {  	s30 =	simm.s32 $0x3;
	[sflag:s1] =	ssyncpa.u1 $0x1  }
0x5b: {  	s31 =	simm.s32 $0x1;
	[sflag:s30] =	ssyncpa.u1 $0x1  }
0x5c: {  	[sflag:s31] =	ssyncpa.u1 $0x1  }
0x5d: {  	p0 =	sne.s32 s0, $0x0;
	_ =	strace $0x90000074  }
0x5e: {  	s0 =	sadd.s32 @!p0 $0x100000, s2;
	[bflag:$0x2] =	sbarrier.arrive $0xFFFF  }
0x5f: {  	[sflag:s0] =	ssyncadd.tile.s32 @!p0 $0x1;
	_ =	shalt  }
.Lfunc_end2:
_tile_overlayer_lowered:
.L_overlay_start_2:
0x60: {  	(tag) =	ssettag $0x2  }
0x61: {  	s0 =	rddreg [dreg:$0x0];
	s2 =	stileid.u32  }
0x62: {  	s1 =	rddreg [dreg:$0x1];
	p0 =	sne.s32 s2, $0x0  }
0x63: {  	s3 =	rddreg [dreg:$0x2];
	[bflag:$0x3] =	sbarrier.arrive $0xFFFF;
	s2 =	simm.s32 @!p0 $0x1C01  }
0x64: {  	[timem:s3], [sflag:s2] =	dma.local @!p0 [hbm:s0], s1  }
0x65: {  	s0 =	simm.s32 @!p0 $0x1  }
0x66: {  	_ =	swait.ge @!p0 [sflag:s0], s1  }
0x67: {  	s1 =	ssub.s32 @!p0 $0x0, s1;
	[sflag:s0] =	ssyncset.done @!p0 $0x0  }
0x68: {  	[sflag:s0] =	ssyncadd.s32 @!p0 s1  }
0x69: {  	[bflag:$0x3] =	sbarrier.arrive $0xFFFF  }
0x6a: {  	_ =	shalt  }

// kernel: gather_offload_async_start.1
scs
__scs_entry_jumppad:
0x0: {  	(pc) =	sbr.rel $0x88, $3  }
0x1: {  	(tag) =	ssettag $0x0;
	lr =	simm.s32 $0x1  }
0x2: {  	[smem:$0x3F96] =	sst lr;
	_ =	strace $0xD0000000  }
0x3: {  	_ = 	snop  }
0x4: {  	_ = 	snop  }
0x5: {  	_ = 	snop  }
0x6: {  	_ = 	snop  }
0x7: {  	_ = 	snop  }
__scs_overlays_trampoline_lowered:
0x8: {  	[smem:$0x3FA5] =	sst s0  }
0x9: {  	[smem:$0x3FA6] =	sst s1  }
0xa: {  	[smem:$0x3FA7] =	sst s2  }
0xb: {  	[smem:$0x3FA8] =	sst s3  }
0xc: {  	[smem:$0x3FA9] =	sst s4  }
0xd: {  	[smem:$0x3FAA] =	sst s5  }
0xe: {  	[smem:$0x3FAB] =	sst s6  }
0xf: {  	[smem:$0x3FAC] =	sst s7  }
0x10: {  	[smem:$0x3FAD] =	sst s8  }
0x11: {  	[smem:$0x3FAE] =	sst s9;
	s0 =	simm.s32 @!p0 $0x0  }
0x12: {  	s1 =	sld [smem:$0x3F94];
	s0 =	simm.s32 @p0 $0x1  }
0x13: {  	[smem:$0x3FAF] =	sst s0;
	s0 =	simm.s32 @!p1 $0x0  }
0x14: {  	s2 =	sld [smem:$0x3F93];
	s0 =	simm.s32 @p1 $0x1  }
0x15: {  	[smem:$0x3FB0] =	sst s0;
	s0 =	simm.s32 @!p2 $0x0  }
0x16: {  	s3 =	sld [smem:$0x3FDB];
	s0 =	simm.s32 @p2 $0x1  }
0x17: {  	s4 =	simm.s32 $0x1BF5;
	[smem:$0x3FB2] =	sst s0  }
0x18: {  	s0 =	sld [smem:$0x3F95];
	_ =	swait.ge [sflag:s4], $0x0  }
0x19: {  	s7 =	sld [smem:$0x3F96]  }
0x1a: {  	s8 =	sadd.s32 $0xFFFFE003, lr  }
0x1b: {  	s9 =	sadd.s32 $0xFFFFFEF7, lr;
	s5 =	simm.s32 $0xFFFFFFFF;
	p2 =	slt.u32 s8, $0xFFFFF086  }
0x1c: {  	p1 =	slt.u32 s9, $0xF7A;
	s5 =	simm.s32 @!p2 $0x0  }
0x1d: {  	s5 =	simm.s32 @p1 $0x1;
	p0 =	seq.s32 s7, s2  }
0x1e: {  	s7 =	smul.u32 @!p0 $0xF7A, s2;
	p2 =	seq.s32 @!p0 s5, $0x0  }
0x1f: {  	s9 =	smul.u32 $0xF7A, s1;
	s8 =	simm.s32 @!p0 $0x1BF5;
	p2 =	por !p2, p0  }
0x20: {  	[sflag:s8] =	ssyncset.s32 @!p0 $0xFFFFF086;
	s6 =	sadd.s32 @!p0 s3, s7;
	s7 =	simm.s32 @!p0 $0x108  }
0x21: {  	s3 =	sadd.s32 s3, s9;
	s6 =	sadd.s32 @!p0 $0x88, s6;
	s7 =	simm.s32 @p2 $0x1082  }
0x22: {  	[simem:s7], [sflag:s8] =	dma.local @!p0 [hbm:s6], $0xF7A  }
0x23: {  	s9 =	sor.u32 $0xD0000000, s2;
	s6 =	simm.s32 $0x108;
	_ =	swait.ge @!p0 [sflag:s8], $0x0  }
0x24: {  	s3 =	sadd.s32 $0x88, s3;
	s6 =	simm.s32 @!p1 $0x1082;
	[sflag:s4] =	ssyncset.s32 $0xFFFFF086  }
0x25: {  	[simem:s6], [sflag:s4] =	dma.local [hbm:s3], $0xF7A  }
0x26: {  	[smem:$0x3F96] =	sst s1;
	(tag) =	ssettag s2;
	_ =	strace s9  }
0x27: {  	s1 =	sld [smem:$0x3FA6]  }
0x28: {  	s2 =	sld [smem:$0x3FA7]  }
0x29: {  	s4 =	sld [smem:$0x3FA9]  }
0x2a: {  	p0 =	seq.s32 s5, $0x0;
	s5 =	sld [smem:$0x3FAA]  }
0x2b: {  	s6 =	sld [smem:$0x3FAB]  }
0x2c: {  	s7 =	sld [smem:$0x3FAC]  }
0x2d: {  	s3 =	simm.s32 $0x108;
	s8 =	sld [smem:$0x3FAD]  }
0x2e: {  	s3 =	simm.s32 @!p0 $0x1082;
	s9 =	sld [smem:$0x3FAE]  }
0x2f: {  	lr =	sadd.s32 s0, s3;
	s0 =	sld [smem:$0x3FA5]  }
0x30: {  	s3 =	sld [smem:$0x3FA8]  }
0x31: {  	[smem:$0x3FB1] =	sst s10  }
0x32: {  	s10 =	sld [smem:$0x3FAF];
	_ =	sdelay $0x3  }
0x33: {  	p0 =	seq.s32 s10, $0x1;
	s10 =	sld [smem:$0x3FB1];
	_ =	sdelay $0x3  }
0x34: {  	[smem:$0x3FB1] =	sst s10  }
0x35: {  	s10 =	sld [smem:$0x3FB0];
	_ =	sdelay $0x3  }
0x36: {  	p1 =	seq.s32 s10, $0x1;
	s10 =	sld [smem:$0x3FB1];
	_ =	sdelay $0x3  }
0x37: {  	[smem:$0x3FB1] =	sst s10  }
0x38: {  	s10 =	sld [smem:$0x3FB2]  }
0x39: {  	_ = 	snop;
	(pc) =	sbr.ind lr, $3  }
0x3a: {  	_ = 	snop  }
0x3b: {  	_ = 	snop  }
0x3c: {  	p2 =	seq.s32 s10, $0x1;
	s10 =	sld [smem:$0x3FB1]  }
0x3d: {  	_ =	shalt  }
0x3e: {  	_ =	shalt  }
0x3f: {  	_ =	shalt  }
0x40: {  	_ =	shalt  }
0x41: {  	_ =	shalt  }
0x42: {  	_ =	shalt  }
0x43: {  	_ =	shalt  }
0x44: {  	_ =	shalt  }
0x45: {  	_ =	shalt  }
0x46: {  	_ =	shalt  }
0x47: {  	_ =	shalt  }
0x48: {  	_ =	shalt  }
0x49: {  	_ =	shalt  }
0x4a: {  	_ =	shalt  }
0x4b: {  	_ =	shalt  }
0x4c: {  	_ =	shalt  }
0x4d: {  	_ =	shalt  }
0x4e: {  	_ =	shalt  }
0x4f: {  	_ =	shalt  }
0x50: {  	_ =	shalt  }
0x51: {  	_ =	shalt  }
0x52: {  	_ =	shalt  }
0x53: {  	_ =	shalt  }
0x54: {  	_ =	shalt  }
0x55: {  	_ =	shalt  }
0x56: {  	_ =	shalt  }
0x57: {  	_ =	shalt  }
0x58: {  	_ =	shalt  }
0x59: {  	_ =	shalt  }
0x5a: {  	_ =	shalt  }
0x5b: {  	_ =	shalt  }
0x5c: {  	_ =	shalt  }
0x5d: {  	_ =	shalt  }
0x5e: {  	_ =	shalt  }
0x5f: {  	_ =	shalt  }
0x60: {  	_ =	shalt  }
0x61: {  	_ =	shalt  }
0x62: {  	_ =	shalt  }
0x63: {  	_ =	shalt  }
0x64: {  	_ =	shalt  }
0x65: {  	_ =	shalt  }
0x66: {  	_ =	shalt  }
0x67: {  	_ =	shalt  }
0x68: {  	_ =	shalt  }
0x69: {  	_ =	shalt  }
0x6a: {  	_ =	shalt  }
0x6b: {  	_ =	shalt  }
0x6c: {  	_ =	shalt  }
0x6d: {  	_ =	shalt  }
0x6e: {  	_ =	shalt  }
0x6f: {  	_ =	shalt  }
0x70: {  	_ =	shalt  }
0x71: {  	_ =	shalt  }
0x72: {  	_ =	shalt  }
0x73: {  	_ =	shalt  }
0x74: {  	_ =	shalt  }
0x75: {  	_ =	shalt  }
0x76: {  	_ =	shalt  }
0x77: {  	_ =	shalt  }
0x78: {  	_ =	shalt  }
0x79: {  	_ =	shalt  }
0x7a: {  	_ =	shalt  }
0x7b: {  	_ =	shalt  }
0x7c: {  	_ =	shalt  }
0x7d: {  	_ =	shalt  }
0x7e: {  	_ =	shalt  }
0x7f: {  	_ =	shalt  }
0x80: {  	_ =	shalt  }
0x81: {  	_ =	shalt  }
0x82: {  	_ =	shalt  }
0x83: {  	_ =	shalt  }
0x84: {  	_ =	shalt  }
0x85: {  	_ =	shalt  }
0x86: {  	_ =	shalt  }
0x87: {  	_ =	shalt  }
.Lfunc_end0:
.L_simem_size_0:
called_computation.2_lowered:
.L_overlay_start_0:
0x88: {  	s0 =	sld [smem:$0x3FD9]  }
0x89: {  	s1 =	sld [smem:$0x3FFE];
	_ =	sdelay $0x3  }
0x8a: {  	s0 =	sadd.s32 s1, s0  }
0x8b: {  	[smem:$0x3FBD] =	sst s0  }
0x8c: {  	_ = 	snop  }
0x8d: {  	s0 =	sld [smem:$0x3FD0];
	_ =	sdelay $0x2  }
0x8e: {  	s13 =	simm.s32 $0xA;
	s2 =	simm.s32 $0x10  }
0x8f: {  	[smem:s2], [sflag:s13] =	dma.local [hbm:s0], $0x1  }
0x90: {  	_ =	swait.eq [sflag:s13], $0x1  }
0x91: {  	[sflag:s13] =	ssyncset.done $0x0  }
0x92: {  	[sflag:s13] =	ssyncadd.s32 $0xFFFFFFFF  }
0x93: {  	s14 =	sld [smem:$0x11];
	(tm) =	ssettm $0x1  }
0x94: {  	s15 =	sld [smem:$0x3FFB];
	_ =	sdelay $0x3  }
0x95: {  	_ =	strace s15  }
0x96: {  	s1 =	sld [smem:$0x3FFC];
	_ =	sdelay $0x3  }
0x97: {  	_ =	strace s1  }
0x98: {  	s1 =	sld [smem:$0x3FFD];
	_ =	sdelay $0x3  }
0x99: {  	_ =	strace s1  }
0x9a: {  	_ =	strace $0x8FFFFFFF  }
0x9b: {  	s16 =	sld [smem:$0x3FDB];
	_ =	sdelay $0x1  }
0x9c: {  	s17 =	simm.s32 $_scs_section_size  }
0x9d: {  	s3 =	simm.s32 $_size__tile_overlayer_lowered;
	s4 =	simm.s32 $_tile_overlayer_lowered  }
0x9e: {  	s20 =	simm.s32 $0x1BFF;
	s19 =	sshll.u32 s4, $0x1;
	s1 =	sadd.s32 s17, s16  }
0x9f: {  	s5 =	simm.s32 $0x0;
	s18 =	sshll.u32 s3, $0x1;
	s3 =	sadd.s32 s19, s1  }
0xa0: {  	[timem:s5], [sflag:s20] =	dma.local [hbm:s3], s18  }
0xa1: {  	_ =	swait.ge [sflag:s20], s18  }
0xa2: {  	s2 =	ssub.s32 $0x0, s18;
	[sflag:s20] =	ssyncset.done $0x0  }
0xa3: {  	[sflag:s20] =	ssyncadd.s32 s2;
	_ =	sdelay $0x1  }
0xa4: {  	s21 =	simm.s32 $0x1B8B  }
0xa5: {  	_ =	swait.ge [sflag:s21], $0x1  }
0xa6: {  	[sflag:s21] =	ssyncset.done $0x0  }
0xa7: {  	s23 =	simm.s32 $0x1B8E;
	s22 =	sld [smem:$0x3FFE];
	[sflag:s21] =	ssyncadd.s32 $0xFFFFFFFF  }
0xa8: {  	s24 =	simm.s32 $execute0_lowered;
	[smem:$0x3FD2] =	sst s23  }
0xa9: {  	s3 =	sshll.u32 s24, $0x1;
	_ =	strace $0x80000055;
	[dreg:$0x1] =	wrdreg $0xFFFFFFFF  }
0xaa: {  	s25 =	simm.s32 $_size_execute0_lowered;
	s1 =	sadd.s32 s1, s3;
	[dreg:$0x0] =	wrdreg $0x0  }
0xab: {  	s3 =	sshll.u32 s25, $0x1;
	[dreg:$0x2] =	wrdreg s1  }
0xac: {  	[dreg:$0x3] =	wrdreg s3  }
0xad: {  	[dreg:$0x4] =	wrdreg $0xC0  }
0xae: {  	_ =	task [dreg:s5], $0x5FFFF  }
0xaf: {  	[dreg:$0x1] =	wrdreg $0xFFFFFFFF  }
0xb0: {  	[dreg:$0x0] =	wrdreg $0x60  }
0xb1: {  	[dreg:$0x2] =	wrdreg s22  }
0xb2: {  	[dreg:$0x3] =	wrdreg s14  }
0xb3: {  	[dreg:$0x4] =	wrdreg $0x9  }
0xb4: {  	_ =	task.clear_ibuf [dreg:s5], $0x5FFFF;
	_ =	strace $0x90000055  }
0xb5: {  	s26 =	simm.s32 $0x9;
	_ =	strace $0x80000057  }
0xb6: {  	_ =	swait.ge [sflag:s26], $0x1  }
0xb7: {  	[sflag:s26] =	ssyncadd.s32 $0xFFFFFFFF  }
0xb8: {  	_ =	strace $0x90000057  }
0xb9: {  	_ =	sfence  }
0xba: {  	s28 =	sld [smem:$0x0];
	_ =	sdelay $0x1  }
0xbb: {  	s29 =	srdreg.scid  }
0xbc: {  	s30 =	sshll.u32 s29, $0xD;
	s31 =	sshrl.u32 s29, $0x2  }
0xbd: {  	s2 =	sand.u32 $0x4000, s30;
	s1 =	sand.u32 $0x1, s29;
	s0 =	sadd.s32 s31, s28  }
0xbe: {  	s1 =	sor.u32 s2, s1;
	s0 =	sshll.u32 s0, $0x11  }
0xbf: {  	s0 =	sor.u32 s0, s1  }
0xc0: {  	s0 =	sadd.s32 $0x8F2B, s0  }
0xc1: {  	[sflag:s0] =	ssyncadd.remote.s32 $0x1  }
0xc2: {  	_ =	sfence.sel $0xFFFF  }
0xc3: {  	[dreg:$0x0] =	wrdreg $0xFFFFFFFF;
	(pc) =	sbr.abs _section_cstart, $3  }
0xc4: {  	[dreg:$0x1] =	wrdreg $0xFFFFFFFF  }
0xc5: {  	_ =	task.clear_ibuf [dreg:s5], $0x2FFFF;
	_ =	strace $0x9FFFFFFF  }
0xc6: {  	(tm) =	ssettm $0x7FFFFFFF  }
0xc7: {  	_ =	shalt  }
tec
execute0_lowered:
.L_overlay_start_1:
0x0: {  	(tag) =	ssettag $0x1  }
0x1: {  	s0 =	stileid.u32  }
0x2: {  	s1 =	smin.u32 s0, $0x9  }
0x3: {  	s1 =	sadd.s32 s0, s1  }
0x4: {  	s2 =	simm.s32 $0x320;
	p0 =	slt.u32 s0, $0x9;
	s1 =	smul.u32 $0x190, s1  }
0x5: {  	s2 =	simm.s32 @!p0 $0x190  }
0x6: {  	s2 =	sadd.s32 s2, s1  }
0x7: {  	s3 =	smin.u32 s2, $0x2710  }
0x8: {  	s7 =	ssub.s32 s3, s1  }
0x9: {  	p0 =	sgt.s32 s7, $0x0  }
0xa: {  	s7 =	simm.s32 @!p0 $0x0  }
0xb: {  	s31 =	sand.u32 $0xFFF0, s7  }
0xc: {  	s2 =	sshrl.u32 s31, $0x4  }
0xd: {  	s4 =	rddreg [dreg:$0x0];
	s2 =	smul.u32 $0xA3E, s2  }
0xe: {  	s5 =	rddreg [dreg:$0x1]  }
0xf: {  	s6 =	simm.s32 $0x1;
	s10 =	simm.s32 $0x3;
	s8 =	sshrl.u32 s2, $0x10  }
0x10: {  	s13 =	simm.s32 $0x0;
	s12 =	simm.s32 $0x0;
	s9 =	smul.u32 $0x190, s8  }
.Ltmp0:
0x11: {  	s11 =	smov.u32 s1;
	s2 =	rddreg [dreg:$0x2];
	(pc) =	sbr.rel .LBB2_1-.Ltmp0, $4  }
0x12: {  	_ =	strace $0x80000056;
	p0 =	sne.s32 s7, s9;
	s9 =	simm.s32 $0x1  }
0x13: {  	[sflag:s6] =	ssyncpa.u1 $0x0;
	s7 =	simm.s32 $0x2;
	s9 =	simm.s32 @!p0 $0x0  }
0x14: {  	[sflag:s7] =	ssyncpa.u1 $0x0;
	p0 =	por $0x0, $0x0;
	s8 =	sadd.s32 s8, s9  }
0x15: {  	vm0 =	vmmov $0xff;
	vm1 =	vcmask $0x3F20;
	s9 =	sadd.s32 $0x87000, s4;
	[sflag:s10] =	ssyncpa.u1 $0x0;
	s10 =	sadd.s32 $0x1, s8  }
.LBB2_6:
0x16: {  	[hbm:s17] =	stream.linear.scatter [tilespmem:s14], [sflag:$0x3], $0x400, $0x38;
	[tilespmem:$0x19320] =	vst v63  }
.LBB2_7:
0x17: {  	s13 =	sadd.s32 $0x190, s11  }
0x18: {  	s15 =	smov.u32 s1;
	p2 =	slt.s32 s13, s3  }
0x19: {  	s15 =	smov.u32 @p2 s13;
	p2 =	sne.s32 s12, s10  }
.Ltmp1:
0x1a: {  	p1 =	slt.u32 s12, $0x2;
	(pc) =	sbr.rel @!p2 .LBB2_8-.Ltmp1, $4  }
0x1b: {  	s14 =	simm.s32 @!p1 $0x3  }
0x1c: {  	s16 =	sadd.s32 $0x1, s12;
	_ =	swait.ge @!p1 [sflag:s14], $0xC800  }
0x1d: {  	p0 =	por !p0, !p0;
	s13 =	smov.u32 s11;
	[sflag:s14] =	ssyncset.done @!p1 $0x0  }
0x1e: {  	s12 =	smov.u32 s16;
	s11 =	smov.u32 s15;
	[sflag:s14] =	ssyncadd.s32 @!p1 $0xFFFF3800  }
.LBB2_1:
0x1f: {  	p1 =	sge.u32 s12, s8  }
0x20: {  	s14 =	sxor.u32 @!p1 $0xFFFFFFFF, s12  }
0x21: {  	s14 =	sand.u32 @!p1 $0x1, s14  }
0x22: {  	s14 =	smul.u32 @!p1 $0x640, s14  }
0x23: {  	s31 =	sadd.s32 $0xFFFFFFFF, s12;
	s15 =	sshrl.u32 @!p1 s11, $0x3  }
0x24: {  	s16 =	sand.u32 @!p1 $0x7, s11;
	s15 =	sadd.s32 @!p1 s5, s15;
	s14 =	sshrl.u32 @!p1 s14, $0x2  }
0x25: {  	[tilespmem:s14], [sflag:$0x2] =	stream.linear.gather @!p1 [hbm4b:s15+s16], $0x190, $0x38;
	[tilespmem:$0x19320] =	vst v63  }
0x26: {  	p1 =	sge.u32 s31, s8  }
.Ltmp2:
0x27: {  	_ = 	snop;
	(pc) =	sbr.rel @p1 .LBB2_7-.Ltmp2, $1  }
0x28: {  	_ =	sdelay $0x3  }
0x29: {  	s14 =	simm.s32 $0x1  }
0x2a: {  	s14 =	simm.s32 @!p0 $0x0  }
0x2b: {  	s15 =	smul.u32 $0x640, s14  }
0x2c: {  	_ =	swait.ge [sflag:s7], $0x190  }
0x2d: {  	[sflag:s7] =	ssyncset.done $0x0;
	s16 =	sshrl.u32 s15, $0x2  }
0x2e: {  	[sflag:s7] =	ssyncadd.s32 $0xFFFFFE70;
	s15 =	sadd.s32 $0x0, s16  }
0x2f: {  	v0 =	vld.msk [tilespmem:s15+$0x0 ss:$0x1], $0xffff;
	_ =	sdelay $0x4  }
0x30: {  	vm2 =	vgt.s32 v0, $0x0  }
0x31: {  	v0 =	vnsel vm2, $0x0, v0  }
0x32: {  	v0 =	vmin.u32 v0, $0x270F  }
0x33: {  	v0 =	vshll.u32 v0, $0x4  }
0x34: {  	s14 =	smul.u32 $0x32000, s14;
	_ =	sdelay $0x1  }
0x35: {  	s14 =	sshrl.u32 s14, $0x2  }
0x36: {  	s14 =	sor.u32 $0x320, s14  }
0x37: {  	[tilespmem:s14], [sflag:$0x1] =	stream.indirect_vreg.gather [hbm:s9], $0x80, v0, vm0, $0x38;
	[tilespmem:$0x19320] =	vst v63  }
0x38: {  	s17 =	sadd.s32 $0x10, s16;
	s15 =	sadd.s32 $0x400, s14  }
0x39: {  	[tilespmem:s15], [sflag:$0x1] =	stream.indirect_vreg.gather [hbm:s9], $0x80, v0, vm1, $0x38;
	[tilespmem:$0x19320] =	vst v63  }
0x3a: {  	s18 =	simm.s32 $0x80;
	v0 =	vld.msk [tilespmem:s17+$0x0 ss:$0x1], $0xffff;
	s17 =	smov.u32 s14  }
.LBB2_3:
0x3b: {  	p1 =	sne.s32 s18, $0x600;
	_ =	sdelay $0x4  }
0x3c: {  	vm2 =	vgt.s32 v0, $0x0  }
0x3d: {  	v0 =	vnsel vm2, $0x0, v0  }
0x3e: {  	v0 =	vmin.u32 v0, $0x270F  }
0x3f: {  	v0 =	vshll.u32 v0, $0x4;
	_ =	sdelay $0x3  }
.Ltmp3:
0x40: {  	s19 =	sshra.s32 s18, $0x2;
	s17 =	sadd.s32 $0x800, s17;
	(pc) =	sbr.rel @p1 .LBB2_3-.Ltmp3, $4  }
0x41: {  	[tilespmem:s17], [sflag:$0x1] =	stream.indirect_vreg.gather [hbm:s9], $0x80, v0, vm0, $0x38;
	[tilespmem:$0x19320] =	vst v63  }
0x42: {  	s19 =	sadd.s32 s19, s16;
	s20 =	sadd.s32 $0x400, s17  }
0x43: {  	[tilespmem:s20], [sflag:$0x1] =	stream.indirect_vreg.gather [hbm:s9], $0x80, v0, vm1, $0x38;
	[tilespmem:$0x19320] =	vst v63  }
0x44: {  	s18 =	sadd.s32 $0x40, s18;
	v0 =	vld.msk [tilespmem:s19+$0x0 ss:$0x1], $0xffff  }
0x45: {  	_ =	sdelay $0x3  }
0x46: {  	vm2 =	vgt.s32 v0, $0x0  }
0x47: {  	v0 =	vnsel vm2, $0x0, v0  }
0x48: {  	v0 =	vmin.u32 v0, $0x270F  }
0x49: {  	v0 =	vshll.u32 v0, $0x4;
	_ =	sdelay $0x3  }
0x4a: {  	s16 =	sadd.s32 $0x800, s17  }
0x4b: {  	[tilespmem:s16], [sflag:$0x1] =	stream.indirect_vreg.gather [hbm:s9], $0x80, v0, vm0, $0x38;
	[tilespmem:$0x19320] =	vst v63  }
0x4c: {  	s16 =	sadd.s32 $0x400, s16  }
0x4d: {  	[tilespmem:s16], [sflag:$0x1] =	stream.indirect_vreg.gather [hbm:s9], $0x80, v0, vm1, $0x38;
	[tilespmem:$0x19320] =	vst v63  }
0x4e: {  	s13 =	sshll.u32 s13, $0x4;
	_ =	swait.ge [sflag:s6], $0xC800  }
0x4f: {  	s13 =	sadd.s32 s13, s4;
	[sflag:s6] =	ssyncset.done $0x0  }
0x50: {  	s17 =	sadd.s32 $0x0, s13;
	s16 =	simm.s32 $0x80;
	[sflag:s6] =	ssyncadd.s32 $0xFFFF3800  }
.LBB2_5:
0x51: {  	[hbm:s17] =	stream.linear.scatter [tilespmem:s14], [sflag:$0x3], $0x400, $0x38;
	[tilespmem:$0x19320] =	vst v63  }
0x52: {  	s17 =	smov.u32 s16;
	s14 =	smov.u32 s15;
	p1 =	sne.s32 s16, $0x1880  }
.Ltmp4:
0x53: {  	s16 =	sadd.s32 $0x80, s16;
	(pc) =	sbr.rel @p1 .LBB2_5-.Ltmp4, $2  }
0x54: {  	_ =	sdelay $0x2  }
0x55: {  	s15 =	sadd.s32 $0x400, s15;
	s17 =	sadd.s32 s17, s13  }
.Ltmp5:
0x56: {  	_ = 	snop;
	(pc) =	sbr.rel .LBB2_6-.Ltmp5, $1  }
0x57: {  	_ =	sdelay $0x3  }
.LBB2_8:
0x58: {  	_ =	sfence.sel $0x180000  }
0x59: {  	s1 =	simm.s32 $0x2;
	[bflag:$0x0] =	sbarrier.arrive $0xFFFF  }
0x5a: {  	s30 =	simm.s32 $0x3;
	[sflag:s1] =	ssyncpa.u1 $0x1  }
0x5b: {  	s31 =	simm.s32 $0x1;
	[sflag:s30] =	ssyncpa.u1 $0x1  }
0x5c: {  	[sflag:s31] =	ssyncpa.u1 $0x1  }
0x5d: {  	p0 =	sne.s32 s0, $0x0;
	_ =	strace $0x90000056  }
0x5e: {  	s0 =	sadd.s32 @!p0 $0x100000, s2;
	[bflag:$0x2] =	sbarrier.arrive $0xFFFF  }
0x5f: {  	[sflag:s0] =	ssyncadd.tile.s32 @!p0 $0x1;
	_ =	shalt  }
.Lfunc_end2:
_tile_overlayer_lowered:
.L_overlay_start_2:
0x60: {  	(tag) =	ssettag $0x2  }
0x61: {  	s0 =	rddreg [dreg:$0x0];
	s2 =	stileid.u32  }
0x62: {  	s1 =	rddreg [dreg:$0x1];
	p0 =	sne.s32 s2, $0x0  }
0x63: {  	s3 =	rddreg [dreg:$0x2];
	[bflag:$0x3] =	sbarrier.arrive $0xFFFF;
	s2 =	simm.s32 @!p0 $0x1C01  }
0x64: {  	[timem:s3], [sflag:s2] =	dma.local @!p0 [hbm:s0], s1  }
0x65: {  	s0 =	simm.s32 @!p0 $0x1  }
0x66: {  	_ =	swait.ge @!p0 [sflag:s0], s1  }
0x67: {  	s1 =	ssub.s32 @!p0 $0x0, s1;
	[sflag:s0] =	ssyncset.done @!p0 $0x0  }
0x68: {  	[sflag:s0] =	ssyncadd.s32 @!p0 s1  }
0x69: {  	[bflag:$0x3] =	sbarrier.arrive $0xFFFF  }
0x6a: {  	_ =	shalt  }

// kernel: gather_offload_async_start.2
scs
__scs_entry_jumppad:
0x0: {  	(pc) =	sbr.rel $0x88, $3  }
0x1: {  	(tag) =	ssettag $0x0;
	lr =	simm.s32 $0x1  }
0x2: {  	[smem:$0x3F96] =	sst lr;
	_ =	strace $0xD0000000  }
0x3: {  	_ = 	snop  }
0x4: {  	_ = 	snop  }
0x5: {  	_ = 	snop  }
0x6: {  	_ = 	snop  }
0x7: {  	_ = 	snop  }
__scs_overlays_trampoline_lowered:
0x8: {  	[smem:$0x3FA5] =	sst s0  }
0x9: {  	[smem:$0x3FA6] =	sst s1  }
0xa: {  	[smem:$0x3FA7] =	sst s2  }
0xb: {  	[smem:$0x3FA8] =	sst s3  }
0xc: {  	[smem:$0x3FA9] =	sst s4  }
0xd: {  	[smem:$0x3FAA] =	sst s5  }
0xe: {  	[smem:$0x3FAB] =	sst s6  }
0xf: {  	[smem:$0x3FAC] =	sst s7  }
0x10: {  	[smem:$0x3FAD] =	sst s8  }
0x11: {  	[smem:$0x3FAE] =	sst s9;
	s0 =	simm.s32 @!p0 $0x0  }
0x12: {  	s1 =	sld [smem:$0x3F94];
	s0 =	simm.s32 @p0 $0x1  }
0x13: {  	[smem:$0x3FAF] =	sst s0;
	s0 =	simm.s32 @!p1 $0x0  }
0x14: {  	s2 =	sld [smem:$0x3F93];
	s0 =	simm.s32 @p1 $0x1  }
0x15: {  	[smem:$0x3FB0] =	sst s0;
	s0 =	simm.s32 @!p2 $0x0  }
0x16: {  	s3 =	sld [smem:$0x3FDB];
	s0 =	simm.s32 @p2 $0x1  }
0x17: {  	s4 =	simm.s32 $0x1BF5;
	[smem:$0x3FB2] =	sst s0  }
0x18: {  	s0 =	sld [smem:$0x3F95];
	_ =	swait.ge [sflag:s4], $0x0  }
0x19: {  	s7 =	sld [smem:$0x3F96]  }
0x1a: {  	s8 =	sadd.s32 $0xFFFFE003, lr  }
0x1b: {  	s9 =	sadd.s32 $0xFFFFFEF7, lr;
	s5 =	simm.s32 $0xFFFFFFFF;
	p2 =	slt.u32 s8, $0xFFFFF086  }
0x1c: {  	p1 =	slt.u32 s9, $0xF7A;
	s5 =	simm.s32 @!p2 $0x0  }
0x1d: {  	s5 =	simm.s32 @p1 $0x1;
	p0 =	seq.s32 s7, s2  }
0x1e: {  	s7 =	smul.u32 @!p0 $0xF7A, s2;
	p2 =	seq.s32 @!p0 s5, $0x0  }
0x1f: {  	s9 =	smul.u32 $0xF7A, s1;
	s8 =	simm.s32 @!p0 $0x1BF5;
	p2 =	por !p2, p0  }
0x20: {  	[sflag:s8] =	ssyncset.s32 @!p0 $0xFFFFF086;
	s6 =	sadd.s32 @!p0 s3, s7;
	s7 =	simm.s32 @!p0 $0x108  }
0x21: {  	s3 =	sadd.s32 s3, s9;
	s6 =	sadd.s32 @!p0 $0x88, s6;
	s7 =	simm.s32 @p2 $0x1082  }
0x22: {  	[simem:s7], [sflag:s8] =	dma.local @!p0 [hbm:s6], $0xF7A  }
0x23: {  	s9 =	sor.u32 $0xD0000000, s2;
	s6 =	simm.s32 $0x108;
	_ =	swait.ge @!p0 [sflag:s8], $0x0  }
0x24: {  	s3 =	sadd.s32 $0x88, s3;
	s6 =	simm.s32 @!p1 $0x1082;
	[sflag:s4] =	ssyncset.s32 $0xFFFFF086  }
0x25: {  	[simem:s6], [sflag:s4] =	dma.local [hbm:s3], $0xF7A  }
0x26: {  	[smem:$0x3F96] =	sst s1;
	(tag) =	ssettag s2;
	_ =	strace s9  }
0x27: {  	s1 =	sld [smem:$0x3FA6]  }
0x28: {  	s2 =	sld [smem:$0x3FA7]  }
0x29: {  	s4 =	sld [smem:$0x3FA9]  }
0x2a: {  	p0 =	seq.s32 s5, $0x0;
	s5 =	sld [smem:$0x3FAA]  }
0x2b: {  	s6 =	sld [smem:$0x3FAB]  }
0x2c: {  	s7 =	sld [smem:$0x3FAC]  }
0x2d: {  	s3 =	simm.s32 $0x108;
	s8 =	sld [smem:$0x3FAD]  }
0x2e: {  	s3 =	simm.s32 @!p0 $0x1082;
	s9 =	sld [smem:$0x3FAE]  }
0x2f: {  	lr =	sadd.s32 s0, s3;
	s0 =	sld [smem:$0x3FA5]  }
0x30: {  	s3 =	sld [smem:$0x3FA8]  }
0x31: {  	[smem:$0x3FB1] =	sst s10  }
0x32: {  	s10 =	sld [smem:$0x3FAF];
	_ =	sdelay $0x3  }
0x33: {  	p0 =	seq.s32 s10, $0x1;
	s10 =	sld [smem:$0x3FB1];
	_ =	sdelay $0x3  }
0x34: {  	[smem:$0x3FB1] =	sst s10  }
0x35: {  	s10 =	sld [smem:$0x3FB0];
	_ =	sdelay $0x3  }
0x36: {  	p1 =	seq.s32 s10, $0x1;
	s10 =	sld [smem:$0x3FB1];
	_ =	sdelay $0x3  }
0x37: {  	[smem:$0x3FB1] =	sst s10  }
0x38: {  	s10 =	sld [smem:$0x3FB2]  }
0x39: {  	_ = 	snop;
	(pc) =	sbr.ind lr, $3  }
0x3a: {  	_ = 	snop  }
0x3b: {  	_ = 	snop  }
0x3c: {  	p2 =	seq.s32 s10, $0x1;
	s10 =	sld [smem:$0x3FB1]  }
0x3d: {  	_ =	shalt  }
0x3e: {  	_ =	shalt  }
0x3f: {  	_ =	shalt  }
0x40: {  	_ =	shalt  }
0x41: {  	_ =	shalt  }
0x42: {  	_ =	shalt  }
0x43: {  	_ =	shalt  }
0x44: {  	_ =	shalt  }
0x45: {  	_ =	shalt  }
0x46: {  	_ =	shalt  }
0x47: {  	_ =	shalt  }
0x48: {  	_ =	shalt  }
0x49: {  	_ =	shalt  }
0x4a: {  	_ =	shalt  }
0x4b: {  	_ =	shalt  }
0x4c: {  	_ =	shalt  }
0x4d: {  	_ =	shalt  }
0x4e: {  	_ =	shalt  }
0x4f: {  	_ =	shalt  }
0x50: {  	_ =	shalt  }
0x51: {  	_ =	shalt  }
0x52: {  	_ =	shalt  }
0x53: {  	_ =	shalt  }
0x54: {  	_ =	shalt  }
0x55: {  	_ =	shalt  }
0x56: {  	_ =	shalt  }
0x57: {  	_ =	shalt  }
0x58: {  	_ =	shalt  }
0x59: {  	_ =	shalt  }
0x5a: {  	_ =	shalt  }
0x5b: {  	_ =	shalt  }
0x5c: {  	_ =	shalt  }
0x5d: {  	_ =	shalt  }
0x5e: {  	_ =	shalt  }
0x5f: {  	_ =	shalt  }
0x60: {  	_ =	shalt  }
0x61: {  	_ =	shalt  }
0x62: {  	_ =	shalt  }
0x63: {  	_ =	shalt  }
0x64: {  	_ =	shalt  }
0x65: {  	_ =	shalt  }
0x66: {  	_ =	shalt  }
0x67: {  	_ =	shalt  }
0x68: {  	_ =	shalt  }
0x69: {  	_ =	shalt  }
0x6a: {  	_ =	shalt  }
0x6b: {  	_ =	shalt  }
0x6c: {  	_ =	shalt  }
0x6d: {  	_ =	shalt  }
0x6e: {  	_ =	shalt  }
0x6f: {  	_ =	shalt  }
0x70: {  	_ =	shalt  }
0x71: {  	_ =	shalt  }
0x72: {  	_ =	shalt  }
0x73: {  	_ =	shalt  }
0x74: {  	_ =	shalt  }
0x75: {  	_ =	shalt  }
0x76: {  	_ =	shalt  }
0x77: {  	_ =	shalt  }
0x78: {  	_ =	shalt  }
0x79: {  	_ =	shalt  }
0x7a: {  	_ =	shalt  }
0x7b: {  	_ =	shalt  }
0x7c: {  	_ =	shalt  }
0x7d: {  	_ =	shalt  }
0x7e: {  	_ =	shalt  }
0x7f: {  	_ =	shalt  }
0x80: {  	_ =	shalt  }
0x81: {  	_ =	shalt  }
0x82: {  	_ =	shalt  }
0x83: {  	_ =	shalt  }
0x84: {  	_ =	shalt  }
0x85: {  	_ =	shalt  }
0x86: {  	_ =	shalt  }
0x87: {  	_ =	shalt  }
.Lfunc_end0:
.L_simem_size_0:
called_computation.3_lowered:
.L_overlay_start_0:
0x88: {  	s0 =	sld [smem:$0x3FD9]  }
0x89: {  	s1 =	sld [smem:$0x3FFE];
	_ =	sdelay $0x3  }
0x8a: {  	s0 =	sadd.s32 s1, s0  }
0x8b: {  	[smem:$0x3FBD] =	sst s0  }
0x8c: {  	_ = 	snop  }
0x8d: {  	s0 =	sld [smem:$0x3FD0];
	_ =	sdelay $0x2  }
0x8e: {  	s13 =	simm.s32 $0xA;
	s2 =	simm.s32 $0x10  }
0x8f: {  	[smem:s2], [sflag:s13] =	dma.local [hbm:s0], $0x1  }
0x90: {  	_ =	swait.eq [sflag:s13], $0x1  }
0x91: {  	[sflag:s13] =	ssyncset.done $0x0  }
0x92: {  	[sflag:s13] =	ssyncadd.s32 $0xFFFFFFFF  }
0x93: {  	s14 =	sld [smem:$0x11];
	(tm) =	ssettm $0x1  }
0x94: {  	s15 =	sld [smem:$0x3FFB];
	_ =	sdelay $0x3  }
0x95: {  	_ =	strace s15  }
0x96: {  	s1 =	sld [smem:$0x3FFC];
	_ =	sdelay $0x3  }
0x97: {  	_ =	strace s1  }
0x98: {  	s1 =	sld [smem:$0x3FFD];
	_ =	sdelay $0x3  }
0x99: {  	_ =	strace s1  }
0x9a: {  	_ =	strace $0x8FFFFFFF  }
0x9b: {  	s16 =	sld [smem:$0x3FDB];
	_ =	sdelay $0x1  }
0x9c: {  	s17 =	simm.s32 $_scs_section_size  }
0x9d: {  	s3 =	simm.s32 $_size__tile_overlayer_lowered;
	s4 =	simm.s32 $_tile_overlayer_lowered  }
0x9e: {  	s20 =	simm.s32 $0x1BFF;
	s19 =	sshll.u32 s4, $0x1;
	s1 =	sadd.s32 s17, s16  }
0x9f: {  	s5 =	simm.s32 $0x0;
	s18 =	sshll.u32 s3, $0x1;
	s3 =	sadd.s32 s19, s1  }
0xa0: {  	[timem:s5], [sflag:s20] =	dma.local [hbm:s3], s18  }
0xa1: {  	_ =	swait.ge [sflag:s20], s18  }
0xa2: {  	s2 =	ssub.s32 $0x0, s18;
	[sflag:s20] =	ssyncset.done $0x0  }
0xa3: {  	[sflag:s20] =	ssyncadd.s32 s2;
	_ =	sdelay $0x1  }
0xa4: {  	s21 =	simm.s32 $0x1B8B  }
0xa5: {  	_ =	swait.ge [sflag:s21], $0x1  }
0xa6: {  	[sflag:s21] =	ssyncset.done $0x0  }
0xa7: {  	s23 =	simm.s32 $0x1B8E;
	s22 =	sld [smem:$0x3FFE];
	[sflag:s21] =	ssyncadd.s32 $0xFFFFFFFF  }
0xa8: {  	s24 =	simm.s32 $execute0_lowered;
	[smem:$0x3FD2] =	sst s23  }
0xa9: {  	s3 =	sshll.u32 s24, $0x1;
	_ =	strace $0x80000058;
	[dreg:$0x1] =	wrdreg $0xFFFFFFFF  }
0xaa: {  	s25 =	simm.s32 $_size_execute0_lowered;
	s1 =	sadd.s32 s1, s3;
	[dreg:$0x0] =	wrdreg $0x0  }
0xab: {  	s3 =	sshll.u32 s25, $0x1;
	[dreg:$0x2] =	wrdreg s1  }
0xac: {  	[dreg:$0x3] =	wrdreg s3  }
0xad: {  	[dreg:$0x4] =	wrdreg $0xC0  }
0xae: {  	_ =	task [dreg:s5], $0x5FFFF  }
0xaf: {  	[dreg:$0x1] =	wrdreg $0xFFFFFFFF  }
0xb0: {  	[dreg:$0x0] =	wrdreg $0x60  }
0xb1: {  	[dreg:$0x2] =	wrdreg s22  }
0xb2: {  	[dreg:$0x3] =	wrdreg s14  }
0xb3: {  	[dreg:$0x4] =	wrdreg $0x9  }
0xb4: {  	_ =	task.clear_ibuf [dreg:s5], $0x5FFFF;
	_ =	strace $0x90000058  }
0xb5: {  	s26 =	simm.s32 $0x9;
	_ =	strace $0x8000005A  }
0xb6: {  	_ =	swait.ge [sflag:s26], $0x1  }
0xb7: {  	[sflag:s26] =	ssyncadd.s32 $0xFFFFFFFF  }
0xb8: {  	_ =	strace $0x9000005A  }
0xb9: {  	_ =	sfence  }
0xba: {  	s28 =	sld [smem:$0x0];
	_ =	sdelay $0x1  }
0xbb: {  	s29 =	srdreg.scid  }
0xbc: {  	s30 =	sshll.u32 s29, $0xD;
	s31 =	sshrl.u32 s29, $0x2  }
0xbd: {  	s2 =	sand.u32 $0x4000, s30;
	s1 =	sand.u32 $0x1, s29;
	s0 =	sadd.s32 s31, s28  }
0xbe: {  	s1 =	sor.u32 s2, s1;
	s0 =	sshll.u32 s0, $0x11  }
0xbf: {  	s0 =	sor.u32 s0, s1  }
0xc0: {  	s0 =	sadd.s32 $0x8F2B, s0  }
0xc1: {  	[sflag:s0] =	ssyncadd.remote.s32 $0x1  }
0xc2: {  	_ =	sfence.sel $0xFFFF  }
0xc3: {  	[dreg:$0x0] =	wrdreg $0xFFFFFFFF;
	(pc) =	sbr.abs _section_cstart, $3  }
0xc4: {  	[dreg:$0x1] =	wrdreg $0xFFFFFFFF  }
0xc5: {  	_ =	task.clear_ibuf [dreg:s5], $0x2FFFF;
	_ =	strace $0x9FFFFFFF  }
0xc6: {  	(tm) =	ssettm $0x7FFFFFFF  }
0xc7: {  	_ =	shalt  }
tec
execute0_lowered:
.L_overlay_start_1:
0x0: {  	(tag) =	ssettag $0x1  }
0x1: {  	s0 =	stileid.u32  }
0x2: {  	s1 =	smin.u32 s0, $0x9  }
0x3: {  	s1 =	sadd.s32 s0, s1  }
0x4: {  	s2 =	simm.s32 $0x320;
	p0 =	slt.u32 s0, $0x9;
	s1 =	smul.u32 $0x190, s1  }
0x5: {  	s2 =	simm.s32 @!p0 $0x190  }
0x6: {  	s2 =	sadd.s32 s2, s1  }
0x7: {  	s3 =	smin.u32 s2, $0x2710  }
0x8: {  	s7 =	ssub.s32 s3, s1  }
0x9: {  	p0 =	sgt.s32 s7, $0x0  }
0xa: {  	s7 =	simm.s32 @!p0 $0x0  }
0xb: {  	s31 =	sand.u32 $0xFFF0, s7  }
0xc: {  	s2 =	sshrl.u32 s31, $0x4  }
0xd: {  	s4 =	rddreg [dreg:$0x0];
	s2 =	smul.u32 $0xA3E, s2  }
0xe: {  	s5 =	rddreg [dreg:$0x1]  }
0xf: {  	s6 =	simm.s32 $0x1;
	s10 =	simm.s32 $0x3;
	s8 =	sshrl.u32 s2, $0x10  }
0x10: {  	s13 =	simm.s32 $0x0;
	s12 =	simm.s32 $0x0;
	s9 =	smul.u32 $0x190, s8  }
.Ltmp0:
0x11: {  	s11 =	smov.u32 s1;
	s2 =	rddreg [dreg:$0x2];
	(pc) =	sbr.rel .LBB2_1-.Ltmp0, $4  }
0x12: {  	_ =	strace $0x80000059;
	p0 =	sne.s32 s7, s9;
	s9 =	simm.s32 $0x1  }
0x13: {  	[sflag:s6] =	ssyncpa.u1 $0x0;
	s7 =	simm.s32 $0x2;
	s9 =	simm.s32 @!p0 $0x0  }
0x14: {  	[sflag:s7] =	ssyncpa.u1 $0x0;
	p0 =	por $0x0, $0x0;
	s8 =	sadd.s32 s8, s9  }
0x15: {  	vm0 =	vmmov $0xff;
	vm1 =	vcmask $0x3F20;
	s9 =	sadd.s32 $0x87000, s4;
	[sflag:s10] =	ssyncpa.u1 $0x0;
	s10 =	sadd.s32 $0x1, s8  }
.LBB2_6:
0x16: {  	[hbm:s17] =	stream.linear.scatter [tilespmem:s14], [sflag:$0x3], $0x400, $0x38;
	[tilespmem:$0x19320] =	vst v63  }
.LBB2_7:
0x17: {  	s13 =	sadd.s32 $0x190, s11  }
0x18: {  	s15 =	smov.u32 s1;
	p2 =	slt.s32 s13, s3  }
0x19: {  	s15 =	smov.u32 @p2 s13;
	p2 =	sne.s32 s12, s10  }
.Ltmp1:
0x1a: {  	p1 =	slt.u32 s12, $0x2;
	(pc) =	sbr.rel @!p2 .LBB2_8-.Ltmp1, $4  }
0x1b: {  	s14 =	simm.s32 @!p1 $0x3  }
0x1c: {  	s16 =	sadd.s32 $0x1, s12;
	_ =	swait.ge @!p1 [sflag:s14], $0xC800  }
0x1d: {  	p0 =	por !p0, !p0;
	s13 =	smov.u32 s11;
	[sflag:s14] =	ssyncset.done @!p1 $0x0  }
0x1e: {  	s12 =	smov.u32 s16;
	s11 =	smov.u32 s15;
	[sflag:s14] =	ssyncadd.s32 @!p1 $0xFFFF3800  }
.LBB2_1:
0x1f: {  	p1 =	sge.u32 s12, s8  }
0x20: {  	s14 =	sxor.u32 @!p1 $0xFFFFFFFF, s12  }
0x21: {  	s14 =	sand.u32 @!p1 $0x1, s14  }
0x22: {  	s14 =	smul.u32 @!p1 $0x640, s14  }
0x23: {  	s31 =	sadd.s32 $0xFFFFFFFF, s12;
	s15 =	sshrl.u32 @!p1 s11, $0x3  }
0x24: {  	s16 =	sand.u32 @!p1 $0x7, s11;
	s15 =	sadd.s32 @!p1 s5, s15;
	s14 =	sshrl.u32 @!p1 s14, $0x2  }
0x25: {  	[tilespmem:s14], [sflag:$0x2] =	stream.linear.gather @!p1 [hbm4b:s15+s16], $0x190, $0x38;
	[tilespmem:$0x19320] =	vst v63  }
0x26: {  	p1 =	sge.u32 s31, s8  }
.Ltmp2:
0x27: {  	_ = 	snop;
	(pc) =	sbr.rel @p1 .LBB2_7-.Ltmp2, $1  }
0x28: {  	_ =	sdelay $0x3  }
0x29: {  	s14 =	simm.s32 $0x1  }
0x2a: {  	s14 =	simm.s32 @!p0 $0x0  }
0x2b: {  	s15 =	smul.u32 $0x640, s14  }
0x2c: {  	_ =	swait.ge [sflag:s7], $0x190  }
0x2d: {  	[sflag:s7] =	ssyncset.done $0x0;
	s16 =	sshrl.u32 s15, $0x2  }
0x2e: {  	[sflag:s7] =	ssyncadd.s32 $0xFFFFFE70;
	s15 =	sadd.s32 $0x0, s16  }
0x2f: {  	v0 =	vld.msk [tilespmem:s15+$0x0 ss:$0x1], $0xffff;
	_ =	sdelay $0x4  }
0x30: {  	vm2 =	vgt.s32 v0, $0x0  }
0x31: {  	v0 =	vnsel vm2, $0x0, v0  }
0x32: {  	v0 =	vmin.u32 v0, $0x270F  }
0x33: {  	v0 =	vshll.u32 v0, $0x4  }
0x34: {  	s14 =	smul.u32 $0x32000, s14;
	_ =	sdelay $0x1  }
0x35: {  	s14 =	sshrl.u32 s14, $0x2  }
0x36: {  	s14 =	sor.u32 $0x320, s14  }
0x37: {  	[tilespmem:s14], [sflag:$0x1] =	stream.indirect_vreg.gather [hbm:s9], $0x80, v0, vm0, $0x38;
	[tilespmem:$0x19320] =	vst v63  }
0x38: {  	s17 =	sadd.s32 $0x10, s16;
	s15 =	sadd.s32 $0x400, s14  }
0x39: {  	[tilespmem:s15], [sflag:$0x1] =	stream.indirect_vreg.gather [hbm:s9], $0x80, v0, vm1, $0x38;
	[tilespmem:$0x19320] =	vst v63  }
0x3a: {  	s18 =	simm.s32 $0x80;
	v0 =	vld.msk [tilespmem:s17+$0x0 ss:$0x1], $0xffff;
	s17 =	smov.u32 s14  }
.LBB2_3:
0x3b: {  	p1 =	sne.s32 s18, $0x600;
	_ =	sdelay $0x4  }
0x3c: {  	vm2 =	vgt.s32 v0, $0x0  }
0x3d: {  	v0 =	vnsel vm2, $0x0, v0  }
0x3e: {  	v0 =	vmin.u32 v0, $0x270F  }
0x3f: {  	v0 =	vshll.u32 v0, $0x4;
	_ =	sdelay $0x3  }
.Ltmp3:
0x40: {  	s19 =	sshra.s32 s18, $0x2;
	s17 =	sadd.s32 $0x800, s17;
	(pc) =	sbr.rel @p1 .LBB2_3-.Ltmp3, $4  }
0x41: {  	[tilespmem:s17], [sflag:$0x1] =	stream.indirect_vreg.gather [hbm:s9], $0x80, v0, vm0, $0x38;
	[tilespmem:$0x19320] =	vst v63  }
0x42: {  	s19 =	sadd.s32 s19, s16;
	s20 =	sadd.s32 $0x400, s17  }
0x43: {  	[tilespmem:s20], [sflag:$0x1] =	stream.indirect_vreg.gather [hbm:s9], $0x80, v0, vm1, $0x38;
	[tilespmem:$0x19320] =	vst v63  }
0x44: {  	s18 =	sadd.s32 $0x40, s18;
	v0 =	vld.msk [tilespmem:s19+$0x0 ss:$0x1], $0xffff  }
0x45: {  	_ =	sdelay $0x3  }
0x46: {  	vm2 =	vgt.s32 v0, $0x0  }
0x47: {  	v0 =	vnsel vm2, $0x0, v0  }
0x48: {  	v0 =	vmin.u32 v0, $0x270F  }
0x49: {  	v0 =	vshll.u32 v0, $0x4;
	_ =	sdelay $0x3  }
0x4a: {  	s16 =	sadd.s32 $0x800, s17  }
0x4b: {  	[tilespmem:s16], [sflag:$0x1] =	stream.indirect_vreg.gather [hbm:s9], $0x80, v0, vm0, $0x38;
	[tilespmem:$0x19320] =	vst v63  }
0x4c: {  	s16 =	sadd.s32 $0x400, s16  }
0x4d: {  	[tilespmem:s16], [sflag:$0x1] =	stream.indirect_vreg.gather [hbm:s9], $0x80, v0, vm1, $0x38;
	[tilespmem:$0x19320] =	vst v63  }
0x4e: {  	s13 =	sshll.u32 s13, $0x4;
	_ =	swait.ge [sflag:s6], $0xC800  }
0x4f: {  	s13 =	sadd.s32 s13, s4;
	[sflag:s6] =	ssyncset.done $0x0  }
0x50: {  	s17 =	sadd.s32 $0x0, s13;
	s16 =	simm.s32 $0x80;
	[sflag:s6] =	ssyncadd.s32 $0xFFFF3800  }
.LBB2_5:
0x51: {  	[hbm:s17] =	stream.linear.scatter [tilespmem:s14], [sflag:$0x3], $0x400, $0x38;
	[tilespmem:$0x19320] =	vst v63  }
0x52: {  	s17 =	smov.u32 s16;
	s14 =	smov.u32 s15;
	p1 =	sne.s32 s16, $0x1880  }
.Ltmp4:
0x53: {  	s16 =	sadd.s32 $0x80, s16;
	(pc) =	sbr.rel @p1 .LBB2_5-.Ltmp4, $2  }
0x54: {  	_ =	sdelay $0x2  }
0x55: {  	s15 =	sadd.s32 $0x400, s15;
	s17 =	sadd.s32 s17, s13  }
.Ltmp5:
0x56: {  	_ = 	snop;
	(pc) =	sbr.rel .LBB2_6-.Ltmp5, $1  }
0x57: {  	_ =	sdelay $0x3  }
.LBB2_8:
0x58: {  	_ =	sfence.sel $0x180000  }
0x59: {  	s1 =	simm.s32 $0x2;
	[bflag:$0x0] =	sbarrier.arrive $0xFFFF  }
0x5a: {  	s30 =	simm.s32 $0x3;
	[sflag:s1] =	ssyncpa.u1 $0x1  }
0x5b: {  	s31 =	simm.s32 $0x1;
	[sflag:s30] =	ssyncpa.u1 $0x1  }
0x5c: {  	[sflag:s31] =	ssyncpa.u1 $0x1  }
0x5d: {  	p0 =	sne.s32 s0, $0x0;
	_ =	strace $0x90000059  }
0x5e: {  	s0 =	sadd.s32 @!p0 $0x100000, s2;
	[bflag:$0x2] =	sbarrier.arrive $0xFFFF  }
0x5f: {  	[sflag:s0] =	ssyncadd.tile.s32 @!p0 $0x1;
	_ =	shalt  }
.Lfunc_end2:
_tile_overlayer_lowered:
.L_overlay_start_2:
0x60: {  	(tag) =	ssettag $0x2  }
0x61: {  	s0 =	rddreg [dreg:$0x0];
	s2 =	stileid.u32  }
0x62: {  	s1 =	rddreg [dreg:$0x1];
	p0 =	sne.s32 s2, $0x0  }
0x63: {  	s3 =	rddreg [dreg:$0x2];
	[bflag:$0x3] =	sbarrier.arrive $0xFFFF;
	s2 =	simm.s32 @!p0 $0x1C01  }
0x64: {  	[timem:s3], [sflag:s2] =	dma.local @!p0 [hbm:s0], s1  }
0x65: {  	s0 =	simm.s32 @!p0 $0x1  }
0x66: {  	_ =	swait.ge @!p0 [sflag:s0], s1  }
0x67: {  	s1 =	ssub.s32 @!p0 $0x0, s1;
	[sflag:s0] =	ssyncset.done @!p0 $0x0  }
0x68: {  	[sflag:s0] =	ssyncadd.s32 @!p0 s1  }
0x69: {  	[bflag:$0x3] =	sbarrier.arrive $0xFFFF  }
0x6a: {  	_ =	shalt  }

// kernel: gather_offload_async_start.3
scs
__scs_entry_jumppad:
0x0: {  	(pc) =	sbr.rel $0x88, $3  }
0x1: {  	(tag) =	ssettag $0x0;
	lr =	simm.s32 $0x1  }
0x2: {  	[smem:$0x3F96] =	sst lr;
	_ =	strace $0xD0000000  }
0x3: {  	_ = 	snop  }
0x4: {  	_ = 	snop  }
0x5: {  	_ = 	snop  }
0x6: {  	_ = 	snop  }
0x7: {  	_ = 	snop  }
__scs_overlays_trampoline_lowered:
0x8: {  	[smem:$0x3FA5] =	sst s0  }
0x9: {  	[smem:$0x3FA6] =	sst s1  }
0xa: {  	[smem:$0x3FA7] =	sst s2  }
0xb: {  	[smem:$0x3FA8] =	sst s3  }
0xc: {  	[smem:$0x3FA9] =	sst s4  }
0xd: {  	[smem:$0x3FAA] =	sst s5  }
0xe: {  	[smem:$0x3FAB] =	sst s6  }
0xf: {  	[smem:$0x3FAC] =	sst s7  }
0x10: {  	[smem:$0x3FAD] =	sst s8  }
0x11: {  	[smem:$0x3FAE] =	sst s9;
	s0 =	simm.s32 @!p0 $0x0  }
0x12: {  	s1 =	sld [smem:$0x3F94];
	s0 =	simm.s32 @p0 $0x1  }
0x13: {  	[smem:$0x3FAF] =	sst s0;
	s0 =	simm.s32 @!p1 $0x0  }
0x14: {  	s2 =	sld [smem:$0x3F93];
	s0 =	simm.s32 @p1 $0x1  }
0x15: {  	[smem:$0x3FB0] =	sst s0;
	s0 =	simm.s32 @!p2 $0x0  }
0x16: {  	s3 =	sld [smem:$0x3FDB];
	s0 =	simm.s32 @p2 $0x1  }
0x17: {  	s4 =	simm.s32 $0x1BF5;
	[smem:$0x3FB2] =	sst s0  }
0x18: {  	s0 =	sld [smem:$0x3F95];
	_ =	swait.ge [sflag:s4], $0x0  }
0x19: {  	s7 =	sld [smem:$0x3F96]  }
0x1a: {  	s8 =	sadd.s32 $0xFFFFE003, lr  }
0x1b: {  	s9 =	sadd.s32 $0xFFFFFEF7, lr;
	s5 =	simm.s32 $0xFFFFFFFF;
	p2 =	slt.u32 s8, $0xFFFFF086  }
0x1c: {  	p1 =	slt.u32 s9, $0xF7A;
	s5 =	simm.s32 @!p2 $0x0  }
0x1d: {  	s5 =	simm.s32 @p1 $0x1;
	p0 =	seq.s32 s7, s2  }
0x1e: {  	s7 =	smul.u32 @!p0 $0xF7A, s2;
	p2 =	seq.s32 @!p0 s5, $0x0  }
0x1f: {  	s9 =	smul.u32 $0xF7A, s1;
	s8 =	simm.s32 @!p0 $0x1BF5;
	p2 =	por !p2, p0  }
0x20: {  	[sflag:s8] =	ssyncset.s32 @!p0 $0xFFFFF086;
	s6 =	sadd.s32 @!p0 s3, s7;
	s7 =	simm.s32 @!p0 $0x108  }
0x21: {  	s3 =	sadd.s32 s3, s9;
	s6 =	sadd.s32 @!p0 $0x88, s6;
	s7 =	simm.s32 @p2 $0x1082  }
0x22: {  	[simem:s7], [sflag:s8] =	dma.local @!p0 [hbm:s6], $0xF7A  }
0x23: {  	s9 =	sor.u32 $0xD0000000, s2;
	s6 =	simm.s32 $0x108;
	_ =	swait.ge @!p0 [sflag:s8], $0x0  }
0x24: {  	s3 =	sadd.s32 $0x88, s3;
	s6 =	simm.s32 @!p1 $0x1082;
	[sflag:s4] =	ssyncset.s32 $0xFFFFF086  }
0x25: {  	[simem:s6], [sflag:s4] =	dma.local [hbm:s3], $0xF7A  }
0x26: {  	[smem:$0x3F96] =	sst s1;
	(tag) =	ssettag s2;
	_ =	strace s9  }
0x27: {  	s1 =	sld [smem:$0x3FA6]  }
0x28: {  	s2 =	sld [smem:$0x3FA7]  }
0x29: {  	s4 =	sld [smem:$0x3FA9]  }
0x2a: {  	p0 =	seq.s32 s5, $0x0;
	s5 =	sld [smem:$0x3FAA]  }
0x2b: {  	s6 =	sld [smem:$0x3FAB]  }
0x2c: {  	s7 =	sld [smem:$0x3FAC]  }
0x2d: {  	s3 =	simm.s32 $0x108;
	s8 =	sld [smem:$0x3FAD]  }
0x2e: {  	s3 =	simm.s32 @!p0 $0x1082;
	s9 =	sld [smem:$0x3FAE]  }
0x2f: {  	lr =	sadd.s32 s0, s3;
	s0 =	sld [smem:$0x3FA5]  }
0x30: {  	s3 =	sld [smem:$0x3FA8]  }
0x31: {  	[smem:$0x3FB1] =	sst s10  }
0x32: {  	s10 =	sld [smem:$0x3FAF];
	_ =	sdelay $0x3  }
0x33: {  	p0 =	seq.s32 s10, $0x1;
	s10 =	sld [smem:$0x3FB1];
	_ =	sdelay $0x3  }
0x34: {  	[smem:$0x3FB1] =	sst s10  }
0x35: {  	s10 =	sld [smem:$0x3FB0];
	_ =	sdelay $0x3  }
0x36: {  	p1 =	seq.s32 s10, $0x1;
	s10 =	sld [smem:$0x3FB1];
	_ =	sdelay $0x3  }
0x37: {  	[smem:$0x3FB1] =	sst s10  }
0x38: {  	s10 =	sld [smem:$0x3FB2]  }
0x39: {  	_ = 	snop;
	(pc) =	sbr.ind lr, $3  }
0x3a: {  	_ = 	snop  }
0x3b: {  	_ = 	snop  }
0x3c: {  	p2 =	seq.s32 s10, $0x1;
	s10 =	sld [smem:$0x3FB1]  }
0x3d: {  	_ =	shalt  }
0x3e: {  	_ =	shalt  }
0x3f: {  	_ =	shalt  }
0x40: {  	_ =	shalt  }
0x41: {  	_ =	shalt  }
0x42: {  	_ =	shalt  }
0x43: {  	_ =	shalt  }
0x44: {  	_ =	shalt  }
0x45: {  	_ =	shalt  }
0x46: {  	_ =	shalt  }
0x47: {  	_ =	shalt  }
0x48: {  	_ =	shalt  }
0x49: {  	_ =	shalt  }
0x4a: {  	_ =	shalt  }
0x4b: {  	_ =	shalt  }
0x4c: {  	_ =	shalt  }
0x4d: {  	_ =	shalt  }
0x4e: {  	_ =	shalt  }
0x4f: {  	_ =	shalt  }
0x50: {  	_ =	shalt  }
0x51: {  	_ =	shalt  }
0x52: {  	_ =	shalt  }
0x53: {  	_ =	shalt  }
0x54: {  	_ =	shalt  }
0x55: {  	_ =	shalt  }
0x56: {  	_ =	shalt  }
0x57: {  	_ =	shalt  }
0x58: {  	_ =	shalt  }
0x59: {  	_ =	shalt  }
0x5a: {  	_ =	shalt  }
0x5b: {  	_ =	shalt  }
0x5c: {  	_ =	shalt  }
0x5d: {  	_ =	shalt  }
0x5e: {  	_ =	shalt  }
0x5f: {  	_ =	shalt  }
0x60: {  	_ =	shalt  }
0x61: {  	_ =	shalt  }
0x62: {  	_ =	shalt  }
0x63: {  	_ =	shalt  }
0x64: {  	_ =	shalt  }
0x65: {  	_ =	shalt  }
0x66: {  	_ =	shalt  }
0x67: {  	_ =	shalt  }
0x68: {  	_ =	shalt  }
0x69: {  	_ =	shalt  }
0x6a: {  	_ =	shalt  }
0x6b: {  	_ =	shalt  }
0x6c: {  	_ =	shalt  }
0x6d: {  	_ =	shalt  }
0x6e: {  	_ =	shalt  }
0x6f: {  	_ =	shalt  }
0x70: {  	_ =	shalt  }
0x71: {  	_ =	shalt  }
0x72: {  	_ =	shalt  }
0x73: {  	_ =	shalt  }
0x74: {  	_ =	shalt  }
0x75: {  	_ =	shalt  }
0x76: {  	_ =	shalt  }
0x77: {  	_ =	shalt  }
0x78: {  	_ =	shalt  }
0x79: {  	_ =	shalt  }
0x7a: {  	_ =	shalt  }
0x7b: {  	_ =	shalt  }
0x7c: {  	_ =	shalt  }
0x7d: {  	_ =	shalt  }
0x7e: {  	_ =	shalt  }
0x7f: {  	_ =	shalt  }
0x80: {  	_ =	shalt  }
0x81: {  	_ =	shalt  }
0x82: {  	_ =	shalt  }
0x83: {  	_ =	shalt  }
0x84: {  	_ =	shalt  }
0x85: {  	_ =	shalt  }
0x86: {  	_ =	shalt  }
0x87: {  	_ =	shalt  }
.Lfunc_end0:
.L_simem_size_0:
called_computation.4_lowered:
.L_overlay_start_0:
0x88: {  	s0 =	sld [smem:$0x3FD9]  }
0x89: {  	s1 =	sld [smem:$0x3FFE];
	_ =	sdelay $0x3  }
0x8a: {  	s0 =	sadd.s32 s1, s0  }
0x8b: {  	[smem:$0x3FBD] =	sst s0  }
0x8c: {  	_ = 	snop  }
0x8d: {  	s0 =	sld [smem:$0x3FD0];
	_ =	sdelay $0x2  }
0x8e: {  	s13 =	simm.s32 $0xA;
	s2 =	simm.s32 $0x10  }
0x8f: {  	[smem:s2], [sflag:s13] =	dma.local [hbm:s0], $0x1  }
0x90: {  	_ =	swait.eq [sflag:s13], $0x1  }
0x91: {  	[sflag:s13] =	ssyncset.done $0x0  }
0x92: {  	[sflag:s13] =	ssyncadd.s32 $0xFFFFFFFF  }
0x93: {  	s14 =	sld [smem:$0x11];
	(tm) =	ssettm $0x1  }
0x94: {  	s15 =	sld [smem:$0x3FFB];
	_ =	sdelay $0x3  }
0x95: {  	_ =	strace s15  }
0x96: {  	s1 =	sld [smem:$0x3FFC];
	_ =	sdelay $0x3  }
0x97: {  	_ =	strace s1  }
0x98: {  	s1 =	sld [smem:$0x3FFD];
	_ =	sdelay $0x3  }
0x99: {  	_ =	strace s1  }
0x9a: {  	_ =	strace $0x8FFFFFFF  }
0x9b: {  	s16 =	sld [smem:$0x3FDB];
	_ =	sdelay $0x1  }
0x9c: {  	s17 =	simm.s32 $_scs_section_size  }
0x9d: {  	s3 =	simm.s32 $_size__tile_overlayer_lowered;
	s4 =	simm.s32 $_tile_overlayer_lowered  }
0x9e: {  	s20 =	simm.s32 $0x1BFF;
	s19 =	sshll.u32 s4, $0x1;
	s1 =	sadd.s32 s17, s16  }
0x9f: {  	s5 =	simm.s32 $0x0;
	s18 =	sshll.u32 s3, $0x1;
	s3 =	sadd.s32 s19, s1  }
0xa0: {  	[timem:s5], [sflag:s20] =	dma.local [hbm:s3], s18  }
0xa1: {  	_ =	swait.ge [sflag:s20], s18  }
0xa2: {  	s2 =	ssub.s32 $0x0, s18;
	[sflag:s20] =	ssyncset.done $0x0  }
0xa3: {  	[sflag:s20] =	ssyncadd.s32 s2;
	_ =	sdelay $0x1  }
0xa4: {  	s21 =	simm.s32 $0x1B8B  }
0xa5: {  	_ =	swait.ge [sflag:s21], $0x1  }
0xa6: {  	[sflag:s21] =	ssyncset.done $0x0  }
0xa7: {  	s23 =	simm.s32 $0x1B8E;
	s22 =	sld [smem:$0x3FFE];
	[sflag:s21] =	ssyncadd.s32 $0xFFFFFFFF  }
0xa8: {  	s24 =	simm.s32 $execute0_lowered;
	[smem:$0x3FD2] =	sst s23  }
0xa9: {  	s3 =	sshll.u32 s24, $0x1;
	_ =	strace $0x8000005B;
	[dreg:$0x1] =	wrdreg $0xFFFFFFFF  }
0xaa: {  	s25 =	simm.s32 $_size_execute0_lowered;
	s1 =	sadd.s32 s1, s3;
	[dreg:$0x0] =	wrdreg $0x0  }
0xab: {  	s3 =	sshll.u32 s25, $0x1;
	[dreg:$0x2] =	wrdreg s1  }
0xac: {  	[dreg:$0x3] =	wrdreg s3  }
0xad: {  	[dreg:$0x4] =	wrdreg $0xC0  }
0xae: {  	_ =	task [dreg:s5], $0x5FFFF  }
0xaf: {  	[dreg:$0x1] =	wrdreg $0xFFFFFFFF  }
0xb0: {  	[dreg:$0x0] =	wrdreg $0x60  }
0xb1: {  	[dreg:$0x2] =	wrdreg s22  }
0xb2: {  	[dreg:$0x3] =	wrdreg s14  }
0xb3: {  	[dreg:$0x4] =	wrdreg $0x9  }
0xb4: {  	_ =	task.clear_ibuf [dreg:s5], $0x5FFFF;
	_ =	strace $0x9000005B  }
0xb5: {  	s26 =	simm.s32 $0x9;
	_ =	strace $0x8000005D  }
0xb6: {  	_ =	swait.ge [sflag:s26], $0x1  }
0xb7: {  	[sflag:s26] =	ssyncadd.s32 $0xFFFFFFFF  }
0xb8: {  	_ =	strace $0x9000005D  }
0xb9: {  	_ =	sfence  }
0xba: {  	s28 =	sld [smem:$0x0];
	_ =	sdelay $0x1  }
0xbb: {  	s29 =	srdreg.scid  }
0xbc: {  	s30 =	sshll.u32 s29, $0xD;
	s31 =	sshrl.u32 s29, $0x2  }
0xbd: {  	s2 =	sand.u32 $0x4000, s30;
	s1 =	sand.u32 $0x1, s29;
	s0 =	sadd.s32 s31, s28  }
0xbe: {  	s1 =	sor.u32 s2, s1;
	s0 =	sshll.u32 s0, $0x11  }
0xbf: {  	s0 =	sor.u32 s0, s1  }
0xc0: {  	s0 =	sadd.s32 $0x8F2B, s0  }
0xc1: {  	[sflag:s0] =	ssyncadd.remote.s32 $0x1  }
0xc2: {  	_ =	sfence.sel $0xFFFF  }
0xc3: {  	[dreg:$0x0] =	wrdreg $0xFFFFFFFF;
	(pc) =	sbr.abs _section_cstart, $3  }
0xc4: {  	[dreg:$0x1] =	wrdreg $0xFFFFFFFF  }
0xc5: {  	_ =	task.clear_ibuf [dreg:s5], $0x2FFFF;
	_ =	strace $0x9FFFFFFF  }
0xc6: {  	(tm) =	ssettm $0x7FFFFFFF  }
0xc7: {  	_ =	shalt  }
tec
execute0_lowered:
.L_overlay_start_1:
0x0: {  	(tag) =	ssettag $0x1  }
0x1: {  	s0 =	stileid.u32  }
0x2: {  	s1 =	smin.u32 s0, $0x9  }
0x3: {  	s1 =	sadd.s32 s0, s1  }
0x4: {  	s2 =	simm.s32 $0x320;
	p0 =	slt.u32 s0, $0x9;
	s1 =	smul.u32 $0x190, s1  }
0x5: {  	s2 =	simm.s32 @!p0 $0x190  }
0x6: {  	s2 =	sadd.s32 s2, s1  }
0x7: {  	s3 =	smin.u32 s2, $0x2710  }
0x8: {  	s7 =	ssub.s32 s3, s1  }
0x9: {  	p0 =	sgt.s32 s7, $0x0  }
0xa: {  	s7 =	simm.s32 @!p0 $0x0  }
0xb: {  	s31 =	sand.u32 $0xFFF0, s7  }
0xc: {  	s2 =	sshrl.u32 s31, $0x4  }
0xd: {  	s4 =	rddreg [dreg:$0x0];
	s2 =	smul.u32 $0xA3E, s2  }
0xe: {  	s5 =	rddreg [dreg:$0x1]  }
0xf: {  	s6 =	simm.s32 $0x1;
	s10 =	simm.s32 $0x3;
	s8 =	sshrl.u32 s2, $0x10  }
0x10: {  	s13 =	simm.s32 $0x0;
	s12 =	simm.s32 $0x0;
	s9 =	smul.u32 $0x190, s8  }
.Ltmp0:
0x11: {  	s11 =	smov.u32 s1;
	s2 =	rddreg [dreg:$0x2];
	(pc) =	sbr.rel .LBB2_1-.Ltmp0, $4  }
0x12: {  	_ =	strace $0x8000005C;
	p0 =	sne.s32 s7, s9;
	s9 =	simm.s32 $0x1  }
0x13: {  	[sflag:s6] =	ssyncpa.u1 $0x0;
	s7 =	simm.s32 $0x2;
	s9 =	simm.s32 @!p0 $0x0  }
0x14: {  	[sflag:s7] =	ssyncpa.u1 $0x0;
	p0 =	por $0x0, $0x0;
	s8 =	sadd.s32 s8, s9  }
0x15: {  	vm0 =	vmmov $0xff;
	vm1 =	vcmask $0x3F20;
	s9 =	sadd.s32 $0x87000, s4;
	[sflag:s10] =	ssyncpa.u1 $0x0;
	s10 =	sadd.s32 $0x1, s8  }
.LBB2_6:
0x16: {  	[hbm:s17] =	stream.linear.scatter [tilespmem:s14], [sflag:$0x3], $0x400, $0x38;
	[tilespmem:$0x19320] =	vst v63  }
.LBB2_7:
0x17: {  	s13 =	sadd.s32 $0x190, s11  }
0x18: {  	s15 =	smov.u32 s1;
	p2 =	slt.s32 s13, s3  }
0x19: {  	s15 =	smov.u32 @p2 s13;
	p2 =	sne.s32 s12, s10  }
.Ltmp1:
0x1a: {  	p1 =	slt.u32 s12, $0x2;
	(pc) =	sbr.rel @!p2 .LBB2_8-.Ltmp1, $4  }
0x1b: {  	s14 =	simm.s32 @!p1 $0x3  }
0x1c: {  	s16 =	sadd.s32 $0x1, s12;
	_ =	swait.ge @!p1 [sflag:s14], $0xC800  }
0x1d: {  	p0 =	por !p0, !p0;
	s13 =	smov.u32 s11;
	[sflag:s14] =	ssyncset.done @!p1 $0x0  }
0x1e: {  	s12 =	smov.u32 s16;
	s11 =	smov.u32 s15;
	[sflag:s14] =	ssyncadd.s32 @!p1 $0xFFFF3800  }
.LBB2_1:
0x1f: {  	p1 =	sge.u32 s12, s8  }
0x20: {  	s14 =	sxor.u32 @!p1 $0xFFFFFFFF, s12  }
0x21: {  	s14 =	sand.u32 @!p1 $0x1, s14  }
0x22: {  	s14 =	smul.u32 @!p1 $0x640, s14  }
0x23: {  	s31 =	sadd.s32 $0xFFFFFFFF, s12;
	s15 =	sshrl.u32 @!p1 s11, $0x3  }
0x24: {  	s16 =	sand.u32 @!p1 $0x7, s11;
	s15 =	sadd.s32 @!p1 s5, s15;
	s14 =	sshrl.u32 @!p1 s14, $0x2  }
0x25: {  	[tilespmem:s14], [sflag:$0x2] =	stream.linear.gather @!p1 [hbm4b:s15+s16], $0x190, $0x38;
	[tilespmem:$0x19320] =	vst v63  }
0x26: {  	p1 =	sge.u32 s31, s8  }
.Ltmp2:
0x27: {  	_ = 	snop;
	(pc) =	sbr.rel @p1 .LBB2_7-.Ltmp2, $1  }
0x28: {  	_ =	sdelay $0x3  }
0x29: {  	s14 =	simm.s32 $0x1  }
0x2a: {  	s14 =	simm.s32 @!p0 $0x0  }
0x2b: {  	s15 =	smul.u32 $0x640, s14  }
0x2c: {  	_ =	swait.ge [sflag:s7], $0x190  }
0x2d: {  	[sflag:s7] =	ssyncset.done $0x0;
	s16 =	sshrl.u32 s15, $0x2  }
0x2e: {  	[sflag:s7] =	ssyncadd.s32 $0xFFFFFE70;
	s15 =	sadd.s32 $0x0, s16  }
0x2f: {  	v0 =	vld.msk [tilespmem:s15+$0x0 ss:$0x1], $0xffff;
	_ =	sdelay $0x4  }
0x30: {  	vm2 =	vgt.s32 v0, $0x0  }
0x31: {  	v0 =	vnsel vm2, $0x0, v0  }
0x32: {  	v0 =	vmin.u32 v0, $0x270F  }
0x33: {  	v0 =	vshll.u32 v0, $0x4  }
0x34: {  	s14 =	smul.u32 $0x32000, s14;
	_ =	sdelay $0x1  }
0x35: {  	s14 =	sshrl.u32 s14, $0x2  }
0x36: {  	s14 =	sor.u32 $0x320, s14  }
0x37: {  	[tilespmem:s14], [sflag:$0x1] =	stream.indirect_vreg.gather [hbm:s9], $0x80, v0, vm0, $0x38;
	[tilespmem:$0x19320] =	vst v63  }
0x38: {  	s17 =	sadd.s32 $0x10, s16;
	s15 =	sadd.s32 $0x400, s14  }
0x39: {  	[tilespmem:s15], [sflag:$0x1] =	stream.indirect_vreg.gather [hbm:s9], $0x80, v0, vm1, $0x38;
	[tilespmem:$0x19320] =	vst v63  }
0x3a: {  	s18 =	simm.s32 $0x80;
	v0 =	vld.msk [tilespmem:s17+$0x0 ss:$0x1], $0xffff;
	s17 =	smov.u32 s14  }
.LBB2_3:
0x3b: {  	p1 =	sne.s32 s18, $0x600;
	_ =	sdelay $0x4  }
0x3c: {  	vm2 =	vgt.s32 v0, $0x0  }
0x3d: {  	v0 =	vnsel vm2, $0x0, v0  }
0x3e: {  	v0 =	vmin.u32 v0, $0x270F  }
0x3f: {  	v0 =	vshll.u32 v0, $0x4;
	_ =	sdelay $0x3  }
.Ltmp3:
0x40: {  	s19 =	sshra.s32 s18, $0x2;
	s17 =	sadd.s32 $0x800, s17;
	(pc) =	sbr.rel @p1 .LBB2_3-.Ltmp3, $4  }
0x41: {  	[tilespmem:s17], [sflag:$0x1] =	stream.indirect_vreg.gather [hbm:s9], $0x80, v0, vm0, $0x38;
	[tilespmem:$0x19320] =	vst v63  }
0x42: {  	s19 =	sadd.s32 s19, s16;
	s20 =	sadd.s32 $0x400, s17  }
0x43: {  	[tilespmem:s20], [sflag:$0x1] =	stream.indirect_vreg.gather [hbm:s9], $0x80, v0, vm1, $0x38;
	[tilespmem:$0x19320] =	vst v63  }
0x44: {  	s18 =	sadd.s32 $0x40, s18;
	v0 =	vld.msk [tilespmem:s19+$0x0 ss:$0x1], $0xffff  }
0x45: {  	_ =	sdelay $0x3  }
0x46: {  	vm2 =	vgt.s32 v0, $0x0  }
0x47: {  	v0 =	vnsel vm2, $0x0, v0  }
0x48: {  	v0 =	vmin.u32 v0, $0x270F  }
0x49: {  	v0 =	vshll.u32 v0, $0x4;
	_ =	sdelay $0x3  }
0x4a: {  	s16 =	sadd.s32 $0x800, s17  }
0x4b: {  	[tilespmem:s16], [sflag:$0x1] =	stream.indirect_vreg.gather [hbm:s9], $0x80, v0, vm0, $0x38;
	[tilespmem:$0x19320] =	vst v63  }
0x4c: {  	s16 =	sadd.s32 $0x400, s16  }
0x4d: {  	[tilespmem:s16], [sflag:$0x1] =	stream.indirect_vreg.gather [hbm:s9], $0x80, v0, vm1, $0x38;
	[tilespmem:$0x19320] =	vst v63  }
0x4e: {  	s13 =	sshll.u32 s13, $0x4;
	_ =	swait.ge [sflag:s6], $0xC800  }
0x4f: {  	s13 =	sadd.s32 s13, s4;
	[sflag:s6] =	ssyncset.done $0x0  }
0x50: {  	s17 =	sadd.s32 $0x0, s13;
	s16 =	simm.s32 $0x80;
	[sflag:s6] =	ssyncadd.s32 $0xFFFF3800  }
.LBB2_5:
0x51: {  	[hbm:s17] =	stream.linear.scatter [tilespmem:s14], [sflag:$0x3], $0x400, $0x38;
	[tilespmem:$0x19320] =	vst v63  }
0x52: {  	s17 =	smov.u32 s16;
	s14 =	smov.u32 s15;
	p1 =	sne.s32 s16, $0x1880  }
.Ltmp4:
0x53: {  	s16 =	sadd.s32 $0x80, s16;
	(pc) =	sbr.rel @p1 .LBB2_5-.Ltmp4, $2  }
0x54: {  	_ =	sdelay $0x2  }
0x55: {  	s15 =	sadd.s32 $0x400, s15;
	s17 =	sadd.s32 s17, s13  }
.Ltmp5:
0x56: {  	_ = 	snop;
	(pc) =	sbr.rel .LBB2_6-.Ltmp5, $1  }
0x57: {  	_ =	sdelay $0x3  }
.LBB2_8:
0x58: {  	_ =	sfence.sel $0x180000  }
0x59: {  	s1 =	simm.s32 $0x2;
	[bflag:$0x0] =	sbarrier.arrive $0xFFFF  }
0x5a: {  	s30 =	simm.s32 $0x3;
	[sflag:s1] =	ssyncpa.u1 $0x1  }
0x5b: {  	s31 =	simm.s32 $0x1;
	[sflag:s30] =	ssyncpa.u1 $0x1  }
0x5c: {  	[sflag:s31] =	ssyncpa.u1 $0x1  }
0x5d: {  	p0 =	sne.s32 s0, $0x0;
	_ =	strace $0x9000005C  }
0x5e: {  	s0 =	sadd.s32 @!p0 $0x100000, s2;
	[bflag:$0x2] =	sbarrier.arrive $0xFFFF  }
0x5f: {  	[sflag:s0] =	ssyncadd.tile.s32 @!p0 $0x1;
	_ =	shalt  }
.Lfunc_end2:
_tile_overlayer_lowered:
.L_overlay_start_2:
0x60: {  	(tag) =	ssettag $0x2  }
0x61: {  	s0 =	rddreg [dreg:$0x0];
	s2 =	stileid.u32  }
0x62: {  	s1 =	rddreg [dreg:$0x1];
	p0 =	sne.s32 s2, $0x0  }
0x63: {  	s3 =	rddreg [dreg:$0x2];
	[bflag:$0x3] =	sbarrier.arrive $0xFFFF;
	s2 =	simm.s32 @!p0 $0x1C01  }
0x64: {  	[timem:s3], [sflag:s2] =	dma.local @!p0 [hbm:s0], s1  }
0x65: {  	s0 =	simm.s32 @!p0 $0x1  }
0x66: {  	_ =	swait.ge @!p0 [sflag:s0], s1  }
0x67: {  	s1 =	ssub.s32 @!p0 $0x0, s1;
	[sflag:s0] =	ssyncset.done @!p0 $0x0  }
0x68: {  	[sflag:s0] =	ssyncadd.s32 @!p0 s1  }
0x69: {  	[bflag:$0x3] =	sbarrier.arrive $0xFFFF  }
0x6a: {  	_ =	shalt  }

// kernel: gather_offload_async_start.4
scs
__scs_entry_jumppad:
0x0: {  	(pc) =	sbr.rel $0x88, $3  }
0x1: {  	(tag) =	ssettag $0x0;
	lr =	simm.s32 $0x1  }
0x2: {  	[smem:$0x3F96] =	sst lr;
	_ =	strace $0xD0000000  }
0x3: {  	_ = 	snop  }
0x4: {  	_ = 	snop  }
0x5: {  	_ = 	snop  }
0x6: {  	_ = 	snop  }
0x7: {  	_ = 	snop  }
__scs_overlays_trampoline_lowered:
0x8: {  	[smem:$0x3FA5] =	sst s0  }
0x9: {  	[smem:$0x3FA6] =	sst s1  }
0xa: {  	[smem:$0x3FA7] =	sst s2  }
0xb: {  	[smem:$0x3FA8] =	sst s3  }
0xc: {  	[smem:$0x3FA9] =	sst s4  }
0xd: {  	[smem:$0x3FAA] =	sst s5  }
0xe: {  	[smem:$0x3FAB] =	sst s6  }
0xf: {  	[smem:$0x3FAC] =	sst s7  }
0x10: {  	[smem:$0x3FAD] =	sst s8  }
0x11: {  	[smem:$0x3FAE] =	sst s9;
	s0 =	simm.s32 @!p0 $0x0  }
0x12: {  	s1 =	sld [smem:$0x3F94];
	s0 =	simm.s32 @p0 $0x1  }
0x13: {  	[smem:$0x3FAF] =	sst s0;
	s0 =	simm.s32 @!p1 $0x0  }
0x14: {  	s2 =	sld [smem:$0x3F93];
	s0 =	simm.s32 @p1 $0x1  }
0x15: {  	[smem:$0x3FB0] =	sst s0;
	s0 =	simm.s32 @!p2 $0x0  }
0x16: {  	s3 =	sld [smem:$0x3FDB];
	s0 =	simm.s32 @p2 $0x1  }
0x17: {  	s4 =	simm.s32 $0x1BF5;
	[smem:$0x3FB2] =	sst s0  }
0x18: {  	s0 =	sld [smem:$0x3F95];
	_ =	swait.ge [sflag:s4], $0x0  }
0x19: {  	s7 =	sld [smem:$0x3F96]  }
0x1a: {  	s8 =	sadd.s32 $0xFFFFE003, lr  }
0x1b: {  	s9 =	sadd.s32 $0xFFFFFEF7, lr;
	s5 =	simm.s32 $0xFFFFFFFF;
	p2 =	slt.u32 s8, $0xFFFFF086  }
0x1c: {  	p1 =	slt.u32 s9, $0xF7A;
	s5 =	simm.s32 @!p2 $0x0  }
0x1d: {  	s5 =	simm.s32 @p1 $0x1;
	p0 =	seq.s32 s7, s2  }
0x1e: {  	s7 =	smul.u32 @!p0 $0xF7A, s2;
	p2 =	seq.s32 @!p0 s5, $0x0  }
0x1f: {  	s9 =	smul.u32 $0xF7A, s1;
	s8 =	simm.s32 @!p0 $0x1BF5;
	p2 =	por !p2, p0  }
0x20: {  	[sflag:s8] =	ssyncset.s32 @!p0 $0xFFFFF086;
	s6 =	sadd.s32 @!p0 s3, s7;
	s7 =	simm.s32 @!p0 $0x108  }
0x21: {  	s3 =	sadd.s32 s3, s9;
	s6 =	sadd.s32 @!p0 $0x88, s6;
	s7 =	simm.s32 @p2 $0x1082  }
0x22: {  	[simem:s7], [sflag:s8] =	dma.local @!p0 [hbm:s6], $0xF7A  }
0x23: {  	s9 =	sor.u32 $0xD0000000, s2;
	s6 =	simm.s32 $0x108;
	_ =	swait.ge @!p0 [sflag:s8], $0x0  }
0x24: {  	s3 =	sadd.s32 $0x88, s3;
	s6 =	simm.s32 @!p1 $0x1082;
	[sflag:s4] =	ssyncset.s32 $0xFFFFF086  }
0x25: {  	[simem:s6], [sflag:s4] =	dma.local [hbm:s3], $0xF7A  }
0x26: {  	[smem:$0x3F96] =	sst s1;
	(tag) =	ssettag s2;
	_ =	strace s9  }
0x27: {  	s1 =	sld [smem:$0x3FA6]  }
0x28: {  	s2 =	sld [smem:$0x3FA7]  }
0x29: {  	s4 =	sld [smem:$0x3FA9]  }
0x2a: {  	p0 =	seq.s32 s5, $0x0;
	s5 =	sld [smem:$0x3FAA]  }
0x2b: {  	s6 =	sld [smem:$0x3FAB]  }
0x2c: {  	s7 =	sld [smem:$0x3FAC]  }
0x2d: {  	s3 =	simm.s32 $0x108;
	s8 =	sld [smem:$0x3FAD]  }
0x2e: {  	s3 =	simm.s32 @!p0 $0x1082;
	s9 =	sld [smem:$0x3FAE]  }
0x2f: {  	lr =	sadd.s32 s0, s3;
	s0 =	sld [smem:$0x3FA5]  }
0x30: {  	s3 =	sld [smem:$0x3FA8]  }
0x31: {  	[smem:$0x3FB1] =	sst s10  }
0x32: {  	s10 =	sld [smem:$0x3FAF];
	_ =	sdelay $0x3  }
0x33: {  	p0 =	seq.s32 s10, $0x1;
	s10 =	sld [smem:$0x3FB1];
	_ =	sdelay $0x3  }
0x34: {  	[smem:$0x3FB1] =	sst s10  }
0x35: {  	s10 =	sld [smem:$0x3FB0];
	_ =	sdelay $0x3  }
0x36: {  	p1 =	seq.s32 s10, $0x1;
	s10 =	sld [smem:$0x3FB1];
	_ =	sdelay $0x3  }
0x37: {  	[smem:$0x3FB1] =	sst s10  }
0x38: {  	s10 =	sld [smem:$0x3FB2]  }
0x39: {  	_ = 	snop;
	(pc) =	sbr.ind lr, $3  }
0x3a: {  	_ = 	snop  }
0x3b: {  	_ = 	snop  }
0x3c: {  	p2 =	seq.s32 s10, $0x1;
	s10 =	sld [smem:$0x3FB1]  }
0x3d: {  	_ =	shalt  }
0x3e: {  	_ =	shalt  }
0x3f: {  	_ =	shalt  }
0x40: {  	_ =	shalt  }
0x41: {  	_ =	shalt  }
0x42: {  	_ =	shalt  }
0x43: {  	_ =	shalt  }
0x44: {  	_ =	shalt  }
0x45: {  	_ =	shalt  }
0x46: {  	_ =	shalt  }
0x47: {  	_ =	shalt  }
0x48: {  	_ =	shalt  }
0x49: {  	_ =	shalt  }
0x4a: {  	_ =	shalt  }
0x4b: {  	_ =	shalt  }
0x4c: {  	_ =	shalt  }
0x4d: {  	_ =	shalt  }
0x4e: {  	_ =	shalt  }
0x4f: {  	_ =	shalt  }
0x50: {  	_ =	shalt  }
0x51: {  	_ =	shalt  }
0x52: {  	_ =	shalt  }
0x53: {  	_ =	shalt  }
0x54: {  	_ =	shalt  }
0x55: {  	_ =	shalt  }
0x56: {  	_ =	shalt  }
0x57: {  	_ =	shalt  }
0x58: {  	_ =	shalt  }
0x59: {  	_ =	shalt  }
0x5a: {  	_ =	shalt  }
0x5b: {  	_ =	shalt  }
0x5c: {  	_ =	shalt  }
0x5d: {  	_ =	shalt  }
0x5e: {  	_ =	shalt  }
0x5f: {  	_ =	shalt  }
0x60: {  	_ =	shalt  }
0x61: {  	_ =	shalt  }
0x62: {  	_ =	shalt  }
0x63: {  	_ =	shalt  }
0x64: {  	_ =	shalt  }
0x65: {  	_ =	shalt  }
0x66: {  	_ =	shalt  }
0x67: {  	_ =	shalt  }
0x68: {  	_ =	shalt  }
0x69: {  	_ =	shalt  }
0x6a: {  	_ =	shalt  }
0x6b: {  	_ =	shalt  }
0x6c: {  	_ =	shalt  }
0x6d: {  	_ =	shalt  }
0x6e: {  	_ =	shalt  }
0x6f: {  	_ =	shalt  }
0x70: {  	_ =	shalt  }
0x71: {  	_ =	shalt  }
0x72: {  	_ =	shalt  }
0x73: {  	_ =	shalt  }
0x74: {  	_ =	shalt  }
0x75: {  	_ =	shalt  }
0x76: {  	_ =	shalt  }
0x77: {  	_ =	shalt  }
0x78: {  	_ =	shalt  }
0x79: {  	_ =	shalt  }
0x7a: {  	_ =	shalt  }
0x7b: {  	_ =	shalt  }
0x7c: {  	_ =	shalt  }
0x7d: {  	_ =	shalt  }
0x7e: {  	_ =	shalt  }
0x7f: {  	_ =	shalt  }
0x80: {  	_ =	shalt  }
0x81: {  	_ =	shalt  }
0x82: {  	_ =	shalt  }
0x83: {  	_ =	shalt  }
0x84: {  	_ =	shalt  }
0x85: {  	_ =	shalt  }
0x86: {  	_ =	shalt  }
0x87: {  	_ =	shalt  }
.Lfunc_end0:
.L_simem_size_0:
called_computation.5_lowered:
.L_overlay_start_0:
0x88: {  	s0 =	sld [smem:$0x3FD9]  }
0x89: {  	s1 =	sld [smem:$0x3FFE];
	_ =	sdelay $0x3  }
0x8a: {  	s0 =	sadd.s32 s1, s0  }
0x8b: {  	[smem:$0x3FBD] =	sst s0  }
0x8c: {  	_ = 	snop  }
0x8d: {  	s0 =	sld [smem:$0x3FD0];
	_ =	sdelay $0x2  }
0x8e: {  	s13 =	simm.s32 $0xA;
	s2 =	simm.s32 $0x10  }
0x8f: {  	[smem:s2], [sflag:s13] =	dma.local [hbm:s0], $0x1  }
0x90: {  	_ =	swait.eq [sflag:s13], $0x1  }
0x91: {  	[sflag:s13] =	ssyncset.done $0x0  }
0x92: {  	[sflag:s13] =	ssyncadd.s32 $0xFFFFFFFF  }
0x93: {  	s14 =	sld [smem:$0x11];
	(tm) =	ssettm $0x1  }
0x94: {  	s15 =	sld [smem:$0x3FFB];
	_ =	sdelay $0x3  }
0x95: {  	_ =	strace s15  }
0x96: {  	s1 =	sld [smem:$0x3FFC];
	_ =	sdelay $0x3  }
0x97: {  	_ =	strace s1  }
0x98: {  	s1 =	sld [smem:$0x3FFD];
	_ =	sdelay $0x3  }
0x99: {  	_ =	strace s1  }
0x9a: {  	_ =	strace $0x8FFFFFFF  }
0x9b: {  	s16 =	sld [smem:$0x3FDB];
	_ =	sdelay $0x1  }
0x9c: {  	s17 =	simm.s32 $_scs_section_size  }
0x9d: {  	s3 =	simm.s32 $_size__tile_overlayer_lowered;
	s4 =	simm.s32 $_tile_overlayer_lowered  }
0x9e: {  	s20 =	simm.s32 $0x1BFF;
	s19 =	sshll.u32 s4, $0x1;
	s1 =	sadd.s32 s17, s16  }
0x9f: {  	s5 =	simm.s32 $0x0;
	s18 =	sshll.u32 s3, $0x1;
	s3 =	sadd.s32 s19, s1  }
0xa0: {  	[timem:s5], [sflag:s20] =	dma.local [hbm:s3], s18  }
0xa1: {  	_ =	swait.ge [sflag:s20], s18  }
0xa2: {  	s2 =	ssub.s32 $0x0, s18;
	[sflag:s20] =	ssyncset.done $0x0  }
0xa3: {  	[sflag:s20] =	ssyncadd.s32 s2;
	_ =	sdelay $0x1  }
0xa4: {  	s21 =	simm.s32 $0x1B8B  }
0xa5: {  	_ =	swait.ge [sflag:s21], $0x1  }
0xa6: {  	[sflag:s21] =	ssyncset.done $0x0  }
0xa7: {  	s23 =	simm.s32 $0x1B8E;
	s22 =	sld [smem:$0x3FFE];
	[sflag:s21] =	ssyncadd.s32 $0xFFFFFFFF  }
0xa8: {  	s24 =	simm.s32 $execute0_lowered;
	[smem:$0x3FD2] =	sst s23  }
0xa9: {  	s3 =	sshll.u32 s24, $0x1;
	_ =	strace $0x8000005E;
	[dreg:$0x1] =	wrdreg $0xFFFFFFFF  }
0xaa: {  	s25 =	simm.s32 $_size_execute0_lowered;
	s1 =	sadd.s32 s1, s3;
	[dreg:$0x0] =	wrdreg $0x0  }
0xab: {  	s3 =	sshll.u32 s25, $0x1;
	[dreg:$0x2] =	wrdreg s1  }
0xac: {  	[dreg:$0x3] =	wrdreg s3  }
0xad: {  	[dreg:$0x4] =	wrdreg $0xC0  }
0xae: {  	_ =	task [dreg:s5], $0x5FFFF  }
0xaf: {  	[dreg:$0x1] =	wrdreg $0xFFFFFFFF  }
0xb0: {  	[dreg:$0x0] =	wrdreg $0x60  }
0xb1: {  	[dreg:$0x2] =	wrdreg s22  }
0xb2: {  	[dreg:$0x3] =	wrdreg s14  }
0xb3: {  	[dreg:$0x4] =	wrdreg $0x9  }
0xb4: {  	_ =	task.clear_ibuf [dreg:s5], $0x5FFFF;
	_ =	strace $0x9000005E  }
0xb5: {  	s26 =	simm.s32 $0x9;
	_ =	strace $0x80000060  }
0xb6: {  	_ =	swait.ge [sflag:s26], $0x1  }
0xb7: {  	[sflag:s26] =	ssyncadd.s32 $0xFFFFFFFF  }
0xb8: {  	_ =	strace $0x90000060  }
0xb9: {  	_ =	sfence  }
0xba: {  	s28 =	sld [smem:$0x0];
	_ =	sdelay $0x1  }
0xbb: {  	s29 =	srdreg.scid  }
0xbc: {  	s30 =	sshll.u32 s29, $0xD;
	s31 =	sshrl.u32 s29, $0x2  }
0xbd: {  	s2 =	sand.u32 $0x4000, s30;
	s1 =	sand.u32 $0x1, s29;
	s0 =	sadd.s32 s31, s28  }
0xbe: {  	s1 =	sor.u32 s2, s1;
	s0 =	sshll.u32 s0, $0x11  }
0xbf: {  	s0 =	sor.u32 s0, s1  }
0xc0: {  	s0 =	sadd.s32 $0x8F2B, s0  }
0xc1: {  	[sflag:s0] =	ssyncadd.remote.s32 $0x1  }
0xc2: {  	_ =	sfence.sel $0xFFFF  }
0xc3: {  	[dreg:$0x0] =	wrdreg $0xFFFFFFFF;
	(pc) =	sbr.abs _section_cstart, $3  }
0xc4: {  	[dreg:$0x1] =	wrdreg $0xFFFFFFFF  }
0xc5: {  	_ =	task.clear_ibuf [dreg:s5], $0x2FFFF;
	_ =	strace $0x9FFFFFFF  }
0xc6: {  	(tm) =	ssettm $0x7FFFFFFF  }
0xc7: {  	_ =	shalt  }
tec
execute0_lowered:
.L_overlay_start_1:
0x0: {  	(tag) =	ssettag $0x1  }
0x1: {  	s0 =	stileid.u32  }
0x2: {  	s1 =	smin.u32 s0, $0x9  }
0x3: {  	s1 =	sadd.s32 s0, s1  }
0x4: {  	s2 =	simm.s32 $0x320;
	p0 =	slt.u32 s0, $0x9;
	s1 =	smul.u32 $0x190, s1  }
0x5: {  	s2 =	simm.s32 @!p0 $0x190  }
0x6: {  	s2 =	sadd.s32 s2, s1  }
0x7: {  	s3 =	smin.u32 s2, $0x2710  }
0x8: {  	s7 =	ssub.s32 s3, s1  }
0x9: {  	p0 =	sgt.s32 s7, $0x0  }
0xa: {  	s7 =	simm.s32 @!p0 $0x0  }
0xb: {  	s31 =	sand.u32 $0xFFF0, s7  }
0xc: {  	s2 =	sshrl.u32 s31, $0x4  }
0xd: {  	s4 =	rddreg [dreg:$0x0];
	s2 =	smul.u32 $0xA3E, s2  }
0xe: {  	s5 =	rddreg [dreg:$0x1]  }
0xf: {  	s6 =	simm.s32 $0x1;
	s10 =	simm.s32 $0x3;
	s8 =	sshrl.u32 s2, $0x10  }
0x10: {  	s13 =	simm.s32 $0x0;
	s12 =	simm.s32 $0x0;
	s9 =	smul.u32 $0x190, s8  }
.Ltmp0:
0x11: {  	s11 =	smov.u32 s1;
	s2 =	rddreg [dreg:$0x2];
	(pc) =	sbr.rel .LBB2_1-.Ltmp0, $4  }
0x12: {  	_ =	strace $0x8000005F;
	p0 =	sne.s32 s7, s9;
	s9 =	simm.s32 $0x1  }
0x13: {  	[sflag:s6] =	ssyncpa.u1 $0x0;
	s7 =	simm.s32 $0x2;
	s9 =	simm.s32 @!p0 $0x0  }
0x14: {  	[sflag:s7] =	ssyncpa.u1 $0x0;
	p0 =	por $0x0, $0x0;
	s8 =	sadd.s32 s8, s9  }
0x15: {  	vm0 =	vmmov $0xff;
	vm1 =	vcmask $0x3F20;
	s9 =	sadd.s32 $0x87000, s4;
	[sflag:s10] =	ssyncpa.u1 $0x0;
	s10 =	sadd.s32 $0x1, s8  }
.LBB2_6:
0x16: {  	[hbm:s17] =	stream.linear.scatter [tilespmem:s14], [sflag:$0x3], $0x400, $0x38;
	[tilespmem:$0x19320] =	vst v63  }
.LBB2_7:
0x17: {  	s13 =	sadd.s32 $0x190, s11  }
0x18: {  	s15 =	smov.u32 s1;
	p2 =	slt.s32 s13, s3  }
0x19: {  	s15 =	smov.u32 @p2 s13;
	p2 =	sne.s32 s12, s10  }
.Ltmp1:
0x1a: {  	p1 =	slt.u32 s12, $0x2;
	(pc) =	sbr.rel @!p2 .LBB2_8-.Ltmp1, $4  }
0x1b: {  	s14 =	simm.s32 @!p1 $0x3  }
0x1c: {  	s16 =	sadd.s32 $0x1, s12;
	_ =	swait.ge @!p1 [sflag:s14], $0xC800  }
0x1d: {  	p0 =	por !p0, !p0;
	s13 =	smov.u32 s11;
	[sflag:s14] =	ssyncset.done @!p1 $0x0  }
0x1e: {  	s12 =	smov.u32 s16;
	s11 =	smov.u32 s15;
	[sflag:s14] =	ssyncadd.s32 @!p1 $0xFFFF3800  }
.LBB2_1:
0x1f: {  	p1 =	sge.u32 s12, s8  }
0x20: {  	s14 =	sxor.u32 @!p1 $0xFFFFFFFF, s12  }
0x21: {  	s14 =	sand.u32 @!p1 $0x1, s14  }
0x22: {  	s14 =	smul.u32 @!p1 $0x640, s14  }
0x23: {  	s31 =	sadd.s32 $0xFFFFFFFF, s12;
	s15 =	sshrl.u32 @!p1 s11, $0x3  }
0x24: {  	s16 =	sand.u32 @!p1 $0x7, s11;
	s15 =	sadd.s32 @!p1 s5, s15;
	s14 =	sshrl.u32 @!p1 s14, $0x2  }
0x25: {  	[tilespmem:s14], [sflag:$0x2] =	stream.linear.gather @!p1 [hbm4b:s15+s16], $0x190, $0x38;
	[tilespmem:$0x19320] =	vst v63  }
0x26: {  	p1 =	sge.u32 s31, s8  }
.Ltmp2:
0x27: {  	_ = 	snop;
	(pc) =	sbr.rel @p1 .LBB2_7-.Ltmp2, $1  }
0x28: {  	_ =	sdelay $0x3  }
0x29: {  	s14 =	simm.s32 $0x1  }
0x2a: {  	s14 =	simm.s32 @!p0 $0x0  }
0x2b: {  	s15 =	smul.u32 $0x640, s14  }
0x2c: {  	_ =	swait.ge [sflag:s7], $0x190  }
0x2d: {  	[sflag:s7] =	ssyncset.done $0x0;
	s16 =	sshrl.u32 s15, $0x2  }
0x2e: {  	[sflag:s7] =	ssyncadd.s32 $0xFFFFFE70;
	s15 =	sadd.s32 $0x0, s16  }
0x2f: {  	v0 =	vld.msk [tilespmem:s15+$0x0 ss:$0x1], $0xffff;
	_ =	sdelay $0x4  }
0x30: {  	vm2 =	vgt.s32 v0, $0x0  }
0x31: {  	v0 =	vnsel vm2, $0x0, v0  }
0x32: {  	v0 =	vmin.u32 v0, $0x270F  }
0x33: {  	v0 =	vshll.u32 v0, $0x4  }
0x34: {  	s14 =	smul.u32 $0x32000, s14;
	_ =	sdelay $0x1  }
0x35: {  	s14 =	sshrl.u32 s14, $0x2  }
0x36: {  	s14 =	sor.u32 $0x320, s14  }
0x37: {  	[tilespmem:s14], [sflag:$0x1] =	stream.indirect_vreg.gather [hbm:s9], $0x80, v0, vm0, $0x38;
	[tilespmem:$0x19320] =	vst v63  }
0x38: {  	s17 =	sadd.s32 $0x10, s16;
	s15 =	sadd.s32 $0x400, s14  }
0x39: {  	[tilespmem:s15], [sflag:$0x1] =	stream.indirect_vreg.gather [hbm:s9], $0x80, v0, vm1, $0x38;
	[tilespmem:$0x19320] =	vst v63  }
0x3a: {  	s18 =	simm.s32 $0x80;
	v0 =	vld.msk [tilespmem:s17+$0x0 ss:$0x1], $0xffff;
	s17 =	smov.u32 s14  }
.LBB2_3:
0x3b: {  	p1 =	sne.s32 s18, $0x600;
	_ =	sdelay $0x4  }
0x3c: {  	vm2 =	vgt.s32 v0, $0x0  }
0x3d: {  	v0 =	vnsel vm2, $0x0, v0  }
0x3e: {  	v0 =	vmin.u32 v0, $0x270F  }
0x3f: {  	v0 =	vshll.u32 v0, $0x4;
	_ =	sdelay $0x3  }
.Ltmp3:
0x40: {  	s19 =	sshra.s32 s18, $0x2;
	s17 =	sadd.s32 $0x800, s17;
	(pc) =	sbr.rel @p1 .LBB2_3-.Ltmp3, $4  }
0x41: {  	[tilespmem:s17], [sflag:$0x1] =	stream.indirect_vreg.gather [hbm:s9], $0x80, v0, vm0, $0x38;
	[tilespmem:$0x19320] =	vst v63  }
0x42: {  	s19 =	sadd.s32 s19, s16;
	s20 =	sadd.s32 $0x400, s17  }
0x43: {  	[tilespmem:s20], [sflag:$0x1] =	stream.indirect_vreg.gather [hbm:s9], $0x80, v0, vm1, $0x38;
	[tilespmem:$0x19320] =	vst v63  }
0x44: {  	s18 =	sadd.s32 $0x40, s18;
	v0 =	vld.msk [tilespmem:s19+$0x0 ss:$0x1], $0xffff  }
0x45: {  	_ =	sdelay $0x3  }
0x46: {  	vm2 =	vgt.s32 v0, $0x0  }
0x47: {  	v0 =	vnsel vm2, $0x0, v0  }
0x48: {  	v0 =	vmin.u32 v0, $0x270F  }
0x49: {  	v0 =	vshll.u32 v0, $0x4;
	_ =	sdelay $0x3  }
0x4a: {  	s16 =	sadd.s32 $0x800, s17  }
0x4b: {  	[tilespmem:s16], [sflag:$0x1] =	stream.indirect_vreg.gather [hbm:s9], $0x80, v0, vm0, $0x38;
	[tilespmem:$0x19320] =	vst v63  }
0x4c: {  	s16 =	sadd.s32 $0x400, s16  }
0x4d: {  	[tilespmem:s16], [sflag:$0x1] =	stream.indirect_vreg.gather [hbm:s9], $0x80, v0, vm1, $0x38;
	[tilespmem:$0x19320] =	vst v63  }
0x4e: {  	s13 =	sshll.u32 s13, $0x4;
	_ =	swait.ge [sflag:s6], $0xC800  }
0x4f: {  	s13 =	sadd.s32 s13, s4;
	[sflag:s6] =	ssyncset.done $0x0  }
0x50: {  	s17 =	sadd.s32 $0x0, s13;
	s16 =	simm.s32 $0x80;
	[sflag:s6] =	ssyncadd.s32 $0xFFFF3800  }
.LBB2_5:
0x51: {  	[hbm:s17] =	stream.linear.scatter [tilespmem:s14], [sflag:$0x3], $0x400, $0x38;
	[tilespmem:$0x19320] =	vst v63  }
0x52: {  	s17 =	smov.u32 s16;
	s14 =	smov.u32 s15;
	p1 =	sne.s32 s16, $0x1880  }
.Ltmp4:
0x53: {  	s16 =	sadd.s32 $0x80, s16;
	(pc) =	sbr.rel @p1 .LBB2_5-.Ltmp4, $2  }
0x54: {  	_ =	sdelay $0x2  }
0x55: {  	s15 =	sadd.s32 $0x400, s15;
	s17 =	sadd.s32 s17, s13  }
.Ltmp5:
0x56: {  	_ = 	snop;
	(pc) =	sbr.rel .LBB2_6-.Ltmp5, $1  }
0x57: {  	_ =	sdelay $0x3  }
.LBB2_8:
0x58: {  	_ =	sfence.sel $0x180000  }
0x59: {  	s1 =	simm.s32 $0x2;
	[bflag:$0x0] =	sbarrier.arrive $0xFFFF  }
0x5a: {  	s30 =	simm.s32 $0x3;
	[sflag:s1] =	ssyncpa.u1 $0x1  }
0x5b: {  	s31 =	simm.s32 $0x1;
	[sflag:s30] =	ssyncpa.u1 $0x1  }
0x5c: {  	[sflag:s31] =	ssyncpa.u1 $0x1  }
0x5d: {  	p0 =	sne.s32 s0, $0x0;
	_ =	strace $0x9000005F  }
0x5e: {  	s0 =	sadd.s32 @!p0 $0x100000, s2;
	[bflag:$0x2] =	sbarrier.arrive $0xFFFF  }
0x5f: {  	[sflag:s0] =	ssyncadd.tile.s32 @!p0 $0x1;
	_ =	shalt  }
.Lfunc_end2:
_tile_overlayer_lowered:
.L_overlay_start_2:
0x60: {  	(tag) =	ssettag $0x2  }
0x61: {  	s0 =	rddreg [dreg:$0x0];
	s2 =	stileid.u32  }
0x62: {  	s1 =	rddreg [dreg:$0x1];
	p0 =	sne.s32 s2, $0x0  }
0x63: {  	s3 =	rddreg [dreg:$0x2];
	[bflag:$0x3] =	sbarrier.arrive $0xFFFF;
	s2 =	simm.s32 @!p0 $0x1C01  }
0x64: {  	[timem:s3], [sflag:s2] =	dma.local @!p0 [hbm:s0], s1  }
0x65: {  	s0 =	simm.s32 @!p0 $0x1  }
0x66: {  	_ =	swait.ge @!p0 [sflag:s0], s1  }
0x67: {  	s1 =	ssub.s32 @!p0 $0x0, s1;
	[sflag:s0] =	ssyncset.done @!p0 $0x0  }
0x68: {  	[sflag:s0] =	ssyncadd.s32 @!p0 s1  }
0x69: {  	[bflag:$0x3] =	sbarrier.arrive $0xFFFF  }
0x6a: {  	_ =	shalt  }

// kernel: gather_offload_async_start.5
scs
__scs_entry_jumppad:
0x0: {  	(pc) =	sbr.rel $0x88, $3  }
0x1: {  	(tag) =	ssettag $0x0;
	lr =	simm.s32 $0x1  }
0x2: {  	[smem:$0x3F96] =	sst lr;
	_ =	strace $0xD0000000  }
0x3: {  	_ = 	snop  }
0x4: {  	_ = 	snop  }
0x5: {  	_ = 	snop  }
0x6: {  	_ = 	snop  }
0x7: {  	_ = 	snop  }
__scs_overlays_trampoline_lowered:
0x8: {  	[smem:$0x3FA5] =	sst s0  }
0x9: {  	[smem:$0x3FA6] =	sst s1  }
0xa: {  	[smem:$0x3FA7] =	sst s2  }
0xb: {  	[smem:$0x3FA8] =	sst s3  }
0xc: {  	[smem:$0x3FA9] =	sst s4  }
0xd: {  	[smem:$0x3FAA] =	sst s5  }
0xe: {  	[smem:$0x3FAB] =	sst s6  }
0xf: {  	[smem:$0x3FAC] =	sst s7  }
0x10: {  	[smem:$0x3FAD] =	sst s8  }
0x11: {  	[smem:$0x3FAE] =	sst s9;
	s0 =	simm.s32 @!p0 $0x0  }
0x12: {  	s1 =	sld [smem:$0x3F94];
	s0 =	simm.s32 @p0 $0x1  }
0x13: {  	[smem:$0x3FAF] =	sst s0;
	s0 =	simm.s32 @!p1 $0x0  }
0x14: {  	s2 =	sld [smem:$0x3F93];
	s0 =	simm.s32 @p1 $0x1  }
0x15: {  	[smem:$0x3FB0] =	sst s0;
	s0 =	simm.s32 @!p2 $0x0  }
0x16: {  	s3 =	sld [smem:$0x3FDB];
	s0 =	simm.s32 @p2 $0x1  }
0x17: {  	s4 =	simm.s32 $0x1BF5;
	[smem:$0x3FB2] =	sst s0  }
0x18: {  	s0 =	sld [smem:$0x3F95];
	_ =	swait.ge [sflag:s4], $0x0  }
0x19: {  	s7 =	sld [smem:$0x3F96]  }
0x1a: {  	s8 =	sadd.s32 $0xFFFFE003, lr  }
0x1b: {  	s9 =	sadd.s32 $0xFFFFFEF7, lr;
	s5 =	simm.s32 $0xFFFFFFFF;
	p2 =	slt.u32 s8, $0xFFFFF086  }
0x1c: {  	p1 =	slt.u32 s9, $0xF7A;
	s5 =	simm.s32 @!p2 $0x0  }
0x1d: {  	s5 =	simm.s32 @p1 $0x1;
	p0 =	seq.s32 s7, s2  }
0x1e: {  	s7 =	smul.u32 @!p0 $0xF7A, s2;
	p2 =	seq.s32 @!p0 s5, $0x0  }
0x1f: {  	s9 =	smul.u32 $0xF7A, s1;
	s8 =	simm.s32 @!p0 $0x1BF5;
	p2 =	por !p2, p0  }
0x20: {  	[sflag:s8] =	ssyncset.s32 @!p0 $0xFFFFF086;
	s6 =	sadd.s32 @!p0 s3, s7;
	s7 =	simm.s32 @!p0 $0x108  }
0x21: {  	s3 =	sadd.s32 s3, s9;
	s6 =	sadd.s32 @!p0 $0x88, s6;
	s7 =	simm.s32 @p2 $0x1082  }
0x22: {  	[simem:s7], [sflag:s8] =	dma.local @!p0 [hbm:s6], $0xF7A  }
0x23: {  	s9 =	sor.u32 $0xD0000000, s2;
	s6 =	simm.s32 $0x108;
	_ =	swait.ge @!p0 [sflag:s8], $0x0  }
0x24: {  	s3 =	sadd.s32 $0x88, s3;
	s6 =	simm.s32 @!p1 $0x1082;
	[sflag:s4] =	ssyncset.s32 $0xFFFFF086  }
0x25: {  	[simem:s6], [sflag:s4] =	dma.local [hbm:s3], $0xF7A  }
0x26: {  	[smem:$0x3F96] =	sst s1;
	(tag) =	ssettag s2;
	_ =	strace s9  }
0x27: {  	s1 =	sld [smem:$0x3FA6]  }
0x28: {  	s2 =	sld [smem:$0x3FA7]  }
0x29: {  	s4 =	sld [smem:$0x3FA9]  }
0x2a: {  	p0 =	seq.s32 s5, $0x0;
	s5 =	sld [smem:$0x3FAA]  }
0x2b: {  	s6 =	sld [smem:$0x3FAB]  }
0x2c: {  	s7 =	sld [smem:$0x3FAC]  }
0x2d: {  	s3 =	simm.s32 $0x108;
	s8 =	sld [smem:$0x3FAD]  }
0x2e: {  	s3 =	simm.s32 @!p0 $0x1082;
	s9 =	sld [smem:$0x3FAE]  }
0x2f: {  	lr =	sadd.s32 s0, s3;
	s0 =	sld [smem:$0x3FA5]  }
0x30: {  	s3 =	sld [smem:$0x3FA8]  }
0x31: {  	[smem:$0x3FB1] =	sst s10  }
0x32: {  	s10 =	sld [smem:$0x3FAF];
	_ =	sdelay $0x3  }
0x33: {  	p0 =	seq.s32 s10, $0x1;
	s10 =	sld [smem:$0x3FB1];
	_ =	sdelay $0x3  }
0x34: {  	[smem:$0x3FB1] =	sst s10  }
0x35: {  	s10 =	sld [smem:$0x3FB0];
	_ =	sdelay $0x3  }
0x36: {  	p1 =	seq.s32 s10, $0x1;
	s10 =	sld [smem:$0x3FB1];
	_ =	sdelay $0x3  }
0x37: {  	[smem:$0x3FB1] =	sst s10  }
0x38: {  	s10 =	sld [smem:$0x3FB2]  }
0x39: {  	_ = 	snop;
	(pc) =	sbr.ind lr, $3  }
0x3a: {  	_ = 	snop  }
0x3b: {  	_ = 	snop  }
0x3c: {  	p2 =	seq.s32 s10, $0x1;
	s10 =	sld [smem:$0x3FB1]  }
0x3d: {  	_ =	shalt  }
0x3e: {  	_ =	shalt  }
0x3f: {  	_ =	shalt  }
0x40: {  	_ =	shalt  }
0x41: {  	_ =	shalt  }
0x42: {  	_ =	shalt  }
0x43: {  	_ =	shalt  }
0x44: {  	_ =	shalt  }
0x45: {  	_ =	shalt  }
0x46: {  	_ =	shalt  }
0x47: {  	_ =	shalt  }
0x48: {  	_ =	shalt  }
0x49: {  	_ =	shalt  }
0x4a: {  	_ =	shalt  }
0x4b: {  	_ =	shalt  }
0x4c: {  	_ =	shalt  }
0x4d: {  	_ =	shalt  }
0x4e: {  	_ =	shalt  }
0x4f: {  	_ =	shalt  }
0x50: {  	_ =	shalt  }
0x51: {  	_ =	shalt  }
0x52: {  	_ =	shalt  }
0x53: {  	_ =	shalt  }
0x54: {  	_ =	shalt  }
0x55: {  	_ =	shalt  }
0x56: {  	_ =	shalt  }
0x57: {  	_ =	shalt  }
0x58: {  	_ =	shalt  }
0x59: {  	_ =	shalt  }
0x5a: {  	_ =	shalt  }
0x5b: {  	_ =	shalt  }
0x5c: {  	_ =	shalt  }
0x5d: {  	_ =	shalt  }
0x5e: {  	_ =	shalt  }
0x5f: {  	_ =	shalt  }
0x60: {  	_ =	shalt  }
0x61: {  	_ =	shalt  }
0x62: {  	_ =	shalt  }
0x63: {  	_ =	shalt  }
0x64: {  	_ =	shalt  }
0x65: {  	_ =	shalt  }
0x66: {  	_ =	shalt  }
0x67: {  	_ =	shalt  }
0x68: {  	_ =	shalt  }
0x69: {  	_ =	shalt  }
0x6a: {  	_ =	shalt  }
0x6b: {  	_ =	shalt  }
0x6c: {  	_ =	shalt  }
0x6d: {  	_ =	shalt  }
0x6e: {  	_ =	shalt  }
0x6f: {  	_ =	shalt  }
0x70: {  	_ =	shalt  }
0x71: {  	_ =	shalt  }
0x72: {  	_ =	shalt  }
0x73: {  	_ =	shalt  }
0x74: {  	_ =	shalt  }
0x75: {  	_ =	shalt  }
0x76: {  	_ =	shalt  }
0x77: {  	_ =	shalt  }
0x78: {  	_ =	shalt  }
0x79: {  	_ =	shalt  }
0x7a: {  	_ =	shalt  }
0x7b: {  	_ =	shalt  }
0x7c: {  	_ =	shalt  }
0x7d: {  	_ =	shalt  }
0x7e: {  	_ =	shalt  }
0x7f: {  	_ =	shalt  }
0x80: {  	_ =	shalt  }
0x81: {  	_ =	shalt  }
0x82: {  	_ =	shalt  }
0x83: {  	_ =	shalt  }
0x84: {  	_ =	shalt  }
0x85: {  	_ =	shalt  }
0x86: {  	_ =	shalt  }
0x87: {  	_ =	shalt  }
.Lfunc_end0:
.L_simem_size_0:
called_computation.6_lowered:
.L_overlay_start_0:
0x88: {  	s0 =	sld [smem:$0x3FD9]  }
0x89: {  	s1 =	sld [smem:$0x3FFE];
	_ =	sdelay $0x3  }
0x8a: {  	s0 =	sadd.s32 s1, s0  }
0x8b: {  	[smem:$0x3FBD] =	sst s0  }
0x8c: {  	_ = 	snop  }
0x8d: {  	s0 =	sld [smem:$0x3FD0];
	_ =	sdelay $0x2  }
0x8e: {  	s13 =	simm.s32 $0xA;
	s2 =	simm.s32 $0x10  }
0x8f: {  	[smem:s2], [sflag:s13] =	dma.local [hbm:s0], $0x1  }
0x90: {  	_ =	swait.eq [sflag:s13], $0x1  }
0x91: {  	[sflag:s13] =	ssyncset.done $0x0  }
0x92: {  	[sflag:s13] =	ssyncadd.s32 $0xFFFFFFFF  }
0x93: {  	s14 =	sld [smem:$0x11];
	(tm) =	ssettm $0x1  }
0x94: {  	s15 =	sld [smem:$0x3FFB];
	_ =	sdelay $0x3  }
0x95: {  	_ =	strace s15  }
0x96: {  	s1 =	sld [smem:$0x3FFC];
	_ =	sdelay $0x3  }
0x97: {  	_ =	strace s1  }
0x98: {  	s1 =	sld [smem:$0x3FFD];
	_ =	sdelay $0x3  }
0x99: {  	_ =	strace s1  }
0x9a: {  	_ =	strace $0x8FFFFFFF  }
0x9b: {  	s16 =	sld [smem:$0x3FDB];
	_ =	sdelay $0x1  }
0x9c: {  	s17 =	simm.s32 $_scs_section_size  }
0x9d: {  	s3 =	simm.s32 $_size__tile_overlayer_lowered;
	s4 =	simm.s32 $_tile_overlayer_lowered  }
0x9e: {  	s20 =	simm.s32 $0x1BFF;
	s19 =	sshll.u32 s4, $0x1;
	s1 =	sadd.s32 s17, s16  }
0x9f: {  	s5 =	simm.s32 $0x0;
	s18 =	sshll.u32 s3, $0x1;
	s3 =	sadd.s32 s19, s1  }
0xa0: {  	[timem:s5], [sflag:s20] =	dma.local [hbm:s3], s18  }
0xa1: {  	_ =	swait.ge [sflag:s20], s18  }
0xa2: {  	s2 =	ssub.s32 $0x0, s18;
	[sflag:s20] =	ssyncset.done $0x0  }
0xa3: {  	[sflag:s20] =	ssyncadd.s32 s2;
	_ =	sdelay $0x1  }
0xa4: {  	s21 =	simm.s32 $0x1B8B  }
0xa5: {  	_ =	swait.ge [sflag:s21], $0x1  }
0xa6: {  	[sflag:s21] =	ssyncset.done $0x0  }
0xa7: {  	s23 =	simm.s32 $0x1B8E;
	s22 =	sld [smem:$0x3FFE];
	[sflag:s21] =	ssyncadd.s32 $0xFFFFFFFF  }
0xa8: {  	s24 =	simm.s32 $execute0_lowered;
	[smem:$0x3FD2] =	sst s23  }
0xa9: {  	s3 =	sshll.u32 s24, $0x1;
	_ =	strace $0x80000061;
	[dreg:$0x1] =	wrdreg $0xFFFFFFFF  }
0xaa: {  	s25 =	simm.s32 $_size_execute0_lowered;
	s1 =	sadd.s32 s1, s3;
	[dreg:$0x0] =	wrdreg $0x0  }
0xab: {  	s3 =	sshll.u32 s25, $0x1;
	[dreg:$0x2] =	wrdreg s1  }
0xac: {  	[dreg:$0x3] =	wrdreg s3  }
0xad: {  	[dreg:$0x4] =	wrdreg $0xC0  }
0xae: {  	_ =	task [dreg:s5], $0x5FFFF  }
0xaf: {  	[dreg:$0x1] =	wrdreg $0xFFFFFFFF  }
0xb0: {  	[dreg:$0x0] =	wrdreg $0x60  }
0xb1: {  	[dreg:$0x2] =	wrdreg s22  }
0xb2: {  	[dreg:$0x3] =	wrdreg s14  }
0xb3: {  	[dreg:$0x4] =	wrdreg $0x9  }
0xb4: {  	_ =	task.clear_ibuf [dreg:s5], $0x5FFFF;
	_ =	strace $0x90000061  }
0xb5: {  	s26 =	simm.s32 $0x9;
	_ =	strace $0x80000063  }
0xb6: {  	_ =	swait.ge [sflag:s26], $0x1  }
0xb7: {  	[sflag:s26] =	ssyncadd.s32 $0xFFFFFFFF  }
0xb8: {  	_ =	strace $0x90000063  }
0xb9: {  	_ =	sfence  }
0xba: {  	s28 =	sld [smem:$0x0];
	_ =	sdelay $0x1  }
0xbb: {  	s29 =	srdreg.scid  }
0xbc: {  	s30 =	sshll.u32 s29, $0xD;
	s31 =	sshrl.u32 s29, $0x2  }
0xbd: {  	s2 =	sand.u32 $0x4000, s30;
	s1 =	sand.u32 $0x1, s29;
	s0 =	sadd.s32 s31, s28  }
0xbe: {  	s1 =	sor.u32 s2, s1;
	s0 =	sshll.u32 s0, $0x11  }
0xbf: {  	s0 =	sor.u32 s0, s1  }
0xc0: {  	s0 =	sadd.s32 $0x8F2B, s0  }
0xc1: {  	[sflag:s0] =	ssyncadd.remote.s32 $0x1  }
0xc2: {  	_ =	sfence.sel $0xFFFF  }
0xc3: {  	[dreg:$0x0] =	wrdreg $0xFFFFFFFF;
	(pc) =	sbr.abs _section_cstart, $3  }
0xc4: {  	[dreg:$0x1] =	wrdreg $0xFFFFFFFF  }
0xc5: {  	_ =	task.clear_ibuf [dreg:s5], $0x2FFFF;
	_ =	strace $0x9FFFFFFF  }
0xc6: {  	(tm) =	ssettm $0x7FFFFFFF  }
0xc7: {  	_ =	shalt  }
tec
execute0_lowered:
.L_overlay_start_1:
0x0: {  	(tag) =	ssettag $0x1  }
0x1: {  	s0 =	stileid.u32  }
0x2: {  	s1 =	smin.u32 s0, $0x9  }
0x3: {  	s1 =	sadd.s32 s0, s1  }
0x4: {  	s2 =	simm.s32 $0x320;
	p0 =	slt.u32 s0, $0x9;
	s1 =	smul.u32 $0x190, s1  }
0x5: {  	s2 =	simm.s32 @!p0 $0x190  }
0x6: {  	s2 =	sadd.s32 s2, s1  }
0x7: {  	s3 =	smin.u32 s2, $0x2710  }
0x8: {  	s7 =	ssub.s32 s3, s1  }
0x9: {  	p0 =	sgt.s32 s7, $0x0  }
0xa: {  	s7 =	simm.s32 @!p0 $0x0  }
0xb: {  	s31 =	sand.u32 $0xFFF0, s7  }
0xc: {  	s2 =	sshrl.u32 s31, $0x4  }
0xd: {  	s4 =	rddreg [dreg:$0x0];
	s2 =	smul.u32 $0xA3E, s2  }
0xe: {  	s5 =	rddreg [dreg:$0x1]  }
0xf: {  	s6 =	simm.s32 $0x1;
	s10 =	simm.s32 $0x3;
	s8 =	sshrl.u32 s2, $0x10  }
0x10: {  	s13 =	simm.s32 $0x0;
	s12 =	simm.s32 $0x0;
	s9 =	smul.u32 $0x190, s8  }
.Ltmp0:
0x11: {  	s11 =	smov.u32 s1;
	s2 =	rddreg [dreg:$0x2];
	(pc) =	sbr.rel .LBB2_1-.Ltmp0, $4  }
0x12: {  	_ =	strace $0x80000062;
	p0 =	sne.s32 s7, s9;
	s9 =	simm.s32 $0x1  }
0x13: {  	[sflag:s6] =	ssyncpa.u1 $0x0;
	s7 =	simm.s32 $0x2;
	s9 =	simm.s32 @!p0 $0x0  }
0x14: {  	[sflag:s7] =	ssyncpa.u1 $0x0;
	p0 =	por $0x0, $0x0;
	s8 =	sadd.s32 s8, s9  }
0x15: {  	vm0 =	vmmov $0xff;
	vm1 =	vcmask $0x3F20;
	s9 =	sadd.s32 $0x87000, s4;
	[sflag:s10] =	ssyncpa.u1 $0x0;
	s10 =	sadd.s32 $0x1, s8  }
.LBB2_6:
0x16: {  	[hbm:s17] =	stream.linear.scatter [tilespmem:s14], [sflag:$0x3], $0x400, $0x38;
	[tilespmem:$0x19320] =	vst v63  }
.LBB2_7:
0x17: {  	s13 =	sadd.s32 $0x190, s11  }
0x18: {  	s15 =	smov.u32 s1;
	p2 =	slt.s32 s13, s3  }
0x19: {  	s15 =	smov.u32 @p2 s13;
	p2 =	sne.s32 s12, s10  }
.Ltmp1:
0x1a: {  	p1 =	slt.u32 s12, $0x2;
	(pc) =	sbr.rel @!p2 .LBB2_8-.Ltmp1, $4  }
0x1b: {  	s14 =	simm.s32 @!p1 $0x3  }
0x1c: {  	s16 =	sadd.s32 $0x1, s12;
	_ =	swait.ge @!p1 [sflag:s14], $0xC800  }
0x1d: {  	p0 =	por !p0, !p0;
	s13 =	smov.u32 s11;
	[sflag:s14] =	ssyncset.done @!p1 $0x0  }
0x1e: {  	s12 =	smov.u32 s16;
	s11 =	smov.u32 s15;
	[sflag:s14] =	ssyncadd.s32 @!p1 $0xFFFF3800  }
.LBB2_1:
0x1f: {  	p1 =	sge.u32 s12, s8  }
0x20: {  	s14 =	sxor.u32 @!p1 $0xFFFFFFFF, s12  }
0x21: {  	s14 =	sand.u32 @!p1 $0x1, s14  }
0x22: {  	s14 =	smul.u32 @!p1 $0x640, s14  }
0x23: {  	s31 =	sadd.s32 $0xFFFFFFFF, s12;
	s15 =	sshrl.u32 @!p1 s11, $0x3  }
0x24: {  	s16 =	sand.u32 @!p1 $0x7, s11;
	s15 =	sadd.s32 @!p1 s5, s15;
	s14 =	sshrl.u32 @!p1 s14, $0x2  }
0x25: {  	[tilespmem:s14], [sflag:$0x2] =	stream.linear.gather @!p1 [hbm4b:s15+s16], $0x190, $0x38;
	[tilespmem:$0x19320] =	vst v63  }
0x26: {  	p1 =	sge.u32 s31, s8  }
.Ltmp2:
0x27: {  	_ = 	snop;
	(pc) =	sbr.rel @p1 .LBB2_7-.Ltmp2, $1  }
0x28: {  	_ =	sdelay $0x3  }
0x29: {  	s14 =	simm.s32 $0x1  }
0x2a: {  	s14 =	simm.s32 @!p0 $0x0  }
0x2b: {  	s15 =	smul.u32 $0x640, s14  }
0x2c: {  	_ =	swait.ge [sflag:s7], $0x190  }
0x2d: {  	[sflag:s7] =	ssyncset.done $0x0;
	s16 =	sshrl.u32 s15, $0x2  }
0x2e: {  	[sflag:s7] =	ssyncadd.s32 $0xFFFFFE70;
	s15 =	sadd.s32 $0x0, s16  }
0x2f: {  	v0 =	vld.msk [tilespmem:s15+$0x0 ss:$0x1], $0xffff;
	_ =	sdelay $0x4  }
0x30: {  	vm2 =	vgt.s32 v0, $0x0  }
0x31: {  	v0 =	vnsel vm2, $0x0, v0  }
0x32: {  	v0 =	vmin.u32 v0, $0x270F  }
0x33: {  	v0 =	vshll.u32 v0, $0x4  }
0x34: {  	s14 =	smul.u32 $0x32000, s14;
	_ =	sdelay $0x1  }
0x35: {  	s14 =	sshrl.u32 s14, $0x2  }
0x36: {  	s14 =	sor.u32 $0x320, s14  }
0x37: {  	[tilespmem:s14], [sflag:$0x1] =	stream.indirect_vreg.gather [hbm:s9], $0x80, v0, vm0, $0x38;
	[tilespmem:$0x19320] =	vst v63  }
0x38: {  	s17 =	sadd.s32 $0x10, s16;
	s15 =	sadd.s32 $0x400, s14  }
0x39: {  	[tilespmem:s15], [sflag:$0x1] =	stream.indirect_vreg.gather [hbm:s9], $0x80, v0, vm1, $0x38;
	[tilespmem:$0x19320] =	vst v63  }
0x3a: {  	s18 =	simm.s32 $0x80;
	v0 =	vld.msk [tilespmem:s17+$0x0 ss:$0x1], $0xffff;
	s17 =	smov.u32 s14  }
.LBB2_3:
0x3b: {  	p1 =	sne.s32 s18, $0x600;
	_ =	sdelay $0x4  }
0x3c: {  	vm2 =	vgt.s32 v0, $0x0  }
0x3d: {  	v0 =	vnsel vm2, $0x0, v0  }
0x3e: {  	v0 =	vmin.u32 v0, $0x270F  }
0x3f: {  	v0 =	vshll.u32 v0, $0x4;
	_ =	sdelay $0x3  }
.Ltmp3:
0x40: {  	s19 =	sshra.s32 s18, $0x2;
	s17 =	sadd.s32 $0x800, s17;
	(pc) =	sbr.rel @p1 .LBB2_3-.Ltmp3, $4  }
0x41: {  	[tilespmem:s17], [sflag:$0x1] =	stream.indirect_vreg.gather [hbm:s9], $0x80, v0, vm0, $0x38;
	[tilespmem:$0x19320] =	vst v63  }
0x42: {  	s19 =	sadd.s32 s19, s16;
	s20 =	sadd.s32 $0x400, s17  }
0x43: {  	[tilespmem:s20], [sflag:$0x1] =	stream.indirect_vreg.gather [hbm:s9], $0x80, v0, vm1, $0x38;
	[tilespmem:$0x19320] =	vst v63  }
0x44: {  	s18 =	sadd.s32 $0x40, s18;
	v0 =	vld.msk [tilespmem:s19+$0x0 ss:$0x1], $0xffff  }
0x45: {  	_ =	sdelay $0x3  }
0x46: {  	vm2 =	vgt.s32 v0, $0x0  }
0x47: {  	v0 =	vnsel vm2, $0x0, v0  }
0x48: {  	v0 =	vmin.u32 v0, $0x270F  }
0x49: {  	v0 =	vshll.u32 v0, $0x4;
	_ =	sdelay $0x3  }
0x4a: {  	s16 =	sadd.s32 $0x800, s17  }
0x4b: {  	[tilespmem:s16], [sflag:$0x1] =	stream.indirect_vreg.gather [hbm:s9], $0x80, v0, vm0, $0x38;
	[tilespmem:$0x19320] =	vst v63  }
0x4c: {  	s16 =	sadd.s32 $0x400, s16  }
0x4d: {  	[tilespmem:s16], [sflag:$0x1] =	stream.indirect_vreg.gather [hbm:s9], $0x80, v0, vm1, $0x38;
	[tilespmem:$0x19320] =	vst v63  }
0x4e: {  	s13 =	sshll.u32 s13, $0x4;
	_ =	swait.ge [sflag:s6], $0xC800  }
0x4f: {  	s13 =	sadd.s32 s13, s4;
	[sflag:s6] =	ssyncset.done $0x0  }
0x50: {  	s17 =	sadd.s32 $0x0, s13;
	s16 =	simm.s32 $0x80;
	[sflag:s6] =	ssyncadd.s32 $0xFFFF3800  }
.LBB2_5:
0x51: {  	[hbm:s17] =	stream.linear.scatter [tilespmem:s14], [sflag:$0x3], $0x400, $0x38;
	[tilespmem:$0x19320] =	vst v63  }
0x52: {  	s17 =	smov.u32 s16;
	s14 =	smov.u32 s15;
	p1 =	sne.s32 s16, $0x1880  }
.Ltmp4:
0x53: {  	s16 =	sadd.s32 $0x80, s16;
	(pc) =	sbr.rel @p1 .LBB2_5-.Ltmp4, $2  }
0x54: {  	_ =	sdelay $0x2  }
0x55: {  	s15 =	sadd.s32 $0x400, s15;
	s17 =	sadd.s32 s17, s13  }
.Ltmp5:
0x56: {  	_ = 	snop;
	(pc) =	sbr.rel .LBB2_6-.Ltmp5, $1  }
0x57: {  	_ =	sdelay $0x3  }
.LBB2_8:
0x58: {  	_ =	sfence.sel $0x180000  }
0x59: {  	s1 =	simm.s32 $0x2;
	[bflag:$0x0] =	sbarrier.arrive $0xFFFF  }
0x5a: {  	s30 =	simm.s32 $0x3;
	[sflag:s1] =	ssyncpa.u1 $0x1  }
0x5b: {  	s31 =	simm.s32 $0x1;
	[sflag:s30] =	ssyncpa.u1 $0x1  }
0x5c: {  	[sflag:s31] =	ssyncpa.u1 $0x1  }
0x5d: {  	p0 =	sne.s32 s0, $0x0;
	_ =	strace $0x90000062  }
0x5e: {  	s0 =	sadd.s32 @!p0 $0x100000, s2;
	[bflag:$0x2] =	sbarrier.arrive $0xFFFF  }
0x5f: {  	[sflag:s0] =	ssyncadd.tile.s32 @!p0 $0x1;
	_ =	shalt  }
.Lfunc_end2:
_tile_overlayer_lowered:
.L_overlay_start_2:
0x60: {  	(tag) =	ssettag $0x2  }
0x61: {  	s0 =	rddreg [dreg:$0x0];
	s2 =	stileid.u32  }
0x62: {  	s1 =	rddreg [dreg:$0x1];
	p0 =	sne.s32 s2, $0x0  }
0x63: {  	s3 =	rddreg [dreg:$0x2];
	[bflag:$0x3] =	sbarrier.arrive $0xFFFF;
	s2 =	simm.s32 @!p0 $0x1C01  }
0x64: {  	[timem:s3], [sflag:s2] =	dma.local @!p0 [hbm:s0], s1  }
0x65: {  	s0 =	simm.s32 @!p0 $0x1  }
0x66: {  	_ =	swait.ge @!p0 [sflag:s0], s1  }
0x67: {  	s1 =	ssub.s32 @!p0 $0x0, s1;
	[sflag:s0] =	ssyncset.done @!p0 $0x0  }
0x68: {  	[sflag:s0] =	ssyncadd.s32 @!p0 s1  }
0x69: {  	[bflag:$0x3] =	sbarrier.arrive $0xFFFF  }
0x6a: {  	_ =	shalt  }

// kernel: gather_offload_async_start.6
scs
__scs_entry_jumppad:
0x0: {  	(pc) =	sbr.rel $0x88, $3  }
0x1: {  	(tag) =	ssettag $0x0;
	lr =	simm.s32 $0x1  }
0x2: {  	[smem:$0x3F96] =	sst lr;
	_ =	strace $0xD0000000  }
0x3: {  	_ = 	snop  }
0x4: {  	_ = 	snop  }
0x5: {  	_ = 	snop  }
0x6: {  	_ = 	snop  }
0x7: {  	_ = 	snop  }
__scs_overlays_trampoline_lowered:
0x8: {  	[smem:$0x3FA5] =	sst s0  }
0x9: {  	[smem:$0x3FA6] =	sst s1  }
0xa: {  	[smem:$0x3FA7] =	sst s2  }
0xb: {  	[smem:$0x3FA8] =	sst s3  }
0xc: {  	[smem:$0x3FA9] =	sst s4  }
0xd: {  	[smem:$0x3FAA] =	sst s5  }
0xe: {  	[smem:$0x3FAB] =	sst s6  }
0xf: {  	[smem:$0x3FAC] =	sst s7  }
0x10: {  	[smem:$0x3FAD] =	sst s8  }
0x11: {  	[smem:$0x3FAE] =	sst s9;
	s0 =	simm.s32 @!p0 $0x0  }
0x12: {  	s1 =	sld [smem:$0x3F94];
	s0 =	simm.s32 @p0 $0x1  }
0x13: {  	[smem:$0x3FAF] =	sst s0;
	s0 =	simm.s32 @!p1 $0x0  }
0x14: {  	s2 =	sld [smem:$0x3F93];
	s0 =	simm.s32 @p1 $0x1  }
0x15: {  	[smem:$0x3FB0] =	sst s0;
	s0 =	simm.s32 @!p2 $0x0  }
0x16: {  	s3 =	sld [smem:$0x3FDB];
	s0 =	simm.s32 @p2 $0x1  }
0x17: {  	s4 =	simm.s32 $0x1BF5;
	[smem:$0x3FB2] =	sst s0  }
0x18: {  	s0 =	sld [smem:$0x3F95];
	_ =	swait.ge [sflag:s4], $0x0  }
0x19: {  	s7 =	sld [smem:$0x3F96]  }
0x1a: {  	s8 =	sadd.s32 $0xFFFFE003, lr  }
0x1b: {  	s9 =	sadd.s32 $0xFFFFFEF7, lr;
	s5 =	simm.s32 $0xFFFFFFFF;
	p2 =	slt.u32 s8, $0xFFFFF086  }
0x1c: {  	p1 =	slt.u32 s9, $0xF7A;
	s5 =	simm.s32 @!p2 $0x0  }
0x1d: {  	s5 =	simm.s32 @p1 $0x1;
	p0 =	seq.s32 s7, s2  }
0x1e: {  	s7 =	smul.u32 @!p0 $0xF7A, s2;
	p2 =	seq.s32 @!p0 s5, $0x0  }
0x1f: {  	s9 =	smul.u32 $0xF7A, s1;
	s8 =	simm.s32 @!p0 $0x1BF5;
	p2 =	por !p2, p0  }
0x20: {  	[sflag:s8] =	ssyncset.s32 @!p0 $0xFFFFF086;
	s6 =	sadd.s32 @!p0 s3, s7;
	s7 =	simm.s32 @!p0 $0x108  }
0x21: {  	s3 =	sadd.s32 s3, s9;
	s6 =	sadd.s32 @!p0 $0x88, s6;
	s7 =	simm.s32 @p2 $0x1082  }
0x22: {  	[simem:s7], [sflag:s8] =	dma.local @!p0 [hbm:s6], $0xF7A  }
0x23: {  	s9 =	sor.u32 $0xD0000000, s2;
	s6 =	simm.s32 $0x108;
	_ =	swait.ge @!p0 [sflag:s8], $0x0  }
0x24: {  	s3 =	sadd.s32 $0x88, s3;
	s6 =	simm.s32 @!p1 $0x1082;
	[sflag:s4] =	ssyncset.s32 $0xFFFFF086  }
0x25: {  	[simem:s6], [sflag:s4] =	dma.local [hbm:s3], $0xF7A  }
0x26: {  	[smem:$0x3F96] =	sst s1;
	(tag) =	ssettag s2;
	_ =	strace s9  }
0x27: {  	s1 =	sld [smem:$0x3FA6]  }
0x28: {  	s2 =	sld [smem:$0x3FA7]  }
0x29: {  	s4 =	sld [smem:$0x3FA9]  }
0x2a: {  	p0 =	seq.s32 s5, $0x0;
	s5 =	sld [smem:$0x3FAA]  }
0x2b: {  	s6 =	sld [smem:$0x3FAB]  }
0x2c: {  	s7 =	sld [smem:$0x3FAC]  }
0x2d: {  	s3 =	simm.s32 $0x108;
	s8 =	sld [smem:$0x3FAD]  }
0x2e: {  	s3 =	simm.s32 @!p0 $0x1082;
	s9 =	sld [smem:$0x3FAE]  }
0x2f: {  	lr =	sadd.s32 s0, s3;
	s0 =	sld [smem:$0x3FA5]  }
0x30: {  	s3 =	sld [smem:$0x3FA8]  }
0x31: {  	[smem:$0x3FB1] =	sst s10  }
0x32: {  	s10 =	sld [smem:$0x3FAF];
	_ =	sdelay $0x3  }
0x33: {  	p0 =	seq.s32 s10, $0x1;
	s10 =	sld [smem:$0x3FB1];
	_ =	sdelay $0x3  }
0x34: {  	[smem:$0x3FB1] =	sst s10  }
0x35: {  	s10 =	sld [smem:$0x3FB0];
	_ =	sdelay $0x3  }
0x36: {  	p1 =	seq.s32 s10, $0x1;
	s10 =	sld [smem:$0x3FB1];
	_ =	sdelay $0x3  }
0x37: {  	[smem:$0x3FB1] =	sst s10  }
0x38: {  	s10 =	sld [smem:$0x3FB2]  }
0x39: {  	_ = 	snop;
	(pc) =	sbr.ind lr, $3  }
0x3a: {  	_ = 	snop  }
0x3b: {  	_ = 	snop  }
0x3c: {  	p2 =	seq.s32 s10, $0x1;
	s10 =	sld [smem:$0x3FB1]  }
0x3d: {  	_ =	shalt  }
0x3e: {  	_ =	shalt  }
0x3f: {  	_ =	shalt  }
0x40: {  	_ =	shalt  }
0x41: {  	_ =	shalt  }
0x42: {  	_ =	shalt  }
0x43: {  	_ =	shalt  }
0x44: {  	_ =	shalt  }
0x45: {  	_ =	shalt  }
0x46: {  	_ =	shalt  }
0x47: {  	_ =	shalt  }
0x48: {  	_ =	shalt  }
0x49: {  	_ =	shalt  }
0x4a: {  	_ =	shalt  }
0x4b: {  	_ =	shalt  }
0x4c: {  	_ =	shalt  }
0x4d: {  	_ =	shalt  }
0x4e: {  	_ =	shalt  }
0x4f: {  	_ =	shalt  }
0x50: {  	_ =	shalt  }
0x51: {  	_ =	shalt  }
0x52: {  	_ =	shalt  }
0x53: {  	_ =	shalt  }
0x54: {  	_ =	shalt  }
0x55: {  	_ =	shalt  }
0x56: {  	_ =	shalt  }
0x57: {  	_ =	shalt  }
0x58: {  	_ =	shalt  }
0x59: {  	_ =	shalt  }
0x5a: {  	_ =	shalt  }
0x5b: {  	_ =	shalt  }
0x5c: {  	_ =	shalt  }
0x5d: {  	_ =	shalt  }
0x5e: {  	_ =	shalt  }
0x5f: {  	_ =	shalt  }
0x60: {  	_ =	shalt  }
0x61: {  	_ =	shalt  }
0x62: {  	_ =	shalt  }
0x63: {  	_ =	shalt  }
0x64: {  	_ =	shalt  }
0x65: {  	_ =	shalt  }
0x66: {  	_ =	shalt  }
0x67: {  	_ =	shalt  }
0x68: {  	_ =	shalt  }
0x69: {  	_ =	shalt  }
0x6a: {  	_ =	shalt  }
0x6b: {  	_ =	shalt  }
0x6c: {  	_ =	shalt  }
0x6d: {  	_ =	shalt  }
0x6e: {  	_ =	shalt  }
0x6f: {  	_ =	shalt  }
0x70: {  	_ =	shalt  }
0x71: {  	_ =	shalt  }
0x72: {  	_ =	shalt  }
0x73: {  	_ =	shalt  }
0x74: {  	_ =	shalt  }
0x75: {  	_ =	shalt  }
0x76: {  	_ =	shalt  }
0x77: {  	_ =	shalt  }
0x78: {  	_ =	shalt  }
0x79: {  	_ =	shalt  }
0x7a: {  	_ =	shalt  }
0x7b: {  	_ =	shalt  }
0x7c: {  	_ =	shalt  }
0x7d: {  	_ =	shalt  }
0x7e: {  	_ =	shalt  }
0x7f: {  	_ =	shalt  }
0x80: {  	_ =	shalt  }
0x81: {  	_ =	shalt  }
0x82: {  	_ =	shalt  }
0x83: {  	_ =	shalt  }
0x84: {  	_ =	shalt  }
0x85: {  	_ =	shalt  }
0x86: {  	_ =	shalt  }
0x87: {  	_ =	shalt  }
.Lfunc_end0:
.L_simem_size_0:
called_computation.7_lowered:
.L_overlay_start_0:
0x88: {  	s0 =	sld [smem:$0x3FD9]  }
0x89: {  	s1 =	sld [smem:$0x3FFE];
	_ =	sdelay $0x3  }
0x8a: {  	s0 =	sadd.s32 s1, s0  }
0x8b: {  	[smem:$0x3FBD] =	sst s0  }
0x8c: {  	_ = 	snop  }
0x8d: {  	s0 =	sld [smem:$0x3FD0];
	_ =	sdelay $0x2  }
0x8e: {  	s13 =	simm.s32 $0xA;
	s2 =	simm.s32 $0x10  }
0x8f: {  	[smem:s2], [sflag:s13] =	dma.local [hbm:s0], $0x1  }
0x90: {  	_ =	swait.eq [sflag:s13], $0x1  }
0x91: {  	[sflag:s13] =	ssyncset.done $0x0  }
0x92: {  	[sflag:s13] =	ssyncadd.s32 $0xFFFFFFFF  }
0x93: {  	s14 =	sld [smem:$0x11];
	(tm) =	ssettm $0x1  }
0x94: {  	s15 =	sld [smem:$0x3FFB];
	_ =	sdelay $0x3  }
0x95: {  	_ =	strace s15  }
0x96: {  	s1 =	sld [smem:$0x3FFC];
	_ =	sdelay $0x3  }
0x97: {  	_ =	strace s1  }
0x98: {  	s1 =	sld [smem:$0x3FFD];
	_ =	sdelay $0x3  }
0x99: {  	_ =	strace s1  }
0x9a: {  	_ =	strace $0x8FFFFFFF  }
0x9b: {  	s16 =	sld [smem:$0x3FDB];
	_ =	sdelay $0x1  }
0x9c: {  	s17 =	simm.s32 $_scs_section_size  }
0x9d: {  	s3 =	simm.s32 $_size__tile_overlayer_lowered;
	s4 =	simm.s32 $_tile_overlayer_lowered  }
0x9e: {  	s20 =	simm.s32 $0x1BFF;
	s19 =	sshll.u32 s4, $0x1;
	s1 =	sadd.s32 s17, s16  }
0x9f: {  	s5 =	simm.s32 $0x0;
	s18 =	sshll.u32 s3, $0x1;
	s3 =	sadd.s32 s19, s1  }
0xa0: {  	[timem:s5], [sflag:s20] =	dma.local [hbm:s3], s18  }
0xa1: {  	_ =	swait.ge [sflag:s20], s18  }
0xa2: {  	s2 =	ssub.s32 $0x0, s18;
	[sflag:s20] =	ssyncset.done $0x0  }
0xa3: {  	[sflag:s20] =	ssyncadd.s32 s2;
	_ =	sdelay $0x1  }
0xa4: {  	s21 =	simm.s32 $0x1B8B  }
0xa5: {  	_ =	swait.ge [sflag:s21], $0x1  }
0xa6: {  	[sflag:s21] =	ssyncset.done $0x0  }
0xa7: {  	s23 =	simm.s32 $0x1B8E;
	s22 =	sld [smem:$0x3FFE];
	[sflag:s21] =	ssyncadd.s32 $0xFFFFFFFF  }
0xa8: {  	s24 =	simm.s32 $execute0_lowered;
	[smem:$0x3FD2] =	sst s23  }
0xa9: {  	s3 =	sshll.u32 s24, $0x1;
	_ =	strace $0x80000064;
	[dreg:$0x1] =	wrdreg $0xFFFFFFFF  }
0xaa: {  	s25 =	simm.s32 $_size_execute0_lowered;
	s1 =	sadd.s32 s1, s3;
	[dreg:$0x0] =	wrdreg $0x0  }
0xab: {  	s3 =	sshll.u32 s25, $0x1;
	[dreg:$0x2] =	wrdreg s1  }
0xac: {  	[dreg:$0x3] =	wrdreg s3  }
0xad: {  	[dreg:$0x4] =	wrdreg $0xC0  }
0xae: {  	_ =	task [dreg:s5], $0x5FFFF  }
0xaf: {  	[dreg:$0x1] =	wrdreg $0xFFFFFFFF  }
0xb0: {  	[dreg:$0x0] =	wrdreg $0x60  }
0xb1: {  	[dreg:$0x2] =	wrdreg s22  }
0xb2: {  	[dreg:$0x3] =	wrdreg s14  }
0xb3: {  	[dreg:$0x4] =	wrdreg $0x9  }
0xb4: {  	_ =	task.clear_ibuf [dreg:s5], $0x5FFFF;
	_ =	strace $0x90000064  }
0xb5: {  	s26 =	simm.s32 $0x9;
	_ =	strace $0x80000066  }
0xb6: {  	_ =	swait.ge [sflag:s26], $0x1  }
0xb7: {  	[sflag:s26] =	ssyncadd.s32 $0xFFFFFFFF  }
0xb8: {  	_ =	strace $0x90000066  }
0xb9: {  	_ =	sfence  }
0xba: {  	s28 =	sld [smem:$0x0];
	_ =	sdelay $0x1  }
0xbb: {  	s29 =	srdreg.scid  }
0xbc: {  	s30 =	sshll.u32 s29, $0xD;
	s31 =	sshrl.u32 s29, $0x2  }
0xbd: {  	s2 =	sand.u32 $0x4000, s30;
	s1 =	sand.u32 $0x1, s29;
	s0 =	sadd.s32 s31, s28  }
0xbe: {  	s1 =	sor.u32 s2, s1;
	s0 =	sshll.u32 s0, $0x11  }
0xbf: {  	s0 =	sor.u32 s0, s1  }
0xc0: {  	s0 =	sadd.s32 $0x8F2B, s0  }
0xc1: {  	[sflag:s0] =	ssyncadd.remote.s32 $0x1  }
0xc2: {  	_ =	sfence.sel $0xFFFF  }
0xc3: {  	[dreg:$0x0] =	wrdreg $0xFFFFFFFF;
	(pc) =	sbr.abs _section_cstart, $3  }
0xc4: {  	[dreg:$0x1] =	wrdreg $0xFFFFFFFF  }
0xc5: {  	_ =	task.clear_ibuf [dreg:s5], $0x2FFFF;
	_ =	strace $0x9FFFFFFF  }
0xc6: {  	(tm) =	ssettm $0x7FFFFFFF  }
0xc7: {  	_ =	shalt  }
tec
execute0_lowered:
.L_overlay_start_1:
0x0: {  	(tag) =	ssettag $0x1  }
0x1: {  	s0 =	stileid.u32  }
0x2: {  	s1 =	smin.u32 s0, $0x9  }
0x3: {  	s1 =	sadd.s32 s0, s1  }
0x4: {  	s2 =	simm.s32 $0x320;
	p0 =	slt.u32 s0, $0x9;
	s1 =	smul.u32 $0x190, s1  }
0x5: {  	s2 =	simm.s32 @!p0 $0x190  }
0x6: {  	s2 =	sadd.s32 s2, s1  }
0x7: {  	s3 =	smin.u32 s2, $0x2710  }
0x8: {  	s7 =	ssub.s32 s3, s1  }
0x9: {  	p0 =	sgt.s32 s7, $0x0  }
0xa: {  	s7 =	simm.s32 @!p0 $0x0  }
0xb: {  	s31 =	sand.u32 $0xFFF0, s7  }
0xc: {  	s2 =	sshrl.u32 s31, $0x4  }
0xd: {  	s4 =	rddreg [dreg:$0x0];
	s2 =	smul.u32 $0xA3E, s2  }
0xe: {  	s5 =	rddreg [dreg:$0x1]  }
0xf: {  	s6 =	simm.s32 $0x1;
	s10 =	simm.s32 $0x3;
	s8 =	sshrl.u32 s2, $0x10  }
0x10: {  	s13 =	simm.s32 $0x0;
	s12 =	simm.s32 $0x0;
	s9 =	smul.u32 $0x190, s8  }
.Ltmp0:
0x11: {  	s11 =	smov.u32 s1;
	s2 =	rddreg [dreg:$0x2];
	(pc) =	sbr.rel .LBB2_1-.Ltmp0, $4  }
0x12: {  	_ =	strace $0x80000065;
	p0 =	sne.s32 s7, s9;
	s9 =	simm.s32 $0x1  }
0x13: {  	[sflag:s6] =	ssyncpa.u1 $0x0;
	s7 =	simm.s32 $0x2;
	s9 =	simm.s32 @!p0 $0x0  }
0x14: {  	[sflag:s7] =	ssyncpa.u1 $0x0;
	p0 =	por $0x0, $0x0;
	s8 =	sadd.s32 s8, s9  }
0x15: {  	vm0 =	vmmov $0xff;
	vm1 =	vcmask $0x3F20;
	s9 =	sadd.s32 $0x87000, s4;
	[sflag:s10] =	ssyncpa.u1 $0x0;
	s10 =	sadd.s32 $0x1, s8  }
.LBB2_6:
0x16: {  	[hbm:s17] =	stream.linear.scatter [tilespmem:s14], [sflag:$0x3], $0x400, $0x38;
	[tilespmem:$0x19320] =	vst v63  }
.LBB2_7:
0x17: {  	s13 =	sadd.s32 $0x190, s11  }
0x18: {  	s15 =	smov.u32 s1;
	p2 =	slt.s32 s13, s3  }
0x19: {  	s15 =	smov.u32 @p2 s13;
	p2 =	sne.s32 s12, s10  }
.Ltmp1:
0x1a: {  	p1 =	slt.u32 s12, $0x2;
	(pc) =	sbr.rel @!p2 .LBB2_8-.Ltmp1, $4  }
0x1b: {  	s14 =	simm.s32 @!p1 $0x3  }
0x1c: {  	s16 =	sadd.s32 $0x1, s12;
	_ =	swait.ge @!p1 [sflag:s14], $0xC800  }
0x1d: {  	p0 =	por !p0, !p0;
	s13 =	smov.u32 s11;
	[sflag:s14] =	ssyncset.done @!p1 $0x0  }
0x1e: {  	s12 =	smov.u32 s16;
	s11 =	smov.u32 s15;
	[sflag:s14] =	ssyncadd.s32 @!p1 $0xFFFF3800  }
.LBB2_1:
0x1f: {  	p1 =	sge.u32 s12, s8  }
0x20: {  	s14 =	sxor.u32 @!p1 $0xFFFFFFFF, s12  }
0x21: {  	s14 =	sand.u32 @!p1 $0x1, s14  }
0x22: {  	s14 =	smul.u32 @!p1 $0x640, s14  }
0x23: {  	s31 =	sadd.s32 $0xFFFFFFFF, s12;
	s15 =	sshrl.u32 @!p1 s11, $0x3  }
0x24: {  	s16 =	sand.u32 @!p1 $0x7, s11;
	s15 =	sadd.s32 @!p1 s5, s15;
	s14 =	sshrl.u32 @!p1 s14, $0x2  }
0x25: {  	[tilespmem:s14], [sflag:$0x2] =	stream.linear.gather @!p1 [hbm4b:s15+s16], $0x190, $0x38;
	[tilespmem:$0x19320] =	vst v63  }
0x26: {  	p1 =	sge.u32 s31, s8  }
.Ltmp2:
0x27: {  	_ = 	snop;
	(pc) =	sbr.rel @p1 .LBB2_7-.Ltmp2, $1  }
0x28: {  	_ =	sdelay $0x3  }
0x29: {  	s14 =	simm.s32 $0x1  }
0x2a: {  	s14 =	simm.s32 @!p0 $0x0  }
0x2b: {  	s15 =	smul.u32 $0x640, s14  }
0x2c: {  	_ =	swait.ge [sflag:s7], $0x190  }
0x2d: {  	[sflag:s7] =	ssyncset.done $0x0;
	s16 =	sshrl.u32 s15, $0x2  }
0x2e: {  	[sflag:s7] =	ssyncadd.s32 $0xFFFFFE70;
	s15 =	sadd.s32 $0x0, s16  }
0x2f: {  	v0 =	vld.msk [tilespmem:s15+$0x0 ss:$0x1], $0xffff;
	_ =	sdelay $0x4  }
0x30: {  	vm2 =	vgt.s32 v0, $0x0  }
0x31: {  	v0 =	vnsel vm2, $0x0, v0  }
0x32: {  	v0 =	vmin.u32 v0, $0x270F  }
0x33: {  	v0 =	vshll.u32 v0, $0x4  }
0x34: {  	s14 =	smul.u32 $0x32000, s14;
	_ =	sdelay $0x1  }
0x35: {  	s14 =	sshrl.u32 s14, $0x2  }
0x36: {  	s14 =	sor.u32 $0x320, s14  }
0x37: {  	[tilespmem:s14], [sflag:$0x1] =	stream.indirect_vreg.gather [hbm:s9], $0x80, v0, vm0, $0x38;
	[tilespmem:$0x19320] =	vst v63  }
0x38: {  	s17 =	sadd.s32 $0x10, s16;
	s15 =	sadd.s32 $0x400, s14  }
0x39: {  	[tilespmem:s15], [sflag:$0x1] =	stream.indirect_vreg.gather [hbm:s9], $0x80, v0, vm1, $0x38;
	[tilespmem:$0x19320] =	vst v63  }
0x3a: {  	s18 =	simm.s32 $0x80;
	v0 =	vld.msk [tilespmem:s17+$0x0 ss:$0x1], $0xffff;
	s17 =	smov.u32 s14  }
.LBB2_3:
0x3b: {  	p1 =	sne.s32 s18, $0x600;
	_ =	sdelay $0x4  }
0x3c: {  	vm2 =	vgt.s32 v0, $0x0  }
0x3d: {  	v0 =	vnsel vm2, $0x0, v0  }
0x3e: {  	v0 =	vmin.u32 v0, $0x270F  }
0x3f: {  	v0 =	vshll.u32 v0, $0x4;
	_ =	sdelay $0x3  }
.Ltmp3:
0x40: {  	s19 =	sshra.s32 s18, $0x2;
	s17 =	sadd.s32 $0x800, s17;
	(pc) =	sbr.rel @p1 .LBB2_3-.Ltmp3, $4  }
0x41: {  	[tilespmem:s17], [sflag:$0x1] =	stream.indirect_vreg.gather [hbm:s9], $0x80, v0, vm0, $0x38;
	[tilespmem:$0x19320] =	vst v63  }
0x42: {  	s19 =	sadd.s32 s19, s16;
	s20 =	sadd.s32 $0x400, s17  }
0x43: {  	[tilespmem:s20], [sflag:$0x1] =	stream.indirect_vreg.gather [hbm:s9], $0x80, v0, vm1, $0x38;
	[tilespmem:$0x19320] =	vst v63  }
0x44: {  	s18 =	sadd.s32 $0x40, s18;
	v0 =	vld.msk [tilespmem:s19+$0x0 ss:$0x1], $0xffff  }
0x45: {  	_ =	sdelay $0x3  }
0x46: {  	vm2 =	vgt.s32 v0, $0x0  }
0x47: {  	v0 =	vnsel vm2, $0x0, v0  }
0x48: {  	v0 =	vmin.u32 v0, $0x270F  }
0x49: {  	v0 =	vshll.u32 v0, $0x4;
	_ =	sdelay $0x3  }
0x4a: {  	s16 =	sadd.s32 $0x800, s17  }
0x4b: {  	[tilespmem:s16], [sflag:$0x1] =	stream.indirect_vreg.gather [hbm:s9], $0x80, v0, vm0, $0x38;
	[tilespmem:$0x19320] =	vst v63  }
0x4c: {  	s16 =	sadd.s32 $0x400, s16  }
0x4d: {  	[tilespmem:s16], [sflag:$0x1] =	stream.indirect_vreg.gather [hbm:s9], $0x80, v0, vm1, $0x38;
	[tilespmem:$0x19320] =	vst v63  }
0x4e: {  	s13 =	sshll.u32 s13, $0x4;
	_ =	swait.ge [sflag:s6], $0xC800  }
0x4f: {  	s13 =	sadd.s32 s13, s4;
	[sflag:s6] =	ssyncset.done $0x0  }
0x50: {  	s17 =	sadd.s32 $0x0, s13;
	s16 =	simm.s32 $0x80;
	[sflag:s6] =	ssyncadd.s32 $0xFFFF3800  }
.LBB2_5:
0x51: {  	[hbm:s17] =	stream.linear.scatter [tilespmem:s14], [sflag:$0x3], $0x400, $0x38;
	[tilespmem:$0x19320] =	vst v63  }
0x52: {  	s17 =	smov.u32 s16;
	s14 =	smov.u32 s15;
	p1 =	sne.s32 s16, $0x1880  }
.Ltmp4:
0x53: {  	s16 =	sadd.s32 $0x80, s16;
	(pc) =	sbr.rel @p1 .LBB2_5-.Ltmp4, $2  }
0x54: {  	_ =	sdelay $0x2  }
0x55: {  	s15 =	sadd.s32 $0x400, s15;
	s17 =	sadd.s32 s17, s13  }
.Ltmp5:
0x56: {  	_ = 	snop;
	(pc) =	sbr.rel .LBB2_6-.Ltmp5, $1  }
0x57: {  	_ =	sdelay $0x3  }
.LBB2_8:
0x58: {  	_ =	sfence.sel $0x180000  }
0x59: {  	s1 =	simm.s32 $0x2;
	[bflag:$0x0] =	sbarrier.arrive $0xFFFF  }
0x5a: {  	s30 =	simm.s32 $0x3;
	[sflag:s1] =	ssyncpa.u1 $0x1  }
0x5b: {  	s31 =	simm.s32 $0x1;
	[sflag:s30] =	ssyncpa.u1 $0x1  }
0x5c: {  	[sflag:s31] =	ssyncpa.u1 $0x1  }
0x5d: {  	p0 =	sne.s32 s0, $0x0;
	_ =	strace $0x90000065  }
0x5e: {  	s0 =	sadd.s32 @!p0 $0x100000, s2;
	[bflag:$0x2] =	sbarrier.arrive $0xFFFF  }
0x5f: {  	[sflag:s0] =	ssyncadd.tile.s32 @!p0 $0x1;
	_ =	shalt  }
.Lfunc_end2:
_tile_overlayer_lowered:
.L_overlay_start_2:
0x60: {  	(tag) =	ssettag $0x2  }
0x61: {  	s0 =	rddreg [dreg:$0x0];
	s2 =	stileid.u32  }
0x62: {  	s1 =	rddreg [dreg:$0x1];
	p0 =	sne.s32 s2, $0x0  }
0x63: {  	s3 =	rddreg [dreg:$0x2];
	[bflag:$0x3] =	sbarrier.arrive $0xFFFF;
	s2 =	simm.s32 @!p0 $0x1C01  }
0x64: {  	[timem:s3], [sflag:s2] =	dma.local @!p0 [hbm:s0], s1  }
0x65: {  	s0 =	simm.s32 @!p0 $0x1  }
0x66: {  	_ =	swait.ge @!p0 [sflag:s0], s1  }
0x67: {  	s1 =	ssub.s32 @!p0 $0x0, s1;
	[sflag:s0] =	ssyncset.done @!p0 $0x0  }
0x68: {  	[sflag:s0] =	ssyncadd.s32 @!p0 s1  }
0x69: {  	[bflag:$0x3] =	sbarrier.arrive $0xFFFF  }
0x6a: {  	_ =	shalt  }

// kernel: gather_offload_async_start.7
scs
__scs_entry_jumppad:
0x0: {  	(pc) =	sbr.rel $0x88, $3  }
0x1: {  	(tag) =	ssettag $0x0;
	lr =	simm.s32 $0x1  }
0x2: {  	[smem:$0x3F96] =	sst lr;
	_ =	strace $0xD0000000  }
0x3: {  	_ = 	snop  }
0x4: {  	_ = 	snop  }
0x5: {  	_ = 	snop  }
0x6: {  	_ = 	snop  }
0x7: {  	_ = 	snop  }
__scs_overlays_trampoline_lowered:
0x8: {  	[smem:$0x3FA5] =	sst s0  }
0x9: {  	[smem:$0x3FA6] =	sst s1  }
0xa: {  	[smem:$0x3FA7] =	sst s2  }
0xb: {  	[smem:$0x3FA8] =	sst s3  }
0xc: {  	[smem:$0x3FA9] =	sst s4  }
0xd: {  	[smem:$0x3FAA] =	sst s5  }
0xe: {  	[smem:$0x3FAB] =	sst s6  }
0xf: {  	[smem:$0x3FAC] =	sst s7  }
0x10: {  	[smem:$0x3FAD] =	sst s8  }
0x11: {  	[smem:$0x3FAE] =	sst s9;
	s0 =	simm.s32 @!p0 $0x0  }
0x12: {  	s1 =	sld [smem:$0x3F94];
	s0 =	simm.s32 @p0 $0x1  }
0x13: {  	[smem:$0x3FAF] =	sst s0;
	s0 =	simm.s32 @!p1 $0x0  }
0x14: {  	s2 =	sld [smem:$0x3F93];
	s0 =	simm.s32 @p1 $0x1  }
0x15: {  	[smem:$0x3FB0] =	sst s0;
	s0 =	simm.s32 @!p2 $0x0  }
0x16: {  	s3 =	sld [smem:$0x3FDB];
	s0 =	simm.s32 @p2 $0x1  }
0x17: {  	s4 =	simm.s32 $0x1BF5;
	[smem:$0x3FB2] =	sst s0  }
0x18: {  	s0 =	sld [smem:$0x3F95];
	_ =	swait.ge [sflag:s4], $0x0  }
0x19: {  	s7 =	sld [smem:$0x3F96]  }
0x1a: {  	s8 =	sadd.s32 $0xFFFFE003, lr  }
0x1b: {  	s9 =	sadd.s32 $0xFFFFFEF7, lr;
	s5 =	simm.s32 $0xFFFFFFFF;
	p2 =	slt.u32 s8, $0xFFFFF086  }
0x1c: {  	p1 =	slt.u32 s9, $0xF7A;
	s5 =	simm.s32 @!p2 $0x0  }
0x1d: {  	s5 =	simm.s32 @p1 $0x1;
	p0 =	seq.s32 s7, s2  }
0x1e: {  	s7 =	smul.u32 @!p0 $0xF7A, s2;
	p2 =	seq.s32 @!p0 s5, $0x0  }
0x1f: {  	s9 =	smul.u32 $0xF7A, s1;
	s8 =	simm.s32 @!p0 $0x1BF5;
	p2 =	por !p2, p0  }
0x20: {  	[sflag:s8] =	ssyncset.s32 @!p0 $0xFFFFF086;
	s6 =	sadd.s32 @!p0 s3, s7;
	s7 =	simm.s32 @!p0 $0x108  }
0x21: {  	s3 =	sadd.s32 s3, s9;
	s6 =	sadd.s32 @!p0 $0x88, s6;
	s7 =	simm.s32 @p2 $0x1082  }
0x22: {  	[simem:s7], [sflag:s8] =	dma.local @!p0 [hbm:s6], $0xF7A  }
0x23: {  	s9 =	sor.u32 $0xD0000000, s2;
	s6 =	simm.s32 $0x108;
	_ =	swait.ge @!p0 [sflag:s8], $0x0  }
0x24: {  	s3 =	sadd.s32 $0x88, s3;
	s6 =	simm.s32 @!p1 $0x1082;
	[sflag:s4] =	ssyncset.s32 $0xFFFFF086  }
0x25: {  	[simem:s6], [sflag:s4] =	dma.local [hbm:s3], $0xF7A  }
0x26: {  	[smem:$0x3F96] =	sst s1;
	(tag) =	ssettag s2;
	_ =	strace s9  }
0x27: {  	s1 =	sld [smem:$0x3FA6]  }
0x28: {  	s2 =	sld [smem:$0x3FA7]  }
0x29: {  	s4 =	sld [smem:$0x3FA9]  }
0x2a: {  	p0 =	seq.s32 s5, $0x0;
	s5 =	sld [smem:$0x3FAA]  }
0x2b: {  	s6 =	sld [smem:$0x3FAB]  }
0x2c: {  	s7 =	sld [smem:$0x3FAC]  }
0x2d: {  	s3 =	simm.s32 $0x108;
	s8 =	sld [smem:$0x3FAD]  }
0x2e: {  	s3 =	simm.s32 @!p0 $0x1082;
	s9 =	sld [smem:$0x3FAE]  }
0x2f: {  	lr =	sadd.s32 s0, s3;
	s0 =	sld [smem:$0x3FA5]  }
0x30: {  	s3 =	sld [smem:$0x3FA8]  }
0x31: {  	[smem:$0x3FB1] =	sst s10  }
0x32: {  	s10 =	sld [smem:$0x3FAF];
	_ =	sdelay $0x3  }
0x33: {  	p0 =	seq.s32 s10, $0x1;
	s10 =	sld [smem:$0x3FB1];
	_ =	sdelay $0x3  }
0x34: {  	[smem:$0x3FB1] =	sst s10  }
0x35: {  	s10 =	sld [smem:$0x3FB0];
	_ =	sdelay $0x3  }
0x36: {  	p1 =	seq.s32 s10, $0x1;
	s10 =	sld [smem:$0x3FB1];
	_ =	sdelay $0x3  }
0x37: {  	[smem:$0x3FB1] =	sst s10  }
0x38: {  	s10 =	sld [smem:$0x3FB2]  }
0x39: {  	_ = 	snop;
	(pc) =	sbr.ind lr, $3  }
0x3a: {  	_ = 	snop  }
0x3b: {  	_ = 	snop  }
0x3c: {  	p2 =	seq.s32 s10, $0x1;
	s10 =	sld [smem:$0x3FB1]  }
0x3d: {  	_ =	shalt  }
0x3e: {  	_ =	shalt  }
0x3f: {  	_ =	shalt  }
0x40: {  	_ =	shalt  }
0x41: {  	_ =	shalt  }
0x42: {  	_ =	shalt  }
0x43: {  	_ =	shalt  }
0x44: {  	_ =	shalt  }
0x45: {  	_ =	shalt  }
0x46: {  	_ =	shalt  }
0x47: {  	_ =	shalt  }
0x48: {  	_ =	shalt  }
0x49: {  	_ =	shalt  }
0x4a: {  	_ =	shalt  }
0x4b: {  	_ =	shalt  }
0x4c: {  	_ =	shalt  }
0x4d: {  	_ =	shalt  }
0x4e: {  	_ =	shalt  }
0x4f: {  	_ =	shalt  }
0x50: {  	_ =	shalt  }
0x51: {  	_ =	shalt  }
0x52: {  	_ =	shalt  }
0x53: {  	_ =	shalt  }
0x54: {  	_ =	shalt  }
0x55: {  	_ =	shalt  }
0x56: {  	_ =	shalt  }
0x57: {  	_ =	shalt  }
0x58: {  	_ =	shalt  }
0x59: {  	_ =	shalt  }
0x5a: {  	_ =	shalt  }
0x5b: {  	_ =	shalt  }
0x5c: {  	_ =	shalt  }
0x5d: {  	_ =	shalt  }
0x5e: {  	_ =	shalt  }
0x5f: {  	_ =	shalt  }
0x60: {  	_ =	shalt  }
0x61: {  	_ =	shalt  }
0x62: {  	_ =	shalt  }
0x63: {  	_ =	shalt  }
0x64: {  	_ =	shalt  }
0x65: {  	_ =	shalt  }
0x66: {  	_ =	shalt  }
0x67: {  	_ =	shalt  }
0x68: {  	_ =	shalt  }
0x69: {  	_ =	shalt  }
0x6a: {  	_ =	shalt  }
0x6b: {  	_ =	shalt  }
0x6c: {  	_ =	shalt  }
0x6d: {  	_ =	shalt  }
0x6e: {  	_ =	shalt  }
0x6f: {  	_ =	shalt  }
0x70: {  	_ =	shalt  }
0x71: {  	_ =	shalt  }
0x72: {  	_ =	shalt  }
0x73: {  	_ =	shalt  }
0x74: {  	_ =	shalt  }
0x75: {  	_ =	shalt  }
0x76: {  	_ =	shalt  }
0x77: {  	_ =	shalt  }
0x78: {  	_ =	shalt  }
0x79: {  	_ =	shalt  }
0x7a: {  	_ =	shalt  }
0x7b: {  	_ =	shalt  }
0x7c: {  	_ =	shalt  }
0x7d: {  	_ =	shalt  }
0x7e: {  	_ =	shalt  }
0x7f: {  	_ =	shalt  }
0x80: {  	_ =	shalt  }
0x81: {  	_ =	shalt  }
0x82: {  	_ =	shalt  }
0x83: {  	_ =	shalt  }
0x84: {  	_ =	shalt  }
0x85: {  	_ =	shalt  }
0x86: {  	_ =	shalt  }
0x87: {  	_ =	shalt  }
.Lfunc_end0:
.L_simem_size_0:
called_computation.8_lowered:
.L_overlay_start_0:
0x88: {  	s0 =	sld [smem:$0x3FD9]  }
0x89: {  	s1 =	sld [smem:$0x3FFE];
	_ =	sdelay $0x3  }
0x8a: {  	s0 =	sadd.s32 s1, s0  }
0x8b: {  	[smem:$0x3FBD] =	sst s0  }
0x8c: {  	_ = 	snop  }
0x8d: {  	s0 =	sld [smem:$0x3FD0];
	_ =	sdelay $0x2  }
0x8e: {  	s13 =	simm.s32 $0xA;
	s2 =	simm.s32 $0x10  }
0x8f: {  	[smem:s2], [sflag:s13] =	dma.local [hbm:s0], $0x1  }
0x90: {  	_ =	swait.eq [sflag:s13], $0x1  }
0x91: {  	[sflag:s13] =	ssyncset.done $0x0  }
0x92: {  	[sflag:s13] =	ssyncadd.s32 $0xFFFFFFFF  }
0x93: {  	s14 =	sld [smem:$0x11];
	(tm) =	ssettm $0x1  }
0x94: {  	s15 =	sld [smem:$0x3FFB];
	_ =	sdelay $0x3  }
0x95: {  	_ =	strace s15  }
0x96: {  	s1 =	sld [smem:$0x3FFC];
	_ =	sdelay $0x3  }
0x97: {  	_ =	strace s1  }
0x98: {  	s1 =	sld [smem:$0x3FFD];
	_ =	sdelay $0x3  }
0x99: {  	_ =	strace s1  }
0x9a: {  	_ =	strace $0x8FFFFFFF  }
0x9b: {  	s16 =	sld [smem:$0x3FDB];
	_ =	sdelay $0x1  }
0x9c: {  	s17 =	simm.s32 $_scs_section_size  }
0x9d: {  	s3 =	simm.s32 $_size__tile_overlayer_lowered;
	s4 =	simm.s32 $_tile_overlayer_lowered  }
0x9e: {  	s20 =	simm.s32 $0x1BFF;
	s19 =	sshll.u32 s4, $0x1;
	s1 =	sadd.s32 s17, s16  }
0x9f: {  	s5 =	simm.s32 $0x0;
	s18 =	sshll.u32 s3, $0x1;
	s3 =	sadd.s32 s19, s1  }
0xa0: {  	[timem:s5], [sflag:s20] =	dma.local [hbm:s3], s18  }
0xa1: {  	_ =	swait.ge [sflag:s20], s18  }
0xa2: {  	s2 =	ssub.s32 $0x0, s18;
	[sflag:s20] =	ssyncset.done $0x0  }
0xa3: {  	[sflag:s20] =	ssyncadd.s32 s2;
	_ =	sdelay $0x1  }
0xa4: {  	s21 =	simm.s32 $0x1B8B  }
0xa5: {  	_ =	swait.ge [sflag:s21], $0x1  }
0xa6: {  	[sflag:s21] =	ssyncset.done $0x0  }
0xa7: {  	s23 =	simm.s32 $0x1B8E;
	s22 =	sld [smem:$0x3FFE];
	[sflag:s21] =	ssyncadd.s32 $0xFFFFFFFF  }
0xa8: {  	s24 =	simm.s32 $execute0_lowered;
	[smem:$0x3FD2] =	sst s23  }
0xa9: {  	s3 =	sshll.u32 s24, $0x1;
	_ =	strace $0x80000067;
	[dreg:$0x1] =	wrdreg $0xFFFFFFFF  }
0xaa: {  	s25 =	simm.s32 $_size_execute0_lowered;
	s1 =	sadd.s32 s1, s3;
	[dreg:$0x0] =	wrdreg $0x0  }
0xab: {  	s3 =	sshll.u32 s25, $0x1;
	[dreg:$0x2] =	wrdreg s1  }
0xac: {  	[dreg:$0x3] =	wrdreg s3  }
0xad: {  	[dreg:$0x4] =	wrdreg $0xC0  }
0xae: {  	_ =	task [dreg:s5], $0x5FFFF  }
0xaf: {  	[dreg:$0x1] =	wrdreg $0xFFFFFFFF  }
0xb0: {  	[dreg:$0x0] =	wrdreg $0x60  }
0xb1: {  	[dreg:$0x2] =	wrdreg s22  }
0xb2: {  	[dreg:$0x3] =	wrdreg s14  }
0xb3: {  	[dreg:$0x4] =	wrdreg $0x9  }
0xb4: {  	_ =	task.clear_ibuf [dreg:s5], $0x5FFFF;
	_ =	strace $0x90000067  }
0xb5: {  	s26 =	simm.s32 $0x9;
	_ =	strace $0x80000069  }
0xb6: {  	_ =	swait.ge [sflag:s26], $0x1  }
0xb7: {  	[sflag:s26] =	ssyncadd.s32 $0xFFFFFFFF  }
0xb8: {  	_ =	strace $0x90000069  }
0xb9: {  	_ =	sfence  }
0xba: {  	s28 =	sld [smem:$0x0];
	_ =	sdelay $0x1  }
0xbb: {  	s29 =	srdreg.scid  }
0xbc: {  	s30 =	sshll.u32 s29, $0xD;
	s31 =	sshrl.u32 s29, $0x2  }
0xbd: {  	s2 =	sand.u32 $0x4000, s30;
	s1 =	sand.u32 $0x1, s29;
	s0 =	sadd.s32 s31, s28  }
0xbe: {  	s1 =	sor.u32 s2, s1;
	s0 =	sshll.u32 s0, $0x11  }
0xbf: {  	s0 =	sor.u32 s0, s1  }
0xc0: {  	s0 =	sadd.s32 $0x8F2B, s0  }
0xc1: {  	[sflag:s0] =	ssyncadd.remote.s32 $0x1  }
0xc2: {  	_ =	sfence.sel $0xFFFF  }
0xc3: {  	[dreg:$0x0] =	wrdreg $0xFFFFFFFF;
	(pc) =	sbr.abs _section_cstart, $3  }
0xc4: {  	[dreg:$0x1] =	wrdreg $0xFFFFFFFF  }
0xc5: {  	_ =	task.clear_ibuf [dreg:s5], $0x2FFFF;
	_ =	strace $0x9FFFFFFF  }
0xc6: {  	(tm) =	ssettm $0x7FFFFFFF  }
0xc7: {  	_ =	shalt  }
tec
execute0_lowered:
.L_overlay_start_1:
0x0: {  	(tag) =	ssettag $0x1  }
0x1: {  	s0 =	stileid.u32  }
0x2: {  	s1 =	smin.u32 s0, $0x9  }
0x3: {  	s1 =	sadd.s32 s0, s1  }
0x4: {  	s2 =	simm.s32 $0x320;
	p0 =	slt.u32 s0, $0x9;
	s1 =	smul.u32 $0x190, s1  }
0x5: {  	s2 =	simm.s32 @!p0 $0x190  }
0x6: {  	s2 =	sadd.s32 s2, s1  }
0x7: {  	s3 =	smin.u32 s2, $0x2710  }
0x8: {  	s7 =	ssub.s32 s3, s1  }
0x9: {  	p0 =	sgt.s32 s7, $0x0  }
0xa: {  	s7 =	simm.s32 @!p0 $0x0  }
0xb: {  	s31 =	sand.u32 $0xFFF0, s7  }
0xc: {  	s2 =	sshrl.u32 s31, $0x4  }
0xd: {  	s4 =	rddreg [dreg:$0x0];
	s2 =	smul.u32 $0xA3E, s2  }
0xe: {  	s5 =	rddreg [dreg:$0x1]  }
0xf: {  	s6 =	simm.s32 $0x1;
	s10 =	simm.s32 $0x3;
	s8 =	sshrl.u32 s2, $0x10  }
0x10: {  	s13 =	simm.s32 $0x0;
	s12 =	simm.s32 $0x0;
	s9 =	smul.u32 $0x190, s8  }
.Ltmp0:
0x11: {  	s11 =	smov.u32 s1;
	s2 =	rddreg [dreg:$0x2];
	(pc) =	sbr.rel .LBB2_1-.Ltmp0, $4  }
0x12: {  	_ =	strace $0x80000068;
	p0 =	sne.s32 s7, s9;
	s9 =	simm.s32 $0x1  }
0x13: {  	[sflag:s6] =	ssyncpa.u1 $0x0;
	s7 =	simm.s32 $0x2;
	s9 =	simm.s32 @!p0 $0x0  }
0x14: {  	[sflag:s7] =	ssyncpa.u1 $0x0;
	p0 =	por $0x0, $0x0;
	s8 =	sadd.s32 s8, s9  }
0x15: {  	vm0 =	vmmov $0xff;
	vm1 =	vcmask $0x3F20;
	s9 =	sadd.s32 $0x87000, s4;
	[sflag:s10] =	ssyncpa.u1 $0x0;
	s10 =	sadd.s32 $0x1, s8  }
.LBB2_6:
0x16: {  	[hbm:s17] =	stream.linear.scatter [tilespmem:s14], [sflag:$0x3], $0x400, $0x38;
	[tilespmem:$0x19320] =	vst v63  }
.LBB2_7:
0x17: {  	s13 =	sadd.s32 $0x190, s11  }
0x18: {  	s15 =	smov.u32 s1;
	p2 =	slt.s32 s13, s3  }
0x19: {  	s15 =	smov.u32 @p2 s13;
	p2 =	sne.s32 s12, s10  }
.Ltmp1:
0x1a: {  	p1 =	slt.u32 s12, $0x2;
	(pc) =	sbr.rel @!p2 .LBB2_8-.Ltmp1, $4  }
0x1b: {  	s14 =	simm.s32 @!p1 $0x3  }
0x1c: {  	s16 =	sadd.s32 $0x1, s12;
	_ =	swait.ge @!p1 [sflag:s14], $0xC800  }
0x1d: {  	p0 =	por !p0, !p0;
	s13 =	smov.u32 s11;
	[sflag:s14] =	ssyncset.done @!p1 $0x0  }
0x1e: {  	s12 =	smov.u32 s16;
	s11 =	smov.u32 s15;
	[sflag:s14] =	ssyncadd.s32 @!p1 $0xFFFF3800  }
.LBB2_1:
0x1f: {  	p1 =	sge.u32 s12, s8  }
0x20: {  	s14 =	sxor.u32 @!p1 $0xFFFFFFFF, s12  }
0x21: {  	s14 =	sand.u32 @!p1 $0x1, s14  }
0x22: {  	s14 =	smul.u32 @!p1 $0x640, s14  }
0x23: {  	s31 =	sadd.s32 $0xFFFFFFFF, s12;
	s15 =	sshrl.u32 @!p1 s11, $0x3  }
0x24: {  	s16 =	sand.u32 @!p1 $0x7, s11;
	s15 =	sadd.s32 @!p1 s5, s15;
	s14 =	sshrl.u32 @!p1 s14, $0x2  }
0x25: {  	[tilespmem:s14], [sflag:$0x2] =	stream.linear.gather @!p1 [hbm4b:s15+s16], $0x190, $0x38;
	[tilespmem:$0x19320] =	vst v63  }
0x26: {  	p1 =	sge.u32 s31, s8  }
.Ltmp2:
0x27: {  	_ = 	snop;
	(pc) =	sbr.rel @p1 .LBB2_7-.Ltmp2, $1  }
0x28: {  	_ =	sdelay $0x3  }
0x29: {  	s14 =	simm.s32 $0x1  }
0x2a: {  	s14 =	simm.s32 @!p0 $0x0  }
0x2b: {  	s15 =	smul.u32 $0x640, s14  }
0x2c: {  	_ =	swait.ge [sflag:s7], $0x190  }
0x2d: {  	[sflag:s7] =	ssyncset.done $0x0;
	s16 =	sshrl.u32 s15, $0x2  }
0x2e: {  	[sflag:s7] =	ssyncadd.s32 $0xFFFFFE70;
	s15 =	sadd.s32 $0x0, s16  }
0x2f: {  	v0 =	vld.msk [tilespmem:s15+$0x0 ss:$0x1], $0xffff;
	_ =	sdelay $0x4  }
0x30: {  	vm2 =	vgt.s32 v0, $0x0  }
0x31: {  	v0 =	vnsel vm2, $0x0, v0  }
0x32: {  	v0 =	vmin.u32 v0, $0x270F  }
0x33: {  	v0 =	vshll.u32 v0, $0x4  }
0x34: {  	s14 =	smul.u32 $0x32000, s14;
	_ =	sdelay $0x1  }
0x35: {  	s14 =	sshrl.u32 s14, $0x2  }
0x36: {  	s14 =	sor.u32 $0x320, s14  }
0x37: {  	[tilespmem:s14], [sflag:$0x1] =	stream.indirect_vreg.gather [hbm:s9], $0x80, v0, vm0, $0x38;
	[tilespmem:$0x19320] =	vst v63  }
0x38: {  	s17 =	sadd.s32 $0x10, s16;
	s15 =	sadd.s32 $0x400, s14  }
0x39: {  	[tilespmem:s15], [sflag:$0x1] =	stream.indirect_vreg.gather [hbm:s9], $0x80, v0, vm1, $0x38;
	[tilespmem:$0x19320] =	vst v63  }
0x3a: {  	s18 =	simm.s32 $0x80;
	v0 =	vld.msk [tilespmem:s17+$0x0 ss:$0x1], $0xffff;
	s17 =	smov.u32 s14  }
.LBB2_3:
0x3b: {  	p1 =	sne.s32 s18, $0x600;
	_ =	sdelay $0x4  }
0x3c: {  	vm2 =	vgt.s32 v0, $0x0  }
0x3d: {  	v0 =	vnsel vm2, $0x0, v0  }
0x3e: {  	v0 =	vmin.u32 v0, $0x270F  }
0x3f: {  	v0 =	vshll.u32 v0, $0x4;
	_ =	sdelay $0x3  }
.Ltmp3:
0x40: {  	s19 =	sshra.s32 s18, $0x2;
	s17 =	sadd.s32 $0x800, s17;
	(pc) =	sbr.rel @p1 .LBB2_3-.Ltmp3, $4  }
0x41: {  	[tilespmem:s17], [sflag:$0x1] =	stream.indirect_vreg.gather [hbm:s9], $0x80, v0, vm0, $0x38;
	[tilespmem:$0x19320] =	vst v63  }
0x42: {  	s19 =	sadd.s32 s19, s16;
	s20 =	sadd.s32 $0x400, s17  }
0x43: {  	[tilespmem:s20], [sflag:$0x1] =	stream.indirect_vreg.gather [hbm:s9], $0x80, v0, vm1, $0x38;
	[tilespmem:$0x19320] =	vst v63  }
0x44: {  	s18 =	sadd.s32 $0x40, s18;
	v0 =	vld.msk [tilespmem:s19+$0x0 ss:$0x1], $0xffff  }
0x45: {  	_ =	sdelay $0x3  }
0x46: {  	vm2 =	vgt.s32 v0, $0x0  }
0x47: {  	v0 =	vnsel vm2, $0x0, v0  }
0x48: {  	v0 =	vmin.u32 v0, $0x270F  }
0x49: {  	v0 =	vshll.u32 v0, $0x4;
	_ =	sdelay $0x3  }
0x4a: {  	s16 =	sadd.s32 $0x800, s17  }
0x4b: {  	[tilespmem:s16], [sflag:$0x1] =	stream.indirect_vreg.gather [hbm:s9], $0x80, v0, vm0, $0x38;
	[tilespmem:$0x19320] =	vst v63  }
0x4c: {  	s16 =	sadd.s32 $0x400, s16  }
0x4d: {  	[tilespmem:s16], [sflag:$0x1] =	stream.indirect_vreg.gather [hbm:s9], $0x80, v0, vm1, $0x38;
	[tilespmem:$0x19320] =	vst v63  }
0x4e: {  	s13 =	sshll.u32 s13, $0x4;
	_ =	swait.ge [sflag:s6], $0xC800  }
0x4f: {  	s13 =	sadd.s32 s13, s4;
	[sflag:s6] =	ssyncset.done $0x0  }
0x50: {  	s17 =	sadd.s32 $0x0, s13;
	s16 =	simm.s32 $0x80;
	[sflag:s6] =	ssyncadd.s32 $0xFFFF3800  }
.LBB2_5:
0x51: {  	[hbm:s17] =	stream.linear.scatter [tilespmem:s14], [sflag:$0x3], $0x400, $0x38;
	[tilespmem:$0x19320] =	vst v63  }
0x52: {  	s17 =	smov.u32 s16;
	s14 =	smov.u32 s15;
	p1 =	sne.s32 s16, $0x1880  }
.Ltmp4:
0x53: {  	s16 =	sadd.s32 $0x80, s16;
	(pc) =	sbr.rel @p1 .LBB2_5-.Ltmp4, $2  }
0x54: {  	_ =	sdelay $0x2  }
0x55: {  	s15 =	sadd.s32 $0x400, s15;
	s17 =	sadd.s32 s17, s13  }
.Ltmp5:
0x56: {  	_ = 	snop;
	(pc) =	sbr.rel .LBB2_6-.Ltmp5, $1  }
0x57: {  	_ =	sdelay $0x3  }
.LBB2_8:
0x58: {  	_ =	sfence.sel $0x180000  }
0x59: {  	s1 =	simm.s32 $0x2;
	[bflag:$0x0] =	sbarrier.arrive $0xFFFF  }
0x5a: {  	s30 =	simm.s32 $0x3;
	[sflag:s1] =	ssyncpa.u1 $0x1  }
0x5b: {  	s31 =	simm.s32 $0x1;
	[sflag:s30] =	ssyncpa.u1 $0x1  }
0x5c: {  	[sflag:s31] =	ssyncpa.u1 $0x1  }
0x5d: {  	p0 =	sne.s32 s0, $0x0;
	_ =	strace $0x90000068  }
0x5e: {  	s0 =	sadd.s32 @!p0 $0x100000, s2;
	[bflag:$0x2] =	sbarrier.arrive $0xFFFF  }
0x5f: {  	[sflag:s0] =	ssyncadd.tile.s32 @!p0 $0x1;
	_ =	shalt  }
.Lfunc_end2:
_tile_overlayer_lowered:
.L_overlay_start_2:
0x60: {  	(tag) =	ssettag $0x2  }
0x61: {  	s0 =	rddreg [dreg:$0x0];
	s2 =	stileid.u32  }
0x62: {  	s1 =	rddreg [dreg:$0x1];
	p0 =	sne.s32 s2, $0x0  }
0x63: {  	s3 =	rddreg [dreg:$0x2];
	[bflag:$0x3] =	sbarrier.arrive $0xFFFF;
	s2 =	simm.s32 @!p0 $0x1C01  }
0x64: {  	[timem:s3], [sflag:s2] =	dma.local @!p0 [hbm:s0], s1  }
0x65: {  	s0 =	simm.s32 @!p0 $0x1  }
0x66: {  	_ =	swait.ge @!p0 [sflag:s0], s1  }
0x67: {  	s1 =	ssub.s32 @!p0 $0x0, s1;
	[sflag:s0] =	ssyncset.done @!p0 $0x0  }
0x68: {  	[sflag:s0] =	ssyncadd.s32 @!p0 s1  }
0x69: {  	[bflag:$0x3] =	sbarrier.arrive $0xFFFF  }
0x6a: {  	_ =	shalt  }

// kernel: gather_offload_async_start.8
scs
__scs_entry_jumppad:
0x0: {  	(pc) =	sbr.rel $0x88, $3  }
0x1: {  	(tag) =	ssettag $0x0;
	lr =	simm.s32 $0x1  }
0x2: {  	[smem:$0x3F96] =	sst lr;
	_ =	strace $0xD0000000  }
0x3: {  	_ = 	snop  }
0x4: {  	_ = 	snop  }
0x5: {  	_ = 	snop  }
0x6: {  	_ = 	snop  }
0x7: {  	_ = 	snop  }
__scs_overlays_trampoline_lowered:
0x8: {  	[smem:$0x3FA5] =	sst s0  }
0x9: {  	[smem:$0x3FA6] =	sst s1  }
0xa: {  	[smem:$0x3FA7] =	sst s2  }
0xb: {  	[smem:$0x3FA8] =	sst s3  }
0xc: {  	[smem:$0x3FA9] =	sst s4  }
0xd: {  	[smem:$0x3FAA] =	sst s5  }
0xe: {  	[smem:$0x3FAB] =	sst s6  }
0xf: {  	[smem:$0x3FAC] =	sst s7  }
0x10: {  	[smem:$0x3FAD] =	sst s8  }
0x11: {  	[smem:$0x3FAE] =	sst s9;
	s0 =	simm.s32 @!p0 $0x0  }
0x12: {  	s1 =	sld [smem:$0x3F94];
	s0 =	simm.s32 @p0 $0x1  }
0x13: {  	[smem:$0x3FAF] =	sst s0;
	s0 =	simm.s32 @!p1 $0x0  }
0x14: {  	s2 =	sld [smem:$0x3F93];
	s0 =	simm.s32 @p1 $0x1  }
0x15: {  	[smem:$0x3FB0] =	sst s0;
	s0 =	simm.s32 @!p2 $0x0  }
0x16: {  	s3 =	sld [smem:$0x3FDB];
	s0 =	simm.s32 @p2 $0x1  }
0x17: {  	s4 =	simm.s32 $0x1BF5;
	[smem:$0x3FB2] =	sst s0  }
0x18: {  	s0 =	sld [smem:$0x3F95];
	_ =	swait.ge [sflag:s4], $0x0  }
0x19: {  	s7 =	sld [smem:$0x3F96]  }
0x1a: {  	s8 =	sadd.s32 $0xFFFFE003, lr  }
0x1b: {  	s9 =	sadd.s32 $0xFFFFFEF7, lr;
	s5 =	simm.s32 $0xFFFFFFFF;
	p2 =	slt.u32 s8, $0xFFFFF086  }
0x1c: {  	p1 =	slt.u32 s9, $0xF7A;
	s5 =	simm.s32 @!p2 $0x0  }
0x1d: {  	s5 =	simm.s32 @p1 $0x1;
	p0 =	seq.s32 s7, s2  }
0x1e: {  	s7 =	smul.u32 @!p0 $0xF7A, s2;
	p2 =	seq.s32 @!p0 s5, $0x0  }
0x1f: {  	s9 =	smul.u32 $0xF7A, s1;
	s8 =	simm.s32 @!p0 $0x1BF5;
	p2 =	por !p2, p0  }
0x20: {  	[sflag:s8] =	ssyncset.s32 @!p0 $0xFFFFF086;
	s6 =	sadd.s32 @!p0 s3, s7;
	s7 =	simm.s32 @!p0 $0x108  }
0x21: {  	s3 =	sadd.s32 s3, s9;
	s6 =	sadd.s32 @!p0 $0x88, s6;
	s7 =	simm.s32 @p2 $0x1082  }
0x22: {  	[simem:s7], [sflag:s8] =	dma.local @!p0 [hbm:s6], $0xF7A  }
0x23: {  	s9 =	sor.u32 $0xD0000000, s2;
	s6 =	simm.s32 $0x108;
	_ =	swait.ge @!p0 [sflag:s8], $0x0  }
0x24: {  	s3 =	sadd.s32 $0x88, s3;
	s6 =	simm.s32 @!p1 $0x1082;
	[sflag:s4] =	ssyncset.s32 $0xFFFFF086  }
0x25: {  	[simem:s6], [sflag:s4] =	dma.local [hbm:s3], $0xF7A  }
0x26: {  	[smem:$0x3F96] =	sst s1;
	(tag) =	ssettag s2;
	_ =	strace s9  }
0x27: {  	s1 =	sld [smem:$0x3FA6]  }
0x28: {  	s2 =	sld [smem:$0x3FA7]  }
0x29: {  	s4 =	sld [smem:$0x3FA9]  }
0x2a: {  	p0 =	seq.s32 s5, $0x0;
	s5 =	sld [smem:$0x3FAA]  }
0x2b: {  	s6 =	sld [smem:$0x3FAB]  }
0x2c: {  	s7 =	sld [smem:$0x3FAC]  }
0x2d: {  	s3 =	simm.s32 $0x108;
	s8 =	sld [smem:$0x3FAD]  }
0x2e: {  	s3 =	simm.s32 @!p0 $0x1082;
	s9 =	sld [smem:$0x3FAE]  }
0x2f: {  	lr =	sadd.s32 s0, s3;
	s0 =	sld [smem:$0x3FA5]  }
0x30: {  	s3 =	sld [smem:$0x3FA8]  }
0x31: {  	[smem:$0x3FB1] =	sst s10  }
0x32: {  	s10 =	sld [smem:$0x3FAF];
	_ =	sdelay $0x3  }
0x33: {  	p0 =	seq.s32 s10, $0x1;
	s10 =	sld [smem:$0x3FB1];
	_ =	sdelay $0x3  }
0x34: {  	[smem:$0x3FB1] =	sst s10  }
0x35: {  	s10 =	sld [smem:$0x3FB0];
	_ =	sdelay $0x3  }
0x36: {  	p1 =	seq.s32 s10, $0x1;
	s10 =	sld [smem:$0x3FB1];
	_ =	sdelay $0x3  }
0x37: {  	[smem:$0x3FB1] =	sst s10  }
0x38: {  	s10 =	sld [smem:$0x3FB2]  }
0x39: {  	_ = 	snop;
	(pc) =	sbr.ind lr, $3  }
0x3a: {  	_ = 	snop  }
0x3b: {  	_ = 	snop  }
0x3c: {  	p2 =	seq.s32 s10, $0x1;
	s10 =	sld [smem:$0x3FB1]  }
0x3d: {  	_ =	shalt  }
0x3e: {  	_ =	shalt  }
0x3f: {  	_ =	shalt  }
0x40: {  	_ =	shalt  }
0x41: {  	_ =	shalt  }
0x42: {  	_ =	shalt  }
0x43: {  	_ =	shalt  }
0x44: {  	_ =	shalt  }
0x45: {  	_ =	shalt  }
0x46: {  	_ =	shalt  }
0x47: {  	_ =	shalt  }
0x48: {  	_ =	shalt  }
0x49: {  	_ =	shalt  }
0x4a: {  	_ =	shalt  }
0x4b: {  	_ =	shalt  }
0x4c: {  	_ =	shalt  }
0x4d: {  	_ =	shalt  }
0x4e: {  	_ =	shalt  }
0x4f: {  	_ =	shalt  }
0x50: {  	_ =	shalt  }
0x51: {  	_ =	shalt  }
0x52: {  	_ =	shalt  }
0x53: {  	_ =	shalt  }
0x54: {  	_ =	shalt  }
0x55: {  	_ =	shalt  }
0x56: {  	_ =	shalt  }
0x57: {  	_ =	shalt  }
0x58: {  	_ =	shalt  }
0x59: {  	_ =	shalt  }
0x5a: {  	_ =	shalt  }
0x5b: {  	_ =	shalt  }
0x5c: {  	_ =	shalt  }
0x5d: {  	_ =	shalt  }
0x5e: {  	_ =	shalt  }
0x5f: {  	_ =	shalt  }
0x60: {  	_ =	shalt  }
0x61: {  	_ =	shalt  }
0x62: {  	_ =	shalt  }
0x63: {  	_ =	shalt  }
0x64: {  	_ =	shalt  }
0x65: {  	_ =	shalt  }
0x66: {  	_ =	shalt  }
0x67: {  	_ =	shalt  }
0x68: {  	_ =	shalt  }
0x69: {  	_ =	shalt  }
0x6a: {  	_ =	shalt  }
0x6b: {  	_ =	shalt  }
0x6c: {  	_ =	shalt  }
0x6d: {  	_ =	shalt  }
0x6e: {  	_ =	shalt  }
0x6f: {  	_ =	shalt  }
0x70: {  	_ =	shalt  }
0x71: {  	_ =	shalt  }
0x72: {  	_ =	shalt  }
0x73: {  	_ =	shalt  }
0x74: {  	_ =	shalt  }
0x75: {  	_ =	shalt  }
0x76: {  	_ =	shalt  }
0x77: {  	_ =	shalt  }
0x78: {  	_ =	shalt  }
0x79: {  	_ =	shalt  }
0x7a: {  	_ =	shalt  }
0x7b: {  	_ =	shalt  }
0x7c: {  	_ =	shalt  }
0x7d: {  	_ =	shalt  }
0x7e: {  	_ =	shalt  }
0x7f: {  	_ =	shalt  }
0x80: {  	_ =	shalt  }
0x81: {  	_ =	shalt  }
0x82: {  	_ =	shalt  }
0x83: {  	_ =	shalt  }
0x84: {  	_ =	shalt  }
0x85: {  	_ =	shalt  }
0x86: {  	_ =	shalt  }
0x87: {  	_ =	shalt  }
.Lfunc_end0:
.L_simem_size_0:
called_computation.9_lowered:
.L_overlay_start_0:
0x88: {  	s0 =	sld [smem:$0x3FD9]  }
0x89: {  	s1 =	sld [smem:$0x3FFE];
	_ =	sdelay $0x3  }
0x8a: {  	s0 =	sadd.s32 s1, s0  }
0x8b: {  	[smem:$0x3FBD] =	sst s0  }
0x8c: {  	_ = 	snop  }
0x8d: {  	s0 =	sld [smem:$0x3FD0];
	_ =	sdelay $0x2  }
0x8e: {  	s13 =	simm.s32 $0xA;
	s2 =	simm.s32 $0x10  }
0x8f: {  	[smem:s2], [sflag:s13] =	dma.local [hbm:s0], $0x1  }
0x90: {  	_ =	swait.eq [sflag:s13], $0x1  }
0x91: {  	[sflag:s13] =	ssyncset.done $0x0  }
0x92: {  	[sflag:s13] =	ssyncadd.s32 $0xFFFFFFFF  }
0x93: {  	s14 =	sld [smem:$0x11];
	(tm) =	ssettm $0x1  }
0x94: {  	s15 =	sld [smem:$0x3FFB];
	_ =	sdelay $0x3  }
0x95: {  	_ =	strace s15  }
0x96: {  	s1 =	sld [smem:$0x3FFC];
	_ =	sdelay $0x3  }
0x97: {  	_ =	strace s1  }
0x98: {  	s1 =	sld [smem:$0x3FFD];
	_ =	sdelay $0x3  }
0x99: {  	_ =	strace s1  }
0x9a: {  	_ =	strace $0x8FFFFFFF  }
0x9b: {  	s16 =	sld [smem:$0x3FDB];
	_ =	sdelay $0x1  }
0x9c: {  	s17 =	simm.s32 $_scs_section_size  }
0x9d: {  	s3 =	simm.s32 $_size__tile_overlayer_lowered;
	s4 =	simm.s32 $_tile_overlayer_lowered  }
0x9e: {  	s20 =	simm.s32 $0x1BFF;
	s19 =	sshll.u32 s4, $0x1;
	s1 =	sadd.s32 s17, s16  }
0x9f: {  	s5 =	simm.s32 $0x0;
	s18 =	sshll.u32 s3, $0x1;
	s3 =	sadd.s32 s19, s1  }
0xa0: {  	[timem:s5], [sflag:s20] =	dma.local [hbm:s3], s18  }
0xa1: {  	_ =	swait.ge [sflag:s20], s18  }
0xa2: {  	s2 =	ssub.s32 $0x0, s18;
	[sflag:s20] =	ssyncset.done $0x0  }
0xa3: {  	[sflag:s20] =	ssyncadd.s32 s2;
	_ =	sdelay $0x1  }
0xa4: {  	s21 =	simm.s32 $0x1B8B  }
0xa5: {  	_ =	swait.ge [sflag:s21], $0x1  }
0xa6: {  	[sflag:s21] =	ssyncset.done $0x0  }
0xa7: {  	s23 =	simm.s32 $0x1B8E;
	s22 =	sld [smem:$0x3FFE];
	[sflag:s21] =	ssyncadd.s32 $0xFFFFFFFF  }
0xa8: {  	s24 =	simm.s32 $execute0_lowered;
	[smem:$0x3FD2] =	sst s23  }
0xa9: {  	s3 =	sshll.u32 s24, $0x1;
	_ =	strace $0x8000006A;
	[dreg:$0x1] =	wrdreg $0xFFFFFFFF  }
0xaa: {  	s25 =	simm.s32 $_size_execute0_lowered;
	s1 =	sadd.s32 s1, s3;
	[dreg:$0x0] =	wrdreg $0x0  }
0xab: {  	s3 =	sshll.u32 s25, $0x1;
	[dreg:$0x2] =	wrdreg s1  }
0xac: {  	[dreg:$0x3] =	wrdreg s3  }
0xad: {  	[dreg:$0x4] =	wrdreg $0xC0  }
0xae: {  	_ =	task [dreg:s5], $0x5FFFF  }
0xaf: {  	[dreg:$0x1] =	wrdreg $0xFFFFFFFF  }
0xb0: {  	[dreg:$0x0] =	wrdreg $0x60  }
0xb1: {  	[dreg:$0x2] =	wrdreg s22  }
0xb2: {  	[dreg:$0x3] =	wrdreg s14  }
0xb3: {  	[dreg:$0x4] =	wrdreg $0x9  }
0xb4: {  	_ =	task.clear_ibuf [dreg:s5], $0x5FFFF;
	_ =	strace $0x9000006A  }
0xb5: {  	s26 =	simm.s32 $0x9;
	_ =	strace $0x8000006C  }
0xb6: {  	_ =	swait.ge [sflag:s26], $0x1  }
0xb7: {  	[sflag:s26] =	ssyncadd.s32 $0xFFFFFFFF  }
0xb8: {  	_ =	strace $0x9000006C  }
0xb9: {  	_ =	sfence  }
0xba: {  	s28 =	sld [smem:$0x0];
	_ =	sdelay $0x1  }
0xbb: {  	s29 =	srdreg.scid  }
0xbc: {  	s30 =	sshll.u32 s29, $0xD;
	s31 =	sshrl.u32 s29, $0x2  }
0xbd: {  	s2 =	sand.u32 $0x4000, s30;
	s1 =	sand.u32 $0x1, s29;
	s0 =	sadd.s32 s31, s28  }
0xbe: {  	s1 =	sor.u32 s2, s1;
	s0 =	sshll.u32 s0, $0x11  }
0xbf: {  	s0 =	sor.u32 s0, s1  }
0xc0: {  	s0 =	sadd.s32 $0x8F2B, s0  }
0xc1: {  	[sflag:s0] =	ssyncadd.remote.s32 $0x1  }
0xc2: {  	_ =	sfence.sel $0xFFFF  }
0xc3: {  	[dreg:$0x0] =	wrdreg $0xFFFFFFFF;
	(pc) =	sbr.abs _section_cstart, $3  }
0xc4: {  	[dreg:$0x1] =	wrdreg $0xFFFFFFFF  }
0xc5: {  	_ =	task.clear_ibuf [dreg:s5], $0x2FFFF;
	_ =	strace $0x9FFFFFFF  }
0xc6: {  	(tm) =	ssettm $0x7FFFFFFF  }
0xc7: {  	_ =	shalt  }
tec
execute0_lowered:
.L_overlay_start_1:
0x0: {  	(tag) =	ssettag $0x1  }
0x1: {  	s0 =	stileid.u32  }
0x2: {  	s1 =	smin.u32 s0, $0x9  }
0x3: {  	s1 =	sadd.s32 s0, s1  }
0x4: {  	s2 =	simm.s32 $0x320;
	p0 =	slt.u32 s0, $0x9;
	s1 =	smul.u32 $0x190, s1  }
0x5: {  	s2 =	simm.s32 @!p0 $0x190  }
0x6: {  	s2 =	sadd.s32 s2, s1  }
0x7: {  	s3 =	smin.u32 s2, $0x2710  }
0x8: {  	s7 =	ssub.s32 s3, s1  }
0x9: {  	p0 =	sgt.s32 s7, $0x0  }
0xa: {  	s7 =	simm.s32 @!p0 $0x0  }
0xb: {  	s31 =	sand.u32 $0xFFF0, s7  }
0xc: {  	s2 =	sshrl.u32 s31, $0x4  }
0xd: {  	s4 =	rddreg [dreg:$0x0];
	s2 =	smul.u32 $0xA3E, s2  }
0xe: {  	s5 =	rddreg [dreg:$0x1]  }
0xf: {  	s6 =	simm.s32 $0x1;
	s10 =	simm.s32 $0x3;
	s8 =	sshrl.u32 s2, $0x10  }
0x10: {  	s13 =	simm.s32 $0x0;
	s12 =	simm.s32 $0x0;
	s9 =	smul.u32 $0x190, s8  }
.Ltmp0:
0x11: {  	s11 =	smov.u32 s1;
	s2 =	rddreg [dreg:$0x2];
	(pc) =	sbr.rel .LBB2_1-.Ltmp0, $4  }
0x12: {  	_ =	strace $0x8000006B;
	p0 =	sne.s32 s7, s9;
	s9 =	simm.s32 $0x1  }
0x13: {  	[sflag:s6] =	ssyncpa.u1 $0x0;
	s7 =	simm.s32 $0x2;
	s9 =	simm.s32 @!p0 $0x0  }
0x14: {  	[sflag:s7] =	ssyncpa.u1 $0x0;
	p0 =	por $0x0, $0x0;
	s8 =	sadd.s32 s8, s9  }
0x15: {  	vm0 =	vmmov $0xff;
	vm1 =	vcmask $0x3F20;
	s9 =	sadd.s32 $0x87000, s4;
	[sflag:s10] =	ssyncpa.u1 $0x0;
	s10 =	sadd.s32 $0x1, s8  }
.LBB2_6:
0x16: {  	[hbm:s17] =	stream.linear.scatter [tilespmem:s14], [sflag:$0x3], $0x400, $0x38;
	[tilespmem:$0x19320] =	vst v63  }
.LBB2_7:
0x17: {  	s13 =	sadd.s32 $0x190, s11  }
0x18: {  	s15 =	smov.u32 s1;
	p2 =	slt.s32 s13, s3  }
0x19: {  	s15 =	smov.u32 @p2 s13;
	p2 =	sne.s32 s12, s10  }
.Ltmp1:
0x1a: {  	p1 =	slt.u32 s12, $0x2;
	(pc) =	sbr.rel @!p2 .LBB2_8-.Ltmp1, $4  }
0x1b: {  	s14 =	simm.s32 @!p1 $0x3  }
0x1c: {  	s16 =	sadd.s32 $0x1, s12;
	_ =	swait.ge @!p1 [sflag:s14], $0xC800  }
0x1d: {  	p0 =	por !p0, !p0;
	s13 =	smov.u32 s11;
	[sflag:s14] =	ssyncset.done @!p1 $0x0  }
0x1e: {  	s12 =	smov.u32 s16;
	s11 =	smov.u32 s15;
	[sflag:s14] =	ssyncadd.s32 @!p1 $0xFFFF3800  }
.LBB2_1:
0x1f: {  	p1 =	sge.u32 s12, s8  }
0x20: {  	s14 =	sxor.u32 @!p1 $0xFFFFFFFF, s12  }
0x21: {  	s14 =	sand.u32 @!p1 $0x1, s14  }
0x22: {  	s14 =	smul.u32 @!p1 $0x640, s14  }
0x23: {  	s31 =	sadd.s32 $0xFFFFFFFF, s12;
	s15 =	sshrl.u32 @!p1 s11, $0x3  }
0x24: {  	s16 =	sand.u32 @!p1 $0x7, s11;
	s15 =	sadd.s32 @!p1 s5, s15;
	s14 =	sshrl.u32 @!p1 s14, $0x2  }
0x25: {  	[tilespmem:s14], [sflag:$0x2] =	stream.linear.gather @!p1 [hbm4b:s15+s16], $0x190, $0x38;
	[tilespmem:$0x19320] =	vst v63  }
0x26: {  	p1 =	sge.u32 s31, s8  }
.Ltmp2:
0x27: {  	_ = 	snop;
	(pc) =	sbr.rel @p1 .LBB2_7-.Ltmp2, $1  }
0x28: {  	_ =	sdelay $0x3  }
0x29: {  	s14 =	simm.s32 $0x1  }
0x2a: {  	s14 =	simm.s32 @!p0 $0x0  }
0x2b: {  	s15 =	smul.u32 $0x640, s14  }
0x2c: {  	_ =	swait.ge [sflag:s7], $0x190  }
0x2d: {  	[sflag:s7] =	ssyncset.done $0x0;
	s16 =	sshrl.u32 s15, $0x2  }
0x2e: {  	[sflag:s7] =	ssyncadd.s32 $0xFFFFFE70;
	s15 =	sadd.s32 $0x0, s16  }
0x2f: {  	v0 =	vld.msk [tilespmem:s15+$0x0 ss:$0x1], $0xffff;
	_ =	sdelay $0x4  }
0x30: {  	vm2 =	vgt.s32 v0, $0x0  }
0x31: {  	v0 =	vnsel vm2, $0x0, v0  }
0x32: {  	v0 =	vmin.u32 v0, $0x270F  }
0x33: {  	v0 =	vshll.u32 v0, $0x4  }
0x34: {  	s14 =	smul.u32 $0x32000, s14;
	_ =	sdelay $0x1  }
0x35: {  	s14 =	sshrl.u32 s14, $0x2  }
0x36: {  	s14 =	sor.u32 $0x320, s14  }
0x37: {  	[tilespmem:s14], [sflag:$0x1] =	stream.indirect_vreg.gather [hbm:s9], $0x80, v0, vm0, $0x38;
	[tilespmem:$0x19320] =	vst v63  }
0x38: {  	s17 =	sadd.s32 $0x10, s16;
	s15 =	sadd.s32 $0x400, s14  }
0x39: {  	[tilespmem:s15], [sflag:$0x1] =	stream.indirect_vreg.gather [hbm:s9], $0x80, v0, vm1, $0x38;
	[tilespmem:$0x19320] =	vst v63  }
0x3a: {  	s18 =	simm.s32 $0x80;
	v0 =	vld.msk [tilespmem:s17+$0x0 ss:$0x1], $0xffff;
	s17 =	smov.u32 s14  }
.LBB2_3:
0x3b: {  	p1 =	sne.s32 s18, $0x600;
	_ =	sdelay $0x4  }
0x3c: {  	vm2 =	vgt.s32 v0, $0x0  }
0x3d: {  	v0 =	vnsel vm2, $0x0, v0  }
0x3e: {  	v0 =	vmin.u32 v0, $0x270F  }
0x3f: {  	v0 =	vshll.u32 v0, $0x4;
	_ =	sdelay $0x3  }
.Ltmp3:
0x40: {  	s19 =	sshra.s32 s18, $0x2;
	s17 =	sadd.s32 $0x800, s17;
	(pc) =	sbr.rel @p1 .LBB2_3-.Ltmp3, $4  }
0x41: {  	[tilespmem:s17], [sflag:$0x1] =	stream.indirect_vreg.gather [hbm:s9], $0x80, v0, vm0, $0x38;
	[tilespmem:$0x19320] =	vst v63  }
0x42: {  	s19 =	sadd.s32 s19, s16;
	s20 =	sadd.s32 $0x400, s17  }
0x43: {  	[tilespmem:s20], [sflag:$0x1] =	stream.indirect_vreg.gather [hbm:s9], $0x80, v0, vm1, $0x38;
	[tilespmem:$0x19320] =	vst v63  }
0x44: {  	s18 =	sadd.s32 $0x40, s18;
	v0 =	vld.msk [tilespmem:s19+$0x0 ss:$0x1], $0xffff  }
0x45: {  	_ =	sdelay $0x3  }
0x46: {  	vm2 =	vgt.s32 v0, $0x0  }
0x47: {  	v0 =	vnsel vm2, $0x0, v0  }
0x48: {  	v0 =	vmin.u32 v0, $0x270F  }
0x49: {  	v0 =	vshll.u32 v0, $0x4;
	_ =	sdelay $0x3  }
0x4a: {  	s16 =	sadd.s32 $0x800, s17  }
0x4b: {  	[tilespmem:s16], [sflag:$0x1] =	stream.indirect_vreg.gather [hbm:s9], $0x80, v0, vm0, $0x38;
	[tilespmem:$0x19320] =	vst v63  }
0x4c: {  	s16 =	sadd.s32 $0x400, s16  }
0x4d: {  	[tilespmem:s16], [sflag:$0x1] =	stream.indirect_vreg.gather [hbm:s9], $0x80, v0, vm1, $0x38;
	[tilespmem:$0x19320] =	vst v63  }
0x4e: {  	s13 =	sshll.u32 s13, $0x4;
	_ =	swait.ge [sflag:s6], $0xC800  }
0x4f: {  	s13 =	sadd.s32 s13, s4;
	[sflag:s6] =	ssyncset.done $0x0  }
0x50: {  	s17 =	sadd.s32 $0x0, s13;
	s16 =	simm.s32 $0x80;
	[sflag:s6] =	ssyncadd.s32 $0xFFFF3800  }
.LBB2_5:
0x51: {  	[hbm:s17] =	stream.linear.scatter [tilespmem:s14], [sflag:$0x3], $0x400, $0x38;
	[tilespmem:$0x19320] =	vst v63  }
0x52: {  	s17 =	smov.u32 s16;
	s14 =	smov.u32 s15;
	p1 =	sne.s32 s16, $0x1880  }
.Ltmp4:
0x53: {  	s16 =	sadd.s32 $0x80, s16;
	(pc) =	sbr.rel @p1 .LBB2_5-.Ltmp4, $2  }
0x54: {  	_ =	sdelay $0x2  }
0x55: {  	s15 =	sadd.s32 $0x400, s15;
	s17 =	sadd.s32 s17, s13  }
.Ltmp5:
0x56: {  	_ = 	snop;
	(pc) =	sbr.rel .LBB2_6-.Ltmp5, $1  }
0x57: {  	_ =	sdelay $0x3  }
.LBB2_8:
0x58: {  	_ =	sfence.sel $0x180000  }
0x59: {  	s1 =	simm.s32 $0x2;
	[bflag:$0x0] =	sbarrier.arrive $0xFFFF  }
0x5a: {  	s30 =	simm.s32 $0x3;
	[sflag:s1] =	ssyncpa.u1 $0x1  }
0x5b: {  	s31 =	simm.s32 $0x1;
	[sflag:s30] =	ssyncpa.u1 $0x1  }
0x5c: {  	[sflag:s31] =	ssyncpa.u1 $0x1  }
0x5d: {  	p0 =	sne.s32 s0, $0x0;
	_ =	strace $0x9000006B  }
0x5e: {  	s0 =	sadd.s32 @!p0 $0x100000, s2;
	[bflag:$0x2] =	sbarrier.arrive $0xFFFF  }
0x5f: {  	[sflag:s0] =	ssyncadd.tile.s32 @!p0 $0x1;
	_ =	shalt  }
.Lfunc_end2:
_tile_overlayer_lowered:
.L_overlay_start_2:
0x60: {  	(tag) =	ssettag $0x2  }
0x61: {  	s0 =	rddreg [dreg:$0x0];
	s2 =	stileid.u32  }
0x62: {  	s1 =	rddreg [dreg:$0x1];
	p0 =	sne.s32 s2, $0x0  }
0x63: {  	s3 =	rddreg [dreg:$0x2];
	[bflag:$0x3] =	sbarrier.arrive $0xFFFF;
	s2 =	simm.s32 @!p0 $0x1C01  }
0x64: {  	[timem:s3], [sflag:s2] =	dma.local @!p0 [hbm:s0], s1  }
0x65: {  	s0 =	simm.s32 @!p0 $0x1  }
0x66: {  	_ =	swait.ge @!p0 [sflag:s0], s1  }
0x67: {  	s1 =	ssub.s32 @!p0 $0x0, s1;
	[sflag:s0] =	ssyncset.done @!p0 $0x0  }
0x68: {  	[sflag:s0] =	ssyncadd.s32 @!p0 s1  }
0x69: {  	[bflag:$0x3] =	sbarrier.arrive $0xFFFF  }
0x6a: {  	_ =	shalt  }

// kernel: gather_offload_async_start.9
scs
__scs_entry_jumppad:
0x0: {  	(pc) =	sbr.rel $0x88, $3  }
0x1: {  	(tag) =	ssettag $0x0;
	lr =	simm.s32 $0x1  }
0x2: {  	[smem:$0x3F96] =	sst lr;
	_ =	strace $0xD0000000  }
0x3: {  	_ = 	snop  }
0x4: {  	_ = 	snop  }
0x5: {  	_ = 	snop  }
0x6: {  	_ = 	snop  }
0x7: {  	_ = 	snop  }
__scs_overlays_trampoline_lowered:
0x8: {  	[smem:$0x3FA5] =	sst s0  }
0x9: {  	[smem:$0x3FA6] =	sst s1  }
0xa: {  	[smem:$0x3FA7] =	sst s2  }
0xb: {  	[smem:$0x3FA8] =	sst s3  }
0xc: {  	[smem:$0x3FA9] =	sst s4  }
0xd: {  	[smem:$0x3FAA] =	sst s5  }
0xe: {  	[smem:$0x3FAB] =	sst s6  }
0xf: {  	[smem:$0x3FAC] =	sst s7  }
0x10: {  	[smem:$0x3FAD] =	sst s8  }
0x11: {  	[smem:$0x3FAE] =	sst s9;
	s0 =	simm.s32 @!p0 $0x0  }
0x12: {  	s1 =	sld [smem:$0x3F94];
	s0 =	simm.s32 @p0 $0x1  }
0x13: {  	[smem:$0x3FAF] =	sst s0;
	s0 =	simm.s32 @!p1 $0x0  }
0x14: {  	s2 =	sld [smem:$0x3F93];
	s0 =	simm.s32 @p1 $0x1  }
0x15: {  	[smem:$0x3FB0] =	sst s0;
	s0 =	simm.s32 @!p2 $0x0  }
0x16: {  	s3 =	sld [smem:$0x3FDB];
	s0 =	simm.s32 @p2 $0x1  }
0x17: {  	s4 =	simm.s32 $0x1BF5;
	[smem:$0x3FB2] =	sst s0  }
0x18: {  	s0 =	sld [smem:$0x3F95];
	_ =	swait.ge [sflag:s4], $0x0  }
0x19: {  	s7 =	sld [smem:$0x3F96]  }
0x1a: {  	s8 =	sadd.s32 $0xFFFFE003, lr  }
0x1b: {  	s9 =	sadd.s32 $0xFFFFFEF7, lr;
	s5 =	simm.s32 $0xFFFFFFFF;
	p2 =	slt.u32 s8, $0xFFFFF086  }
0x1c: {  	p1 =	slt.u32 s9, $0xF7A;
	s5 =	simm.s32 @!p2 $0x0  }
0x1d: {  	s5 =	simm.s32 @p1 $0x1;
	p0 =	seq.s32 s7, s2  }
0x1e: {  	s7 =	smul.u32 @!p0 $0xF7A, s2;
	p2 =	seq.s32 @!p0 s5, $0x0  }
0x1f: {  	s9 =	smul.u32 $0xF7A, s1;
	s8 =	simm.s32 @!p0 $0x1BF5;
	p2 =	por !p2, p0  }
0x20: {  	[sflag:s8] =	ssyncset.s32 @!p0 $0xFFFFF086;
	s6 =	sadd.s32 @!p0 s3, s7;
	s7 =	simm.s32 @!p0 $0x108  }
0x21: {  	s3 =	sadd.s32 s3, s9;
	s6 =	sadd.s32 @!p0 $0x88, s6;
	s7 =	simm.s32 @p2 $0x1082  }
0x22: {  	[simem:s7], [sflag:s8] =	dma.local @!p0 [hbm:s6], $0xF7A  }
0x23: {  	s9 =	sor.u32 $0xD0000000, s2;
	s6 =	simm.s32 $0x108;
	_ =	swait.ge @!p0 [sflag:s8], $0x0  }
0x24: {  	s3 =	sadd.s32 $0x88, s3;
	s6 =	simm.s32 @!p1 $0x1082;
	[sflag:s4] =	ssyncset.s32 $0xFFFFF086  }
0x25: {  	[simem:s6], [sflag:s4] =	dma.local [hbm:s3], $0xF7A  }
0x26: {  	[smem:$0x3F96] =	sst s1;
	(tag) =	ssettag s2;
	_ =	strace s9  }
0x27: {  	s1 =	sld [smem:$0x3FA6]  }
0x28: {  	s2 =	sld [smem:$0x3FA7]  }
0x29: {  	s4 =	sld [smem:$0x3FA9]  }
0x2a: {  	p0 =	seq.s32 s5, $0x0;
	s5 =	sld [smem:$0x3FAA]  }
0x2b: {  	s6 =	sld [smem:$0x3FAB]  }
0x2c: {  	s7 =	sld [smem:$0x3FAC]  }
0x2d: {  	s3 =	simm.s32 $0x108;
	s8 =	sld [smem:$0x3FAD]  }
0x2e: {  	s3 =	simm.s32 @!p0 $0x1082;
	s9 =	sld [smem:$0x3FAE]  }
0x2f: {  	lr =	sadd.s32 s0, s3;
	s0 =	sld [smem:$0x3FA5]  }
0x30: {  	s3 =	sld [smem:$0x3FA8]  }
0x31: {  	[smem:$0x3FB1] =	sst s10  }
0x32: {  	s10 =	sld [smem:$0x3FAF];
	_ =	sdelay $0x3  }
0x33: {  	p0 =	seq.s32 s10, $0x1;
	s10 =	sld [smem:$0x3FB1];
	_ =	sdelay $0x3  }
0x34: {  	[smem:$0x3FB1] =	sst s10  }
0x35: {  	s10 =	sld [smem:$0x3FB0];
	_ =	sdelay $0x3  }
0x36: {  	p1 =	seq.s32 s10, $0x1;
	s10 =	sld [smem:$0x3FB1];
	_ =	sdelay $0x3  }
0x37: {  	[smem:$0x3FB1] =	sst s10  }
0x38: {  	s10 =	sld [smem:$0x3FB2]  }
0x39: {  	_ = 	snop;
	(pc) =	sbr.ind lr, $3  }
0x3a: {  	_ = 	snop  }
0x3b: {  	_ = 	snop  }
0x3c: {  	p2 =	seq.s32 s10, $0x1;
	s10 =	sld [smem:$0x3FB1]  }
0x3d: {  	_ =	shalt  }
0x3e: {  	_ =	shalt  }
0x3f: {  	_ =	shalt  }
0x40: {  	_ =	shalt  }
0x41: {  	_ =	shalt  }
0x42: {  	_ =	shalt  }
0x43: {  	_ =	shalt  }
0x44: {  	_ =	shalt  }
0x45: {  	_ =	shalt  }
0x46: {  	_ =	shalt  }
0x47: {  	_ =	shalt  }
0x48: {  	_ =	shalt  }
0x49: {  	_ =	shalt  }
0x4a: {  	_ =	shalt  }
0x4b: {  	_ =	shalt  }
0x4c: {  	_ =	shalt  }
0x4d: {  	_ =	shalt  }
0x4e: {  	_ =	shalt  }
0x4f: {  	_ =	shalt  }
0x50: {  	_ =	shalt  }
0x51: {  	_ =	shalt  }
0x52: {  	_ =	shalt  }
0x53: {  	_ =	shalt  }
0x54: {  	_ =	shalt  }
0x55: {  	_ =	shalt  }
0x56: {  	_ =	shalt  }
0x57: {  	_ =	shalt  }
0x58: {  	_ =	shalt  }
0x59: {  	_ =	shalt  }
0x5a: {  	_ =	shalt  }
0x5b: {  	_ =	shalt  }
0x5c: {  	_ =	shalt  }
0x5d: {  	_ =	shalt  }
0x5e: {  	_ =	shalt  }
0x5f: {  	_ =	shalt  }
0x60: {  	_ =	shalt  }
0x61: {  	_ =	shalt  }
0x62: {  	_ =	shalt  }
0x63: {  	_ =	shalt  }
0x64: {  	_ =	shalt  }
0x65: {  	_ =	shalt  }
0x66: {  	_ =	shalt  }
0x67: {  	_ =	shalt  }
0x68: {  	_ =	shalt  }
0x69: {  	_ =	shalt  }
0x6a: {  	_ =	shalt  }
0x6b: {  	_ =	shalt  }
0x6c: {  	_ =	shalt  }
0x6d: {  	_ =	shalt  }
0x6e: {  	_ =	shalt  }
0x6f: {  	_ =	shalt  }
0x70: {  	_ =	shalt  }
0x71: {  	_ =	shalt  }
0x72: {  	_ =	shalt  }
0x73: {  	_ =	shalt  }
0x74: {  	_ =	shalt  }
0x75: {  	_ =	shalt  }
0x76: {  	_ =	shalt  }
0x77: {  	_ =	shalt  }
0x78: {  	_ =	shalt  }
0x79: {  	_ =	shalt  }
0x7a: {  	_ =	shalt  }
0x7b: {  	_ =	shalt  }
0x7c: {  	_ =	shalt  }
0x7d: {  	_ =	shalt  }
0x7e: {  	_ =	shalt  }
0x7f: {  	_ =	shalt  }
0x80: {  	_ =	shalt  }
0x81: {  	_ =	shalt  }
0x82: {  	_ =	shalt  }
0x83: {  	_ =	shalt  }
0x84: {  	_ =	shalt  }
0x85: {  	_ =	shalt  }
0x86: {  	_ =	shalt  }
0x87: {  	_ =	shalt  }
.Lfunc_end0:
.L_simem_size_0:
called_computation.10_lowered:
.L_overlay_start_0:
0x88: {  	s0 =	sld [smem:$0x3FD9]  }
0x89: {  	s1 =	sld [smem:$0x3FFE];
	_ =	sdelay $0x3  }
0x8a: {  	s0 =	sadd.s32 s1, s0  }
0x8b: {  	[smem:$0x3FBD] =	sst s0  }
0x8c: {  	_ = 	snop  }
0x8d: {  	s0 =	sld [smem:$0x3FD0];
	_ =	sdelay $0x2  }
0x8e: {  	s13 =	simm.s32 $0xA;
	s2 =	simm.s32 $0x10  }
0x8f: {  	[smem:s2], [sflag:s13] =	dma.local [hbm:s0], $0x1  }
0x90: {  	_ =	swait.eq [sflag:s13], $0x1  }
0x91: {  	[sflag:s13] =	ssyncset.done $0x0  }
0x92: {  	[sflag:s13] =	ssyncadd.s32 $0xFFFFFFFF  }
0x93: {  	s14 =	sld [smem:$0x11];
	(tm) =	ssettm $0x1  }
0x94: {  	s15 =	sld [smem:$0x3FFB];
	_ =	sdelay $0x3  }
0x95: {  	_ =	strace s15  }
0x96: {  	s1 =	sld [smem:$0x3FFC];
	_ =	sdelay $0x3  }
0x97: {  	_ =	strace s1  }
0x98: {  	s1 =	sld [smem:$0x3FFD];
	_ =	sdelay $0x3  }
0x99: {  	_ =	strace s1  }
0x9a: {  	_ =	strace $0x8FFFFFFF  }
0x9b: {  	s16 =	sld [smem:$0x3FDB];
	_ =	sdelay $0x1  }
0x9c: {  	s17 =	simm.s32 $_scs_section_size  }
0x9d: {  	s3 =	simm.s32 $_size__tile_overlayer_lowered;
	s4 =	simm.s32 $_tile_overlayer_lowered  }
0x9e: {  	s20 =	simm.s32 $0x1BFF;
	s19 =	sshll.u32 s4, $0x1;
	s1 =	sadd.s32 s17, s16  }
0x9f: {  	s5 =	simm.s32 $0x0;
	s18 =	sshll.u32 s3, $0x1;
	s3 =	sadd.s32 s19, s1  }
0xa0: {  	[timem:s5], [sflag:s20] =	dma.local [hbm:s3], s18  }
0xa1: {  	_ =	swait.ge [sflag:s20], s18  }
0xa2: {  	s2 =	ssub.s32 $0x0, s18;
	[sflag:s20] =	ssyncset.done $0x0  }
0xa3: {  	[sflag:s20] =	ssyncadd.s32 s2;
	_ =	sdelay $0x1  }
0xa4: {  	s21 =	simm.s32 $0x1B8B  }
0xa5: {  	_ =	swait.ge [sflag:s21], $0x1  }
0xa6: {  	[sflag:s21] =	ssyncset.done $0x0  }
0xa7: {  	s23 =	simm.s32 $0x1B8E;
	s22 =	sld [smem:$0x3FFE];
	[sflag:s21] =	ssyncadd.s32 $0xFFFFFFFF  }
0xa8: {  	s24 =	simm.s32 $execute0_lowered;
	[smem:$0x3FD2] =	sst s23  }
0xa9: {  	s3 =	sshll.u32 s24, $0x1;
	_ =	strace $0x8000006D;
	[dreg:$0x1] =	wrdreg $0xFFFFFFFF  }
0xaa: {  	s25 =	simm.s32 $_size_execute0_lowered;
	s1 =	sadd.s32 s1, s3;
	[dreg:$0x0] =	wrdreg $0x0  }
0xab: {  	s3 =	sshll.u32 s25, $0x1;
	[dreg:$0x2] =	wrdreg s1  }
0xac: {  	[dreg:$0x3] =	wrdreg s3  }
0xad: {  	[dreg:$0x4] =	wrdreg $0xC0  }
0xae: {  	_ =	task [dreg:s5], $0x5FFFF  }
0xaf: {  	[dreg:$0x1] =	wrdreg $0xFFFFFFFF  }
0xb0: {  	[dreg:$0x0] =	wrdreg $0x60  }
0xb1: {  	[dreg:$0x2] =	wrdreg s22  }
0xb2: {  	[dreg:$0x3] =	wrdreg s14  }
0xb3: {  	[dreg:$0x4] =	wrdreg $0x9  }
0xb4: {  	_ =	task.clear_ibuf [dreg:s5], $0x5FFFF;
	_ =	strace $0x9000006D  }
0xb5: {  	s26 =	simm.s32 $0x9;
	_ =	strace $0x8000006F  }
0xb6: {  	_ =	swait.ge [sflag:s26], $0x1  }
0xb7: {  	[sflag:s26] =	ssyncadd.s32 $0xFFFFFFFF  }
0xb8: {  	_ =	strace $0x9000006F  }
0xb9: {  	_ =	sfence  }
0xba: {  	s28 =	sld [smem:$0x0];
	_ =	sdelay $0x1  }
0xbb: {  	s29 =	srdreg.scid  }
0xbc: {  	s30 =	sshll.u32 s29, $0xD;
	s31 =	sshrl.u32 s29, $0x2  }
0xbd: {  	s2 =	sand.u32 $0x4000, s30;
	s1 =	sand.u32 $0x1, s29;
	s0 =	sadd.s32 s31, s28  }
0xbe: {  	s1 =	sor.u32 s2, s1;
	s0 =	sshll.u32 s0, $0x11  }
0xbf: {  	s0 =	sor.u32 s0, s1  }
0xc0: {  	s0 =	sadd.s32 $0x8F2B, s0  }
0xc1: {  	[sflag:s0] =	ssyncadd.remote.s32 $0x1  }
0xc2: {  	_ =	sfence.sel $0xFFFF  }
0xc3: {  	[dreg:$0x0] =	wrdreg $0xFFFFFFFF;
	(pc) =	sbr.abs _section_cstart, $3  }
0xc4: {  	[dreg:$0x1] =	wrdreg $0xFFFFFFFF  }
0xc5: {  	_ =	task.clear_ibuf [dreg:s5], $0x2FFFF;
	_ =	strace $0x9FFFFFFF  }
0xc6: {  	(tm) =	ssettm $0x7FFFFFFF  }
0xc7: {  	_ =	shalt  }
tec
execute0_lowered:
.L_overlay_start_1:
0x0: {  	(tag) =	ssettag $0x1  }
0x1: {  	s0 =	stileid.u32  }
0x2: {  	s1 =	smin.u32 s0, $0x9  }
0x3: {  	s1 =	sadd.s32 s0, s1  }
0x4: {  	s2 =	simm.s32 $0x320;
	p0 =	slt.u32 s0, $0x9;
	s1 =	smul.u32 $0x190, s1  }
0x5: {  	s2 =	simm.s32 @!p0 $0x190  }
0x6: {  	s2 =	sadd.s32 s2, s1  }
0x7: {  	s3 =	smin.u32 s2, $0x2710  }
0x8: {  	s7 =	ssub.s32 s3, s1  }
0x9: {  	p0 =	sgt.s32 s7, $0x0  }
0xa: {  	s7 =	simm.s32 @!p0 $0x0  }
0xb: {  	s31 =	sand.u32 $0xFFF0, s7  }
0xc: {  	s2 =	sshrl.u32 s31, $0x4  }
0xd: {  	s4 =	rddreg [dreg:$0x0];
	s2 =	smul.u32 $0xA3E, s2  }
0xe: {  	s5 =	rddreg [dreg:$0x1]  }
0xf: {  	s6 =	simm.s32 $0x1;
	s10 =	simm.s32 $0x3;
	s8 =	sshrl.u32 s2, $0x10  }
0x10: {  	s13 =	simm.s32 $0x0;
	s12 =	simm.s32 $0x0;
	s9 =	smul.u32 $0x190, s8  }
.Ltmp0:
0x11: {  	s11 =	smov.u32 s1;
	s2 =	rddreg [dreg:$0x2];
	(pc) =	sbr.rel .LBB2_1-.Ltmp0, $4  }
0x12: {  	_ =	strace $0x8000006E;
	p0 =	sne.s32 s7, s9;
	s9 =	simm.s32 $0x1  }
0x13: {  	[sflag:s6] =	ssyncpa.u1 $0x0;
	s7 =	simm.s32 $0x2;
	s9 =	simm.s32 @!p0 $0x0  }
0x14: {  	[sflag:s7] =	ssyncpa.u1 $0x0;
	p0 =	por $0x0, $0x0;
	s8 =	sadd.s32 s8, s9  }
0x15: {  	vm0 =	vmmov $0xff;
	vm1 =	vcmask $0x3F20;
	s9 =	sadd.s32 $0x87000, s4;
	[sflag:s10] =	ssyncpa.u1 $0x0;
	s10 =	sadd.s32 $0x1, s8  }
.LBB2_6:
0x16: {  	[hbm:s17] =	stream.linear.scatter [tilespmem:s14], [sflag:$0x3], $0x400, $0x38;
	[tilespmem:$0x19320] =	vst v63  }
.LBB2_7:
0x17: {  	s13 =	sadd.s32 $0x190, s11  }
0x18: {  	s15 =	smov.u32 s1;
	p2 =	slt.s32 s13, s3  }
0x19: {  	s15 =	smov.u32 @p2 s13;
	p2 =	sne.s32 s12, s10  }
.Ltmp1:
0x1a: {  	p1 =	slt.u32 s12, $0x2;
	(pc) =	sbr.rel @!p2 .LBB2_8-.Ltmp1, $4  }
0x1b: {  	s14 =	simm.s32 @!p1 $0x3  }
0x1c: {  	s16 =	sadd.s32 $0x1, s12;
	_ =	swait.ge @!p1 [sflag:s14], $0xC800  }
0x1d: {  	p0 =	por !p0, !p0;
	s13 =	smov.u32 s11;
	[sflag:s14] =	ssyncset.done @!p1 $0x0  }
0x1e: {  	s12 =	smov.u32 s16;
	s11 =	smov.u32 s15;
	[sflag:s14] =	ssyncadd.s32 @!p1 $0xFFFF3800  }
.LBB2_1:
0x1f: {  	p1 =	sge.u32 s12, s8  }
0x20: {  	s14 =	sxor.u32 @!p1 $0xFFFFFFFF, s12  }
0x21: {  	s14 =	sand.u32 @!p1 $0x1, s14  }
0x22: {  	s14 =	smul.u32 @!p1 $0x640, s14  }
0x23: {  	s31 =	sadd.s32 $0xFFFFFFFF, s12;
	s15 =	sshrl.u32 @!p1 s11, $0x3  }
0x24: {  	s16 =	sand.u32 @!p1 $0x7, s11;
	s15 =	sadd.s32 @!p1 s5, s15;
	s14 =	sshrl.u32 @!p1 s14, $0x2  }
0x25: {  	[tilespmem:s14], [sflag:$0x2] =	stream.linear.gather @!p1 [hbm4b:s15+s16], $0x190, $0x38;
	[tilespmem:$0x19320] =	vst v63  }
0x26: {  	p1 =	sge.u32 s31, s8  }
.Ltmp2:
0x27: {  	_ = 	snop;
	(pc) =	sbr.rel @p1 .LBB2_7-.Ltmp2, $1  }
0x28: {  	_ =	sdelay $0x3  }
0x29: {  	s14 =	simm.s32 $0x1  }
0x2a: {  	s14 =	simm.s32 @!p0 $0x0  }
0x2b: {  	s15 =	smul.u32 $0x640, s14  }
0x2c: {  	_ =	swait.ge [sflag:s7], $0x190  }
0x2d: {  	[sflag:s7] =	ssyncset.done $0x0;
	s16 =	sshrl.u32 s15, $0x2  }
0x2e: {  	[sflag:s7] =	ssyncadd.s32 $0xFFFFFE70;
	s15 =	sadd.s32 $0x0, s16  }
0x2f: {  	v0 =	vld.msk [tilespmem:s15+$0x0 ss:$0x1], $0xffff;
	_ =	sdelay $0x4  }
0x30: {  	vm2 =	vgt.s32 v0, $0x0  }
0x31: {  	v0 =	vnsel vm2, $0x0, v0  }
0x32: {  	v0 =	vmin.u32 v0, $0x270F  }
0x33: {  	v0 =	vshll.u32 v0, $0x4  }
0x34: {  	s14 =	smul.u32 $0x32000, s14;
	_ =	sdelay $0x1  }
0x35: {  	s14 =	sshrl.u32 s14, $0x2  }
0x36: {  	s14 =	sor.u32 $0x320, s14  }
0x37: {  	[tilespmem:s14], [sflag:$0x1] =	stream.indirect_vreg.gather [hbm:s9], $0x80, v0, vm0, $0x38;
	[tilespmem:$0x19320] =	vst v63  }
0x38: {  	s17 =	sadd.s32 $0x10, s16;
	s15 =	sadd.s32 $0x400, s14  }
0x39: {  	[tilespmem:s15], [sflag:$0x1] =	stream.indirect_vreg.gather [hbm:s9], $0x80, v0, vm1, $0x38;
	[tilespmem:$0x19320] =	vst v63  }
0x3a: {  	s18 =	simm.s32 $0x80;
	v0 =	vld.msk [tilespmem:s17+$0x0 ss:$0x1], $0xffff;
	s17 =	smov.u32 s14  }
.LBB2_3:
0x3b: {  	p1 =	sne.s32 s18, $0x600;
	_ =	sdelay $0x4  }
0x3c: {  	vm2 =	vgt.s32 v0, $0x0  }
0x3d: {  	v0 =	vnsel vm2, $0x0, v0  }
0x3e: {  	v0 =	vmin.u32 v0, $0x270F  }
0x3f: {  	v0 =	vshll.u32 v0, $0x4;
	_ =	sdelay $0x3  }
.Ltmp3:
0x40: {  	s19 =	sshra.s32 s18, $0x2;
	s17 =	sadd.s32 $0x800, s17;
	(pc) =	sbr.rel @p1 .LBB2_3-.Ltmp3, $4  }
0x41: {  	[tilespmem:s17], [sflag:$0x1] =	stream.indirect_vreg.gather [hbm:s9], $0x80, v0, vm0, $0x38;
	[tilespmem:$0x19320] =	vst v63  }
0x42: {  	s19 =	sadd.s32 s19, s16;
	s20 =	sadd.s32 $0x400, s17  }
0x43: {  	[tilespmem:s20], [sflag:$0x1] =	stream.indirect_vreg.gather [hbm:s9], $0x80, v0, vm1, $0x38;
	[tilespmem:$0x19320] =	vst v63  }
0x44: {  	s18 =	sadd.s32 $0x40, s18;
	v0 =	vld.msk [tilespmem:s19+$0x0 ss:$0x1], $0xffff  }
0x45: {  	_ =	sdelay $0x3  }
0x46: {  	vm2 =	vgt.s32 v0, $0x0  }
0x47: {  	v0 =	vnsel vm2, $0x0, v0  }
0x48: {  	v0 =	vmin.u32 v0, $0x270F  }
0x49: {  	v0 =	vshll.u32 v0, $0x4;
	_ =	sdelay $0x3  }
0x4a: {  	s16 =	sadd.s32 $0x800, s17  }
0x4b: {  	[tilespmem:s16], [sflag:$0x1] =	stream.indirect_vreg.gather [hbm:s9], $0x80, v0, vm0, $0x38;
	[tilespmem:$0x19320] =	vst v63  }
0x4c: {  	s16 =	sadd.s32 $0x400, s16  }
0x4d: {  	[tilespmem:s16], [sflag:$0x1] =	stream.indirect_vreg.gather [hbm:s9], $0x80, v0, vm1, $0x38;
	[tilespmem:$0x19320] =	vst v63  }
0x4e: {  	s13 =	sshll.u32 s13, $0x4;
	_ =	swait.ge [sflag:s6], $0xC800  }
0x4f: {  	s13 =	sadd.s32 s13, s4;
	[sflag:s6] =	ssyncset.done $0x0  }
0x50: {  	s17 =	sadd.s32 $0x0, s13;
	s16 =	simm.s32 $0x80;
	[sflag:s6] =	ssyncadd.s32 $0xFFFF3800  }
.LBB2_5:
0x51: {  	[hbm:s17] =	stream.linear.scatter [tilespmem:s14], [sflag:$0x3], $0x400, $0x38;
	[tilespmem:$0x19320] =	vst v63  }
0x52: {  	s17 =	smov.u32 s16;
	s14 =	smov.u32 s15;
	p1 =	sne.s32 s16, $0x1880  }
.Ltmp4:
0x53: {  	s16 =	sadd.s32 $0x80, s16;
	(pc) =	sbr.rel @p1 .LBB2_5-.Ltmp4, $2  }
0x54: {  	_ =	sdelay $0x2  }
0x55: {  	s15 =	sadd.s32 $0x400, s15;
	s17 =	sadd.s32 s17, s13  }
.Ltmp5:
0x56: {  	_ = 	snop;
	(pc) =	sbr.rel .LBB2_6-.Ltmp5, $1  }
0x57: {  	_ =	sdelay $0x3  }
.LBB2_8:
0x58: {  	_ =	sfence.sel $0x180000  }
0x59: {  	s1 =	simm.s32 $0x2;
	[bflag:$0x0] =	sbarrier.arrive $0xFFFF  }
0x5a: {  	s30 =	simm.s32 $0x3;
	[sflag:s1] =	ssyncpa.u1 $0x1  }
0x5b: {  	s31 =	simm.s32 $0x1;
	[sflag:s30] =	ssyncpa.u1 $0x1  }
0x5c: {  	[sflag:s31] =	ssyncpa.u1 $0x1  }
0x5d: {  	p0 =	sne.s32 s0, $0x0;
	_ =	strace $0x9000006E  }
0x5e: {  	s0 =	sadd.s32 @!p0 $0x100000, s2;
	[bflag:$0x2] =	sbarrier.arrive $0xFFFF  }
0x5f: {  	[sflag:s0] =	ssyncadd.tile.s32 @!p0 $0x1;
	_ =	shalt  }
.Lfunc_end2:
_tile_overlayer_lowered:
.L_overlay_start_2:
0x60: {  	(tag) =	ssettag $0x2  }
0x61: {  	s0 =	rddreg [dreg:$0x0];
	s2 =	stileid.u32  }
0x62: {  	s1 =	rddreg [dreg:$0x1];
	p0 =	sne.s32 s2, $0x0  }
0x63: {  	s3 =	rddreg [dreg:$0x2];
	[bflag:$0x3] =	sbarrier.arrive $0xFFFF;
	s2 =	simm.s32 @!p0 $0x1C01  }
0x64: {  	[timem:s3], [sflag:s2] =	dma.local @!p0 [hbm:s0], s1  }
0x65: {  	s0 =	simm.s32 @!p0 $0x1  }
0x66: {  	_ =	swait.ge @!p0 [sflag:s0], s1  }
0x67: {  	s1 =	ssub.s32 @!p0 $0x0, s1;
	[sflag:s0] =	ssyncset.done @!p0 $0x0  }
0x68: {  	[sflag:s0] =	ssyncadd.s32 @!p0 s1  }
0x69: {  	[bflag:$0x3] =	sbarrier.arrive $0xFFFF  }
0x6a: {  	_ =	shalt  }

// kernel: gather_offload_async_start
scs
__scs_entry_jumppad:
0x0: {  	(pc) =	sbr.rel $0x88, $3  }
0x1: {  	(tag) =	ssettag $0x0;
	lr =	simm.s32 $0x1  }
0x2: {  	[smem:$0x3F96] =	sst lr;
	_ =	strace $0xD0000000  }
0x3: {  	_ = 	snop  }
0x4: {  	_ = 	snop  }
0x5: {  	_ = 	snop  }
0x6: {  	_ = 	snop  }
0x7: {  	_ = 	snop  }
__scs_overlays_trampoline_lowered:
0x8: {  	[smem:$0x3FA5] =	sst s0  }
0x9: {  	[smem:$0x3FA6] =	sst s1  }
0xa: {  	[smem:$0x3FA7] =	sst s2  }
0xb: {  	[smem:$0x3FA8] =	sst s3  }
0xc: {  	[smem:$0x3FA9] =	sst s4  }
0xd: {  	[smem:$0x3FAA] =	sst s5  }
0xe: {  	[smem:$0x3FAB] =	sst s6  }
0xf: {  	[smem:$0x3FAC] =	sst s7  }
0x10: {  	[smem:$0x3FAD] =	sst s8  }
0x11: {  	[smem:$0x3FAE] =	sst s9;
	s0 =	simm.s32 @!p0 $0x0  }
0x12: {  	s1 =	sld [smem:$0x3F94];
	s0 =	simm.s32 @p0 $0x1  }
0x13: {  	[smem:$0x3FAF] =	sst s0;
	s0 =	simm.s32 @!p1 $0x0  }
0x14: {  	s2 =	sld [smem:$0x3F93];
	s0 =	simm.s32 @p1 $0x1  }
0x15: {  	[smem:$0x3FB0] =	sst s0;
	s0 =	simm.s32 @!p2 $0x0  }
0x16: {  	s3 =	sld [smem:$0x3FDB];
	s0 =	simm.s32 @p2 $0x1  }
0x17: {  	s4 =	simm.s32 $0x1BF5;
	[smem:$0x3FB2] =	sst s0  }
0x18: {  	s0 =	sld [smem:$0x3F95];
	_ =	swait.ge [sflag:s4], $0x0  }
0x19: {  	s7 =	sld [smem:$0x3F96]  }
0x1a: {  	s8 =	sadd.s32 $0xFFFFE003, lr  }
0x1b: {  	s9 =	sadd.s32 $0xFFFFFEF7, lr;
	s5 =	simm.s32 $0xFFFFFFFF;
	p2 =	slt.u32 s8, $0xFFFFF086  }
0x1c: {  	p1 =	slt.u32 s9, $0xF7A;
	s5 =	simm.s32 @!p2 $0x0  }
0x1d: {  	s5 =	simm.s32 @p1 $0x1;
	p0 =	seq.s32 s7, s2  }
0x1e: {  	s7 =	smul.u32 @!p0 $0xF7A, s2;
	p2 =	seq.s32 @!p0 s5, $0x0  }
0x1f: {  	s9 =	smul.u32 $0xF7A, s1;
	s8 =	simm.s32 @!p0 $0x1BF5;
	p2 =	por !p2, p0  }
0x20: {  	[sflag:s8] =	ssyncset.s32 @!p0 $0xFFFFF086;
	s6 =	sadd.s32 @!p0 s3, s7;
	s7 =	simm.s32 @!p0 $0x108  }
0x21: {  	s3 =	sadd.s32 s3, s9;
	s6 =	sadd.s32 @!p0 $0x88, s6;
	s7 =	simm.s32 @p2 $0x1082  }
0x22: {  	[simem:s7], [sflag:s8] =	dma.local @!p0 [hbm:s6], $0xF7A  }
0x23: {  	s9 =	sor.u32 $0xD0000000, s2;
	s6 =	simm.s32 $0x108;
	_ =	swait.ge @!p0 [sflag:s8], $0x0  }
0x24: {  	s3 =	sadd.s32 $0x88, s3;
	s6 =	simm.s32 @!p1 $0x1082;
	[sflag:s4] =	ssyncset.s32 $0xFFFFF086  }
0x25: {  	[simem:s6], [sflag:s4] =	dma.local [hbm:s3], $0xF7A  }
0x26: {  	[smem:$0x3F96] =	sst s1;
	(tag) =	ssettag s2;
	_ =	strace s9  }
0x27: {  	s1 =	sld [smem:$0x3FA6]  }
0x28: {  	s2 =	sld [smem:$0x3FA7]  }
0x29: {  	s4 =	sld [smem:$0x3FA9]  }
0x2a: {  	p0 =	seq.s32 s5, $0x0;
	s5 =	sld [smem:$0x3FAA]  }
0x2b: {  	s6 =	sld [smem:$0x3FAB]  }
0x2c: {  	s7 =	sld [smem:$0x3FAC]  }
0x2d: {  	s3 =	simm.s32 $0x108;
	s8 =	sld [smem:$0x3FAD]  }
0x2e: {  	s3 =	simm.s32 @!p0 $0x1082;
	s9 =	sld [smem:$0x3FAE]  }
0x2f: {  	lr =	sadd.s32 s0, s3;
	s0 =	sld [smem:$0x3FA5]  }
0x30: {  	s3 =	sld [smem:$0x3FA8]  }
0x31: {  	[smem:$0x3FB1] =	sst s10  }
0x32: {  	s10 =	sld [smem:$0x3FAF];
	_ =	sdelay $0x3  }
0x33: {  	p0 =	seq.s32 s10, $0x1;
	s10 =	sld [smem:$0x3FB1];
	_ =	sdelay $0x3  }
0x34: {  	[smem:$0x3FB1] =	sst s10  }
0x35: {  	s10 =	sld [smem:$0x3FB0];
	_ =	sdelay $0x3  }
0x36: {  	p1 =	seq.s32 s10, $0x1;
	s10 =	sld [smem:$0x3FB1];
	_ =	sdelay $0x3  }
0x37: {  	[smem:$0x3FB1] =	sst s10  }
0x38: {  	s10 =	sld [smem:$0x3FB2]  }
0x39: {  	_ = 	snop;
	(pc) =	sbr.ind lr, $3  }
0x3a: {  	_ = 	snop  }
0x3b: {  	_ = 	snop  }
0x3c: {  	p2 =	seq.s32 s10, $0x1;
	s10 =	sld [smem:$0x3FB1]  }
0x3d: {  	_ =	shalt  }
0x3e: {  	_ =	shalt  }
0x3f: {  	_ =	shalt  }
0x40: {  	_ =	shalt  }
0x41: {  	_ =	shalt  }
0x42: {  	_ =	shalt  }
0x43: {  	_ =	shalt  }
0x44: {  	_ =	shalt  }
0x45: {  	_ =	shalt  }
0x46: {  	_ =	shalt  }
0x47: {  	_ =	shalt  }
0x48: {  	_ =	shalt  }
0x49: {  	_ =	shalt  }
0x4a: {  	_ =	shalt  }
0x4b: {  	_ =	shalt  }
0x4c: {  	_ =	shalt  }
0x4d: {  	_ =	shalt  }
0x4e: {  	_ =	shalt  }
0x4f: {  	_ =	shalt  }
0x50: {  	_ =	shalt  }
0x51: {  	_ =	shalt  }
0x52: {  	_ =	shalt  }
0x53: {  	_ =	shalt  }
0x54: {  	_ =	shalt  }
0x55: {  	_ =	shalt  }
0x56: {  	_ =	shalt  }
0x57: {  	_ =	shalt  }
0x58: {  	_ =	shalt  }
0x59: {  	_ =	shalt  }
0x5a: {  	_ =	shalt  }
0x5b: {  	_ =	shalt  }
0x5c: {  	_ =	shalt  }
0x5d: {  	_ =	shalt  }
0x5e: {  	_ =	shalt  }
0x5f: {  	_ =	shalt  }
0x60: {  	_ =	shalt  }
0x61: {  	_ =	shalt  }
0x62: {  	_ =	shalt  }
0x63: {  	_ =	shalt  }
0x64: {  	_ =	shalt  }
0x65: {  	_ =	shalt  }
0x66: {  	_ =	shalt  }
0x67: {  	_ =	shalt  }
0x68: {  	_ =	shalt  }
0x69: {  	_ =	shalt  }
0x6a: {  	_ =	shalt  }
0x6b: {  	_ =	shalt  }
0x6c: {  	_ =	shalt  }
0x6d: {  	_ =	shalt  }
0x6e: {  	_ =	shalt  }
0x6f: {  	_ =	shalt  }
0x70: {  	_ =	shalt  }
0x71: {  	_ =	shalt  }
0x72: {  	_ =	shalt  }
0x73: {  	_ =	shalt  }
0x74: {  	_ =	shalt  }
0x75: {  	_ =	shalt  }
0x76: {  	_ =	shalt  }
0x77: {  	_ =	shalt  }
0x78: {  	_ =	shalt  }
0x79: {  	_ =	shalt  }
0x7a: {  	_ =	shalt  }
0x7b: {  	_ =	shalt  }
0x7c: {  	_ =	shalt  }
0x7d: {  	_ =	shalt  }
0x7e: {  	_ =	shalt  }
0x7f: {  	_ =	shalt  }
0x80: {  	_ =	shalt  }
0x81: {  	_ =	shalt  }
0x82: {  	_ =	shalt  }
0x83: {  	_ =	shalt  }
0x84: {  	_ =	shalt  }
0x85: {  	_ =	shalt  }
0x86: {  	_ =	shalt  }
0x87: {  	_ =	shalt  }
.Lfunc_end0:
.L_simem_size_0:
called_computation.1_lowered:
.L_overlay_start_0:
0x88: {  	s0 =	sld [smem:$0x3FD9]  }
0x89: {  	s1 =	sld [smem:$0x3FFE];
	_ =	sdelay $0x3  }
0x8a: {  	s0 =	sadd.s32 s1, s0  }
0x8b: {  	[smem:$0x3FBD] =	sst s0  }
0x8c: {  	_ = 	snop  }
0x8d: {  	s0 =	sld [smem:$0x3FD0];
	_ =	sdelay $0x2  }
0x8e: {  	s13 =	simm.s32 $0xA;
	s2 =	simm.s32 $0x10  }
0x8f: {  	[smem:s2], [sflag:s13] =	dma.local [hbm:s0], $0x1  }
0x90: {  	_ =	swait.eq [sflag:s13], $0x1  }
0x91: {  	[sflag:s13] =	ssyncset.done $0x0  }
0x92: {  	[sflag:s13] =	ssyncadd.s32 $0xFFFFFFFF  }
0x93: {  	s14 =	sld [smem:$0x11];
	(tm) =	ssettm $0x1  }
0x94: {  	s15 =	sld [smem:$0x3FFB];
	_ =	sdelay $0x3  }
0x95: {  	_ =	strace s15  }
0x96: {  	s1 =	sld [smem:$0x3FFC];
	_ =	sdelay $0x3  }
0x97: {  	_ =	strace s1  }
0x98: {  	s1 =	sld [smem:$0x3FFD];
	_ =	sdelay $0x3  }
0x99: {  	_ =	strace s1  }
0x9a: {  	_ =	strace $0x8FFFFFFF  }
0x9b: {  	s16 =	sld [smem:$0x3FDB];
	_ =	sdelay $0x1  }
0x9c: {  	s17 =	simm.s32 $_scs_section_size  }
0x9d: {  	s3 =	simm.s32 $_size__tile_overlayer_lowered;
	s4 =	simm.s32 $_tile_overlayer_lowered  }
0x9e: {  	s20 =	simm.s32 $0x1BFF;
	s19 =	sshll.u32 s4, $0x1;
	s1 =	sadd.s32 s17, s16  }
0x9f: {  	s5 =	simm.s32 $0x0;
	s18 =	sshll.u32 s3, $0x1;
	s3 =	sadd.s32 s19, s1  }
0xa0: {  	[timem:s5], [sflag:s20] =	dma.local [hbm:s3], s18  }
0xa1: {  	_ =	swait.ge [sflag:s20], s18  }
0xa2: {  	s2 =	ssub.s32 $0x0, s18;
	[sflag:s20] =	ssyncset.done $0x0  }
0xa3: {  	[sflag:s20] =	ssyncadd.s32 s2;
	_ =	sdelay $0x1  }
0xa4: {  	s21 =	simm.s32 $0x1B8B  }
0xa5: {  	_ =	swait.ge [sflag:s21], $0x1  }
0xa6: {  	[sflag:s21] =	ssyncset.done $0x0  }
0xa7: {  	s23 =	simm.s32 $0x1B8E;
	s22 =	sld [smem:$0x3FFE];
	[sflag:s21] =	ssyncadd.s32 $0xFFFFFFFF  }
0xa8: {  	s24 =	simm.s32 $execute0_lowered;
	[smem:$0x3FD2] =	sst s23  }
0xa9: {  	s3 =	sshll.u32 s24, $0x1;
	_ =	strace $0x80000052;
	[dreg:$0x1] =	wrdreg $0xFFFFFFFF  }
0xaa: {  	s25 =	simm.s32 $_size_execute0_lowered;
	s1 =	sadd.s32 s1, s3;
	[dreg:$0x0] =	wrdreg $0x0  }
0xab: {  	s3 =	sshll.u32 s25, $0x1;
	[dreg:$0x2] =	wrdreg s1  }
0xac: {  	[dreg:$0x3] =	wrdreg s3  }
0xad: {  	[dreg:$0x4] =	wrdreg $0xC0  }
0xae: {  	_ =	task [dreg:s5], $0x5FFFF  }
0xaf: {  	[dreg:$0x1] =	wrdreg $0xFFFFFFFF  }
0xb0: {  	[dreg:$0x0] =	wrdreg $0x60  }
0xb1: {  	[dreg:$0x2] =	wrdreg s22  }
0xb2: {  	[dreg:$0x3] =	wrdreg s14  }
0xb3: {  	[dreg:$0x4] =	wrdreg $0x9  }
0xb4: {  	_ =	task.clear_ibuf [dreg:s5], $0x5FFFF;
	_ =	strace $0x90000052  }
0xb5: {  	s26 =	simm.s32 $0x9;
	_ =	strace $0x80000054  }
0xb6: {  	_ =	swait.ge [sflag:s26], $0x1  }
0xb7: {  	[sflag:s26] =	ssyncadd.s32 $0xFFFFFFFF  }
0xb8: {  	_ =	strace $0x90000054  }
0xb9: {  	_ =	sfence  }
0xba: {  	s28 =	sld [smem:$0x0];
	_ =	sdelay $0x1  }
0xbb: {  	s29 =	srdreg.scid  }
0xbc: {  	s30 =	sshll.u32 s29, $0xD;
	s31 =	sshrl.u32 s29, $0x2  }
0xbd: {  	s2 =	sand.u32 $0x4000, s30;
	s1 =	sand.u32 $0x1, s29;
	s0 =	sadd.s32 s31, s28  }
0xbe: {  	s1 =	sor.u32 s2, s1;
	s0 =	sshll.u32 s0, $0x11  }
0xbf: {  	s0 =	sor.u32 s0, s1  }
0xc0: {  	s0 =	sadd.s32 $0x8F2B, s0  }
0xc1: {  	[sflag:s0] =	ssyncadd.remote.s32 $0x1  }
0xc2: {  	_ =	sfence.sel $0xFFFF  }
0xc3: {  	[dreg:$0x0] =	wrdreg $0xFFFFFFFF;
	(pc) =	sbr.abs _section_cstart, $3  }
0xc4: {  	[dreg:$0x1] =	wrdreg $0xFFFFFFFF  }
0xc5: {  	_ =	task.clear_ibuf [dreg:s5], $0x2FFFF;
	_ =	strace $0x9FFFFFFF  }
0xc6: {  	(tm) =	ssettm $0x7FFFFFFF  }
0xc7: {  	_ =	shalt  }
tec
execute0_lowered:
.L_overlay_start_1:
0x0: {  	(tag) =	ssettag $0x1  }
0x1: {  	s0 =	stileid.u32  }
0x2: {  	s1 =	smin.u32 s0, $0x9  }
0x3: {  	s1 =	sadd.s32 s0, s1  }
0x4: {  	s2 =	simm.s32 $0x320;
	p0 =	slt.u32 s0, $0x9;
	s1 =	smul.u32 $0x190, s1  }
0x5: {  	s2 =	simm.s32 @!p0 $0x190  }
0x6: {  	s2 =	sadd.s32 s2, s1  }
0x7: {  	s3 =	smin.u32 s2, $0x2710  }
0x8: {  	s7 =	ssub.s32 s3, s1  }
0x9: {  	p0 =	sgt.s32 s7, $0x0  }
0xa: {  	s7 =	simm.s32 @!p0 $0x0  }
0xb: {  	s31 =	sand.u32 $0xFFF0, s7  }
0xc: {  	s2 =	sshrl.u32 s31, $0x4  }
0xd: {  	s9 =	rddreg [dreg:$0x0];
	s2 =	smul.u32 $0xA3E, s2  }
0xe: {  	s4 =	rddreg [dreg:$0x1];
	s6 =	simm.s32 $0x1  }
0xf: {  	s11 =	simm.s32 $0x3;
	s13 =	simm.s32 $0x0;
	s8 =	sshrl.u32 s2, $0x10  }
0x10: {  	s12 =	simm.s32 $0x0;
	s5 =	sadd.s32 $0x87000, s9;
	s10 =	smul.u32 $0x190, s8  }
.Ltmp0:
0x11: {  	s9 =	sadd.s32 $0x50000, s9;
	s2 =	rddreg [dreg:$0x2];
	(pc) =	sbr.rel .LBB2_1-.Ltmp0, $4  }
0x12: {  	_ =	strace $0x80000053;
	p0 =	sne.s32 s7, s10;
	s10 =	simm.s32 $0x1  }
0x13: {  	[sflag:s6] =	ssyncpa.u1 $0x0;
	s7 =	simm.s32 $0x2;
	s10 =	simm.s32 @!p0 $0x0  }
0x14: {  	[sflag:s7] =	ssyncpa.u1 $0x0;
	p0 =	por $0x0, $0x0;
	s8 =	sadd.s32 s8, s10  }
0x15: {  	vm0 =	vmmov $0xff;
	vm1 =	vcmask $0x3F20;
	[sflag:s11] =	ssyncpa.u1 $0x0;
	s11 =	smov.u32 s1;
	s10 =	sadd.s32 $0x1, s8  }
.LBB2_6:
0x16: {  	[hbm:s17] =	stream.linear.scatter [tilespmem:s14], [sflag:$0x3], $0x400, $0x38;
	[tilespmem:$0x19320] =	vst v63  }
.LBB2_7:
0x17: {  	s13 =	sadd.s32 $0x190, s11  }
0x18: {  	s15 =	smov.u32 s1;
	p2 =	slt.s32 s13, s3  }
0x19: {  	s15 =	smov.u32 @p2 s13;
	p2 =	sne.s32 s12, s10  }
.Ltmp1:
0x1a: {  	p1 =	slt.u32 s12, $0x2;
	(pc) =	sbr.rel @!p2 .LBB2_8-.Ltmp1, $4  }
0x1b: {  	s14 =	simm.s32 @!p1 $0x3  }
0x1c: {  	s16 =	sadd.s32 $0x1, s12;
	_ =	swait.ge @!p1 [sflag:s14], $0xC800  }
0x1d: {  	p0 =	por !p0, !p0;
	s13 =	smov.u32 s11;
	[sflag:s14] =	ssyncset.done @!p1 $0x0  }
0x1e: {  	s12 =	smov.u32 s16;
	s11 =	smov.u32 s15;
	[sflag:s14] =	ssyncadd.s32 @!p1 $0xFFFF3800  }
.LBB2_1:
0x1f: {  	p1 =	sge.u32 s12, s8  }
0x20: {  	s14 =	sxor.u32 @!p1 $0xFFFFFFFF, s12  }
0x21: {  	s14 =	sand.u32 @!p1 $0x1, s14  }
0x22: {  	s14 =	smul.u32 @!p1 $0x640, s14  }
0x23: {  	s31 =	sadd.s32 $0xFFFFFFFF, s12;
	s15 =	sshrl.u32 @!p1 s11, $0x3  }
0x24: {  	s16 =	sand.u32 @!p1 $0x7, s11;
	s15 =	sadd.s32 @!p1 s4, s15;
	s14 =	sshrl.u32 @!p1 s14, $0x2  }
0x25: {  	[tilespmem:s14], [sflag:$0x2] =	stream.linear.gather @!p1 [hbm4b:s15+s16], $0x190, $0x38;
	[tilespmem:$0x19320] =	vst v63  }
0x26: {  	p1 =	sge.u32 s31, s8  }
.Ltmp2:
0x27: {  	_ = 	snop;
	(pc) =	sbr.rel @p1 .LBB2_7-.Ltmp2, $1  }
0x28: {  	_ =	sdelay $0x3  }
0x29: {  	s14 =	simm.s32 $0x1  }
0x2a: {  	s14 =	simm.s32 @!p0 $0x0  }
0x2b: {  	s15 =	smul.u32 $0x640, s14  }
0x2c: {  	_ =	swait.ge [sflag:s7], $0x190  }
0x2d: {  	[sflag:s7] =	ssyncset.done $0x0;
	s16 =	sshrl.u32 s15, $0x2  }
0x2e: {  	[sflag:s7] =	ssyncadd.s32 $0xFFFFFE70;
	s15 =	sadd.s32 $0x0, s16  }
0x2f: {  	v0 =	vld.msk [tilespmem:s15+$0x0 ss:$0x1], $0xffff;
	_ =	sdelay $0x4  }
0x30: {  	vm2 =	vgt.s32 v0, $0x0  }
0x31: {  	v0 =	vnsel vm2, $0x0, v0  }
0x32: {  	v0 =	vmin.u32 v0, $0x270F  }
0x33: {  	v0 =	vshll.u32 v0, $0x4  }
0x34: {  	s14 =	smul.u32 $0x32000, s14;
	_ =	sdelay $0x1  }
0x35: {  	s14 =	sshrl.u32 s14, $0x2  }
0x36: {  	s14 =	sor.u32 $0x320, s14  }
0x37: {  	[tilespmem:s14], [sflag:$0x1] =	stream.indirect_vreg.gather [hbm:s5], $0x80, v0, vm0, $0x38;
	[tilespmem:$0x19320] =	vst v63  }
0x38: {  	s17 =	sadd.s32 $0x10, s16;
	s15 =	sadd.s32 $0x400, s14  }
0x39: {  	[tilespmem:s15], [sflag:$0x1] =	stream.indirect_vreg.gather [hbm:s5], $0x80, v0, vm1, $0x38;
	[tilespmem:$0x19320] =	vst v63  }
0x3a: {  	s18 =	simm.s32 $0x80;
	v0 =	vld.msk [tilespmem:s17+$0x0 ss:$0x1], $0xffff;
	s17 =	smov.u32 s14  }
.LBB2_3:
0x3b: {  	p1 =	sne.s32 s18, $0x600;
	_ =	sdelay $0x4  }
0x3c: {  	vm2 =	vgt.s32 v0, $0x0  }
0x3d: {  	v0 =	vnsel vm2, $0x0, v0  }
0x3e: {  	v0 =	vmin.u32 v0, $0x270F  }
0x3f: {  	v0 =	vshll.u32 v0, $0x4;
	_ =	sdelay $0x3  }
.Ltmp3:
0x40: {  	s19 =	sshra.s32 s18, $0x2;
	s17 =	sadd.s32 $0x800, s17;
	(pc) =	sbr.rel @p1 .LBB2_3-.Ltmp3, $4  }
0x41: {  	[tilespmem:s17], [sflag:$0x1] =	stream.indirect_vreg.gather [hbm:s5], $0x80, v0, vm0, $0x38;
	[tilespmem:$0x19320] =	vst v63  }
0x42: {  	s19 =	sadd.s32 s19, s16;
	s20 =	sadd.s32 $0x400, s17  }
0x43: {  	[tilespmem:s20], [sflag:$0x1] =	stream.indirect_vreg.gather [hbm:s5], $0x80, v0, vm1, $0x38;
	[tilespmem:$0x19320] =	vst v63  }
0x44: {  	s18 =	sadd.s32 $0x40, s18;
	v0 =	vld.msk [tilespmem:s19+$0x0 ss:$0x1], $0xffff  }
0x45: {  	_ =	sdelay $0x3  }
0x46: {  	vm2 =	vgt.s32 v0, $0x0  }
0x47: {  	v0 =	vnsel vm2, $0x0, v0  }
0x48: {  	v0 =	vmin.u32 v0, $0x270F  }
0x49: {  	v0 =	vshll.u32 v0, $0x4;
	_ =	sdelay $0x3  }
0x4a: {  	s16 =	sadd.s32 $0x800, s17  }
0x4b: {  	[tilespmem:s16], [sflag:$0x1] =	stream.indirect_vreg.gather [hbm:s5], $0x80, v0, vm0, $0x38;
	[tilespmem:$0x19320] =	vst v63  }
0x4c: {  	s16 =	sadd.s32 $0x400, s16  }
0x4d: {  	[tilespmem:s16], [sflag:$0x1] =	stream.indirect_vreg.gather [hbm:s5], $0x80, v0, vm1, $0x38;
	[tilespmem:$0x19320] =	vst v63  }
0x4e: {  	s13 =	sshll.u32 s13, $0x4;
	_ =	swait.ge [sflag:s6], $0xC800  }
0x4f: {  	s13 =	sadd.s32 s13, s9;
	[sflag:s6] =	ssyncset.done $0x0  }
0x50: {  	s17 =	sadd.s32 $0x0, s13;
	s16 =	simm.s32 $0x80;
	[sflag:s6] =	ssyncadd.s32 $0xFFFF3800  }
.LBB2_5:
0x51: {  	[hbm:s17] =	stream.linear.scatter [tilespmem:s14], [sflag:$0x3], $0x400, $0x38;
	[tilespmem:$0x19320] =	vst v63  }
0x52: {  	s17 =	smov.u32 s16;
	s14 =	smov.u32 s15;
	p1 =	sne.s32 s16, $0x1880  }
.Ltmp4:
0x53: {  	s16 =	sadd.s32 $0x80, s16;
	(pc) =	sbr.rel @p1 .LBB2_5-.Ltmp4, $2  }
0x54: {  	_ =	sdelay $0x2  }
0x55: {  	s15 =	sadd.s32 $0x400, s15;
	s17 =	sadd.s32 s17, s13  }
.Ltmp5:
0x56: {  	_ = 	snop;
	(pc) =	sbr.rel .LBB2_6-.Ltmp5, $1  }
0x57: {  	_ =	sdelay $0x3  }
.LBB2_8:
0x58: {  	_ =	sfence.sel $0x180000  }
0x59: {  	s1 =	simm.s32 $0x2;
	[bflag:$0x0] =	sbarrier.arrive $0xFFFF  }
0x5a: {  	s30 =	simm.s32 $0x3;
	[sflag:s1] =	ssyncpa.u1 $0x1  }
0x5b: {  	s31 =	simm.s32 $0x1;
	[sflag:s30] =	ssyncpa.u1 $0x1  }
0x5c: {  	[sflag:s31] =	ssyncpa.u1 $0x1  }
0x5d: {  	p0 =	sne.s32 s0, $0x0;
	_ =	strace $0x90000053  }
0x5e: {  	s0 =	sadd.s32 @!p0 $0x100000, s2;
	[bflag:$0x2] =	sbarrier.arrive $0xFFFF  }
0x5f: {  	[sflag:s0] =	ssyncadd.tile.s32 @!p0 $0x1;
	_ =	shalt  }
.Lfunc_end2:
_tile_overlayer_lowered:
.L_overlay_start_2:
0x60: {  	(tag) =	ssettag $0x2  }
0x61: {  	s0 =	rddreg [dreg:$0x0];
	s2 =	stileid.u32  }
0x62: {  	s1 =	rddreg [dreg:$0x1];
	p0 =	sne.s32 s2, $0x0  }
0x63: {  	s3 =	rddreg [dreg:$0x2];
	[bflag:$0x3] =	sbarrier.arrive $0xFFFF;
	s2 =	simm.s32 @!p0 $0x1C01  }
0x64: {  	[timem:s3], [sflag:s2] =	dma.local @!p0 [hbm:s0], s1  }
0x65: {  	s0 =	simm.s32 @!p0 $0x1  }
0x66: {  	_ =	swait.ge @!p0 [sflag:s0], s1  }
0x67: {  	s1 =	ssub.s32 @!p0 $0x0, s1;
	[sflag:s0] =	ssyncset.done @!p0 $0x0  }
0x68: {  	[sflag:s0] =	ssyncadd.s32 @!p0 s1  }
0x69: {  	[bflag:$0x3] =	sbarrier.arrive $0xFFFF  }
0x6a: {  	_ =	shalt  }

// kernel: kernel.21.cloned.1.call-start
scs
__scs_entry_jumppad:
0x0: {  	(pc) =	sbr.rel $0x88, $3  }
0x1: {  	(tag) =	ssettag $0x0;
	lr =	simm.s32 $0x1  }
0x2: {  	[smem:$0x3F96] =	sst lr;
	_ =	strace $0xD0000000  }
0x3: {  	_ = 	snop  }
0x4: {  	_ = 	snop  }
0x5: {  	_ = 	snop  }
0x6: {  	_ = 	snop  }
0x7: {  	_ = 	snop  }
__scs_overlays_trampoline_lowered:
0x8: {  	[smem:$0x3FA5] =	sst s0  }
0x9: {  	[smem:$0x3FA6] =	sst s1  }
0xa: {  	[smem:$0x3FA7] =	sst s2  }
0xb: {  	[smem:$0x3FA8] =	sst s3  }
0xc: {  	[smem:$0x3FA9] =	sst s4  }
0xd: {  	[smem:$0x3FAA] =	sst s5  }
0xe: {  	[smem:$0x3FAB] =	sst s6  }
0xf: {  	[smem:$0x3FAC] =	sst s7  }
0x10: {  	[smem:$0x3FAD] =	sst s8  }
0x11: {  	[smem:$0x3FAE] =	sst s9;
	s0 =	simm.s32 @!p0 $0x0  }
0x12: {  	s1 =	sld [smem:$0x3F94];
	s0 =	simm.s32 @p0 $0x1  }
0x13: {  	[smem:$0x3FAF] =	sst s0;
	s0 =	simm.s32 @!p1 $0x0  }
0x14: {  	s2 =	sld [smem:$0x3F93];
	s0 =	simm.s32 @p1 $0x1  }
0x15: {  	[smem:$0x3FB0] =	sst s0;
	s0 =	simm.s32 @!p2 $0x0  }
0x16: {  	s3 =	sld [smem:$0x3FDB];
	s0 =	simm.s32 @p2 $0x1  }
0x17: {  	s4 =	simm.s32 $0x1BF5;
	[smem:$0x3FB2] =	sst s0  }
0x18: {  	s0 =	sld [smem:$0x3F95];
	_ =	swait.ge [sflag:s4], $0x0  }
0x19: {  	s7 =	sld [smem:$0x3F96]  }
0x1a: {  	s8 =	sadd.s32 $0xFFFFE003, lr  }
0x1b: {  	s9 =	sadd.s32 $0xFFFFFEF7, lr;
	s5 =	simm.s32 $0xFFFFFFFF;
	p2 =	slt.u32 s8, $0xFFFFF086  }
0x1c: {  	p1 =	slt.u32 s9, $0xF7A;
	s5 =	simm.s32 @!p2 $0x0  }
0x1d: {  	s5 =	simm.s32 @p1 $0x1;
	p0 =	seq.s32 s7, s2  }
0x1e: {  	s7 =	smul.u32 @!p0 $0xF7A, s2;
	p2 =	seq.s32 @!p0 s5, $0x0  }
0x1f: {  	s9 =	smul.u32 $0xF7A, s1;
	s8 =	simm.s32 @!p0 $0x1BF5;
	p2 =	por !p2, p0  }
0x20: {  	[sflag:s8] =	ssyncset.s32 @!p0 $0xFFFFF086;
	s6 =	sadd.s32 @!p0 s3, s7;
	s7 =	simm.s32 @!p0 $0x108  }
0x21: {  	s3 =	sadd.s32 s3, s9;
	s6 =	sadd.s32 @!p0 $0x88, s6;
	s7 =	simm.s32 @p2 $0x1082  }
0x22: {  	[simem:s7], [sflag:s8] =	dma.local @!p0 [hbm:s6], $0xF7A  }
0x23: {  	s9 =	sor.u32 $0xD0000000, s2;
	s6 =	simm.s32 $0x108;
	_ =	swait.ge @!p0 [sflag:s8], $0x0  }
0x24: {  	s3 =	sadd.s32 $0x88, s3;
	s6 =	simm.s32 @!p1 $0x1082;
	[sflag:s4] =	ssyncset.s32 $0xFFFFF086  }
0x25: {  	[simem:s6], [sflag:s4] =	dma.local [hbm:s3], $0xF7A  }
0x26: {  	[smem:$0x3F96] =	sst s1;
	(tag) =	ssettag s2;
	_ =	strace s9  }
0x27: {  	s1 =	sld [smem:$0x3FA6]  }
0x28: {  	s2 =	sld [smem:$0x3FA7]  }
0x29: {  	s4 =	sld [smem:$0x3FA9]  }
0x2a: {  	p0 =	seq.s32 s5, $0x0;
	s5 =	sld [smem:$0x3FAA]  }
0x2b: {  	s6 =	sld [smem:$0x3FAB]  }
0x2c: {  	s7 =	sld [smem:$0x3FAC]  }
0x2d: {  	s3 =	simm.s32 $0x108;
	s8 =	sld [smem:$0x3FAD]  }
0x2e: {  	s3 =	simm.s32 @!p0 $0x1082;
	s9 =	sld [smem:$0x3FAE]  }
0x2f: {  	lr =	sadd.s32 s0, s3;
	s0 =	sld [smem:$0x3FA5]  }
0x30: {  	s3 =	sld [smem:$0x3FA8]  }
0x31: {  	[smem:$0x3FB1] =	sst s10  }
0x32: {  	s10 =	sld [smem:$0x3FAF];
	_ =	sdelay $0x3  }
0x33: {  	p0 =	seq.s32 s10, $0x1;
	s10 =	sld [smem:$0x3FB1];
	_ =	sdelay $0x3  }
0x34: {  	[smem:$0x3FB1] =	sst s10  }
0x35: {  	s10 =	sld [smem:$0x3FB0];
	_ =	sdelay $0x3  }
0x36: {  	p1 =	seq.s32 s10, $0x1;
	s10 =	sld [smem:$0x3FB1];
	_ =	sdelay $0x3  }
0x37: {  	[smem:$0x3FB1] =	sst s10  }
0x38: {  	s10 =	sld [smem:$0x3FB2]  }
0x39: {  	_ = 	snop;
	(pc) =	sbr.ind lr, $3  }
0x3a: {  	_ = 	snop  }
0x3b: {  	_ = 	snop  }
0x3c: {  	p2 =	seq.s32 s10, $0x1;
	s10 =	sld [smem:$0x3FB1]  }
0x3d: {  	_ =	shalt  }
0x3e: {  	_ =	shalt  }
0x3f: {  	_ =	shalt  }
0x40: {  	_ =	shalt  }
0x41: {  	_ =	shalt  }
0x42: {  	_ =	shalt  }
0x43: {  	_ =	shalt  }
0x44: {  	_ =	shalt  }
0x45: {  	_ =	shalt  }
0x46: {  	_ =	shalt  }
0x47: {  	_ =	shalt  }
0x48: {  	_ =	shalt  }
0x49: {  	_ =	shalt  }
0x4a: {  	_ =	shalt  }
0x4b: {  	_ =	shalt  }
0x4c: {  	_ =	shalt  }
0x4d: {  	_ =	shalt  }
0x4e: {  	_ =	shalt  }
0x4f: {  	_ =	shalt  }
0x50: {  	_ =	shalt  }
0x51: {  	_ =	shalt  }
0x52: {  	_ =	shalt  }
0x53: {  	_ =	shalt  }
0x54: {  	_ =	shalt  }
0x55: {  	_ =	shalt  }
0x56: {  	_ =	shalt  }
0x57: {  	_ =	shalt  }
0x58: {  	_ =	shalt  }
0x59: {  	_ =	shalt  }
0x5a: {  	_ =	shalt  }
0x5b: {  	_ =	shalt  }
0x5c: {  	_ =	shalt  }
0x5d: {  	_ =	shalt  }
0x5e: {  	_ =	shalt  }
0x5f: {  	_ =	shalt  }
0x60: {  	_ =	shalt  }
0x61: {  	_ =	shalt  }
0x62: {  	_ =	shalt  }
0x63: {  	_ =	shalt  }
0x64: {  	_ =	shalt  }
0x65: {  	_ =	shalt  }
0x66: {  	_ =	shalt  }
0x67: {  	_ =	shalt  }
0x68: {  	_ =	shalt  }
0x69: {  	_ =	shalt  }
0x6a: {  	_ =	shalt  }
0x6b: {  	_ =	shalt  }
0x6c: {  	_ =	shalt  }
0x6d: {  	_ =	shalt  }
0x6e: {  	_ =	shalt  }
0x6f: {  	_ =	shalt  }
0x70: {  	_ =	shalt  }
0x71: {  	_ =	shalt  }
0x72: {  	_ =	shalt  }
0x73: {  	_ =	shalt  }
0x74: {  	_ =	shalt  }
0x75: {  	_ =	shalt  }
0x76: {  	_ =	shalt  }
0x77: {  	_ =	shalt  }
0x78: {  	_ =	shalt  }
0x79: {  	_ =	shalt  }
0x7a: {  	_ =	shalt  }
0x7b: {  	_ =	shalt  }
0x7c: {  	_ =	shalt  }
0x7d: {  	_ =	shalt  }
0x7e: {  	_ =	shalt  }
0x7f: {  	_ =	shalt  }
0x80: {  	_ =	shalt  }
0x81: {  	_ =	shalt  }
0x82: {  	_ =	shalt  }
0x83: {  	_ =	shalt  }
0x84: {  	_ =	shalt  }
0x85: {  	_ =	shalt  }
0x86: {  	_ =	shalt  }
0x87: {  	_ =	shalt  }
.Lfunc_end0:
.L_simem_size_0:
called_computation.13_lowered:
.L_overlay_start_0:
0x88: {  	s2 =	sld [smem:$0x3FD9]  }
0x89: {  	s3 =	sld [smem:$0x3FFE];
	_ =	sdelay $0x1  }
0x8a: {  	s1 =	srdreg.scid  }
0x8b: {  	s0 =	sand.u32 $0x1, s1  }
0x8c: {  	s14 =	sshll.u32 s0, $0xA;
	s2 =	sadd.s32 s3, s2  }
0x8d: {  	s2 =	sadd.s32 s2, s14  }
0x8e: {  	[smem:$0x3FBD] =	sst s2  }
0x8f: {  	_ = 	snop  }
0x90: {  	s2 =	sld [smem:$0x3FD0];
	_ =	sdelay $0x2  }
0x91: {  	s15 =	simm.s32 $0xA;
	s4 =	simm.s32 $0x10  }
0x92: {  	[smem:s4], [sflag:s15] =	dma.local [hbm:s2], $0x1  }
0x93: {  	_ =	swait.eq [sflag:s15], $0x1  }
0x94: {  	[sflag:s15] =	ssyncset.done $0x0  }
0x95: {  	[sflag:s15] =	ssyncadd.s32 $0xFFFFFFFF  }
0x96: {  	s16 =	sld [smem:$0x10];
	(tm) =	ssettm $0x1  }
0x97: {  	s17 =	sld [smem:$0x3FFB];
	_ =	sdelay $0x3  }
0x98: {  	_ =	strace s17  }
0x99: {  	s3 =	sld [smem:$0x3FFC];
	_ =	sdelay $0x3  }
0x9a: {  	_ =	strace s3  }
0x9b: {  	s3 =	sld [smem:$0x3FFD];
	_ =	sdelay $0x3  }
0x9c: {  	_ =	strace s3  }
0x9d: {  	_ =	strace $0x8FFFFFFF  }
0x9e: {  	s18 =	sld [smem:$0x3FDB];
	_ =	sdelay $0x1  }
0x9f: {  	s19 =	simm.s32 $_scs_section_size  }
0xa0: {  	s5 =	simm.s32 $_size__tile_overlayer_lowered;
	s6 =	simm.s32 $_tile_overlayer_lowered  }
0xa1: {  	s22 =	simm.s32 $0x1BFF;
	s21 =	sshll.u32 s6, $0x1;
	s3 =	sadd.s32 s19, s18  }
0xa2: {  	s7 =	simm.s32 $0x0;
	s20 =	sshll.u32 s5, $0x1;
	s5 =	sadd.s32 s21, s3  }
0xa3: {  	[timem:s7], [sflag:s22] =	dma.local [hbm:s5], s20  }
0xa4: {  	_ =	swait.ge [sflag:s22], s20  }
0xa5: {  	s4 =	ssub.s32 $0x0, s20;
	[sflag:s22] =	ssyncset.done $0x0  }
0xa6: {  	[sflag:s22] =	ssyncadd.s32 s4;
	_ =	sdelay $0x1  }
0xa7: {  	s23 =	simm.s32 $0x1B8B  }
0xa8: {  	_ =	swait.ge [sflag:s23], $0x1  }
0xa9: {  	[sflag:s23] =	ssyncset.done $0x0  }
0xaa: {  	s25 =	simm.s32 $0x1B8E;
	s24 =	sld [smem:$0x3FFE];
	[sflag:s23] =	ssyncadd.s32 $0xFFFFFFFF  }
0xab: {  	s26 =	simm.s32 $execute0_lowered;
	[smem:$0x3FD2] =	sst s25  }
0xac: {  	s5 =	sshll.u32 s26, $0x1;
	_ =	strace $0x80000049;
	[dreg:$0x1] =	wrdreg $0xFFFFFFFF  }
0xad: {  	s28 =	simm.s32 $_size_execute0_lowered;
	s3 =	sadd.s32 s3, s5;
	[dreg:$0x0] =	wrdreg $0x0  }
0xae: {  	s5 =	sshll.u32 s28, $0x1;
	[dreg:$0x2] =	wrdreg s3  }
0xaf: {  	[dreg:$0x3] =	wrdreg s5  }
0xb0: {  	[dreg:$0x4] =	wrdreg $0xC0  }
0xb1: {  	_ =	task [dreg:s7], $0x5FFFF  }
0xb2: {  	[dreg:$0x1] =	wrdreg $0xFFFFFFFF  }
0xb3: {  	[dreg:$0x0] =	wrdreg $0x60  }
0xb4: {  	[dreg:$0x2] =	wrdreg s16  }
0xb5: {  	[dreg:$0x3] =	wrdreg s24  }
0xb6: {  	[dreg:$0x4] =	wrdreg $0x41000  }
0xb7: {  	[dreg:$0x5] =	wrdreg $0x9  }
0xb8: {  	_ =	task.clear_ibuf [dreg:s7], $0x6FFFF;
	_ =	strace $0x90000049  }
0xb9: {  	s29 =	simm.s32 $0x9;
	_ =	strace $0x8000004B  }
0xba: {  	_ =	swait.ge [sflag:s29], $0x1  }
0xbb: {  	[sflag:s29] =	ssyncadd.s32 $0xFFFFFFFF  }
0xbc: {  	_ =	strace $0x9000004B  }
0xbd: {  	_ =	sfence  }
0xbe: {  	s30 =	sld [smem:$0x0];
	_ =	sdelay $0x2  }
0xbf: {  	s31 =	sshll.u32 s1, $0xD;
	s1 =	sshrl.u32 s1, $0x2  }
0xc0: {  	s3 =	sand.u32 $0x4000, s31;
	s1 =	sadd.s32 s1, s30  }
0xc1: {  	s0 =	sor.u32 s3, s0;
	s1 =	sshll.u32 s1, $0x11  }
0xc2: {  	s0 =	sor.u32 s1, s0  }
0xc3: {  	s0 =	sadd.s32 $0x8F2B, s0  }
0xc4: {  	[sflag:s0] =	ssyncadd.remote.s32 $0x1  }
0xc5: {  	_ =	sfence.sel $0xFFFF  }
0xc6: {  	[dreg:$0x0] =	wrdreg $0xFFFFFFFF;
	(pc) =	sbr.abs _section_cstart, $3  }
0xc7: {  	[dreg:$0x1] =	wrdreg $0xFFFFFFFF  }
0xc8: {  	_ =	task.clear_ibuf [dreg:s7], $0x2FFFF;
	_ =	strace $0x9FFFFFFF  }
0xc9: {  	(tm) =	ssettm $0x7FFFFFFF  }
tec
execute0_lowered:
.L_overlay_start_1:
0x0: {  	(tag) =	ssettag $0x1  }
0x1: {  	s1 =	rddreg [dreg:$0x0]  }
0x2: {  	s11 =	rddreg [dreg:$0x1]  }
0x3: {  	s2 =	rddreg [dreg:$0x2]  }
0x4: {  	s0 =	rddreg [dreg:$0x3];
	s3 =	simm.s32 $0x0;
	s6 =	srdreg.scid  }
0x5: {  	s4 =	stileid.u32;
	s16 =	simm.s32 $0x2;
	s17 =	simm.s32 $0x80  }
0x6: {  	s18 =	simm.s32 $0x100;
	s19 =	simm.s32 $0x1;
	s20 =	simm.s32 $0x0  }
0x7: {  	[smem:$0x7FF] =	sst s3;
	s5 =	sadd.s32 $0xA000, s11;
	s12 =	smul.u32 $0x50000, s4  }
0x8: {  	s9 =	sand.u32 $0x1, s6;
	s6 =	sadd.s32 $0x32000, s11;
	s8 =	smul.u32 $0x2800, s4  }
0x9: {  	s7 =	sadd.s32 $0x5A000, s11;
	s31 =	smul.u32 $0x4F0, s4;
	s14 =	sshll.u32 s4, $0x6  }
.Ltmp0:
0xa: {  	_ =	strace $0x8000004A;
	s10 =	ssub.s32 $0x2, s9;
	(pc) =	sbr.rel .LBB2_1-.Ltmp0, $4  }
0xb: {  	p0 =	seq.s32 s9, $0x1;
	s14 =	sor.u32 $0x1C02, s14;
	s13 =	sshrl.u32 s10, $0x1  }
0xc: {  	s30 =	sshrl.u32 s12, $0x2;
	s9 =	sadd.s32 s1, s8;
	s11 =	sadd.s32 s31, s11  }
0xd: {  	s13 =	ssub.s32 s10, s13;
	s15 =	sadd.s32 s30, s2;
	s10 =	sadd.s32 s5, s8  }
0xe: {  	s12 =	smax.u32 s13, $0x1;
	s13 =	sadd.s32 $0x5000, s11;
	s15 =	sshrl.u32 s15, $0x3  }
.LBB2_7:
0xf: {  	s22 =	sadd.s32 s21, s11;
	[sflag:s16] =	ssyncadd.s32 $0xFFFFC000  }
0x10: {  	[tilespmem:s3], [sflag:$0x2] =	stream.linear.gather [hbm4b:s22+s3], $0x80, $0x38;
	[tilespmem:$0x18100] =	vst v63  }
0x11: {  	_ =	swait.ge [sflag:s16], $0x80  }
0x12: {  	[sflag:s16] =	ssyncset.done $0x0  }
0x13: {  	s31 =	sadd.s32 s21, s13;
	[sflag:s16] =	ssyncadd.s32 $0xFFFFFF80  }
0x14: {  	[tilespmem:s17], [sflag:$0x2] =	stream.linear.gather [hbm4b:s31+s3], $0x80, $0x38;
	[tilespmem:$0x18100] =	vst v63  }
0x15: {  	_ =	swait.ge [sflag:s16], $0x80  }
0x16: {  	[sflag:s16] =	ssyncset.done $0x0  }
0x17: {  	[sflag:s16] =	ssyncadd.s32 $0xFFFFFF80  }
0x18: {  	[tilespmem:s18], [sflag:$0x1] =	stream.indirect.gather [hbm4b:s5+s17], $0x80, s3, s17, $0xb8;
	[tilespmem:$0x18100] =	vst v63  }
0x19: {  	_ =	swait.ge [sflag:s19], $0x4000  }
0x1a: {  	[sflag:s19] =	ssyncset.done $0x0  }
0x1b: {  	[sflag:s19] =	ssyncadd.s32 $0xFFFFC000  }
0x1c: {  	[spmem:s2] =	stream.indirect.scatter.add.f32 [tilespmem:s18], [sflag:$0x2], $0x80, s17, s17, $0xb8;
	[tilespmem:$0x18100] =	vst v63  }
0x1d: {  	_ =	swait.ge [sflag:s16], $0x4000  }
0x1e: {  	[sflag:s16] =	ssyncset.done $0x0  }
0x1f: {  	s21 =	smov.u32 s7;
	[sflag:s16] =	ssyncadd.s32 $0xFFFFC000  }
.LBB2_8:
0x20: {  	s20 =	sadd.s32 $0x1, s20  }
0x21: {  	p1 =	sne.s32 s20, s12  }
.Ltmp1:
0x22: {  	s21 =	sadd.s32 s21, s8;
	[bflag:$0x0] =	sbarrier.arrive $0xFFFF;
	(pc) =	sbr.rel @!p1 .LBB2_9-.Ltmp1, $4  }
0x23: {  	[hbm:s21], [sflag:s14] =	dma.local [spmem:s15], $0x2800  }
0x24: {  	_ =	swait.ge [sflag:s16], $0x2800  }
0x25: {  	[sflag:s16] =	ssyncset.done $0x0  }
0x26: {  	[sflag:s16] =	ssyncadd.s32 $0xFFFFD800  }
.LBB2_1:
.Ltmp2:
0x27: {  	(pc) =	sbr.rel @!p0 .LBB2_2-.Ltmp2, $1  }
0x28: {  	_ =	sdelay $0x3  }
0x29: {  	[spmem:s15], [sflag:s14] =	dma.local [hbm:s10], $0x2800  }
0x2a: {  	_ =	swait.ge [sflag:s16], $0x2800  }
0x2b: {  	[sflag:s16] =	ssyncset.done $0x0  }
0x2c: {  	[sflag:s16] =	ssyncadd.s32 $0xFFFFD800  }
0x2d: {  	s21 =	sadd.s32 $0x0, s11;
	[bflag:$0x0] =	sbarrier.arrive $0xFFFF  }
0x2e: {  	[tilespmem:s3], [sflag:$0x2] =	stream.linear.gather [hbm4b:s21+s3], $0x80, $0x38;
	[tilespmem:$0x18100] =	vst v63  }
0x2f: {  	_ =	swait.ge [sflag:s16], $0x80  }
0x30: {  	[sflag:s16] =	ssyncset.done $0x0  }
0x31: {  	s31 =	sadd.s32 $0x0, s13;
	[sflag:s16] =	ssyncadd.s32 $0xFFFFFF80  }
0x32: {  	[tilespmem:s17], [sflag:$0x2] =	stream.linear.gather [hbm4b:s31+s3], $0x80, $0x38;
	[tilespmem:$0x18100] =	vst v63  }
0x33: {  	_ =	swait.ge [sflag:s16], $0x80  }
0x34: {  	[sflag:s16] =	ssyncset.done $0x0  }
0x35: {  	[sflag:s16] =	ssyncadd.s32 $0xFFFFFF80  }
0x36: {  	[tilespmem:s18], [sflag:$0x1] =	stream.indirect.gather [hbm4b:s5+s17], $0x80, s3, s17, $0xb8;
	[tilespmem:$0x18100] =	vst v63  }
0x37: {  	_ =	swait.ge [sflag:s19], $0x4000  }
0x38: {  	[sflag:s19] =	ssyncset.done $0x0  }
0x39: {  	[sflag:s19] =	ssyncadd.s32 $0xFFFFC000  }
0x3a: {  	[spmem:s2] =	stream.indirect.scatter.add.f32 [tilespmem:s18], [sflag:$0x2], $0x80, s17, s17, $0xb8;
	[tilespmem:$0x18100] =	vst v63  }
0x3b: {  	_ =	swait.ge [sflag:s16], $0x4000  }
0x3c: {  	s22 =	simm.s32 $0x20;
	s21 =	simm.s32 $0x10;
	[sflag:s16] =	ssyncset.done $0x0  }
.LBB2_6:
0x3d: {  	s23 =	sadd.s32 s21, s11  }
0x3e: {  	[sflag:s16] =	ssyncadd.s32 $0xFFFFC000;
	s24 =	smov.u32 s22;
	s25 =	sadd.s32 $0x10, s22  }
0x3f: {  	[tilespmem:s3], [sflag:$0x2] =	stream.linear.gather [hbm4b:s23+s3], $0x80, $0x38;
	[tilespmem:$0x18100] =	vst v63  }
0x40: {  	p1 =	sne.s32 s22, $0x4E0;
	_ =	swait.ge [sflag:s16], $0x80  }
0x41: {  	[sflag:s16] =	ssyncset.done $0x0  }
0x42: {  	s22 =	sadd.s32 s21, s13;
	s21 =	smov.u32 s24;
	[sflag:s16] =	ssyncadd.s32 $0xFFFFFF80  }
0x43: {  	[tilespmem:s17], [sflag:$0x2] =	stream.linear.gather [hbm4b:s22+s3], $0x80, $0x38;
	[tilespmem:$0x18100] =	vst v63  }
0x44: {  	_ =	swait.ge [sflag:s16], $0x80  }
0x45: {  	[sflag:s16] =	ssyncset.done $0x0  }
0x46: {  	[sflag:s16] =	ssyncadd.s32 $0xFFFFFF80  }
0x47: {  	[tilespmem:s18], [sflag:$0x1] =	stream.indirect.gather [hbm4b:s5+s17], $0x80, s3, s17, $0xb8;
	[tilespmem:$0x18100] =	vst v63  }
0x48: {  	_ =	swait.ge [sflag:s19], $0x4000  }
.Ltmp3:
0x49: {  	[sflag:s19] =	ssyncset.done $0x0;
	(pc) =	sbr.rel @p1 .LBB2_6-.Ltmp3, $4  }
0x4a: {  	[sflag:s19] =	ssyncadd.s32 $0xFFFFC000  }
0x4b: {  	[spmem:s2] =	stream.indirect.scatter.add.f32 [tilespmem:s18], [sflag:$0x2], $0x80, s17, s17, $0xb8;
	[tilespmem:$0x18100] =	vst v63  }
0x4c: {  	_ =	swait.ge [sflag:s16], $0x4000  }
0x4d: {  	s22 =	smov.u32 s25;
	[sflag:s16] =	ssyncset.done $0x0  }
.Ltmp4:
0x4e: {  	_ = 	snop;
	(pc) =	sbr.rel .LBB2_7-.Ltmp4, $1  }
0x4f: {  	_ =	sdelay $0x3  }
.LBB2_2:
0x50: {  	[spmem:s15], [sflag:s14] =	dma.local [hbm:s9], $0x2800  }
0x51: {  	_ =	swait.ge [sflag:s16], $0x2800  }
0x52: {  	[sflag:s16] =	ssyncset.done $0x0  }
0x53: {  	[sflag:s16] =	ssyncadd.s32 $0xFFFFD800  }
0x54: {  	s21 =	sadd.s32 $0x0, s11;
	[bflag:$0x0] =	sbarrier.arrive $0xFFFF  }
0x55: {  	[tilespmem:s3], [sflag:$0x2] =	stream.linear.gather [hbm4b:s21+s3], $0x80, $0x38;
	[tilespmem:$0x18100] =	vst v63  }
0x56: {  	_ =	swait.ge [sflag:s16], $0x80  }
0x57: {  	[sflag:s16] =	ssyncset.done $0x0  }
0x58: {  	s31 =	sadd.s32 $0x0, s13;
	[sflag:s16] =	ssyncadd.s32 $0xFFFFFF80  }
0x59: {  	[tilespmem:s17], [sflag:$0x2] =	stream.linear.gather [hbm4b:s31+s3], $0x80, $0x38;
	[tilespmem:$0x18100] =	vst v63  }
0x5a: {  	_ =	swait.ge [sflag:s16], $0x80  }
0x5b: {  	[sflag:s16] =	ssyncset.done $0x0  }
0x5c: {  	[sflag:s16] =	ssyncadd.s32 $0xFFFFFF80  }
0x5d: {  	[tilespmem:s18], [sflag:$0x1] =	stream.indirect.gather [hbm4b:s1+s17], $0x80, s3, s17, $0xb8;
	[tilespmem:$0x18100] =	vst v63  }
0x5e: {  	_ =	swait.ge [sflag:s19], $0x4000  }
0x5f: {  	[sflag:s19] =	ssyncset.done $0x0  }
0x60: {  	[sflag:s19] =	ssyncadd.s32 $0xFFFFC000  }
0x61: {  	[spmem:s2] =	stream.indirect.scatter.add.f32 [tilespmem:s18], [sflag:$0x2], $0x80, s17, s17, $0xb8;
	[tilespmem:$0x18100] =	vst v63  }
0x62: {  	_ =	swait.ge [sflag:s16], $0x4000  }
0x63: {  	s22 =	simm.s32 $0x20;
	s21 =	simm.s32 $0x10;
	[sflag:s16] =	ssyncset.done $0x0  }
.LBB2_3:
0x64: {  	s23 =	sadd.s32 s21, s11  }
0x65: {  	[sflag:s16] =	ssyncadd.s32 $0xFFFFC000;
	s24 =	smov.u32 s22;
	s25 =	sadd.s32 $0x10, s22  }
0x66: {  	[tilespmem:s3], [sflag:$0x2] =	stream.linear.gather [hbm4b:s23+s3], $0x80, $0x38;
	[tilespmem:$0x18100] =	vst v63  }
0x67: {  	p1 =	seq.s32 s22, $0x4E0;
	_ =	swait.ge [sflag:s16], $0x80  }
0x68: {  	[sflag:s16] =	ssyncset.done $0x0  }
0x69: {  	s22 =	sadd.s32 s21, s13;
	s21 =	smov.u32 s24;
	[sflag:s16] =	ssyncadd.s32 $0xFFFFFF80  }
0x6a: {  	[tilespmem:s17], [sflag:$0x2] =	stream.linear.gather [hbm4b:s22+s3], $0x80, $0x38;
	[tilespmem:$0x18100] =	vst v63  }
0x6b: {  	_ =	swait.ge [sflag:s16], $0x80  }
0x6c: {  	[sflag:s16] =	ssyncset.done $0x0  }
0x6d: {  	[sflag:s16] =	ssyncadd.s32 $0xFFFFFF80  }
0x6e: {  	[tilespmem:s18], [sflag:$0x1] =	stream.indirect.gather [hbm4b:s1+s17], $0x80, s3, s17, $0xb8;
	[tilespmem:$0x18100] =	vst v63  }
0x6f: {  	_ =	swait.ge [sflag:s19], $0x4000  }
.Ltmp5:
0x70: {  	[sflag:s19] =	ssyncset.done $0x0;
	(pc) =	sbr.rel @!p1 .LBB2_3-.Ltmp5, $4  }
0x71: {  	[sflag:s19] =	ssyncadd.s32 $0xFFFFC000  }
0x72: {  	[spmem:s2] =	stream.indirect.scatter.add.f32 [tilespmem:s18], [sflag:$0x2], $0x80, s17, s17, $0xb8;
	[tilespmem:$0x18100] =	vst v63  }
0x73: {  	_ =	swait.ge [sflag:s16], $0x4000  }
0x74: {  	s22 =	smov.u32 s25;
	[sflag:s16] =	ssyncset.done $0x0  }
0x75: {  	s22 =	sadd.s32 s21, s11;
	[sflag:s16] =	ssyncadd.s32 $0xFFFFC000  }
0x76: {  	[tilespmem:s3], [sflag:$0x2] =	stream.linear.gather [hbm4b:s22+s3], $0x80, $0x38;
	[tilespmem:$0x18100] =	vst v63  }
0x77: {  	_ =	swait.ge [sflag:s16], $0x80  }
0x78: {  	[sflag:s16] =	ssyncset.done $0x0  }
0x79: {  	s31 =	sadd.s32 s21, s13;
	[sflag:s16] =	ssyncadd.s32 $0xFFFFFF80  }
0x7a: {  	[tilespmem:s17], [sflag:$0x2] =	stream.linear.gather [hbm4b:s31+s3], $0x80, $0x38;
	[tilespmem:$0x18100] =	vst v63  }
0x7b: {  	_ =	swait.ge [sflag:s16], $0x80  }
0x7c: {  	[sflag:s16] =	ssyncset.done $0x0  }
0x7d: {  	[sflag:s16] =	ssyncadd.s32 $0xFFFFFF80  }
0x7e: {  	[tilespmem:s18], [sflag:$0x1] =	stream.indirect.gather [hbm4b:s1+s17], $0x80, s3, s17, $0xb8;
	[tilespmem:$0x18100] =	vst v63  }
0x7f: {  	_ =	swait.ge [sflag:s19], $0x4000  }
0x80: {  	[sflag:s19] =	ssyncset.done $0x0  }
.Ltmp6:
0x81: {  	[sflag:s19] =	ssyncadd.s32 $0xFFFFC000;
	(pc) =	sbr.rel .LBB2_8-.Ltmp6, $4  }
0x82: {  	[spmem:s2] =	stream.indirect.scatter.add.f32 [tilespmem:s18], [sflag:$0x2], $0x80, s17, s17, $0xb8;
	[tilespmem:$0x18100] =	vst v63  }
0x83: {  	_ =	swait.ge [sflag:s16], $0x4000  }
0x84: {  	[sflag:s16] =	ssyncset.done $0x0  }
0x85: {  	s21 =	smov.u32 s6;
	[sflag:s16] =	ssyncadd.s32 $0xFFFFC000  }
.LBB2_9:
0x86: {  	_ =	sfence.sel $0x180000  }
0x87: {  	[bflag:$0x0] =	sbarrier.arrive $0xFFFF  }
0x88: {  	p0 =	sne.s32 s4, $0x0;
	_ =	strace $0x9000004A  }
0x89: {  	s0 =	sadd.s32 @!p0 $0x100000, s0;
	[bflag:$0x2] =	sbarrier.arrive $0xFFFF  }
0x8a: {  	[sflag:s0] =	ssyncadd.tile.s32 @!p0 $0x1;
	_ =	shalt  }
.Lfunc_end2:
_tile_overlayer_lowered:
.L_overlay_start_2:
0x8b: {  	(tag) =	ssettag $0x2  }
0x8c: {  	s0 =	rddreg [dreg:$0x0];
	s2 =	stileid.u32  }
0x8d: {  	s1 =	rddreg [dreg:$0x1];
	p0 =	sne.s32 s2, $0x0  }
0x8e: {  	s3 =	rddreg [dreg:$0x2];
	[bflag:$0x3] =	sbarrier.arrive $0xFFFF;
	s2 =	simm.s32 @!p0 $0x1C02  }
0x8f: {  	[timem:s3], [sflag:s2] =	dma.local @!p0 [hbm:s0], s1  }
0x90: {  	s0 =	simm.s32 @!p0 $0x2  }
0x91: {  	_ =	swait.ge @!p0 [sflag:s0], s1  }
0x92: {  	s1 =	ssub.s32 @!p0 $0x0, s1;
	[sflag:s0] =	ssyncset.done @!p0 $0x0  }
0x93: {  	[sflag:s0] =	ssyncadd.s32 @!p0 s1  }
0x94: {  	[bflag:$0x3] =	sbarrier.arrive $0xFFFF  }
0x95: {  	_ =	shalt  }

// kernel: kernel.24.cloned.1.call-start
scs
__scs_entry_jumppad:
0x0: {  	(pc) =	sbr.rel $0x88, $3  }
0x1: {  	(tag) =	ssettag $0x0;
	lr =	simm.s32 $0x1  }
0x2: {  	[smem:$0x3F96] =	sst lr;
	_ =	strace $0xD0000000  }
0x3: {  	_ = 	snop  }
0x4: {  	_ = 	snop  }
0x5: {  	_ = 	snop  }
0x6: {  	_ = 	snop  }
0x7: {  	_ = 	snop  }
__scs_overlays_trampoline_lowered:
0x8: {  	[smem:$0x3FA5] =	sst s0  }
0x9: {  	[smem:$0x3FA6] =	sst s1  }
0xa: {  	[smem:$0x3FA7] =	sst s2  }
0xb: {  	[smem:$0x3FA8] =	sst s3  }
0xc: {  	[smem:$0x3FA9] =	sst s4  }
0xd: {  	[smem:$0x3FAA] =	sst s5  }
0xe: {  	[smem:$0x3FAB] =	sst s6  }
0xf: {  	[smem:$0x3FAC] =	sst s7  }
0x10: {  	[smem:$0x3FAD] =	sst s8  }
0x11: {  	[smem:$0x3FAE] =	sst s9;
	s0 =	simm.s32 @!p0 $0x0  }
0x12: {  	s1 =	sld [smem:$0x3F94];
	s0 =	simm.s32 @p0 $0x1  }
0x13: {  	[smem:$0x3FAF] =	sst s0;
	s0 =	simm.s32 @!p1 $0x0  }
0x14: {  	s2 =	sld [smem:$0x3F93];
	s0 =	simm.s32 @p1 $0x1  }
0x15: {  	[smem:$0x3FB0] =	sst s0;
	s0 =	simm.s32 @!p2 $0x0  }
0x16: {  	s3 =	sld [smem:$0x3FDB];
	s0 =	simm.s32 @p2 $0x1  }
0x17: {  	s4 =	simm.s32 $0x1BF5;
	[smem:$0x3FB2] =	sst s0  }
0x18: {  	s0 =	sld [smem:$0x3F95];
	_ =	swait.ge [sflag:s4], $0x0  }
0x19: {  	s7 =	sld [smem:$0x3F96]  }
0x1a: {  	s8 =	sadd.s32 $0xFFFFE003, lr  }
0x1b: {  	s9 =	sadd.s32 $0xFFFFFEF7, lr;
	s5 =	simm.s32 $0xFFFFFFFF;
	p2 =	slt.u32 s8, $0xFFFFF086  }
0x1c: {  	p1 =	slt.u32 s9, $0xF7A;
	s5 =	simm.s32 @!p2 $0x0  }
0x1d: {  	s5 =	simm.s32 @p1 $0x1;
	p0 =	seq.s32 s7, s2  }
0x1e: {  	s7 =	smul.u32 @!p0 $0xF7A, s2;
	p2 =	seq.s32 @!p0 s5, $0x0  }
0x1f: {  	s9 =	smul.u32 $0xF7A, s1;
	s8 =	simm.s32 @!p0 $0x1BF5;
	p2 =	por !p2, p0  }
0x20: {  	[sflag:s8] =	ssyncset.s32 @!p0 $0xFFFFF086;
	s6 =	sadd.s32 @!p0 s3, s7;
	s7 =	simm.s32 @!p0 $0x108  }
0x21: {  	s3 =	sadd.s32 s3, s9;
	s6 =	sadd.s32 @!p0 $0x88, s6;
	s7 =	simm.s32 @p2 $0x1082  }
0x22: {  	[simem:s7], [sflag:s8] =	dma.local @!p0 [hbm:s6], $0xF7A  }
0x23: {  	s9 =	sor.u32 $0xD0000000, s2;
	s6 =	simm.s32 $0x108;
	_ =	swait.ge @!p0 [sflag:s8], $0x0  }
0x24: {  	s3 =	sadd.s32 $0x88, s3;
	s6 =	simm.s32 @!p1 $0x1082;
	[sflag:s4] =	ssyncset.s32 $0xFFFFF086  }
0x25: {  	[simem:s6], [sflag:s4] =	dma.local [hbm:s3], $0xF7A  }
0x26: {  	[smem:$0x3F96] =	sst s1;
	(tag) =	ssettag s2;
	_ =	strace s9  }
0x27: {  	s1 =	sld [smem:$0x3FA6]  }
0x28: {  	s2 =	sld [smem:$0x3FA7]  }
0x29: {  	s4 =	sld [smem:$0x3FA9]  }
0x2a: {  	p0 =	seq.s32 s5, $0x0;
	s5 =	sld [smem:$0x3FAA]  }
0x2b: {  	s6 =	sld [smem:$0x3FAB]  }
0x2c: {  	s7 =	sld [smem:$0x3FAC]  }
0x2d: {  	s3 =	simm.s32 $0x108;
	s8 =	sld [smem:$0x3FAD]  }
0x2e: {  	s3 =	simm.s32 @!p0 $0x1082;
	s9 =	sld [smem:$0x3FAE]  }
0x2f: {  	lr =	sadd.s32 s0, s3;
	s0 =	sld [smem:$0x3FA5]  }
0x30: {  	s3 =	sld [smem:$0x3FA8]  }
0x31: {  	[smem:$0x3FB1] =	sst s10  }
0x32: {  	s10 =	sld [smem:$0x3FAF];
	_ =	sdelay $0x3  }
0x33: {  	p0 =	seq.s32 s10, $0x1;
	s10 =	sld [smem:$0x3FB1];
	_ =	sdelay $0x3  }
0x34: {  	[smem:$0x3FB1] =	sst s10  }
0x35: {  	s10 =	sld [smem:$0x3FB0];
	_ =	sdelay $0x3  }
0x36: {  	p1 =	seq.s32 s10, $0x1;
	s10 =	sld [smem:$0x3FB1];
	_ =	sdelay $0x3  }
0x37: {  	[smem:$0x3FB1] =	sst s10  }
0x38: {  	s10 =	sld [smem:$0x3FB2]  }
0x39: {  	_ = 	snop;
	(pc) =	sbr.ind lr, $3  }
0x3a: {  	_ = 	snop  }
0x3b: {  	_ = 	snop  }
0x3c: {  	p2 =	seq.s32 s10, $0x1;
	s10 =	sld [smem:$0x3FB1]  }
0x3d: {  	_ =	shalt  }
0x3e: {  	_ =	shalt  }
0x3f: {  	_ =	shalt  }
0x40: {  	_ =	shalt  }
0x41: {  	_ =	shalt  }
0x42: {  	_ =	shalt  }
0x43: {  	_ =	shalt  }
0x44: {  	_ =	shalt  }
0x45: {  	_ =	shalt  }
0x46: {  	_ =	shalt  }
0x47: {  	_ =	shalt  }
0x48: {  	_ =	shalt  }
0x49: {  	_ =	shalt  }
0x4a: {  	_ =	shalt  }
0x4b: {  	_ =	shalt  }
0x4c: {  	_ =	shalt  }
0x4d: {  	_ =	shalt  }
0x4e: {  	_ =	shalt  }
0x4f: {  	_ =	shalt  }
0x50: {  	_ =	shalt  }
0x51: {  	_ =	shalt  }
0x52: {  	_ =	shalt  }
0x53: {  	_ =	shalt  }
0x54: {  	_ =	shalt  }
0x55: {  	_ =	shalt  }
0x56: {  	_ =	shalt  }
0x57: {  	_ =	shalt  }
0x58: {  	_ =	shalt  }
0x59: {  	_ =	shalt  }
0x5a: {  	_ =	shalt  }
0x5b: {  	_ =	shalt  }
0x5c: {  	_ =	shalt  }
0x5d: {  	_ =	shalt  }
0x5e: {  	_ =	shalt  }
0x5f: {  	_ =	shalt  }
0x60: {  	_ =	shalt  }
0x61: {  	_ =	shalt  }
0x62: {  	_ =	shalt  }
0x63: {  	_ =	shalt  }
0x64: {  	_ =	shalt  }
0x65: {  	_ =	shalt  }
0x66: {  	_ =	shalt  }
0x67: {  	_ =	shalt  }
0x68: {  	_ =	shalt  }
0x69: {  	_ =	shalt  }
0x6a: {  	_ =	shalt  }
0x6b: {  	_ =	shalt  }
0x6c: {  	_ =	shalt  }
0x6d: {  	_ =	shalt  }
0x6e: {  	_ =	shalt  }
0x6f: {  	_ =	shalt  }
0x70: {  	_ =	shalt  }
0x71: {  	_ =	shalt  }
0x72: {  	_ =	shalt  }
0x73: {  	_ =	shalt  }
0x74: {  	_ =	shalt  }
0x75: {  	_ =	shalt  }
0x76: {  	_ =	shalt  }
0x77: {  	_ =	shalt  }
0x78: {  	_ =	shalt  }
0x79: {  	_ =	shalt  }
0x7a: {  	_ =	shalt  }
0x7b: {  	_ =	shalt  }
0x7c: {  	_ =	shalt  }
0x7d: {  	_ =	shalt  }
0x7e: {  	_ =	shalt  }
0x7f: {  	_ =	shalt  }
0x80: {  	_ =	shalt  }
0x81: {  	_ =	shalt  }
0x82: {  	_ =	shalt  }
0x83: {  	_ =	shalt  }
0x84: {  	_ =	shalt  }
0x85: {  	_ =	shalt  }
0x86: {  	_ =	shalt  }
0x87: {  	_ =	shalt  }
.Lfunc_end0:
.L_simem_size_0:
called_computation.14_lowered:
.L_overlay_start_0:
0x88: {  	s2 =	sld [smem:$0x3FD9]  }
0x89: {  	s3 =	sld [smem:$0x3FFE];
	_ =	sdelay $0x1  }
0x8a: {  	s1 =	srdreg.scid  }
0x8b: {  	s0 =	sand.u32 $0x1, s1  }
0x8c: {  	s14 =	sshll.u32 s0, $0xA;
	s2 =	sadd.s32 s3, s2  }
0x8d: {  	s2 =	sadd.s32 s2, s14  }
0x8e: {  	[smem:$0x3FBD] =	sst s2  }
0x8f: {  	_ = 	snop  }
0x90: {  	s2 =	sld [smem:$0x3FD0];
	_ =	sdelay $0x2  }
0x91: {  	s15 =	simm.s32 $0xA;
	s4 =	simm.s32 $0x10  }
0x92: {  	[smem:s4], [sflag:s15] =	dma.local [hbm:s2], $0x1  }
0x93: {  	_ =	swait.eq [sflag:s15], $0x1  }
0x94: {  	[sflag:s15] =	ssyncset.done $0x0  }
0x95: {  	[sflag:s15] =	ssyncadd.s32 $0xFFFFFFFF  }
0x96: {  	s16 =	sld [smem:$0x10];
	(tm) =	ssettm $0x1  }
0x97: {  	s17 =	sld [smem:$0x3FFB];
	_ =	sdelay $0x3  }
0x98: {  	_ =	strace s17  }
0x99: {  	s3 =	sld [smem:$0x3FFC];
	_ =	sdelay $0x3  }
0x9a: {  	_ =	strace s3  }
0x9b: {  	s3 =	sld [smem:$0x3FFD];
	_ =	sdelay $0x3  }
0x9c: {  	_ =	strace s3  }
0x9d: {  	_ =	strace $0x8FFFFFFF  }
0x9e: {  	s18 =	sld [smem:$0x3FDB];
	_ =	sdelay $0x1  }
0x9f: {  	s19 =	simm.s32 $_scs_section_size  }
0xa0: {  	s5 =	simm.s32 $_size__tile_overlayer_lowered;
	s6 =	simm.s32 $_tile_overlayer_lowered  }
0xa1: {  	s22 =	simm.s32 $0x1BFF;
	s21 =	sshll.u32 s6, $0x1;
	s3 =	sadd.s32 s19, s18  }
0xa2: {  	s7 =	simm.s32 $0x0;
	s20 =	sshll.u32 s5, $0x1;
	s5 =	sadd.s32 s21, s3  }
0xa3: {  	[timem:s7], [sflag:s22] =	dma.local [hbm:s5], s20  }
0xa4: {  	_ =	swait.ge [sflag:s22], s20  }
0xa5: {  	s4 =	ssub.s32 $0x0, s20;
	[sflag:s22] =	ssyncset.done $0x0  }
0xa6: {  	[sflag:s22] =	ssyncadd.s32 s4;
	_ =	sdelay $0x1  }
0xa7: {  	s23 =	simm.s32 $0x1B8B  }
0xa8: {  	_ =	swait.ge [sflag:s23], $0x1  }
0xa9: {  	[sflag:s23] =	ssyncset.done $0x0  }
0xaa: {  	s25 =	simm.s32 $0x1B8E;
	s24 =	sld [smem:$0x3FFE];
	[sflag:s23] =	ssyncadd.s32 $0xFFFFFFFF  }
0xab: {  	s26 =	simm.s32 $execute0_lowered;
	[smem:$0x3FD2] =	sst s25  }
0xac: {  	s5 =	sshll.u32 s26, $0x1;
	_ =	strace $0x8000004C;
	[dreg:$0x1] =	wrdreg $0xFFFFFFFF  }
0xad: {  	s28 =	simm.s32 $_size_execute0_lowered;
	s3 =	sadd.s32 s3, s5;
	[dreg:$0x0] =	wrdreg $0x0  }
0xae: {  	s5 =	sshll.u32 s28, $0x1;
	[dreg:$0x2] =	wrdreg s3  }
0xaf: {  	[dreg:$0x3] =	wrdreg s5  }
0xb0: {  	[dreg:$0x4] =	wrdreg $0xC0  }
0xb1: {  	_ =	task [dreg:s7], $0x5FFFF  }
0xb2: {  	[dreg:$0x1] =	wrdreg $0xFFFFFFFF  }
0xb3: {  	[dreg:$0x0] =	wrdreg $0x60  }
0xb4: {  	[dreg:$0x2] =	wrdreg s16  }
0xb5: {  	[dreg:$0x3] =	wrdreg s24  }
0xb6: {  	[dreg:$0x4] =	wrdreg $0x41000  }
0xb7: {  	[dreg:$0x5] =	wrdreg $0x9  }
0xb8: {  	_ =	task.clear_ibuf [dreg:s7], $0x6FFFF;
	_ =	strace $0x9000004C  }
0xb9: {  	s29 =	simm.s32 $0x9;
	_ =	strace $0x8000004E  }
0xba: {  	_ =	swait.ge [sflag:s29], $0x1  }
0xbb: {  	[sflag:s29] =	ssyncadd.s32 $0xFFFFFFFF  }
0xbc: {  	_ =	strace $0x9000004E  }
0xbd: {  	_ =	sfence  }
0xbe: {  	s30 =	sld [smem:$0x0];
	_ =	sdelay $0x2  }
0xbf: {  	s31 =	sshll.u32 s1, $0xD;
	s1 =	sshrl.u32 s1, $0x2  }
0xc0: {  	s3 =	sand.u32 $0x4000, s31;
	s1 =	sadd.s32 s1, s30  }
0xc1: {  	s0 =	sor.u32 s3, s0;
	s1 =	sshll.u32 s1, $0x11  }
0xc2: {  	s0 =	sor.u32 s1, s0  }
0xc3: {  	s0 =	sadd.s32 $0x8F2B, s0  }
0xc4: {  	[sflag:s0] =	ssyncadd.remote.s32 $0x1  }
0xc5: {  	_ =	sfence.sel $0xFFFF  }
0xc6: {  	[dreg:$0x0] =	wrdreg $0xFFFFFFFF;
	(pc) =	sbr.abs _section_cstart, $3  }
0xc7: {  	[dreg:$0x1] =	wrdreg $0xFFFFFFFF  }
0xc8: {  	_ =	task.clear_ibuf [dreg:s7], $0x2FFFF;
	_ =	strace $0x9FFFFFFF  }
0xc9: {  	(tm) =	ssettm $0x7FFFFFFF  }
tec
execute0_lowered:
.L_overlay_start_1:
0x0: {  	(tag) =	ssettag $0x1  }
0x1: {  	s1 =	rddreg [dreg:$0x0]  }
0x2: {  	s11 =	rddreg [dreg:$0x1]  }
0x3: {  	s2 =	rddreg [dreg:$0x2]  }
0x4: {  	s0 =	rddreg [dreg:$0x3];
	s3 =	simm.s32 $0x0;
	s6 =	srdreg.scid  }
0x5: {  	s4 =	stileid.u32;
	s16 =	simm.s32 $0x2;
	s17 =	simm.s32 $0x80  }
0x6: {  	s18 =	simm.s32 $0x100;
	s19 =	simm.s32 $0x1;
	s20 =	simm.s32 $0x0  }
0x7: {  	[smem:$0x7FF] =	sst s3;
	s5 =	sadd.s32 $0xA000, s11;
	s12 =	smul.u32 $0x50000, s4  }
0x8: {  	s9 =	sand.u32 $0x1, s6;
	s6 =	sadd.s32 $0x32000, s11;
	s8 =	smul.u32 $0x2800, s4  }
0x9: {  	s7 =	sadd.s32 $0x5A000, s11;
	s31 =	smul.u32 $0x4F0, s4;
	s14 =	sshll.u32 s4, $0x6  }
.Ltmp0:
0xa: {  	_ =	strace $0x8000004D;
	s10 =	ssub.s32 $0x2, s9;
	(pc) =	sbr.rel .LBB2_1-.Ltmp0, $4  }
0xb: {  	p0 =	seq.s32 s9, $0x1;
	s14 =	sor.u32 $0x1C02, s14;
	s13 =	sshrl.u32 s10, $0x1  }
0xc: {  	s30 =	sshrl.u32 s12, $0x2;
	s9 =	sadd.s32 s1, s8;
	s11 =	sadd.s32 s31, s11  }
0xd: {  	s13 =	ssub.s32 s10, s13;
	s15 =	sadd.s32 s30, s2;
	s10 =	sadd.s32 s5, s8  }
0xe: {  	s12 =	smax.u32 s13, $0x1;
	s13 =	sadd.s32 $0x5000, s11;
	s15 =	sshrl.u32 s15, $0x3  }
.LBB2_7:
0xf: {  	s22 =	sadd.s32 s21, s11;
	[sflag:s16] =	ssyncadd.s32 $0xFFFFC000  }
0x10: {  	[tilespmem:s3], [sflag:$0x2] =	stream.linear.gather [hbm4b:s22+s3], $0x80, $0x38;
	[tilespmem:$0x18100] =	vst v63  }
0x11: {  	_ =	swait.ge [sflag:s16], $0x80  }
0x12: {  	[sflag:s16] =	ssyncset.done $0x0  }
0x13: {  	s31 =	sadd.s32 s21, s13;
	[sflag:s16] =	ssyncadd.s32 $0xFFFFFF80  }
0x14: {  	[tilespmem:s17], [sflag:$0x2] =	stream.linear.gather [hbm4b:s31+s3], $0x80, $0x38;
	[tilespmem:$0x18100] =	vst v63  }
0x15: {  	_ =	swait.ge [sflag:s16], $0x80  }
0x16: {  	[sflag:s16] =	ssyncset.done $0x0  }
0x17: {  	[sflag:s16] =	ssyncadd.s32 $0xFFFFFF80  }
0x18: {  	[tilespmem:s18], [sflag:$0x1] =	stream.indirect.gather [hbm4b:s5+s17], $0x80, s3, s17, $0xb8;
	[tilespmem:$0x18100] =	vst v63  }
0x19: {  	_ =	swait.ge [sflag:s19], $0x4000  }
0x1a: {  	[sflag:s19] =	ssyncset.done $0x0  }
0x1b: {  	[sflag:s19] =	ssyncadd.s32 $0xFFFFC000  }
0x1c: {  	[spmem:s2] =	stream.indirect.scatter.add.f32 [tilespmem:s18], [sflag:$0x2], $0x80, s17, s17, $0xb8;
	[tilespmem:$0x18100] =	vst v63  }
0x1d: {  	_ =	swait.ge [sflag:s16], $0x4000  }
0x1e: {  	[sflag:s16] =	ssyncset.done $0x0  }
0x1f: {  	s21 =	smov.u32 s7;
	[sflag:s16] =	ssyncadd.s32 $0xFFFFC000  }
.LBB2_8:
0x20: {  	s20 =	sadd.s32 $0x1, s20  }
0x21: {  	p1 =	sne.s32 s20, s12  }
.Ltmp1:
0x22: {  	s21 =	sadd.s32 s21, s8;
	[bflag:$0x0] =	sbarrier.arrive $0xFFFF;
	(pc) =	sbr.rel @!p1 .LBB2_9-.Ltmp1, $4  }
0x23: {  	[hbm:s21], [sflag:s14] =	dma.local [spmem:s15], $0x2800  }
0x24: {  	_ =	swait.ge [sflag:s16], $0x2800  }
0x25: {  	[sflag:s16] =	ssyncset.done $0x0  }
0x26: {  	[sflag:s16] =	ssyncadd.s32 $0xFFFFD800  }
.LBB2_1:
.Ltmp2:
0x27: {  	(pc) =	sbr.rel @!p0 .LBB2_2-.Ltmp2, $1  }
0x28: {  	_ =	sdelay $0x3  }
0x29: {  	[spmem:s15], [sflag:s14] =	dma.local [hbm:s10], $0x2800  }
0x2a: {  	_ =	swait.ge [sflag:s16], $0x2800  }
0x2b: {  	[sflag:s16] =	ssyncset.done $0x0  }
0x2c: {  	[sflag:s16] =	ssyncadd.s32 $0xFFFFD800  }
0x2d: {  	s21 =	sadd.s32 $0x0, s11;
	[bflag:$0x0] =	sbarrier.arrive $0xFFFF  }
0x2e: {  	[tilespmem:s3], [sflag:$0x2] =	stream.linear.gather [hbm4b:s21+s3], $0x80, $0x38;
	[tilespmem:$0x18100] =	vst v63  }
0x2f: {  	_ =	swait.ge [sflag:s16], $0x80  }
0x30: {  	[sflag:s16] =	ssyncset.done $0x0  }
0x31: {  	s31 =	sadd.s32 $0x0, s13;
	[sflag:s16] =	ssyncadd.s32 $0xFFFFFF80  }
0x32: {  	[tilespmem:s17], [sflag:$0x2] =	stream.linear.gather [hbm4b:s31+s3], $0x80, $0x38;
	[tilespmem:$0x18100] =	vst v63  }
0x33: {  	_ =	swait.ge [sflag:s16], $0x80  }
0x34: {  	[sflag:s16] =	ssyncset.done $0x0  }
0x35: {  	[sflag:s16] =	ssyncadd.s32 $0xFFFFFF80  }
0x36: {  	[tilespmem:s18], [sflag:$0x1] =	stream.indirect.gather [hbm4b:s5+s17], $0x80, s3, s17, $0xb8;
	[tilespmem:$0x18100] =	vst v63  }
0x37: {  	_ =	swait.ge [sflag:s19], $0x4000  }
0x38: {  	[sflag:s19] =	ssyncset.done $0x0  }
0x39: {  	[sflag:s19] =	ssyncadd.s32 $0xFFFFC000  }
0x3a: {  	[spmem:s2] =	stream.indirect.scatter.add.f32 [tilespmem:s18], [sflag:$0x2], $0x80, s17, s17, $0xb8;
	[tilespmem:$0x18100] =	vst v63  }
0x3b: {  	_ =	swait.ge [sflag:s16], $0x4000  }
0x3c: {  	s22 =	simm.s32 $0x20;
	s21 =	simm.s32 $0x10;
	[sflag:s16] =	ssyncset.done $0x0  }
.LBB2_6:
0x3d: {  	s23 =	sadd.s32 s21, s11  }
0x3e: {  	[sflag:s16] =	ssyncadd.s32 $0xFFFFC000;
	s24 =	smov.u32 s22;
	s25 =	sadd.s32 $0x10, s22  }
0x3f: {  	[tilespmem:s3], [sflag:$0x2] =	stream.linear.gather [hbm4b:s23+s3], $0x80, $0x38;
	[tilespmem:$0x18100] =	vst v63  }
0x40: {  	p1 =	sne.s32 s22, $0x4E0;
	_ =	swait.ge [sflag:s16], $0x80  }
0x41: {  	[sflag:s16] =	ssyncset.done $0x0  }
0x42: {  	s22 =	sadd.s32 s21, s13;
	s21 =	smov.u32 s24;
	[sflag:s16] =	ssyncadd.s32 $0xFFFFFF80  }
0x43: {  	[tilespmem:s17], [sflag:$0x2] =	stream.linear.gather [hbm4b:s22+s3], $0x80, $0x38;
	[tilespmem:$0x18100] =	vst v63  }
0x44: {  	_ =	swait.ge [sflag:s16], $0x80  }
0x45: {  	[sflag:s16] =	ssyncset.done $0x0  }
0x46: {  	[sflag:s16] =	ssyncadd.s32 $0xFFFFFF80  }
0x47: {  	[tilespmem:s18], [sflag:$0x1] =	stream.indirect.gather [hbm4b:s5+s17], $0x80, s3, s17, $0xb8;
	[tilespmem:$0x18100] =	vst v63  }
0x48: {  	_ =	swait.ge [sflag:s19], $0x4000  }
.Ltmp3:
0x49: {  	[sflag:s19] =	ssyncset.done $0x0;
	(pc) =	sbr.rel @p1 .LBB2_6-.Ltmp3, $4  }
0x4a: {  	[sflag:s19] =	ssyncadd.s32 $0xFFFFC000  }
0x4b: {  	[spmem:s2] =	stream.indirect.scatter.add.f32 [tilespmem:s18], [sflag:$0x2], $0x80, s17, s17, $0xb8;
	[tilespmem:$0x18100] =	vst v63  }
0x4c: {  	_ =	swait.ge [sflag:s16], $0x4000  }
0x4d: {  	s22 =	smov.u32 s25;
	[sflag:s16] =	ssyncset.done $0x0  }
.Ltmp4:
0x4e: {  	_ = 	snop;
	(pc) =	sbr.rel .LBB2_7-.Ltmp4, $1  }
0x4f: {  	_ =	sdelay $0x3  }
.LBB2_2:
0x50: {  	[spmem:s15], [sflag:s14] =	dma.local [hbm:s9], $0x2800  }
0x51: {  	_ =	swait.ge [sflag:s16], $0x2800  }
0x52: {  	[sflag:s16] =	ssyncset.done $0x0  }
0x53: {  	[sflag:s16] =	ssyncadd.s32 $0xFFFFD800  }
0x54: {  	s21 =	sadd.s32 $0x0, s11;
	[bflag:$0x0] =	sbarrier.arrive $0xFFFF  }
0x55: {  	[tilespmem:s3], [sflag:$0x2] =	stream.linear.gather [hbm4b:s21+s3], $0x80, $0x38;
	[tilespmem:$0x18100] =	vst v63  }
0x56: {  	_ =	swait.ge [sflag:s16], $0x80  }
0x57: {  	[sflag:s16] =	ssyncset.done $0x0  }
0x58: {  	s31 =	sadd.s32 $0x0, s13;
	[sflag:s16] =	ssyncadd.s32 $0xFFFFFF80  }
0x59: {  	[tilespmem:s17], [sflag:$0x2] =	stream.linear.gather [hbm4b:s31+s3], $0x80, $0x38;
	[tilespmem:$0x18100] =	vst v63  }
0x5a: {  	_ =	swait.ge [sflag:s16], $0x80  }
0x5b: {  	[sflag:s16] =	ssyncset.done $0x0  }
0x5c: {  	[sflag:s16] =	ssyncadd.s32 $0xFFFFFF80  }
0x5d: {  	[tilespmem:s18], [sflag:$0x1] =	stream.indirect.gather [hbm4b:s1+s17], $0x80, s3, s17, $0xb8;
	[tilespmem:$0x18100] =	vst v63  }
0x5e: {  	_ =	swait.ge [sflag:s19], $0x4000  }
0x5f: {  	[sflag:s19] =	ssyncset.done $0x0  }
0x60: {  	[sflag:s19] =	ssyncadd.s32 $0xFFFFC000  }
0x61: {  	[spmem:s2] =	stream.indirect.scatter.add.f32 [tilespmem:s18], [sflag:$0x2], $0x80, s17, s17, $0xb8;
	[tilespmem:$0x18100] =	vst v63  }
0x62: {  	_ =	swait.ge [sflag:s16], $0x4000  }
0x63: {  	s22 =	simm.s32 $0x20;
	s21 =	simm.s32 $0x10;
	[sflag:s16] =	ssyncset.done $0x0  }
.LBB2_3:
0x64: {  	s23 =	sadd.s32 s21, s11  }
0x65: {  	[sflag:s16] =	ssyncadd.s32 $0xFFFFC000;
	s24 =	smov.u32 s22;
	s25 =	sadd.s32 $0x10, s22  }
0x66: {  	[tilespmem:s3], [sflag:$0x2] =	stream.linear.gather [hbm4b:s23+s3], $0x80, $0x38;
	[tilespmem:$0x18100] =	vst v63  }
0x67: {  	p1 =	seq.s32 s22, $0x4E0;
	_ =	swait.ge [sflag:s16], $0x80  }
0x68: {  	[sflag:s16] =	ssyncset.done $0x0  }
0x69: {  	s22 =	sadd.s32 s21, s13;
	s21 =	smov.u32 s24;
	[sflag:s16] =	ssyncadd.s32 $0xFFFFFF80  }
0x6a: {  	[tilespmem:s17], [sflag:$0x2] =	stream.linear.gather [hbm4b:s22+s3], $0x80, $0x38;
	[tilespmem:$0x18100] =	vst v63  }
0x6b: {  	_ =	swait.ge [sflag:s16], $0x80  }
0x6c: {  	[sflag:s16] =	ssyncset.done $0x0  }
0x6d: {  	[sflag:s16] =	ssyncadd.s32 $0xFFFFFF80  }
0x6e: {  	[tilespmem:s18], [sflag:$0x1] =	stream.indirect.gather [hbm4b:s1+s17], $0x80, s3, s17, $0xb8;
	[tilespmem:$0x18100] =	vst v63  }
0x6f: {  	_ =	swait.ge [sflag:s19], $0x4000  }
.Ltmp5:
0x70: {  	[sflag:s19] =	ssyncset.done $0x0;
	(pc) =	sbr.rel @!p1 .LBB2_3-.Ltmp5, $4  }
0x71: {  	[sflag:s19] =	ssyncadd.s32 $0xFFFFC000  }
0x72: {  	[spmem:s2] =	stream.indirect.scatter.add.f32 [tilespmem:s18], [sflag:$0x2], $0x80, s17, s17, $0xb8;
	[tilespmem:$0x18100] =	vst v63  }
0x73: {  	_ =	swait.ge [sflag:s16], $0x4000  }
0x74: {  	s22 =	smov.u32 s25;
	[sflag:s16] =	ssyncset.done $0x0  }
0x75: {  	s22 =	sadd.s32 s21, s11;
	[sflag:s16] =	ssyncadd.s32 $0xFFFFC000  }
0x76: {  	[tilespmem:s3], [sflag:$0x2] =	stream.linear.gather [hbm4b:s22+s3], $0x80, $0x38;
	[tilespmem:$0x18100] =	vst v63  }
0x77: {  	_ =	swait.ge [sflag:s16], $0x80  }
0x78: {  	[sflag:s16] =	ssyncset.done $0x0  }
0x79: {  	s31 =	sadd.s32 s21, s13;
	[sflag:s16] =	ssyncadd.s32 $0xFFFFFF80  }
0x7a: {  	[tilespmem:s17], [sflag:$0x2] =	stream.linear.gather [hbm4b:s31+s3], $0x80, $0x38;
	[tilespmem:$0x18100] =	vst v63  }
0x7b: {  	_ =	swait.ge [sflag:s16], $0x80  }
0x7c: {  	[sflag:s16] =	ssyncset.done $0x0  }
0x7d: {  	[sflag:s16] =	ssyncadd.s32 $0xFFFFFF80  }
0x7e: {  	[tilespmem:s18], [sflag:$0x1] =	stream.indirect.gather [hbm4b:s1+s17], $0x80, s3, s17, $0xb8;
	[tilespmem:$0x18100] =	vst v63  }
0x7f: {  	_ =	swait.ge [sflag:s19], $0x4000  }
0x80: {  	[sflag:s19] =	ssyncset.done $0x0  }
.Ltmp6:
0x81: {  	[sflag:s19] =	ssyncadd.s32 $0xFFFFC000;
	(pc) =	sbr.rel .LBB2_8-.Ltmp6, $4  }
0x82: {  	[spmem:s2] =	stream.indirect.scatter.add.f32 [tilespmem:s18], [sflag:$0x2], $0x80, s17, s17, $0xb8;
	[tilespmem:$0x18100] =	vst v63  }
0x83: {  	_ =	swait.ge [sflag:s16], $0x4000  }
0x84: {  	[sflag:s16] =	ssyncset.done $0x0  }
0x85: {  	s21 =	smov.u32 s6;
	[sflag:s16] =	ssyncadd.s32 $0xFFFFC000  }
.LBB2_9:
0x86: {  	_ =	sfence.sel $0x180000  }
0x87: {  	[bflag:$0x0] =	sbarrier.arrive $0xFFFF  }
0x88: {  	p0 =	sne.s32 s4, $0x0;
	_ =	strace $0x9000004D  }
0x89: {  	s0 =	sadd.s32 @!p0 $0x100000, s0;
	[bflag:$0x2] =	sbarrier.arrive $0xFFFF  }
0x8a: {  	[sflag:s0] =	ssyncadd.tile.s32 @!p0 $0x1;
	_ =	shalt  }
.Lfunc_end2:
_tile_overlayer_lowered:
.L_overlay_start_2:
0x8b: {  	(tag) =	ssettag $0x2  }
0x8c: {  	s0 =	rddreg [dreg:$0x0];
	s2 =	stileid.u32  }
0x8d: {  	s1 =	rddreg [dreg:$0x1];
	p0 =	sne.s32 s2, $0x0  }
0x8e: {  	s3 =	rddreg [dreg:$0x2];
	[bflag:$0x3] =	sbarrier.arrive $0xFFFF;
	s2 =	simm.s32 @!p0 $0x1C02  }
0x8f: {  	[timem:s3], [sflag:s2] =	dma.local @!p0 [hbm:s0], s1  }
0x90: {  	s0 =	simm.s32 @!p0 $0x2  }
0x91: {  	_ =	swait.ge @!p0 [sflag:s0], s1  }
0x92: {  	s1 =	ssub.s32 @!p0 $0x0, s1;
	[sflag:s0] =	ssyncset.done @!p0 $0x0  }
0x93: {  	[sflag:s0] =	ssyncadd.s32 @!p0 s1  }
0x94: {  	[bflag:$0x3] =	sbarrier.arrive $0xFFFF  }
0x95: {  	_ =	shalt  }

// kernel: kernel.27.cloned.1.call-start
scs
__scs_entry_jumppad:
0x0: {  	(pc) =	sbr.rel $0x88, $3  }
0x1: {  	(tag) =	ssettag $0x0;
	lr =	simm.s32 $0x1  }
0x2: {  	[smem:$0x3F96] =	sst lr;
	_ =	strace $0xD0000000  }
0x3: {  	_ = 	snop  }
0x4: {  	_ = 	snop  }
0x5: {  	_ = 	snop  }
0x6: {  	_ = 	snop  }
0x7: {  	_ = 	snop  }
__scs_overlays_trampoline_lowered:
0x8: {  	[smem:$0x3FA5] =	sst s0  }
0x9: {  	[smem:$0x3FA6] =	sst s1  }
0xa: {  	[smem:$0x3FA7] =	sst s2  }
0xb: {  	[smem:$0x3FA8] =	sst s3  }
0xc: {  	[smem:$0x3FA9] =	sst s4  }
0xd: {  	[smem:$0x3FAA] =	sst s5  }
0xe: {  	[smem:$0x3FAB] =	sst s6  }
0xf: {  	[smem:$0x3FAC] =	sst s7  }
0x10: {  	[smem:$0x3FAD] =	sst s8  }
0x11: {  	[smem:$0x3FAE] =	sst s9;
	s0 =	simm.s32 @!p0 $0x0  }
0x12: {  	s1 =	sld [smem:$0x3F94];
	s0 =	simm.s32 @p0 $0x1  }
0x13: {  	[smem:$0x3FAF] =	sst s0;
	s0 =	simm.s32 @!p1 $0x0  }
0x14: {  	s2 =	sld [smem:$0x3F93];
	s0 =	simm.s32 @p1 $0x1  }
0x15: {  	[smem:$0x3FB0] =	sst s0;
	s0 =	simm.s32 @!p2 $0x0  }
0x16: {  	s3 =	sld [smem:$0x3FDB];
	s0 =	simm.s32 @p2 $0x1  }
0x17: {  	s4 =	simm.s32 $0x1BF5;
	[smem:$0x3FB2] =	sst s0  }
0x18: {  	s0 =	sld [smem:$0x3F95];
	_ =	swait.ge [sflag:s4], $0x0  }
0x19: {  	s7 =	sld [smem:$0x3F96]  }
0x1a: {  	s8 =	sadd.s32 $0xFFFFE003, lr  }
0x1b: {  	s9 =	sadd.s32 $0xFFFFFEF7, lr;
	s5 =	simm.s32 $0xFFFFFFFF;
	p2 =	slt.u32 s8, $0xFFFFF086  }
0x1c: {  	p1 =	slt.u32 s9, $0xF7A;
	s5 =	simm.s32 @!p2 $0x0  }
0x1d: {  	s5 =	simm.s32 @p1 $0x1;
	p0 =	seq.s32 s7, s2  }
0x1e: {  	s7 =	smul.u32 @!p0 $0xF7A, s2;
	p2 =	seq.s32 @!p0 s5, $0x0  }
0x1f: {  	s9 =	smul.u32 $0xF7A, s1;
	s8 =	simm.s32 @!p0 $0x1BF5;
	p2 =	por !p2, p0  }
0x20: {  	[sflag:s8] =	ssyncset.s32 @!p0 $0xFFFFF086;
	s6 =	sadd.s32 @!p0 s3, s7;
	s7 =	simm.s32 @!p0 $0x108  }
0x21: {  	s3 =	sadd.s32 s3, s9;
	s6 =	sadd.s32 @!p0 $0x88, s6;
	s7 =	simm.s32 @p2 $0x1082  }
0x22: {  	[simem:s7], [sflag:s8] =	dma.local @!p0 [hbm:s6], $0xF7A  }
0x23: {  	s9 =	sor.u32 $0xD0000000, s2;
	s6 =	simm.s32 $0x108;
	_ =	swait.ge @!p0 [sflag:s8], $0x0  }
0x24: {  	s3 =	sadd.s32 $0x88, s3;
	s6 =	simm.s32 @!p1 $0x1082;
	[sflag:s4] =	ssyncset.s32 $0xFFFFF086  }
0x25: {  	[simem:s6], [sflag:s4] =	dma.local [hbm:s3], $0xF7A  }
0x26: {  	[smem:$0x3F96] =	sst s1;
	(tag) =	ssettag s2;
	_ =	strace s9  }
0x27: {  	s1 =	sld [smem:$0x3FA6]  }
0x28: {  	s2 =	sld [smem:$0x3FA7]  }
0x29: {  	s4 =	sld [smem:$0x3FA9]  }
0x2a: {  	p0 =	seq.s32 s5, $0x0;
	s5 =	sld [smem:$0x3FAA]  }
0x2b: {  	s6 =	sld [smem:$0x3FAB]  }
0x2c: {  	s7 =	sld [smem:$0x3FAC]  }
0x2d: {  	s3 =	simm.s32 $0x108;
	s8 =	sld [smem:$0x3FAD]  }
0x2e: {  	s3 =	simm.s32 @!p0 $0x1082;
	s9 =	sld [smem:$0x3FAE]  }
0x2f: {  	lr =	sadd.s32 s0, s3;
	s0 =	sld [smem:$0x3FA5]  }
0x30: {  	s3 =	sld [smem:$0x3FA8]  }
0x31: {  	[smem:$0x3FB1] =	sst s10  }
0x32: {  	s10 =	sld [smem:$0x3FAF];
	_ =	sdelay $0x3  }
0x33: {  	p0 =	seq.s32 s10, $0x1;
	s10 =	sld [smem:$0x3FB1];
	_ =	sdelay $0x3  }
0x34: {  	[smem:$0x3FB1] =	sst s10  }
0x35: {  	s10 =	sld [smem:$0x3FB0];
	_ =	sdelay $0x3  }
0x36: {  	p1 =	seq.s32 s10, $0x1;
	s10 =	sld [smem:$0x3FB1];
	_ =	sdelay $0x3  }
0x37: {  	[smem:$0x3FB1] =	sst s10  }
0x38: {  	s10 =	sld [smem:$0x3FB2]  }
0x39: {  	_ = 	snop;
	(pc) =	sbr.ind lr, $3  }
0x3a: {  	_ = 	snop  }
0x3b: {  	_ = 	snop  }
0x3c: {  	p2 =	seq.s32 s10, $0x1;
	s10 =	sld [smem:$0x3FB1]  }
0x3d: {  	_ =	shalt  }
0x3e: {  	_ =	shalt  }
0x3f: {  	_ =	shalt  }
0x40: {  	_ =	shalt  }
0x41: {  	_ =	shalt  }
0x42: {  	_ =	shalt  }
0x43: {  	_ =	shalt  }
0x44: {  	_ =	shalt  }
0x45: {  	_ =	shalt  }
0x46: {  	_ =	shalt  }
0x47: {  	_ =	shalt  }
0x48: {  	_ =	shalt  }
0x49: {  	_ =	shalt  }
0x4a: {  	_ =	shalt  }
0x4b: {  	_ =	shalt  }
0x4c: {  	_ =	shalt  }
0x4d: {  	_ =	shalt  }
0x4e: {  	_ =	shalt  }
0x4f: {  	_ =	shalt  }
0x50: {  	_ =	shalt  }
0x51: {  	_ =	shalt  }
0x52: {  	_ =	shalt  }
0x53: {  	_ =	shalt  }
0x54: {  	_ =	shalt  }
0x55: {  	_ =	shalt  }
0x56: {  	_ =	shalt  }
0x57: {  	_ =	shalt  }
0x58: {  	_ =	shalt  }
0x59: {  	_ =	shalt  }
0x5a: {  	_ =	shalt  }
0x5b: {  	_ =	shalt  }
0x5c: {  	_ =	shalt  }
0x5d: {  	_ =	shalt  }
0x5e: {  	_ =	shalt  }
0x5f: {  	_ =	shalt  }
0x60: {  	_ =	shalt  }
0x61: {  	_ =	shalt  }
0x62: {  	_ =	shalt  }
0x63: {  	_ =	shalt  }
0x64: {  	_ =	shalt  }
0x65: {  	_ =	shalt  }
0x66: {  	_ =	shalt  }
0x67: {  	_ =	shalt  }
0x68: {  	_ =	shalt  }
0x69: {  	_ =	shalt  }
0x6a: {  	_ =	shalt  }
0x6b: {  	_ =	shalt  }
0x6c: {  	_ =	shalt  }
0x6d: {  	_ =	shalt  }
0x6e: {  	_ =	shalt  }
0x6f: {  	_ =	shalt  }
0x70: {  	_ =	shalt  }
0x71: {  	_ =	shalt  }
0x72: {  	_ =	shalt  }
0x73: {  	_ =	shalt  }
0x74: {  	_ =	shalt  }
0x75: {  	_ =	shalt  }
0x76: {  	_ =	shalt  }
0x77: {  	_ =	shalt  }
0x78: {  	_ =	shalt  }
0x79: {  	_ =	shalt  }
0x7a: {  	_ =	shalt  }
0x7b: {  	_ =	shalt  }
0x7c: {  	_ =	shalt  }
0x7d: {  	_ =	shalt  }
0x7e: {  	_ =	shalt  }
0x7f: {  	_ =	shalt  }
0x80: {  	_ =	shalt  }
0x81: {  	_ =	shalt  }
0x82: {  	_ =	shalt  }
0x83: {  	_ =	shalt  }
0x84: {  	_ =	shalt  }
0x85: {  	_ =	shalt  }
0x86: {  	_ =	shalt  }
0x87: {  	_ =	shalt  }
.Lfunc_end0:
.L_simem_size_0:
called_computation.15_lowered:
.L_overlay_start_0:
0x88: {  	s2 =	sld [smem:$0x3FD9]  }
0x89: {  	s3 =	sld [smem:$0x3FFE];
	_ =	sdelay $0x1  }
0x8a: {  	s1 =	srdreg.scid  }
0x8b: {  	s0 =	sand.u32 $0x1, s1  }
0x8c: {  	s14 =	sshll.u32 s0, $0xA;
	s2 =	sadd.s32 s3, s2  }
0x8d: {  	s2 =	sadd.s32 s2, s14  }
0x8e: {  	[smem:$0x3FBD] =	sst s2  }
0x8f: {  	_ = 	snop  }
0x90: {  	s2 =	sld [smem:$0x3FD0];
	_ =	sdelay $0x2  }
0x91: {  	s15 =	simm.s32 $0xA;
	s4 =	simm.s32 $0x10  }
0x92: {  	[smem:s4], [sflag:s15] =	dma.local [hbm:s2], $0x1  }
0x93: {  	_ =	swait.eq [sflag:s15], $0x1  }
0x94: {  	[sflag:s15] =	ssyncset.done $0x0  }
0x95: {  	[sflag:s15] =	ssyncadd.s32 $0xFFFFFFFF  }
0x96: {  	s16 =	sld [smem:$0x10];
	(tm) =	ssettm $0x1  }
0x97: {  	s17 =	sld [smem:$0x3FFB];
	_ =	sdelay $0x3  }
0x98: {  	_ =	strace s17  }
0x99: {  	s3 =	sld [smem:$0x3FFC];
	_ =	sdelay $0x3  }
0x9a: {  	_ =	strace s3  }
0x9b: {  	s3 =	sld [smem:$0x3FFD];
	_ =	sdelay $0x3  }
0x9c: {  	_ =	strace s3  }
0x9d: {  	_ =	strace $0x8FFFFFFF  }
0x9e: {  	s18 =	sld [smem:$0x3FDB];
	_ =	sdelay $0x1  }
0x9f: {  	s19 =	simm.s32 $_scs_section_size  }
0xa0: {  	s5 =	simm.s32 $_size__tile_overlayer_lowered;
	s6 =	simm.s32 $_tile_overlayer_lowered  }
0xa1: {  	s22 =	simm.s32 $0x1BFF;
	s21 =	sshll.u32 s6, $0x1;
	s3 =	sadd.s32 s19, s18  }
0xa2: {  	s7 =	simm.s32 $0x0;
	s20 =	sshll.u32 s5, $0x1;
	s5 =	sadd.s32 s21, s3  }
0xa3: {  	[timem:s7], [sflag:s22] =	dma.local [hbm:s5], s20  }
0xa4: {  	_ =	swait.ge [sflag:s22], s20  }
0xa5: {  	s4 =	ssub.s32 $0x0, s20;
	[sflag:s22] =	ssyncset.done $0x0  }
0xa6: {  	[sflag:s22] =	ssyncadd.s32 s4;
	_ =	sdelay $0x1  }
0xa7: {  	s23 =	simm.s32 $0x1B8B  }
0xa8: {  	_ =	swait.ge [sflag:s23], $0x1  }
0xa9: {  	[sflag:s23] =	ssyncset.done $0x0  }
0xaa: {  	s25 =	simm.s32 $0x1B8E;
	s24 =	sld [smem:$0x3FFE];
	[sflag:s23] =	ssyncadd.s32 $0xFFFFFFFF  }
0xab: {  	s26 =	simm.s32 $execute0_lowered;
	[smem:$0x3FD2] =	sst s25  }
0xac: {  	s5 =	sshll.u32 s26, $0x1;
	_ =	strace $0x8000004F;
	[dreg:$0x1] =	wrdreg $0xFFFFFFFF  }
0xad: {  	s28 =	simm.s32 $_size_execute0_lowered;
	s3 =	sadd.s32 s3, s5;
	[dreg:$0x0] =	wrdreg $0x0  }
0xae: {  	s5 =	sshll.u32 s28, $0x1;
	[dreg:$0x2] =	wrdreg s3  }
0xaf: {  	[dreg:$0x3] =	wrdreg s5  }
0xb0: {  	[dreg:$0x4] =	wrdreg $0xC0  }
0xb1: {  	_ =	task [dreg:s7], $0x5FFFF  }
0xb2: {  	[dreg:$0x1] =	wrdreg $0xFFFFFFFF  }
0xb3: {  	[dreg:$0x0] =	wrdreg $0x60  }
0xb4: {  	[dreg:$0x2] =	wrdreg s16  }
0xb5: {  	[dreg:$0x3] =	wrdreg s24  }
0xb6: {  	[dreg:$0x4] =	wrdreg $0x41000  }
0xb7: {  	[dreg:$0x5] =	wrdreg $0x9  }
0xb8: {  	_ =	task.clear_ibuf [dreg:s7], $0x6FFFF;
	_ =	strace $0x9000004F  }
0xb9: {  	s29 =	simm.s32 $0x9;
	_ =	strace $0x80000051  }
0xba: {  	_ =	swait.ge [sflag:s29], $0x1  }
0xbb: {  	[sflag:s29] =	ssyncadd.s32 $0xFFFFFFFF  }
0xbc: {  	_ =	strace $0x90000051  }
0xbd: {  	_ =	sfence  }
0xbe: {  	s30 =	sld [smem:$0x0];
	_ =	sdelay $0x2  }
0xbf: {  	s31 =	sshll.u32 s1, $0xD;
	s1 =	sshrl.u32 s1, $0x2  }
0xc0: {  	s3 =	sand.u32 $0x4000, s31;
	s1 =	sadd.s32 s1, s30  }
0xc1: {  	s0 =	sor.u32 s3, s0;
	s1 =	sshll.u32 s1, $0x11  }
0xc2: {  	s0 =	sor.u32 s1, s0  }
0xc3: {  	s0 =	sadd.s32 $0x8F2B, s0  }
0xc4: {  	[sflag:s0] =	ssyncadd.remote.s32 $0x1  }
0xc5: {  	_ =	sfence.sel $0xFFFF  }
0xc6: {  	[dreg:$0x0] =	wrdreg $0xFFFFFFFF;
	(pc) =	sbr.abs _section_cstart, $3  }
0xc7: {  	[dreg:$0x1] =	wrdreg $0xFFFFFFFF  }
0xc8: {  	_ =	task.clear_ibuf [dreg:s7], $0x2FFFF;
	_ =	strace $0x9FFFFFFF  }
0xc9: {  	(tm) =	ssettm $0x7FFFFFFF  }
tec
execute0_lowered:
.L_overlay_start_1:
0x0: {  	(tag) =	ssettag $0x1  }
0x1: {  	s1 =	rddreg [dreg:$0x0]  }
0x2: {  	s11 =	rddreg [dreg:$0x1]  }
0x3: {  	s2 =	rddreg [dreg:$0x2]  }
0x4: {  	s0 =	rddreg [dreg:$0x3];
	s3 =	simm.s32 $0x0;
	s6 =	srdreg.scid  }
0x5: {  	s4 =	stileid.u32;
	s16 =	simm.s32 $0x2;
	s17 =	simm.s32 $0x80  }
0x6: {  	s18 =	simm.s32 $0x100;
	s19 =	simm.s32 $0x1;
	s20 =	simm.s32 $0x0  }
0x7: {  	[smem:$0x7FF] =	sst s3;
	s5 =	sadd.s32 $0xA000, s11;
	s12 =	smul.u32 $0x50000, s4  }
0x8: {  	s9 =	sand.u32 $0x1, s6;
	s6 =	sadd.s32 $0x32000, s11;
	s8 =	smul.u32 $0x2800, s4  }
0x9: {  	s7 =	sadd.s32 $0x5A000, s11;
	s31 =	smul.u32 $0x4F0, s4;
	s14 =	sshll.u32 s4, $0x6  }
.Ltmp0:
0xa: {  	_ =	strace $0x80000050;
	s10 =	ssub.s32 $0x2, s9;
	(pc) =	sbr.rel .LBB2_1-.Ltmp0, $4  }
0xb: {  	p0 =	seq.s32 s9, $0x1;
	s14 =	sor.u32 $0x1C02, s14;
	s13 =	sshrl.u32 s10, $0x1  }
0xc: {  	s30 =	sshrl.u32 s12, $0x2;
	s9 =	sadd.s32 s1, s8;
	s11 =	sadd.s32 s31, s11  }
0xd: {  	s13 =	ssub.s32 s10, s13;
	s15 =	sadd.s32 s30, s2;
	s10 =	sadd.s32 s5, s8  }
0xe: {  	s12 =	smax.u32 s13, $0x1;
	s13 =	sadd.s32 $0x5000, s11;
	s15 =	sshrl.u32 s15, $0x3  }
.LBB2_7:
0xf: {  	s22 =	sadd.s32 s21, s11;
	[sflag:s16] =	ssyncadd.s32 $0xFFFFC000  }
0x10: {  	[tilespmem:s3], [sflag:$0x2] =	stream.linear.gather [hbm4b:s22+s3], $0x80, $0x38;
	[tilespmem:$0x18100] =	vst v63  }
0x11: {  	_ =	swait.ge [sflag:s16], $0x80  }
0x12: {  	[sflag:s16] =	ssyncset.done $0x0  }
0x13: {  	s31 =	sadd.s32 s21, s13;
	[sflag:s16] =	ssyncadd.s32 $0xFFFFFF80  }
0x14: {  	[tilespmem:s17], [sflag:$0x2] =	stream.linear.gather [hbm4b:s31+s3], $0x80, $0x38;
	[tilespmem:$0x18100] =	vst v63  }
0x15: {  	_ =	swait.ge [sflag:s16], $0x80  }
0x16: {  	[sflag:s16] =	ssyncset.done $0x0  }
0x17: {  	[sflag:s16] =	ssyncadd.s32 $0xFFFFFF80  }
0x18: {  	[tilespmem:s18], [sflag:$0x1] =	stream.indirect.gather [hbm4b:s5+s17], $0x80, s3, s17, $0xb8;
	[tilespmem:$0x18100] =	vst v63  }
0x19: {  	_ =	swait.ge [sflag:s19], $0x4000  }
0x1a: {  	[sflag:s19] =	ssyncset.done $0x0  }
0x1b: {  	[sflag:s19] =	ssyncadd.s32 $0xFFFFC000  }
0x1c: {  	[spmem:s2] =	stream.indirect.scatter.add.f32 [tilespmem:s18], [sflag:$0x2], $0x80, s17, s17, $0xb8;
	[tilespmem:$0x18100] =	vst v63  }
0x1d: {  	_ =	swait.ge [sflag:s16], $0x4000  }
0x1e: {  	[sflag:s16] =	ssyncset.done $0x0  }
0x1f: {  	s21 =	smov.u32 s7;
	[sflag:s16] =	ssyncadd.s32 $0xFFFFC000  }
.LBB2_8:
0x20: {  	s20 =	sadd.s32 $0x1, s20  }
0x21: {  	p1 =	sne.s32 s20, s12  }
.Ltmp1:
0x22: {  	s21 =	sadd.s32 s21, s8;
	[bflag:$0x0] =	sbarrier.arrive $0xFFFF;
	(pc) =	sbr.rel @!p1 .LBB2_9-.Ltmp1, $4  }
0x23: {  	[hbm:s21], [sflag:s14] =	dma.local [spmem:s15], $0x2800  }
0x24: {  	_ =	swait.ge [sflag:s16], $0x2800  }
0x25: {  	[sflag:s16] =	ssyncset.done $0x0  }
0x26: {  	[sflag:s16] =	ssyncadd.s32 $0xFFFFD800  }
.LBB2_1:
.Ltmp2:
0x27: {  	(pc) =	sbr.rel @!p0 .LBB2_2-.Ltmp2, $1  }
0x28: {  	_ =	sdelay $0x3  }
0x29: {  	[spmem:s15], [sflag:s14] =	dma.local [hbm:s10], $0x2800  }
0x2a: {  	_ =	swait.ge [sflag:s16], $0x2800  }
0x2b: {  	[sflag:s16] =	ssyncset.done $0x0  }
0x2c: {  	[sflag:s16] =	ssyncadd.s32 $0xFFFFD800  }
0x2d: {  	s21 =	sadd.s32 $0x0, s11;
	[bflag:$0x0] =	sbarrier.arrive $0xFFFF  }
0x2e: {  	[tilespmem:s3], [sflag:$0x2] =	stream.linear.gather [hbm4b:s21+s3], $0x80, $0x38;
	[tilespmem:$0x18100] =	vst v63  }
0x2f: {  	_ =	swait.ge [sflag:s16], $0x80  }
0x30: {  	[sflag:s16] =	ssyncset.done $0x0  }
0x31: {  	s31 =	sadd.s32 $0x0, s13;
	[sflag:s16] =	ssyncadd.s32 $0xFFFFFF80  }
0x32: {  	[tilespmem:s17], [sflag:$0x2] =	stream.linear.gather [hbm4b:s31+s3], $0x80, $0x38;
	[tilespmem:$0x18100] =	vst v63  }
0x33: {  	_ =	swait.ge [sflag:s16], $0x80  }
0x34: {  	[sflag:s16] =	ssyncset.done $0x0  }
0x35: {  	[sflag:s16] =	ssyncadd.s32 $0xFFFFFF80  }
0x36: {  	[tilespmem:s18], [sflag:$0x1] =	stream.indirect.gather [hbm4b:s5+s17], $0x80, s3, s17, $0xb8;
	[tilespmem:$0x18100] =	vst v63  }
0x37: {  	_ =	swait.ge [sflag:s19], $0x4000  }
0x38: {  	[sflag:s19] =	ssyncset.done $0x0  }
0x39: {  	[sflag:s19] =	ssyncadd.s32 $0xFFFFC000  }
0x3a: {  	[spmem:s2] =	stream.indirect.scatter.add.f32 [tilespmem:s18], [sflag:$0x2], $0x80, s17, s17, $0xb8;
	[tilespmem:$0x18100] =	vst v63  }
0x3b: {  	_ =	swait.ge [sflag:s16], $0x4000  }
0x3c: {  	s22 =	simm.s32 $0x20;
	s21 =	simm.s32 $0x10;
	[sflag:s16] =	ssyncset.done $0x0  }
.LBB2_6:
0x3d: {  	s23 =	sadd.s32 s21, s11  }
0x3e: {  	[sflag:s16] =	ssyncadd.s32 $0xFFFFC000;
	s24 =	smov.u32 s22;
	s25 =	sadd.s32 $0x10, s22  }
0x3f: {  	[tilespmem:s3], [sflag:$0x2] =	stream.linear.gather [hbm4b:s23+s3], $0x80, $0x38;
	[tilespmem:$0x18100] =	vst v63  }
0x40: {  	p1 =	sne.s32 s22, $0x4E0;
	_ =	swait.ge [sflag:s16], $0x80  }
0x41: {  	[sflag:s16] =	ssyncset.done $0x0  }
0x42: {  	s22 =	sadd.s32 s21, s13;
	s21 =	smov.u32 s24;
	[sflag:s16] =	ssyncadd.s32 $0xFFFFFF80  }
0x43: {  	[tilespmem:s17], [sflag:$0x2] =	stream.linear.gather [hbm4b:s22+s3], $0x80, $0x38;
	[tilespmem:$0x18100] =	vst v63  }
0x44: {  	_ =	swait.ge [sflag:s16], $0x80  }
0x45: {  	[sflag:s16] =	ssyncset.done $0x0  }
0x46: {  	[sflag:s16] =	ssyncadd.s32 $0xFFFFFF80  }
0x47: {  	[tilespmem:s18], [sflag:$0x1] =	stream.indirect.gather [hbm4b:s5+s17], $0x80, s3, s17, $0xb8;
	[tilespmem:$0x18100] =	vst v63  }
0x48: {  	_ =	swait.ge [sflag:s19], $0x4000  }
.Ltmp3:
0x49: {  	[sflag:s19] =	ssyncset.done $0x0;
	(pc) =	sbr.rel @p1 .LBB2_6-.Ltmp3, $4  }
0x4a: {  	[sflag:s19] =	ssyncadd.s32 $0xFFFFC000  }
0x4b: {  	[spmem:s2] =	stream.indirect.scatter.add.f32 [tilespmem:s18], [sflag:$0x2], $0x80, s17, s17, $0xb8;
	[tilespmem:$0x18100] =	vst v63  }
0x4c: {  	_ =	swait.ge [sflag:s16], $0x4000  }
0x4d: {  	s22 =	smov.u32 s25;
	[sflag:s16] =	ssyncset.done $0x0  }
.Ltmp4:
0x4e: {  	_ = 	snop;
	(pc) =	sbr.rel .LBB2_7-.Ltmp4, $1  }
0x4f: {  	_ =	sdelay $0x3  }
.LBB2_2:
0x50: {  	[spmem:s15], [sflag:s14] =	dma.local [hbm:s9], $0x2800  }
0x51: {  	_ =	swait.ge [sflag:s16], $0x2800  }
0x52: {  	[sflag:s16] =	ssyncset.done $0x0  }
0x53: {  	[sflag:s16] =	ssyncadd.s32 $0xFFFFD800  }
0x54: {  	s21 =	sadd.s32 $0x0, s11;
	[bflag:$0x0] =	sbarrier.arrive $0xFFFF  }
0x55: {  	[tilespmem:s3], [sflag:$0x2] =	stream.linear.gather [hbm4b:s21+s3], $0x80, $0x38;
	[tilespmem:$0x18100] =	vst v63  }
0x56: {  	_ =	swait.ge [sflag:s16], $0x80  }
0x57: {  	[sflag:s16] =	ssyncset.done $0x0  }
0x58: {  	s31 =	sadd.s32 $0x0, s13;
	[sflag:s16] =	ssyncadd.s32 $0xFFFFFF80  }
0x59: {  	[tilespmem:s17], [sflag:$0x2] =	stream.linear.gather [hbm4b:s31+s3], $0x80, $0x38;
	[tilespmem:$0x18100] =	vst v63  }
0x5a: {  	_ =	swait.ge [sflag:s16], $0x80  }
0x5b: {  	[sflag:s16] =	ssyncset.done $0x0  }
0x5c: {  	[sflag:s16] =	ssyncadd.s32 $0xFFFFFF80  }
0x5d: {  	[tilespmem:s18], [sflag:$0x1] =	stream.indirect.gather [hbm4b:s1+s17], $0x80, s3, s17, $0xb8;
	[tilespmem:$0x18100] =	vst v63  }
0x5e: {  	_ =	swait.ge [sflag:s19], $0x4000  }
0x5f: {  	[sflag:s19] =	ssyncset.done $0x0  }
0x60: {  	[sflag:s19] =	ssyncadd.s32 $0xFFFFC000  }
0x61: {  	[spmem:s2] =	stream.indirect.scatter.add.f32 [tilespmem:s18], [sflag:$0x2], $0x80, s17, s17, $0xb8;
	[tilespmem:$0x18100] =	vst v63  }
0x62: {  	_ =	swait.ge [sflag:s16], $0x4000  }
0x63: {  	s22 =	simm.s32 $0x20;
	s21 =	simm.s32 $0x10;
	[sflag:s16] =	ssyncset.done $0x0  }
.LBB2_3:
0x64: {  	s23 =	sadd.s32 s21, s11  }
0x65: {  	[sflag:s16] =	ssyncadd.s32 $0xFFFFC000;
	s24 =	smov.u32 s22;
	s25 =	sadd.s32 $0x10, s22  }
0x66: {  	[tilespmem:s3], [sflag:$0x2] =	stream.linear.gather [hbm4b:s23+s3], $0x80, $0x38;
	[tilespmem:$0x18100] =	vst v63  }
0x67: {  	p1 =	seq.s32 s22, $0x4E0;
	_ =	swait.ge [sflag:s16], $0x80  }
0x68: {  	[sflag:s16] =	ssyncset.done $0x0  }
0x69: {  	s22 =	sadd.s32 s21, s13;
	s21 =	smov.u32 s24;
	[sflag:s16] =	ssyncadd.s32 $0xFFFFFF80  }
0x6a: {  	[tilespmem:s17], [sflag:$0x2] =	stream.linear.gather [hbm4b:s22+s3], $0x80, $0x38;
	[tilespmem:$0x18100] =	vst v63  }
0x6b: {  	_ =	swait.ge [sflag:s16], $0x80  }
0x6c: {  	[sflag:s16] =	ssyncset.done $0x0  }
0x6d: {  	[sflag:s16] =	ssyncadd.s32 $0xFFFFFF80  }
0x6e: {  	[tilespmem:s18], [sflag:$0x1] =	stream.indirect.gather [hbm4b:s1+s17], $0x80, s3, s17, $0xb8;
	[tilespmem:$0x18100] =	vst v63  }
0x6f: {  	_ =	swait.ge [sflag:s19], $0x4000  }
.Ltmp5:
0x70: {  	[sflag:s19] =	ssyncset.done $0x0;
	(pc) =	sbr.rel @!p1 .LBB2_3-.Ltmp5, $4  }
0x71: {  	[sflag:s19] =	ssyncadd.s32 $0xFFFFC000  }
0x72: {  	[spmem:s2] =	stream.indirect.scatter.add.f32 [tilespmem:s18], [sflag:$0x2], $0x80, s17, s17, $0xb8;
	[tilespmem:$0x18100] =	vst v63  }
0x73: {  	_ =	swait.ge [sflag:s16], $0x4000  }
0x74: {  	s22 =	smov.u32 s25;
	[sflag:s16] =	ssyncset.done $0x0  }
0x75: {  	s22 =	sadd.s32 s21, s11;
	[sflag:s16] =	ssyncadd.s32 $0xFFFFC000  }
0x76: {  	[tilespmem:s3], [sflag:$0x2] =	stream.linear.gather [hbm4b:s22+s3], $0x80, $0x38;
	[tilespmem:$0x18100] =	vst v63  }
0x77: {  	_ =	swait.ge [sflag:s16], $0x80  }
0x78: {  	[sflag:s16] =	ssyncset.done $0x0  }
0x79: {  	s31 =	sadd.s32 s21, s13;
	[sflag:s16] =	ssyncadd.s32 $0xFFFFFF80  }
0x7a: {  	[tilespmem:s17], [sflag:$0x2] =	stream.linear.gather [hbm4b:s31+s3], $0x80, $0x38;
	[tilespmem:$0x18100] =	vst v63  }
0x7b: {  	_ =	swait.ge [sflag:s16], $0x80  }
0x7c: {  	[sflag:s16] =	ssyncset.done $0x0  }
0x7d: {  	[sflag:s16] =	ssyncadd.s32 $0xFFFFFF80  }
0x7e: {  	[tilespmem:s18], [sflag:$0x1] =	stream.indirect.gather [hbm4b:s1+s17], $0x80, s3, s17, $0xb8;
	[tilespmem:$0x18100] =	vst v63  }
0x7f: {  	_ =	swait.ge [sflag:s19], $0x4000  }
0x80: {  	[sflag:s19] =	ssyncset.done $0x0  }
.Ltmp6:
0x81: {  	[sflag:s19] =	ssyncadd.s32 $0xFFFFC000;
	(pc) =	sbr.rel .LBB2_8-.Ltmp6, $4  }
0x82: {  	[spmem:s2] =	stream.indirect.scatter.add.f32 [tilespmem:s18], [sflag:$0x2], $0x80, s17, s17, $0xb8;
	[tilespmem:$0x18100] =	vst v63  }
0x83: {  	_ =	swait.ge [sflag:s16], $0x4000  }
0x84: {  	[sflag:s16] =	ssyncset.done $0x0  }
0x85: {  	s21 =	smov.u32 s6;
	[sflag:s16] =	ssyncadd.s32 $0xFFFFC000  }
.LBB2_9:
0x86: {  	_ =	sfence.sel $0x180000  }
0x87: {  	[bflag:$0x0] =	sbarrier.arrive $0xFFFF  }
0x88: {  	p0 =	sne.s32 s4, $0x0;
	_ =	strace $0x90000050  }
0x89: {  	s0 =	sadd.s32 @!p0 $0x100000, s0;
	[bflag:$0x2] =	sbarrier.arrive $0xFFFF  }
0x8a: {  	[sflag:s0] =	ssyncadd.tile.s32 @!p0 $0x1;
	_ =	shalt  }
.Lfunc_end2:
_tile_overlayer_lowered:
.L_overlay_start_2:
0x8b: {  	(tag) =	ssettag $0x2  }
0x8c: {  	s0 =	rddreg [dreg:$0x0];
	s2 =	stileid.u32  }
0x8d: {  	s1 =	rddreg [dreg:$0x1];
	p0 =	sne.s32 s2, $0x0  }
0x8e: {  	s3 =	rddreg [dreg:$0x2];
	[bflag:$0x3] =	sbarrier.arrive $0xFFFF;
	s2 =	simm.s32 @!p0 $0x1C02  }
0x8f: {  	[timem:s3], [sflag:s2] =	dma.local @!p0 [hbm:s0], s1  }
0x90: {  	s0 =	simm.s32 @!p0 $0x2  }
0x91: {  	_ =	swait.ge @!p0 [sflag:s0], s1  }
0x92: {  	s1 =	ssub.s32 @!p0 $0x0, s1;
	[sflag:s0] =	ssyncset.done @!p0 $0x0  }
0x93: {  	[sflag:s0] =	ssyncadd.s32 @!p0 s1  }
0x94: {  	[bflag:$0x3] =	sbarrier.arrive $0xFFFF  }
0x95: {  	_ =	shalt  }

// kernel: scatter_offload_async_start
scs
__scs_entry_jumppad:
0x0: {  	(pc) =	sbr.rel $0x88, $3  }
0x1: {  	(tag) =	ssettag $0x0;
	lr =	simm.s32 $0x1  }
0x2: {  	[smem:$0x3F96] =	sst lr;
	_ =	strace $0xD0000000  }
0x3: {  	_ = 	snop  }
0x4: {  	_ = 	snop  }
0x5: {  	_ = 	snop  }
0x6: {  	_ = 	snop  }
0x7: {  	_ = 	snop  }
__scs_overlays_trampoline_lowered:
0x8: {  	[smem:$0x3FA5] =	sst s0  }
0x9: {  	[smem:$0x3FA6] =	sst s1  }
0xa: {  	[smem:$0x3FA7] =	sst s2  }
0xb: {  	[smem:$0x3FA8] =	sst s3  }
0xc: {  	[smem:$0x3FA9] =	sst s4  }
0xd: {  	[smem:$0x3FAA] =	sst s5  }
0xe: {  	[smem:$0x3FAB] =	sst s6  }
0xf: {  	[smem:$0x3FAC] =	sst s7  }
0x10: {  	[smem:$0x3FAD] =	sst s8  }
0x11: {  	[smem:$0x3FAE] =	sst s9;
	s0 =	simm.s32 @!p0 $0x0  }
0x12: {  	s1 =	sld [smem:$0x3F94];
	s0 =	simm.s32 @p0 $0x1  }
0x13: {  	[smem:$0x3FAF] =	sst s0;
	s0 =	simm.s32 @!p1 $0x0  }
0x14: {  	s2 =	sld [smem:$0x3F93];
	s0 =	simm.s32 @p1 $0x1  }
0x15: {  	[smem:$0x3FB0] =	sst s0;
	s0 =	simm.s32 @!p2 $0x0  }
0x16: {  	s3 =	sld [smem:$0x3FDB];
	s0 =	simm.s32 @p2 $0x1  }
0x17: {  	s4 =	simm.s32 $0x1BF5;
	[smem:$0x3FB2] =	sst s0  }
0x18: {  	s0 =	sld [smem:$0x3F95];
	_ =	swait.ge [sflag:s4], $0x0  }
0x19: {  	s7 =	sld [smem:$0x3F96]  }
0x1a: {  	s8 =	sadd.s32 $0xFFFFE003, lr  }
0x1b: {  	s9 =	sadd.s32 $0xFFFFFEF7, lr;
	s5 =	simm.s32 $0xFFFFFFFF;
	p2 =	slt.u32 s8, $0xFFFFF086  }
0x1c: {  	p1 =	slt.u32 s9, $0xF7A;
	s5 =	simm.s32 @!p2 $0x0  }
0x1d: {  	s5 =	simm.s32 @p1 $0x1;
	p0 =	seq.s32 s7, s2  }
0x1e: {  	s7 =	smul.u32 @!p0 $0xF7A, s2;
	p2 =	seq.s32 @!p0 s5, $0x0  }
0x1f: {  	s9 =	smul.u32 $0xF7A, s1;
	s8 =	simm.s32 @!p0 $0x1BF5;
	p2 =	por !p2, p0  }
0x20: {  	[sflag:s8] =	ssyncset.s32 @!p0 $0xFFFFF086;
	s6 =	sadd.s32 @!p0 s3, s7;
	s7 =	simm.s32 @!p0 $0x108  }
0x21: {  	s3 =	sadd.s32 s3, s9;
	s6 =	sadd.s32 @!p0 $0x88, s6;
	s7 =	simm.s32 @p2 $0x1082  }
0x22: {  	[simem:s7], [sflag:s8] =	dma.local @!p0 [hbm:s6], $0xF7A  }
0x23: {  	s9 =	sor.u32 $0xD0000000, s2;
	s6 =	simm.s32 $0x108;
	_ =	swait.ge @!p0 [sflag:s8], $0x0  }
0x24: {  	s3 =	sadd.s32 $0x88, s3;
	s6 =	simm.s32 @!p1 $0x1082;
	[sflag:s4] =	ssyncset.s32 $0xFFFFF086  }
0x25: {  	[simem:s6], [sflag:s4] =	dma.local [hbm:s3], $0xF7A  }
0x26: {  	[smem:$0x3F96] =	sst s1;
	(tag) =	ssettag s2;
	_ =	strace s9  }
0x27: {  	s1 =	sld [smem:$0x3FA6]  }
0x28: {  	s2 =	sld [smem:$0x3FA7]  }
0x29: {  	s4 =	sld [smem:$0x3FA9]  }
0x2a: {  	p0 =	seq.s32 s5, $0x0;
	s5 =	sld [smem:$0x3FAA]  }
0x2b: {  	s6 =	sld [smem:$0x3FAB]  }
0x2c: {  	s7 =	sld [smem:$0x3FAC]  }
0x2d: {  	s3 =	simm.s32 $0x108;
	s8 =	sld [smem:$0x3FAD]  }
0x2e: {  	s3 =	simm.s32 @!p0 $0x1082;
	s9 =	sld [smem:$0x3FAE]  }
0x2f: {  	lr =	sadd.s32 s0, s3;
	s0 =	sld [smem:$0x3FA5]  }
0x30: {  	s3 =	sld [smem:$0x3FA8]  }
0x31: {  	[smem:$0x3FB1] =	sst s10  }
0x32: {  	s10 =	sld [smem:$0x3FAF];
	_ =	sdelay $0x3  }
0x33: {  	p0 =	seq.s32 s10, $0x1;
	s10 =	sld [smem:$0x3FB1];
	_ =	sdelay $0x3  }
0x34: {  	[smem:$0x3FB1] =	sst s10  }
0x35: {  	s10 =	sld [smem:$0x3FB0];
	_ =	sdelay $0x3  }
0x36: {  	p1 =	seq.s32 s10, $0x1;
	s10 =	sld [smem:$0x3FB1];
	_ =	sdelay $0x3  }
0x37: {  	[smem:$0x3FB1] =	sst s10  }
0x38: {  	s10 =	sld [smem:$0x3FB2]  }
0x39: {  	_ = 	snop;
	(pc) =	sbr.ind lr, $3  }
0x3a: {  	_ = 	snop  }
0x3b: {  	_ = 	snop  }
0x3c: {  	p2 =	seq.s32 s10, $0x1;
	s10 =	sld [smem:$0x3FB1]  }
0x3d: {  	_ =	shalt  }
0x3e: {  	_ =	shalt  }
0x3f: {  	_ =	shalt  }
0x40: {  	_ =	shalt  }
0x41: {  	_ =	shalt  }
0x42: {  	_ =	shalt  }
0x43: {  	_ =	shalt  }
0x44: {  	_ =	shalt  }
0x45: {  	_ =	shalt  }
0x46: {  	_ =	shalt  }
0x47: {  	_ =	shalt  }
0x48: {  	_ =	shalt  }
0x49: {  	_ =	shalt  }
0x4a: {  	_ =	shalt  }
0x4b: {  	_ =	shalt  }
0x4c: {  	_ =	shalt  }
0x4d: {  	_ =	shalt  }
0x4e: {  	_ =	shalt  }
0x4f: {  	_ =	shalt  }
0x50: {  	_ =	shalt  }
0x51: {  	_ =	shalt  }
0x52: {  	_ =	shalt  }
0x53: {  	_ =	shalt  }
0x54: {  	_ =	shalt  }
0x55: {  	_ =	shalt  }
0x56: {  	_ =	shalt  }
0x57: {  	_ =	shalt  }
0x58: {  	_ =	shalt  }
0x59: {  	_ =	shalt  }
0x5a: {  	_ =	shalt  }
0x5b: {  	_ =	shalt  }
0x5c: {  	_ =	shalt  }
0x5d: {  	_ =	shalt  }
0x5e: {  	_ =	shalt  }
0x5f: {  	_ =	shalt  }
0x60: {  	_ =	shalt  }
0x61: {  	_ =	shalt  }
0x62: {  	_ =	shalt  }
0x63: {  	_ =	shalt  }
0x64: {  	_ =	shalt  }
0x65: {  	_ =	shalt  }
0x66: {  	_ =	shalt  }
0x67: {  	_ =	shalt  }
0x68: {  	_ =	shalt  }
0x69: {  	_ =	shalt  }
0x6a: {  	_ =	shalt  }
0x6b: {  	_ =	shalt  }
0x6c: {  	_ =	shalt  }
0x6d: {  	_ =	shalt  }
0x6e: {  	_ =	shalt  }
0x6f: {  	_ =	shalt  }
0x70: {  	_ =	shalt  }
0x71: {  	_ =	shalt  }
0x72: {  	_ =	shalt  }
0x73: {  	_ =	shalt  }
0x74: {  	_ =	shalt  }
0x75: {  	_ =	shalt  }
0x76: {  	_ =	shalt  }
0x77: {  	_ =	shalt  }
0x78: {  	_ =	shalt  }
0x79: {  	_ =	shalt  }
0x7a: {  	_ =	shalt  }
0x7b: {  	_ =	shalt  }
0x7c: {  	_ =	shalt  }
0x7d: {  	_ =	shalt  }
0x7e: {  	_ =	shalt  }
0x7f: {  	_ =	shalt  }
0x80: {  	_ =	shalt  }
0x81: {  	_ =	shalt  }
0x82: {  	_ =	shalt  }
0x83: {  	_ =	shalt  }
0x84: {  	_ =	shalt  }
0x85: {  	_ =	shalt  }
0x86: {  	_ =	shalt  }
0x87: {  	_ =	shalt  }
.Lfunc_end0:
.L_simem_size_0:
called_computation_lowered:
.L_overlay_start_0:
0x88: {  	s0 =	sld [smem:$0x3FD9]  }
0x89: {  	s1 =	sld [smem:$0x3FFE];
	_ =	sdelay $0x3  }
0x8a: {  	s0 =	sadd.s32 s1, s0  }
0x8b: {  	[smem:$0x3FBD] =	sst s0  }
0x8c: {  	_ = 	snop  }
0x8d: {  	s0 =	sld [smem:$0x3FD0];
	_ =	sdelay $0x2  }
0x8e: {  	s13 =	simm.s32 $0xA;
	s2 =	simm.s32 $0x10  }
0x8f: {  	[smem:s2], [sflag:s13] =	dma.local [hbm:s0], $0x1  }
0x90: {  	_ =	swait.eq [sflag:s13], $0x1  }
0x91: {  	[sflag:s13] =	ssyncset.done $0x0  }
0x92: {  	s14 =	sld [smem:$0x10];
	[sflag:s13] =	ssyncadd.s32 $0xFFFFFFFF  }
0x93: {  	s15 =	sld [smem:$0x11];
	(tm) =	ssettm $0x1  }
0x94: {  	s16 =	sld [smem:$0x3FFB];
	_ =	sdelay $0x3  }
0x95: {  	_ =	strace s16  }
0x96: {  	s2 =	sld [smem:$0x3FFC];
	_ =	sdelay $0x3  }
0x97: {  	_ =	strace s2  }
0x98: {  	s2 =	sld [smem:$0x3FFD];
	_ =	sdelay $0x3  }
0x99: {  	_ =	strace s2  }
0x9a: {  	_ =	strace $0x8FFFFFFF  }
0x9b: {  	s17 =	sld [smem:$0x3FDB];
	_ =	sdelay $0x1  }
0x9c: {  	s3 =	simm.s32 $_scs_section_size  }
0x9d: {  	s4 =	simm.s32 $_size__tile_overlayer_lowered;
	s5 =	simm.s32 $_tile_overlayer_lowered  }
0x9e: {  	s20 =	simm.s32 $0x1BFF;
	s19 =	sshll.u32 s5, $0x1;
	s2 =	sadd.s32 s3, s17  }
0x9f: {  	s6 =	simm.s32 $0x0;
	s18 =	sshll.u32 s4, $0x1;
	s4 =	sadd.s32 s19, s2  }
0xa0: {  	[timem:s6], [sflag:s20] =	dma.local [hbm:s4], s18  }
0xa1: {  	_ =	swait.ge [sflag:s20], s18  }
0xa2: {  	s3 =	ssub.s32 $0x0, s18;
	[sflag:s20] =	ssyncset.done $0x0  }
0xa3: {  	[sflag:s20] =	ssyncadd.s32 s3;
	_ =	sdelay $0x1  }
0xa4: {  	s21 =	simm.s32 $0x1B8B  }
0xa5: {  	_ =	swait.ge [sflag:s21], $0x1  }
0xa6: {  	[sflag:s21] =	ssyncset.done $0x0  }
0xa7: {  	s23 =	simm.s32 $0x1B8E;
	s22 =	sld [smem:$0x3FFE];
	[sflag:s21] =	ssyncadd.s32 $0xFFFFFFFF  }
0xa8: {  	s24 =	simm.s32 $execute0_lowered;
	[smem:$0x3FD2] =	sst s23  }
0xa9: {  	s4 =	sshll.u32 s24, $0x1;
	_ =	strace $0x80000046;
	[dreg:$0x1] =	wrdreg $0xFFFFFFFF  }
0xaa: {  	s25 =	simm.s32 $_size_execute0_lowered;
	s2 =	sadd.s32 s2, s4;
	[dreg:$0x0] =	wrdreg $0x0  }
0xab: {  	s4 =	sshll.u32 s25, $0x1;
	[dreg:$0x2] =	wrdreg s2  }
0xac: {  	[dreg:$0x3] =	wrdreg s4  }
0xad: {  	[dreg:$0x4] =	wrdreg $0xC0  }
0xae: {  	_ =	task [dreg:s6], $0x5FFFF  }
0xaf: {  	[dreg:$0x1] =	wrdreg $0xFFFFFFFF  }
0xb0: {  	[dreg:$0x0] =	wrdreg $0x60  }
0xb1: {  	[dreg:$0x2] =	wrdreg s15  }
0xb2: {  	[dreg:$0x3] =	wrdreg s14  }
0xb3: {  	[dreg:$0x4] =	wrdreg s22  }
0xb4: {  	[dreg:$0x5] =	wrdreg $0x9  }
0xb5: {  	_ =	task.clear_ibuf [dreg:s6], $0x6FFFF;
	_ =	strace $0x90000046  }
0xb6: {  	s26 =	simm.s32 $0x9;
	_ =	strace $0x80000048  }
0xb7: {  	_ =	swait.ge [sflag:s26], $0x1  }
0xb8: {  	[sflag:s26] =	ssyncadd.s32 $0xFFFFFFFF  }
0xb9: {  	_ =	strace $0x90000048  }
0xba: {  	_ =	sfence  }
0xbb: {  	s28 =	sld [smem:$0x0];
	_ =	sdelay $0x1  }
0xbc: {  	s29 =	srdreg.scid  }
0xbd: {  	s30 =	sshll.u32 s29, $0xD;
	s31 =	sshrl.u32 s29, $0x2  }
0xbe: {  	s1 =	sand.u32 $0x1, s29;
	s2 =	sand.u32 $0x4000, s30;
	s0 =	sadd.s32 s31, s28  }
0xbf: {  	s1 =	sor.u32 s2, s1;
	s0 =	sshll.u32 s0, $0x11  }
0xc0: {  	s0 =	sor.u32 s0, s1  }
0xc1: {  	s0 =	sadd.s32 $0x8F2B, s0  }
0xc2: {  	[sflag:s0] =	ssyncadd.remote.s32 $0x1  }
0xc3: {  	_ =	sfence.sel $0xFFFF  }
0xc4: {  	[dreg:$0x0] =	wrdreg $0xFFFFFFFF;
	(pc) =	sbr.abs _section_cstart, $3  }
0xc5: {  	[dreg:$0x1] =	wrdreg $0xFFFFFFFF  }
0xc6: {  	_ =	task.clear_ibuf [dreg:s6], $0x2FFFF;
	_ =	strace $0x9FFFFFFF  }
0xc7: {  	(tm) =	ssettm $0x7FFFFFFF  }
tec
execute0_lowered:
.L_overlay_start_1:
0x0: {  	(tag) =	ssettag $0x1  }
0x1: {  	s1 =	rddreg [dreg:$0x0]  }
0x2: {  	s3 =	rddreg [dreg:$0x1]  }
0x3: {  	s0 =	rddreg [dreg:$0x2];
	s14 =	stileid.u32  }
0x4: {  	_ =	strace $0x80000047;
	s2 =	simm.s32 $0x1;
	s4 =	smin.u32 s14, $0x4  }
0x5: {  	v1 =	vimm.s32 $0xFFFFFFFF;
	[sflag:s2] =	ssyncpa.u1 $0x0;
	s4 =	sadd.s32 s14, s4  }
0x6: {  	s5 =	simm.s32 $0x3E80;
	p0 =	slt.u32 s14, $0x4;
	[tilespmem:$0x10] =	vst v1;
	s4 =	smul.u32 $0x1F40, s4  }
0x7: {  	v0 =	vimm.f32 $0.0e+00;
	[tilespmem:$0x20] =	vst v1;
	s5 =	simm.s32 @!p0 $0x1F40  }
0x8: {  	[tilespmem:$0x30] =	vst v0;
	s5 =	sadd.s32 s5, s4  }
0x9: {  	[tilespmem:$0x40] =	vst v0;
	s5 =	smin.u32 s5, $0x27100  }
0xa: {  	[tilespmem:$0x50] =	vst v0;
	s9 =	ssub.s32 s5, s4  }
0xb: {  	[tilespmem:$0x60] =	vst v1;
	p0 =	sgt.s32 s9, $0x0  }
0xc: {  	s7 =	simm.s32 $0x2;
	s8 =	simm.s32 $0x8;
	[tilespmem:$0x70] =	vst v1;
	s9 =	simm.s32 @!p0 $0x0  }
0xd: {  	s31 =	simm.s32 $0x9;
	s16 =	simm.s32 $0x0;
	[tilespmem:$0x80] =	vst v1;
	s6 =	smulhi.u32 $0x10624DD3, s9  }
0xe: {  	s17 =	simm.s32 $0xF0;
	s18 =	simm.s32 $0xFFFFFFFF;
	s19 =	simm.s32 $0xFFFFC280;
	v1 =	vimm.s32 $0x0;
	[tilespmem:$0xB0] =	vst v0  }
0xf: {  	s20 =	simm.s32 $0xFFFFFFFE;
	s21 =	simm.s32 $0xF;
	[tilespmem:$0x90] =	vst v1;
	s10 =	sshrl.u32 s6, $0x9  }
0x10: {  	[tilespmem:$0xA0] =	vst v1;
	[sflag:s7] =	ssyncpa.u1 $0x0;
	s7 =	simm.s32 $0x7;
	s11 =	smul.u32 $0x1F40, s10  }
0x11: {  	s25 =	simm.s32 $0x0;
	s24 =	simm.s32 $0x0;
	[sflag:s7] =	ssyncpa.u1 $0x0  }
.Ltmp0:
0x12: {  	[sflag:s8] =	ssyncpa.u1 $0x0;
	p0 =	sne.s32 s9, s11;
	(pc) =	sbr.rel .LBB2_1-.Ltmp0, $4  }
0x13: {  	s23 =	smov.u32 s4;
	[sflag:s31] =	ssyncpa.u1 $0x0;
	s2 =	simm.s32 @!p0 $0x0  }
0x14: {  	s6 =	sadd.s32 $0xA000, s0;
	p0 =	por $0x0, $0x0;
	s9 =	sadd.s32 s2, s10  }
0x15: {  	vm0 =	vmmov $0xffff;
	v2 =	vlaneseq.u32;
	s10 =	sshll.u32 s14, $0x1;
	s14 =	sshllo.u32 s14, $0x1;
	s11 =	sadd.s32 $0x1, s9  }
0x16: {  	vm1 =	vmxor vm1, vm1;
	vm2 =	vmmov $0x1;
	vm3 =	vcmask $0x3F3C;
	s12 =	sadd.s32 $0x2, s9;
	s13 =	sor.u32 $0x81, s10;
	s15 =	sor.u32 $0x80, s10  }
.LBB2_9:
0x17: {  	p1 =	slt.u32 s24, $0x3  }
0x18: {  	s0 =	simm.s32 @!p1 $0x2  }
0x19: {  	_ =	swait.ge @!p1 [sflag:s0], $0x1F40  }
0x1a: {  	[sflag:s0] =	ssyncset.done @!p1 $0x0  }
0x1b: {  	[sflag:s0] =	ssyncadd.s32 @!p1 $0xFFFFE0C0;
	s0 =	simm.s32 @!p1 $0x9  }
0x1c: {  	_ =	swait.ge @!p1 [sflag:s0], $0x10  }
0x1d: {  	[sflag:s0] =	ssyncset.done @!p1 $0x0  }
0x1e: {  	[sflag:s0] =	ssyncadd.s32 @!p1 $0xFFFFFFF0;
	p1 =	sne.s32 s24, s12  }
.Ltmp1:
0x1f: {  	s2 =	sadd.s32 $0x1F40, s23;
	(pc) =	sbr.rel @!p1 .LBB2_10-.Ltmp1, $4  }
0x20: {  	s22 =	smov.u32 s4;
	s31 =	sadd.s32 $0x1, s24;
	s17 =	sadd.s32 $0x1F40, s17  }
0x21: {  	s18 =	sadd.s32 $0x1, s18;
	s25 =	smov.u32 s23;
	p2 =	slt.s32 s2, s5  }
0x22: {  	p0 =	por !p0, !p0;
	s19 =	sadd.s32 $0x1F40, s19;
	s22 =	smov.u32 @p2 s2  }
0x23: {  	s20 =	sadd.s32 $0x1, s20;
	s23 =	smov.u32 s22;
	s24 =	smov.u32 s31  }
.LBB2_1:
0x24: {  	p1 =	sge.u32 s24, s9  }
0x25: {  	s0 =	smulhi.u32 @!p1 $0xAAAAAAAB, s24;
	_ =	sdelay $0x1  }
0x26: {  	s0 =	sshrl.u32 @!p1 s0, $0x1  }
0x27: {  	s0 =	smul.u32 @!p1 $0x3, s0;
	_ =	sdelay $0x1  }
0x28: {  	s0 =	ssub.s32 @!p1 s24, s0  }
0x29: {  	s0 =	smul.u32 @!p1 $0x7D00, s0;
	_ =	sdelay $0x1  }
0x2a: {  	s2 =	sshrl.u32 @!p1 s23, $0x3;
	s0 =	sshrl.u32 @!p1 s0, $0x2  }
0x2b: {  	s22 =	sand.u32 @!p1 $0x7, s23;
	s2 =	sadd.s32 @!p1 s3, s2;
	s0 =	sadd.s32 @!p1 $0x100, s0  }
0x2c: {  	[tilespmem:s0], [sflag:$0x7] =	stream.linear.gather @!p1 [hbm4b:s2+s22], $0x1F40, $0x38;
	[tilespmem:$0x11A60] =	vst v63  }
0x2d: {  	s0 =	sadd.s32 $0xFFFFFFFF, s24  }
0x2e: {  	p1 =	sge.u32 s0, s9  }
.Ltmp2:
0x2f: {  	_ = 	snop;
	(pc) =	sbr.rel @p1 .LBB2_5-.Ltmp2, $1  }
0x30: {  	_ =	sdelay $0x3  }
0x31: {  	s2 =	smulhi.u32 $0xAAAAAAAB, s0;
	_ =	sdelay $0x1  }
0x32: {  	s2 =	sshrl.u32 s2, $0x1  }
0x33: {  	s2 =	smul.u32 $0x3, s2;
	_ =	sdelay $0x1  }
0x34: {  	s2 =	ssub.s32 s0, s2  }
0x35: {  	s2 =	smul.u32 $0x7D00, s2  }
0x36: {  	_ =	swait.ge [sflag:s7], $0x1F40  }
0x37: {  	[sflag:s7] =	ssyncset.done $0x0;
	s2 =	sshrl.u32 s2, $0x2  }
0x38: {  	[sflag:s7] =	ssyncadd.s32 $0xFFFFE0C0;
	(ifvalue) =	ssetifvalue $0xFFFFFFFF;
	v3 =	vld.msk [tilespmem:s2+$0x100 ss:$0x1], $0xffff;
	_ =	sdelay $0x2  }
0x39: {  	s30 =	smulhi.u32 $0xAAAAAAAB, s18;
	p1 =	sne.s32 s24, $0x1  }
0x3a: {  	v4 =	vimm.s32 @!p1 $0x0  }
0x3b: {  	s2 =	sshrl.u32 s30, $0x1;
	v4 =	vperm.xlane @!p1 v3, v4  }
0x3c: {  	s22 =	sshll.u32 s24, $0x4;
	s2 =	smul.u32 $0xFFFE8900, s2;
	vm4 =	vlt.u32 v3, $0x2800  }
0x3d: {  	s22 =	sand.u32 $0x10, s22;
	v3 =	vnsel vm4, $0xFFFFFFFE, v3;
	vm4 =	vlt.u32 @!p1 v4, $0x2800  }
0x3e: {  	s2 =	sshra.s32 s2, $0x2;
	[tilespmem:s22+$0x60] =	vst v3;
	v3 =	vnsel @!p1 vm4, $0xFFFFFFFE, v4  }
0x3f: {  	s28 =	sadd.s32 s2, s17;
	[tilespmem:$0x80] =	vst @!p1 v3  }
0x40: {  	v3 =	vld.msk [tilespmem:s28+$0x0 ss:$0x1], $0xffff;
	_ =	sdelay $0x4  }
0x41: {  	(xrf1) =	vunique.msk.u32 $0xffff, v3;
	_ =	sdelay $0xd  }
0x42: {  	v4 =	vimm.s32 $0xFFFFFFFF;
	v5, _, _ =	vpop (xrf1)  }
0x43: {  	vm5 =	vne.s32 v3, v4;
	vm4 =	veq.s32 v5, v2  }
0x44: {  	vm6 =	vlt.u32 v3, $0x2800;
	vm4 =	vmand vm5, vm4  }
0x45: {  	vm4 =	vmand vm6, vm4  }
0x46: {  	v4 =	vnsel vm4, $0xFFFFFFFF, v3  }
0x47: {  	s31 =	sand.u32 $0x1, s0  }
0x48: {  	s0 =	simm.s32 $0x1F40;
	p1 =	seq.s32 s31, $0x1  }
0x49: {  	s0 =	simm.s32 @!p1 $0x0  }
0x4a: {  	s26 =	sadd.s32 $0x7DF0, s0;
	(ifvalue) =	ssetifvalue $0xFFFFFFFF  }
0x4b: {  	v3 =	vperm.xlane v3, v1;
	[tilespmem:s26], [sflag:$0x8] =	stream.indirect_vreg.gather [hbm4b:s1+s16], $0x1, v4, vm0, $0x4038;
	v4 =	vnsel vm6, $0xFFFFFFFE, v4;
	[tilespmem:$0x11A60] =	vst v63  }
0x4c: {  	s2 =	simm.s32 $0x0;
	s22 =	sadd.s32 $0xFFFFFFF0, s28;
	[tilespmem:s28+$0x0] =	vst v4  }
.LBB2_3:
0x4d: {  	v4 =	vld.msk [tilespmem:s22+$0x0 ss:$0x1], $0xffff;
	s2 =	sadd.s32 $0x10, s2;
	v5 =	vmov v3;
	s28 =	smov.u32 s22  }
0x4e: {  	p1 =	slt.u32 s2, $0x1F30;
	_ =	sdelay $0x4  }
0x4f: {  	v3 =	vperm.xlane v4, v1;
	(xrf1) =	vunique.msk.u32 $0xffff, v4;
	_ =	sdelay $0xd  }
0x50: {  	v6, _, _ =	vpop (xrf1)  }
0x51: {  	vm5 =	vne.s32 v4, v5;
	vm4 =	veq.s32 v6, v2  }
0x52: {  	vm6 =	vlt.u32 v4, $0x2800;
	vm4 =	vmand vm5, vm4  }
0x53: {  	vm4 =	vmand vm6, vm4  }
0x54: {  	v4 =	vnsel vm4, $0xFFFFFFFF, v4  }
.Ltmp3:
0x55: {  	v5 =	vnsel vm6, $0xFFFFFFFE, v4;
	(pc) =	sbr.rel @p1 .LBB2_3-.Ltmp3, $3  }
0x56: {  	_ =	sdelay $0x1  }
0x57: {  	s22 =	sadd.s32 $0xFFFFFFF0, s22;
	s26 =	sadd.s32 $0xFFFFFFF0, s26;
	(ifvalue) =	ssetifvalue $0xFFFFFFFF  }
0x58: {  	[tilespmem:s26], [sflag:$0x8] =	stream.indirect_vreg.gather [hbm4b:s1+s16], $0x1, v4, vm0, $0x4038;
	[tilespmem:s28+$0x0] =	vst v5  }
0x59: {  	s2 =	sshrl.u32 s25, $0x3  }
0x5a: {  	s0 =	sadd.s32 $0x9D40, s0;
	s2 =	sadd.s32 s6, s2  }
0x5b: {  	[tilespmem:s0], [sflag:$0x8] =	stream.linear.gather [hbm:s2], $0x1F40, $0x38;
	[tilespmem:$0x11A60] =	vst v63  }
.LBB2_5:
0x5c: {  	p1 =	slt.u32 s24, $0x2  }
0x5d: {  	p2 =	sge.u32 @!p1 s24, s12  }
0x5e: {  	p1 =	por p1, p2  }
.Ltmp4:
0x5f: {  	_ = 	snop;
	(pc) =	sbr.rel @p1 .LBB2_9-.Ltmp4, $1  }
0x60: {  	_ =	sdelay $0x3  }
0x61: {  	s0 =	sadd.s32 $0xFFFFFFFE, s24  }
0x62: {  	s2 =	smulhi.u32 $0xAAAAAAAB, s0;
	_ =	sdelay $0x1  }
0x63: {  	s2 =	sshrl.u32 s2, $0x1  }
0x64: {  	s2 =	smul.u32 $0x3, s2;
	_ =	sdelay $0x1  }
0x65: {  	s0 =	ssub.s32 s0, s2  }
0x66: {  	_ =	swait.ge [sflag:s8], $0x3E80;
	s0 =	smul.u32 $0x1F40, s0  }
0x67: {  	p1 =	sne.s32 s24, s11;
	[sflag:s8] =	ssyncset.done $0x0  }
0x68: {  	[sflag:s8] =	ssyncadd.s32 $0xFFFFC180;
	s2 =	sadd.s32 @!p1 $0x203F, s0  }
0x69: {  	[spmem:s13] =	stream.linear.scatter @!p1 [tilespmem:s2], [sflag:$0x1], $0x1, $0x38;
	[tilespmem:$0x11A60] =	vst v63  }
0x6a: {  	s2 =	simm.s32 @!p1 $0x1  }
0x6b: {  	_ =	swait.ge @!p1 [sflag:s2], $0x1  }
0x6c: {  	s22 =	sshll.u32 s24, $0x4;
	[sflag:s2] =	ssyncset.done @!p1 $0x0  }
0x6d: {  	s25 =	sand.u32 $0x10, s22;
	[sflag:s2] =	ssyncadd.s32 @!p1 $0xFFFFFFFF  }
0x6e: {  	s2 =	sxor.u32 $0x10, s25;
	v4 =	vld [tilespmem:s25+$0x10]  }
0x6f: {  	v5 =	vld [tilespmem:s2+$0x60]  }
0x70: {  	v3 =	vld [tilespmem:$0x80];
	_ =	sdelay $0x2  }
0x71: {  	(v2sf) =	vpush v4, $0x0  }
0x72: {  	(v2sf) =	vpush v5, $0x0  }
0x73: {  	(v2sf) =	vpush v3, $0x0;
	_ =	sdelay $0xc  }
0x74: {  	s22 =	spop (v2sf)  }
0x75: {  	s26 =	spop (v2sf)  }
0x76: {  	s28 =	spop (v2sf)  }
0x77: {  	p2 =	seq.s32 s22, s26;
	p3 =	seq.s32 s28, s22  }
0x78: {  	p3 =	por p2, p3  }
0x79: {  	s26 =	sand.u32 $0x1, s24;
	v4 =	vpsel p3, $0xFFFFFFFF, v4  }
0x7a: {  	s29 =	smul.u32 $0x1F40, s26;
	[tilespmem:s25+$0x10] =	vst.msk $0x1, v4  }
0x7b: {  	v4 =	vld [tilespmem:$0x30]  }
0x7c: {  	v5 =	vld [tilespmem:s29+$0x9D40]  }
0x7d: {  	v6 =	vld [tilespmem:s25+$0x40];
	_ =	sdelay $0x3  }
0x7e: {  	vm4 =	vmmov vm1;
	v5 =	vadd.f32 v5, v4  }
0x7f: {  	vm5 =	vmmov vm2;
	vm4 =	vmmov @p2 vm2;
	s22 =	sshll.u32 s26, $0x4;
	v4 =	vadd.f32 v6, v4  }
0x80: {  	s26 =	sor.u32 $0x11A40, s22;
	vm5 =	vmmov @p3 vm1;
	[tilespmem:s29+$0x9D40] =	vst.msk vm4, v5  }
0x81: {  	[tilespmem:s26+$0x0] =	vst.msk vm5, v4  }
0x82: {  	v4 =	vld [tilespmem:s29+$0x7DF0];
	_ =	sdelay $0x3  }
0x83: {  	v5 =	vimm.f32 $0.0e+00  }
0x84: {  	v4 =	vshift.insert v4, v5, s21  }
0x85: {  	s22 =	sor.u32 $0x40, s2  }
0x86: {  	[tilespmem:s22+$0x0] =	vst.msk $0x1, v4  }
0x87: {  	[tilespmem:s29+$0x7DFF] =	vst.msk $0x1, v5  }
0x88: {  	v4 =	vld [tilespmem:s0+$0x2030];
	_ =	sdelay $0x1  }
0x89: {  	s22 =	smulhi.u32 $0xAAAAAAAB, s20;
	s0 =	simm.s32 $0x1  }
0x8a: {  	s0 =	simm.s32 @!p0 $0x0  }
0x8b: {  	s22 =	sshrl.u32 s22, $0x1;
	s0 =	smul.u32 $0x7D00, s0  }
0x8c: {  	s22 =	smul.u32 $0xFFFE8900, s22;
	v4 =	vshift.insert v4, v1, s21  }
0x8d: {  	s0 =	sshrl.u32 s0, $0x2  }
0x8e: {  	s22 =	sshra.s32 s22, $0x2;
	s30 =	sadd.s32 $0x9D40, s0;
	[tilespmem:s2+$0x10] =	vst.msk $0x1, v4  }
0x8f: {  	s22 =	sadd.s32 s22, s19;
	v6 =	vld [tilespmem:s30+$0x0]  }
0x90: {  	v7 =	vld [tilespmem:s22+$0x0];
	_ =	sdelay $0x3  }
0x91: {  	v5 =	vadd.f32 v6, v5  }
0x92: {  	vm4 =	vne.s32 v7, $0xFFFFFFFF  }
0x93: {  	(xrf2) =	vadd.seg.scan.f32 vm4, v5;
	_ =	sdelay $0x3  }
0x94: {  	s31 =	sadd.s32 $0x5EC0, s0;
	v5 =	vperm.xlane v4, v1  }
0x95: {  	v6 =	vld [tilespmem:s31+$0x0]  }
0x96: {  	vm5 =	veq.s32 v7, v3;
	vm6 =	veq.s32 v7, v5  }
0x97: {  	vm7 =	vgt.u32 v7, $0xFFFFFFFD;
	vm6 =	vmor vm6, vm5  }
0x98: {  	vm6 =	vmor vm6, vm7  }
0x99: {  	v9 =	vld [tilespmem:$0xA0];
	v7 =	vsel vm6, $0xFFFFFFFF, v7  }
0x9a: {  	v10 =	vld [tilespmem:$0x90];
	v6 =	vsel vm5, $0x0, v6;
	v8, _, _ =	vpop (xrf2)  }
0x9b: {  	v6 =	vadd.f32 v8, v6  }
0x9c: {  	s0 =	sadd.s32 $0xDBC0, s0  }
0x9d: {  	vm4 =	vmand vm4, vm3;
	[tilespmem:s0+$0x0] =	vst v6;
	(ifvalue) =	ssetifvalue $0xFFFFFFFF  }
0x9e: {  	vm6 =	veq.s32 v9, $0x1;
	[hbm4b:s1+s16] =	stream.indirect_vreg.scatter [tilespmem:s0], [sflag:$0x2], $0x1, v7, vm0, $0x4038;
	v7 =	vsel vm4, $0x0, v8;
	[tilespmem:$0x11A60] =	vst v63  }
0x9f: {  	s2 =	simm.s32 $0x0;
	s22 =	sadd.s32 $0x10, s22;
	vm4 =	vmor vm6, vm5;
	v6 =	vsel vm5, v8, v10;
	v7 =	vshift.insert v7, v0, s21  }
.LBB2_7:
0xa0: {  	v8 =	vld [tilespmem:s22+$0x0];
	s30 =	sadd.s32 $0x10, s30  }
0xa1: {  	s31 =	sadd.s32 $0x10, s31;
	v9 =	vld [tilespmem:s30+$0x0]  }
0xa2: {  	s2 =	sadd.s32 $0x10, s2;
	v10 =	vld [tilespmem:s31+$0x0]  }
0xa3: {  	p2 =	slt.u32 s2, $0x1F30;
	_ =	sdelay $0x2  }
0xa4: {  	v7 =	vadd.f32 v9, v7  }
0xa5: {  	vm5 =	vne.s32 v8, $0xFFFFFFFF  }
0xa6: {  	vm6 =	vmand vm5, vm3;
	(xrf2) =	vadd.seg.scan.f32 vm5, v7;
	_ =	sdelay $0x5  }
0xa7: {  	vm7 =	veq.s32 v8, v5;
	vm5 =	veq.s32 v8, v3  }
0xa8: {  	vm8 =	vgt.u32 v8, $0xFFFFFFFD;
	vm4 =	vmor vm4, vm5;
	vm7 =	vmor vm7, vm5  }
0xa9: {  	vm7 =	vmor vm7, vm8  }
0xaa: {  	v8 =	vsel vm7, $0xFFFFFFFF, v8  }
.Ltmp5:
0xab: {  	v7 =	vsel vm5, $0x0, v10;
	v9, _, _ =	vpop (xrf2);
	(pc) =	sbr.rel @p2 .LBB2_7-.Ltmp5, $4  }
0xac: {  	v6 =	vsel vm5, v9, v6;
	v10 =	vadd.f32 v9, v7;
	v7 =	vsel vm6, $0x0, v9  }
0xad: {  	s0 =	sadd.s32 $0x10, s0;
	v7 =	vshift.insert v7, v0, s21  }
0xae: {  	s22 =	sadd.s32 $0x10, s22;
	[tilespmem:s0+$0x0] =	vst v10;
	(ifvalue) =	ssetifvalue $0xFFFFFFFF  }
0xaf: {  	[hbm4b:s1+s16] =	stream.indirect_vreg.scatter [tilespmem:s0], [sflag:$0x2], $0x1, v8, vm0, $0x4038;
	[tilespmem:$0x11A60] =	vst v63  }
0xb0: {  	v3 =	vld [tilespmem:s29+$0xFAF0];
	_ =	sdelay $0x4  }
0xb1: {  	v3 =	vshift.insert v3, v0, s21  }
0xb2: {  	s0 =	simm.s32 $0x30  }
0xb3: {  	[tilespmem:s0+$0x0] =	vst.msk $0x1, v3  }
0xb4: {  	v3 =	vsel vm4, $0x1, v1;
	[tilespmem:$0x90] =	vst v6  }
0xb5: {  	s0 =	sadd.s32 @!p1 $0xFAFF, s29;
	[tilespmem:$0xA0] =	vst v3  }
0xb6: {  	[spmem:s14] =	stream.linear.scatter @!p1 [tilespmem:s0], [sflag:$0x1], $0x1, $0x38;
	[tilespmem:$0x11A60] =	vst v63  }
0xb7: {  	s0 =	simm.s32 @!p1 $0x1  }
0xb8: {  	v3 =	vmctz.xlane @!p1 vm4;
	_ =	swait.ge @!p1 [sflag:s0], $0x1  }
0xb9: {  	(v2sf) =	vpush @!p1 v4, $0x0  }
0xba: {  	(v2sf) =	vpush @!p1 v3, $0x0;
	_ =	sdelay $0xd  }
0xbb: {  	s2 =	spop @!p1 (v2sf)  }
0xbc: {  	s22 =	spop @!p1 (v2sf)  }
0xbd: {  	p2 =	sne.s32 @!p1 s28, s2;
	p3 =	slt.s32 @!p1 s22, $0xF  }
0xbe: {  	[sflag:s0] =	ssyncset.done @!p1 $0x0;
	p2 =	por p2, p1;
	p3 =	por !p3, p1  }
0xbf: {  	[sflag:s0] =	ssyncadd.s32 @!p1 $0xFFFFFFFF;
	v3 =	vimm.s32 @!p2 $0xFFFFFFFF;
	s22 =	simm.s32 @p3 $0xF  }
0xc0: {  	[tilespmem:$0x80] =	vst @!p2 v3;
	s2 =	sadd.s32 @!p1 $0x90, s22  }
0xc1: {  	[spmem:s10] =	stream.linear.scatter @!p1 [tilespmem:s2], [sflag:$0x1], $0x1, $0x38;
	[tilespmem:$0x11A60] =	vst v63  }
0xc2: {  	_ =	swait.ge @!p1 [sflag:s0], $0x1  }
0xc3: {  	[sflag:s0] =	ssyncset.done @!p1 $0x0  }
0xc4: {  	s2 =	simm.s32 @!p1 $0x80;
	[sflag:s0] =	ssyncadd.s32 @!p1 $0xFFFFFFFF  }
0xc5: {  	[spmem:s15] =	stream.linear.scatter @!p1 [tilespmem:s2], [sflag:$0x1], $0x1, $0x38;
	[tilespmem:$0x11A60] =	vst v63  }
0xc6: {  	_ =	swait.ge @!p1 [sflag:s0], $0x1  }
0xc7: {  	[sflag:s0] =	ssyncset.done @!p1 $0x0  }
0xc8: {  	[sflag:s0] =	ssyncadd.s32 @!p1 $0xFFFFFFFF;
	(ifvalue) =	ssetifvalue $0xFFFFFFFF;
	v3 =	vld [tilespmem:s25+$0x10];
	_ =	sdelay $0x3  }
.Ltmp6:
0xc9: {  	_ = 	snop;
	(pc) =	sbr.rel .LBB2_9-.Ltmp6, $3  }
0xca: {  	_ =	sdelay $0x1  }
0xcb: {  	(ifvalue) =	ssetifvalue $0xFFFFFFFF  }
0xcc: {  	[hbm4b:s1+s16] =	stream.indirect_vreg.scatter [tilespmem:s26], [sflag:$0x9], $0x1, v3, vm0, $0x4038;
	[tilespmem:$0x11A60] =	vst v63  }
.LBB2_10:
0xcd: {  	_ =	sfence.sel $0x180000  }
0xce: {  	s0 =	simm.s32 $0x7;
	[bflag:$0x0] =	sbarrier.arrive $0xFFFF  }
0xcf: {  	s26 =	simm.s32 $0x8;
	[sflag:s0] =	ssyncpa.u1 $0x1  }
0xd0: {  	s28 =	simm.s32 $0x9;
	[sflag:s26] =	ssyncpa.u1 $0x1  }
0xd1: {  	[sflag:s28] =	ssyncpa.u1 $0x1  }
0xd2: {  	_ =	sfence.stream.spmem  }
0xd3: {  	s29 =	simm.s32 $0x3;
	[bflag:$0x0] =	sbarrier.arrive $0xFFFF  }
0xd4: {  	s30 =	simm.s32 $0x4;
	[sflag:s29] =	ssyncpa.u1 $0x1  }
0xd5: {  	s31 =	simm.s32 $0x3C;
	s2 =	stileid.u32;
	[sflag:s30] =	ssyncpa.u1 $0x1  }
0xd6: {  	p0 =	sne.s32 s2, $0x0;
	[sflag:s31] =	ssyncpa.u1 $0x1  }
0xd7: {  	s0 =	simm.s32 @p0 $0x1;
	_ =	sfence @p0  }
0xd8: {  	[sflag:s0] =	ssyncpa.u1 @p0 $0x1;
	s0 =	simm.s32 @p0 $0x2  }
0xd9: {  	[sflag:s0] =	ssyncpa.u1 @p0 $0x1  }
0xda: {  	_ =	strace @p0 $0x90000047  }
0xdb: {  	[bflag:$0x2] =	sbarrier.arrive @p0 $0xFFFF  }
0xdc: {  	_ =	shalt @p0  }
.LBB2_11:
0xdd: {  	_ =	sfence.stream.spmem;
	s0 =	simm.s32 $0x5  }
0xde: {  	s2 =	simm.s32 $0x80;
	s3 =	simm.s32 $0xC0;
	[sflag:s0] =	ssyncpa.u1 $0x0  }
0xdf: {  	[tilespmem:s3], [sflag:$0x5] =	stream.linear.gather [spmem:s2], $0x20, $0x38;
	[tilespmem:$0x11A60] =	vst v63  }
0xe0: {  	s2 =	simm.s32 $0x0;
	s3 =	simm.s32 $0xE0  }
0xe1: {  	[tilespmem:s3], [sflag:$0x5] =	stream.linear.gather [spmem:s2], $0x20, $0x38;
	[tilespmem:$0x11A60] =	vst v63  }
.Ltmp7:
0xe2: {  	_ = 	snop;
	(pc) =	sbr.rel .LBB2_12-.Ltmp7, $4  }
0xe3: {  	_ =	swait.ge [sflag:s0], $0x40  }
0xe4: {  	[sflag:s0] =	ssyncset.done $0x0  }
0xe5: {  	s31 =	simm.s32 $0x6;
	[sflag:s0] =	ssyncadd.s32 $0xFFFFFFC0  }
0xe6: {  	s4 =	simm.s32 $0x0;
	[sflag:s31] =	ssyncpa.u1 $0x0  }
.LBB2_17:
0xe7: {  	p0 =	sgt.u32 s5, $0x27FF  }
0xe8: {  	s0 =	sshrl.u32 @!p0 s5, $0x3  }
0xe9: {  	s5 =	sand.u32 @!p0 $0x7, s5;
	s6 =	simm.s32 @!p0 $0xB0;
	s0 =	sadd.s32 @!p0 s1, s0  }
0xea: {  	[tilespmem:s6], [sflag:$0x6] =	stream.linear.gather @!p0 [hbm4b:s0+s5], $0x1, $0x38;
	[tilespmem:$0x11A60] =	vst v63  }
0xeb: {  	s0 =	simm.s32 @!p0 $0x6  }
0xec: {  	_ =	swait.ge @!p0 [sflag:s0], $0x1  }
0xed: {  	[sflag:s0] =	ssyncset.done @!p0 $0x0  }
0xee: {  	[sflag:s0] =	ssyncadd.s32 @!p0 $0xFFFFFFFF  }
0xef: {  	v2 =	vmov @!p0 s4;
	v1 =	vld.msk @!p0 [tilespmem:$0xB0], $0x1;
	_ =	sdelay $0x3  }
0xf0: {  	s0 =	simm.s32 @!p0 $0xE0  }
0xf1: {  	[tilespmem:v2+s0+$0x0], v1 =	vst.idx.ret.add.f32.msk @!p0 $0x1, v1  }
0xf2: {  	[tilespmem:s2+$0xC0] =	vst.msk $0x1, v0  }
0xf3: {  	v0 =	vld.msk [tilespmem:s4+$0xE0], $0x1;
	_ =	sdelay $0x4  }
0xf4: {  	[tilespmem:s2+$0xE0] =	vst.msk $0x1, v0;
	s2 =	sadd.s32 $0x1, s2  }
.LBB2_19:
0xf5: {  	s4 =	sadd.s32 $0x1, s4  }
0xf6: {  	p0 =	sne.s32 s4, $0x20  }
.Ltmp8:
0xf7: {  	_ = 	snop;
	(pc) =	sbr.rel @!p0 .LBB2_20-.Ltmp8, $1  }
0xf8: {  	_ =	sdelay $0x3  }
.LBB2_12:
0xf9: {  	v0 =	vld.msk [tilespmem:s4+$0xC0], $0x1;
	_ =	sdelay $0x4  }
0xfa: {  	(v2sf) =	vpush v0, $0x0;
	_ =	sdelay $0xe  }
0xfb: {  	s5 =	spop (v2sf)  }
0xfc: {  	p0 =	seq.s32 s5, $0xFFFFFFFF  }
.Ltmp9:
0xfd: {  	_ = 	snop;
	(pc) =	sbr.rel @p0 .LBB2_19-.Ltmp9, $1  }
0xfe: {  	_ =	sdelay $0x3  }
0xff: {  	p0 =	slt.s32 s2, $0x1  }
.Ltmp10:
0x100: {  	_ = 	snop;
	(pc) =	sbr.rel @p0 .LBB2_17-.Ltmp10, $1  }
0x101: {  	_ =	sdelay $0x3  }
0x102: {  	s0 =	simm.s32 $0xC0;
	p0 =	por $0x0, $0x0  }
0x103: {  	v1 =	vld.msk @!p0 [tilespmem:s0+$0x0], $0x1;
	_ =	sdelay $0x4  }
0x104: {  	(v2sf) =	vpush @!p0 v1, $0x0;
	_ =	sdelay $0xd  }
0x105: {  	p2 =	sne.s32 s2, $0x1  }
.Ltmp11:
0x106: {  	s6 =	spop @!p0 (v2sf);
	(pc) =	sbr.rel @!p2 .LBB2_16-.Ltmp11, $4  }
0x107: {  	p1 =	seq.s32 @!p0 s5, s6  }
0x108: {  	s6 =	simm.s32 $0x0;
	p1 =	por !p1, p0  }
0x109: {  	s8 =	simm.s32 $0xFFFFFFFF;
	s6 =	simm.s32 @p1 $0xFFFFFFFF  }
0x10a: {  	s7 =	simm.s32 $0x1;
	s6 =	smov.u32 @p0 s8  }
.LBB2_15:
0x10b: {  	s8 =	smov.u32 s6;
	p0 =	sne.s32 s6, $0xFFFFFFFF  }
0x10c: {  	s0 =	sadd.s32 $0x1, s0;
	s6 =	smov.u32 s7;
	s7 =	sadd.s32 $0x1, s7  }
0x10d: {  	p1 =	sne.s32 s2, s7;
	v1 =	vld.msk @!p0 [tilespmem:s0+$0x0], $0x1;
	_ =	sdelay $0x4  }
0x10e: {  	(v2sf) =	vpush @!p0 v1, $0x0;
	_ =	sdelay $0xe  }
.Ltmp12:
0x10f: {  	s9 =	spop @!p0 (v2sf);
	(pc) =	sbr.rel @p1 .LBB2_15-.Ltmp12, $4  }
0x110: {  	p2 =	seq.s32 @!p0 s5, s9  }
0x111: {  	p2 =	por !p2, p0  }
0x112: {  	s6 =	simm.s32 @p2 $0xFFFFFFFF  }
0x113: {  	s6 =	smov.u32 @p0 s8  }
.LBB2_16:
0x114: {  	p0 =	sne.s32 s6, $0xFFFFFFFF  }
.Ltmp13:
0x115: {  	_ = 	snop;
	(pc) =	sbr.rel @!p0 .LBB2_17-.Ltmp13, $1  }
0x116: {  	_ =	sdelay $0x3  }
0x117: {  	v0 =	vld.msk [tilespmem:s4+$0xE0], $0x1;
	v1 =	vmov s6  }
.Ltmp14:
0x118: {  	_ = 	snop;
	(pc) =	sbr.rel .LBB2_19-.Ltmp14, $2  }
0x119: {  	_ =	sdelay $0x2  }
0x11a: {  	[tilespmem:v1+s3+$0x0], v0 =	vst.idx.ret.add.f32.msk $0x1, v0  }
.LBB2_20:
0x11b: {  	p0 =	slt.s32 s2, $0x1  }
.Ltmp15:
0x11c: {  	_ = 	snop;
	(pc) =	sbr.rel @p0 .LBB2_24-.Ltmp15, $3  }
0x11d: {  	_ =	sdelay $0x1  }
0x11e: {  	s0 =	simm.s32 $0x6  }
0x11f: {  	s3 =	simm.s32 $0x0;
	[sflag:s0] =	ssyncpa.u1 $0x1  }
0x120: {  	s0 =	simm.s32 $0xC0  }
0x121: {  	v0 =	vld.msk [tilespmem:s0+$0x0], $0x1;
	_ =	sdelay $0x4  }
0x122: {  	(v2sf) =	vpush v0, $0x0;
	_ =	sdelay $0xe  }
0x123: {  	s2 =	sadd.s32 $0xFFFFFFFF, s2;
	s4 =	spop (v2sf)  }
0x124: {  	p1 =	sne.s32 s2, $0x0;
	p0 =	sgt.u32 s4, $0x27FF  }
.Ltmp16:
0x125: {  	s5 =	sshrl.u32 @!p0 s4, $0x3;
	(pc) =	sbr.rel @!p1 .LBB2_23-.Ltmp16, $4  }
0x126: {  	s0 =	simm.s32 $0xE0;
	s4 =	sand.u32 @!p0 $0x7, s4;
	s5 =	sadd.s32 @!p0 s1, s5  }
0x127: {  	[hbm4b:s5+s4] =	stream.linear.scatter @!p0 [tilespmem:s0], [sflag:$0x5], $0x1, $0x38;
	[tilespmem:$0x11A60] =	vst v63  }
0x128: {  	s5 =	simm.s32 $0x0  }
0x129: {  	s4 =	simm.s32 $0xC1;
	s5 =	simm.s32 @!p0 $0x4  }
.LBB2_22:
0x12a: {  	v0 =	vld.msk [tilespmem:s4+$0x0], $0x1;
	s2 =	sadd.s32 $0xFFFFFFFF, s2;
	s3 =	sadd.s32 s3, s5  }
0x12b: {  	p0 =	sne.s32 s2, $0x0;
	_ =	sdelay $0x3  }
0x12c: {  	(v2sf) =	vpush v0, $0x0;
	_ =	sdelay $0xe  }
.Ltmp17:
0x12d: {  	s6 =	spop (v2sf);
	(pc) =	sbr.rel @p0 .LBB2_22-.Ltmp17, $4  }
0x12e: {  	s5 =	simm.s32 $0x0;
	p1 =	sgt.u32 s6, $0x27FF  }
0x12f: {  	s0 =	sadd.s32 $0x1, s0;
	s5 =	simm.s32 @!p1 $0x4;
	s7 =	sshrl.u32 @!p1 s6, $0x3  }
0x130: {  	s4 =	sadd.s32 $0x1, s4;
	s6 =	sand.u32 @!p1 $0x7, s6;
	s7 =	sadd.s32 @!p1 s1, s7  }
0x131: {  	[hbm4b:s7+s6] =	stream.linear.scatter @!p1 [tilespmem:s0], [sflag:$0x5], $0x1, $0x38;
	[tilespmem:$0x11A60] =	vst v63  }
.LBB2_23:
0x132: {  	s0 =	sadd.s32 s3, s5  }
0x133: {  	s3 =	sshrl.u32 s0, $0x2  }
.LBB2_24:
0x134: {  	s0 =	simm.s32 $0x5  }
0x135: {  	_ =	swait.ge [sflag:s0], s3  }
0x136: {  	s1 =	ssub.s32 $0x0, s3;
	[sflag:s0] =	ssyncset.done $0x0  }
0x137: {  	[sflag:s0] =	ssyncadd.s32 s1  }
0x138: {  	[sflag:s0] =	ssyncpa.u1 $0x1  }
0x139: {  	s29 =	simm.s32 $0x1;
	_ =	sfence  }
0x13a: {  	s30 =	simm.s32 $0x2;
	[sflag:s29] =	ssyncpa.u1 $0x1  }
0x13b: {  	[sflag:s30] =	ssyncpa.u1 $0x1  }
0x13c: {  	_ =	strace $0x90000047  }
0x13d: {  	[bflag:$0x2] =	sbarrier.arrive $0xFFFF  }
0x13e: {  	s31 =	rddreg [dreg:$0x3]  }
0x13f: {  	s0 =	sadd.s32 $0x100000, s31  }
0x140: {  	[sflag:s0] =	ssyncadd.tile.s32 $0x1;
	_ =	shalt  }
.Lfunc_end2:
_tile_overlayer_lowered:
.L_overlay_start_2:
0x141: {  	(tag) =	ssettag $0x2  }
0x142: {  	s0 =	rddreg [dreg:$0x0];
	s2 =	stileid.u32  }
0x143: {  	s1 =	rddreg [dreg:$0x1];
	p0 =	sne.s32 s2, $0x0  }
0x144: {  	s3 =	rddreg [dreg:$0x2];
	[bflag:$0x3] =	sbarrier.arrive $0xFFFF;
	s2 =	simm.s32 @!p0 $0x1C01  }
0x145: {  	[timem:s3], [sflag:s2] =	dma.local @!p0 [hbm:s0], s1  }
0x146: {  	s0 =	simm.s32 @!p0 $0x1  }
0x147: {  	_ =	swait.ge @!p0 [sflag:s0], s1  }
0x148: {  	s1 =	ssub.s32 @!p0 $0x0, s1;
	[sflag:s0] =	ssyncset.done @!p0 $0x0  }
0x149: {  	[sflag:s0] =	ssyncadd.s32 @!p0 s1  }
0x14a: {  	[bflag:$0x3] =	sbarrier.arrive $0xFFFF  }
0x14b: {  	_ =	shalt  }

</sc_bundles>
